<compile_context>
chip_gen: v7x
topology: tpu7x:2x2x1
jax: 0.10.2.dev20260603
libtpu: 0.0.44.dev20260713+nightly
codegen_flags: <defaults>
</compile_context>

<pallas_src>
import functools

import jax
import jax.numpy as jnp
from jax import lax
from jax.experimental import pallas as pl
from jax.experimental.pallas import tpu as pltpu
from jax.experimental.pallas import tpu_sc as plsc

KN = 20
NPTS = 4096
NB = 2

_ROWS = 256


def _knn_body(rows_ref, cols_ref, out_ref, dist_ref):
    rows = rows_ref[0]
    cols = cols_ref[0]
    ra = rows[:, 0:1]
    rb = rows[:, 1:2]
    ca = cols[0:1, :]
    cb = cols[1:2, :]
    xx_r = ra * ra + rb * rb
    xx_c = ca * ca + cb * cb
    rab = ra.astype(jnp.bfloat16).astype(jnp.float32)
    rbb = rb.astype(jnp.bfloat16).astype(jnp.float32)
    cab = ca.astype(jnp.bfloat16).astype(jnp.float32)
    cbb = cb.astype(jnp.bfloat16).astype(jnp.float32)
    inner = -2.0 * (rab * cab + rbb * cbb)
    dist_ref[...] = -xx_r - inner - xx_c
    iota = lax.broadcasted_iota(jnp.int32, (_ROWS, NPTS), 1)
    for j in range(KN):
        d = dist_ref[...]
        m = jnp.max(d, axis=1, keepdims=True)
        cand = jnp.where(d >= m, iota, NPTS)
        arg = jnp.min(cand, axis=1, keepdims=True)
        out_ref[0, :, j:j + 1] = arg
        dist_ref[...] = jnp.where(iota == arg, -jnp.inf, d)


def _knn(pts, pts_rows):
    grid = (NB, NPTS // _ROWS)
    return pl.pallas_call(
        _knn_body,
        grid=grid,
        in_specs=[
            pl.BlockSpec((1, _ROWS, 2), lambda b, j: (b, j, 0)),
            pl.BlockSpec((1, 2, NPTS), lambda b, j: (b, 0, 0)),
        ],
        out_specs=pl.BlockSpec((1, _ROWS, KN), lambda b, j: (b, j, 0)),
        out_shape=jax.ShapeDtypeStruct((NB, NPTS, KN), jnp.int32),
        scratch_shapes=[pltpu.VMEM((_ROWS, NPTS), jnp.float32)],
    )(pts_rows, pts)


_NWORK = 32


def _sc_gather(table, idx, chunk):
    M = idx.shape[0]
    C = table.shape[1]
    per_w = M // _NWORK
    nchunks = per_w // chunk
    mesh = plsc.VectorSubcoreMesh(core_axis_name="c", subcore_axis_name="s")

    @functools.partial(
        pl.kernel,
        mesh=mesh,
        out_type=jax.ShapeDtypeStruct((M, C), jnp.float32),
        scratch_types=[
            pltpu.VMEM((chunk,), jnp.int32),
            pltpu.VMEM((chunk, C), jnp.float32),
            pltpu.SemaphoreType.DMA,
        ],
    )
    def gather_k(table_hbm, idx_hbm, out_hbm, idx_v, rows_v, sem):
        wid = lax.axis_index("s") * 2 + lax.axis_index("c")
        base0 = wid * per_w

        def body(g, carry):
            base = base0 + g * chunk
            pltpu.sync_copy(idx_hbm.at[pl.ds(base, chunk)], idx_v)
            pltpu.async_copy(table_hbm.at[idx_v], rows_v, sem).wait()
            pltpu.sync_copy(rows_v, out_hbm.at[pl.ds(base, chunk)])
            return carry

        lax.fori_loop(0, nchunks, body, 0)

    return gather_k(table, idx)


_RB = 256


def _edge_body(apply_act, cin, cout,
               g_ref, x_ref, w_ref, sc_ref, sh_ref,
               ymax_ref, s_ref, ss_ref):
    def act(v):
        if not apply_act:
            return v
        t = v * sc_ref[...] + sh_ref[...]
        return jnp.where(t > 0, t, 0.2 * t)

    dn = (((1,), (1,)), ((), ()))
    xc = act(x_ref[...])
    acc = jnp.full((_RB, cout), -jnp.inf, jnp.float32)
    ssum = jnp.zeros((1, cout), jnp.float32)
    ssq = jnp.zeros((1, cout), jnp.float32)
    for k in range(KN):
        gk = act(g_ref[k])
        ek = jnp.concatenate([gk - xc, xc], axis=1)
        yk = lax.dot_general(ek, w_ref[...], dn,
                             preferred_element_type=jnp.float32)
        acc = jnp.maximum(acc, yk)
        ssum = ssum + jnp.sum(yk, axis=0, keepdims=True)
        ssq = ssq + jnp.sum(yk * yk, axis=0, keepdims=True)
    ymax_ref[...] = acc

    @pl.when(pl.program_id(0) == 0)
    def _():
        s_ref[...] = jnp.zeros((8, cout), jnp.float32)
        ss_ref[...] = jnp.zeros((8, cout), jnp.float32)

    s_ref[...] += jnp.broadcast_to(ssum, (8, cout))
    ss_ref[...] += jnp.broadcast_to(ssq, (8, cout))


def _edgeconv(gathered, x, w2, sc, sh, cin, cout, apply_act):
    R = x.shape[0]
    grid = (R // _RB,)
    body = functools.partial(_edge_body, apply_act, cin, cout)
    ymax, s, ss = pl.pallas_call(
        body,
        grid=grid,
        in_specs=[
            pl.BlockSpec((KN, _RB, cin), lambda j: (0, j, 0)),
            pl.BlockSpec((_RB, cin), lambda j: (j, 0)),
            pl.BlockSpec((cout, 2 * cin), lambda j: (0, 0)),
            pl.BlockSpec((1, cin), lambda j: (0, 0)),
            pl.BlockSpec((1, cin), lambda j: (0, 0)),
        ],
        out_specs=[
            pl.BlockSpec((_RB, cout), lambda j: (j, 0)),
            pl.BlockSpec((8, cout), lambda j: (0, 0)),
            pl.BlockSpec((8, cout), lambda j: (0, 0)),
        ],
        out_shape=[
            jax.ShapeDtypeStruct((R, cout), jnp.float32),
            jax.ShapeDtypeStruct((8, cout), jnp.float32),
            jax.ShapeDtypeStruct((8, cout), jnp.float32),
        ],
    )(gathered, x, w2, sc, sh)
    return ymax, s[0], ss[0]


def _bn_affine(s, ss, cnt, g, b):
    m = s / cnt
    v = ss / cnt - m * m
    scale = g / jnp.sqrt(v + 1e-5)
    shift = b - m * scale
    return scale, shift


_RB5 = 512
_SIZES = (128, 128, 128, 256)
_OFFS = (0, 128, 256, 384)
_W5C = 640


def _final_body(w_ref, x1_ref, x2_ref, x3_ref, x4_ref,
                a1_ref, a2_ref, a3_ref, a4_ref,
                y_ref, s_ref, ss_ref):
    dn = (((1,), (1,)), ((), ()))
    y = jnp.zeros((1024, _RB5), jnp.float32)
    for x_ref, a_ref, off, cw in zip((x1_ref, x2_ref, x3_ref, x4_ref),
                                     (a1_ref, a2_ref, a3_ref, a4_ref),
                                     _OFFS, _SIZES):
        t = x_ref[...] * a_ref[0:1, :] + a_ref[1:2, :]
        xi = jnp.where(t > 0, t, 0.2 * t)
        wi = w_ref[:, off:off + cw]
        y = y + lax.dot_general(wi, xi, dn, preferred_element_type=jnp.float32)
    y_ref[0] = y

    first = jnp.logical_and(pl.program_id(0) == 0, pl.program_id(1) == 0)

    @pl.when(first)
    def _():
        s_ref[...] = jnp.zeros((1024, 8), jnp.float32)
        ss_ref[...] = jnp.zeros((1024, 8), jnp.float32)

    s_ref[...] += jnp.broadcast_to(jnp.sum(y, axis=1, keepdims=True), (1024, 8))
    ss_ref[...] += jnp.broadcast_to(jnp.sum(y * y, axis=1, keepdims=True), (1024, 8))


def _final(w5, xs, affs):
    nj = NPTS // _RB5
    grid = (NB, nj)
    in_specs = [pl.BlockSpec((1024, _W5C), lambda b, j: (0, 0))]
    for cw in _SIZES:
        in_specs.append(
            pl.BlockSpec((_RB5, cw), lambda b, j: (b * nj + j, 0)))
    for cw in _SIZES:
        in_specs.append(pl.BlockSpec((2, cw), lambda b, j: (0, 0)))
    y, s, ss = pl.pallas_call(
        _final_body,
        grid=grid,
        in_specs=in_specs,
        out_specs=[
            pl.BlockSpec((1, 1024, _RB5), lambda b, j: (b, 0, j)),
            pl.BlockSpec((1024, 8), lambda b, j: (0, 0)),
            pl.BlockSpec((1024, 8), lambda b, j: (0, 0)),
        ],
        out_shape=[
            jax.ShapeDtypeStruct((NB, 1024, NPTS), jnp.float32),
            jax.ShapeDtypeStruct((1024, 8), jnp.float32),
            jax.ShapeDtypeStruct((1024, 8), jnp.float32),
        ],
    )(w5, *xs, *affs)
    return y, s[:, 0], ss[:, 0]


def _apply_body(y_ref, a_ref, o_ref):
    t = y_ref[0] * a_ref[:, 0:1] + a_ref[:, 1:2]
    o_ref[0] = jnp.where(t > 0, t, 0.2 * t)


def _apply(y, a):
    nj = NPTS // _RB5
    return pl.pallas_call(
        _apply_body,
        grid=(NB, nj),
        in_specs=[
            pl.BlockSpec((1, 1024, _RB5), lambda b, j: (b, 0, j)),
            pl.BlockSpec((1024, 2), lambda b, j: (0, 0)),
        ],
        out_specs=pl.BlockSpec((1, 1024, _RB5), lambda b, j: (b, 0, j)),
        out_shape=jax.ShapeDtypeStruct((NB, 1024, NPTS), jnp.float32),
    )(y, a)


def _pad2(a, rows, cols):
    return jnp.pad(a, ((0, rows - a.shape[0]), (0, cols - a.shape[1])))


def kernel(pts, W1, g1, b1, W2, g2, b2, W3, g3, b3, W4, g4, b4, W5, g5, b5):
    B, D, N = pts.shape
    R = B * N
    cnt_e = float(R * KN)
    CH = 512

    pts_rows = jnp.transpose(pts, (0, 2, 1))
    idx = _knn(pts, pts_rows)
    idx_g = (jnp.transpose(idx, (2, 0, 1))
             + (jnp.arange(B, dtype=jnp.int32) * N)[None, :, None])
    idx_flat = idx_g.reshape(-1)

    x0 = jnp.pad(pts_rows.reshape(R, D), ((0, 0), (0, 128 - D)))
    g0 = _sc_gather(x0, idx_flat, CH).reshape(KN, R, 128)
    w1p = jnp.concatenate(
        [_pad2(W1[:, :D], 128, 128), _pad2(W1[:, D:], 128, 128)], axis=1)
    one128 = jnp.ones((1, 128), jnp.float32)
    zero128 = jnp.zeros((1, 128), jnp.float32)
    y1, s1, ss1 = _edgeconv(g0, x0, w1p, one128, zero128, 128, 128, False)
    sc1, sh1 = _bn_affine(s1, ss1, cnt_e, jnp.pad(g1, (0, 64)),
                          jnp.pad(b1, (0, 64)))

    gt = _sc_gather(y1, idx_flat, CH).reshape(KN, R, 128)
    w2p = jnp.concatenate(
        [_pad2(W2[:, :64], 128, 128), _pad2(W2[:, 64:], 128, 128)], axis=1)
    y2, s2, ss2 = _edgeconv(gt, y1, w2p, sc1.reshape(1, -1), sh1.reshape(1, -1),
                            128, 128, True)
    sc2, sh2 = _bn_affine(s2, ss2, cnt_e, jnp.pad(g2, (0, 64)),
                          jnp.pad(b2, (0, 64)))

    gt = _sc_gather(y2, idx_flat, CH).reshape(KN, R, 128)
    w3p = jnp.concatenate(
        [_pad2(W3[:, :64], 128, 128), _pad2(W3[:, 64:], 128, 128)], axis=1)
    y3, s3, ss3 = _edgeconv(gt, y2, w3p, sc2.reshape(1, -1), sh2.reshape(1, -1),
                            128, 128, True)
    sc3, sh3 = _bn_affine(s3, ss3, cnt_e, g3, b3)

    gt = _sc_gather(y3, idx_flat, CH).reshape(KN, R, 128)
    y4, s4, ss4 = _edgeconv(gt, y3, W4, sc3.reshape(1, -1), sh3.reshape(1, -1),
                            128, 256, True)
    sc4, sh4 = _bn_affine(s4, ss4, cnt_e, g4, b4)

    w5p = jnp.concatenate(
        [_pad2(W5[:, 0:64], 1024, 128), _pad2(W5[:, 64:128], 1024, 128),
         W5[:, 128:256], W5[:, 256:512]], axis=1)
    affs = [jnp.concatenate([sc.reshape(1, -1), sh.reshape(1, -1)], axis=0)
            for sc, sh in ((sc1, sh1), (sc2, sh2), (sc3, sh3), (sc4, sh4))]
    y5, s5, ss5 = _final(w5p, (y1, y2, y3, y4), affs)
    sc5, sh5 = _bn_affine(s5, ss5, float(R), g5, b5)
    a5 = jnp.stack([sc5, sh5], axis=1)
    return _apply(y5, a5)

# --- scband reference (transcript-rebuilt; emitter-appended) ---
"""Pipeline reference for scband-dgcnn-66795331387612 (READ-ONLY COPY).

The authoritative reference and input builder live on the scoring server;
editing this copy changes nothing except your own understanding.
"""

import jax, jax.numpy as jnp
import numpy as np

K_NEIGH = 20


def knn(x, k):
    # x: [B, D, N]
    inner = -2.0 * jnp.einsum('bin,bim->bnm', x, x)
    xx = jnp.sum(x ** 2, axis=1, keepdims=True)  # [B, 1, N]
    pairwise = -xx - inner - jnp.swapaxes(xx, 2, 1)  # [B, N, N]
    return jax.lax.top_k(pairwise, k)[1]  # [B, N, k] int32


def gather_graph_feature(x, idx):
    # x: [B, D, N], idx: [B, N, K] -> [B, 2D, N, K]
    feat = jnp.take_along_axis(x[:, :, None, :], idx[:, None, :, :], axis=-1)  # [B, D, N, K]
    xc = jnp.broadcast_to(x[:, :, :, None], feat.shape)
    return jnp.concatenate([feat - xc, xc], axis=1)


def bn2d(x, g, b):
    m = jnp.mean(x, axis=(0, 2, 3), keepdims=True)
    v = jnp.var(x, axis=(0, 2, 3), keepdims=True)
    xh = (x - m) / jnp.sqrt(v + 1e-5)
    return xh * g.reshape(1, -1, 1, 1) + b.reshape(1, -1, 1, 1)


def bn1d(x, g, b):
    m = jnp.mean(x, axis=(0, 2), keepdims=True)
    v = jnp.var(x, axis=(0, 2), keepdims=True)
    xh = (x - m) / jnp.sqrt(v + 1e-5)
    return xh * g.reshape(1, -1, 1) + b.reshape(1, -1, 1)


def lrelu(x):
    return jnp.where(x > 0, x, 0.2 * x)


def setup_inputs(seed: int = 0) -> dict:
    key = jax.random.key(seed)
    ks = jax.random.split(key, 8)
    pts = jax.random.normal(ks[0], (2, 2, 4096), dtype=jnp.float32)
    W1 = jax.random.normal(ks[1], (64, 4), dtype=jnp.float32) * 0.1
    W2 = jax.random.normal(ks[2], (64, 128), dtype=jnp.float32) * 0.1
    W3 = jax.random.normal(ks[3], (128, 128), dtype=jnp.float32) * 0.1
    W4 = jax.random.normal(ks[4], (256, 256), dtype=jnp.float32) * 0.1
    W5 = jax.random.normal(ks[5], (1024, 512), dtype=jnp.float32) * 0.05
    return {
        'pts': pts,
        'W1': W1, 'g1': jnp.ones((64,), jnp.float32), 'b1': jnp.zeros((64,), jnp.float32),
        'W2': W2, 'g2': jnp.ones((64,), jnp.float32), 'b2': jnp.zeros((64,), jnp.float32),
        'W3': W3, 'g3': jnp.ones((128,), jnp.float32), 'b3': jnp.zeros((128,), jnp.float32),
        'W4': W4, 'g4': jnp.ones((256,), jnp.float32), 'b4': jnp.zeros((256,), jnp.float32),
        'W5': W5, 'g5': jnp.ones((1024,), jnp.float32), 'b5': jnp.zeros((1024,), jnp.float32),
    }


def reference(pts, W1, g1, b1, W2, g2, b2, W3, g3, b3, W4, g4, b4, W5, g5, b5):
    graph = knn(pts, K_NEIGH)  # [B, N, K]
    x = gather_graph_feature(pts, graph)                       # [B, 4, N, K]
    x = lrelu(bn2d(jnp.einsum('oi,bink->bonk', W1, x), g1, b1))
    x1 = jnp.max(x, axis=-1)                                   # [B, 64, N]
    x = gather_graph_feature(x1, graph)                        # [B, 128, N, K]
    x = lrelu(bn2d(jnp.einsum('oi,bink->bonk', W2, x), g2, b2))
    x2 = jnp.max(x, axis=-1)                                   # [B, 64, N]
    x = gather_graph_feature(x2, graph)                        # [B, 128, N, K]
    x = lrelu(bn2d(jnp.einsum('oi,bink->bonk', W3, x), g3, b3))
    x3 = jnp.max(x, axis=-1)                                   # [B, 128, N]
    x = gather_graph_feature(x3, graph)                        # [B, 256, N, K]
    x = lrelu(bn2d(jnp.einsum('oi,bink->bonk', W4, x), g4, b4))
    x4 = jnp.max(x, axis=-1)                                   # [B, 256, N]
    x = jnp.concatenate((x1, x2, x3, x4), axis=1)              # [B, 512, N]
    x = lrelu(bn1d(jnp.einsum('oi,bin->bon', W5, x), g5, b5))  # [B, 1024, N]
    return x

if __name__ == "__main__":
    import jax
    _d = setup_inputs()
    print(jax.jit(kernel)(*tuple(_d.values())))

</pallas_src>

<mosaic_0001>
#map = affine_map<(d0, d1) -> (0, 0)>
#map1 = affine_map<(d0, d1) -> (0)>
module attributes {stable_mosaic.version = 14 : i64} {
  func.func @gather_k(%arg0: i32, %arg1: i32, %arg2: memref<8192x128xf32, #tpu.memory_space<hbm>>, %arg3: memref<163840xi32, #tpu.memory_space<hbm>>, %arg4: memref<163840x128xf32, #tpu.memory_space<hbm>>, %arg5: memref<512xi32, #tpu.memory_space<vmem>>, %arg6: memref<512x128xf32, #tpu.memory_space<vmem>>, %arg7: memref<!tpu.dma_semaphore, #tpu.memory_space<semaphore_mem>>) attributes {dimension_semantics = [#tpu.dimension_semantics<core_parallel>, #tpu.dimension_semantics<subcore_parallel>], iteration_bounds = array<i64: 2, 16>, scalar_prefetch = 0 : i64, scratch_operands = 3 : i64, tpu.core_type = #tpu.core_type<sc_vector_subcore>, window_params = [{transform_indices = #map}, {transform_indices = #map1}, {transform_indices = #map}]} {
    %mul3A = arith.constant 2 : i32
    %mul3A_0 = arith.muli %arg1, %mul3A : i32
    %add3A = arith.addi %mul3A_0, %arg0 : i32
    %mul3A_1 = arith.constant 5120 : i32
    %mul3A_2 = arith.muli %add3A, %mul3A_1 : i32
    %scan3A = arith.constant 0 : i32
    %scan3A_3 = arith.constant 0 : i32
    %scan3A_4 = arith.constant 10 : i32
    %scan3A_5 = arith.addi %scan3A_3, %scan3A_4 : i32
    %scan3A_6 = arith.constant 1 : i32
    scf.for %scan3A_8 = %scan3A_3 to %scan3A_5 step %scan3A_6  : i32 {
      %mul3A_9 = arith.constant 512 : i32
      %mul3A_10 = arith.muli %scan3A_8, %mul3A_9 : i32
      %add3A_11 = arith.addi %mul3A_2, %mul3A_10 : i32
      "tpu.region"() ({
        %run_scoped3A = tpu.sem_alloc : memref<!tpu.dma_semaphore, #tpu.memory_space<semaphore_mem>>
        %dma_start3A_16 = tpu.memref_slice %arg3[%add3A_11] : memref<163840xi32, #tpu.memory_space<hbm>> -> memref<512xi32, #tpu.memory_space<hbm>>
        %dma_start3A_17 = tpu.memref_slice %arg3[%add3A_11] : memref<163840xi32, #tpu.memory_space<hbm>> -> memref<512xi32, #tpu.memory_space<hbm>>
        tpu.enqueue_dma source(%dma_start3A_17 : memref<512xi32, #tpu.memory_space<hbm>>) target(%arg5 : memref<512xi32, #tpu.memory_space<vmem>>) target_semaphore(%run_scoped3A : memref<!tpu.dma_semaphore, #tpu.memory_space<semaphore_mem>>)
        %dma_wait3A_18 = tpu.memref_slice %arg3[%add3A_11] : memref<163840xi32, #tpu.memory_space<hbm>> -> memref<512xi32, #tpu.memory_space<hbm>>
        %dma_wait3A_19 = tpu.memref_slice %arg3[%add3A_11] : memref<163840xi32, #tpu.memory_space<hbm>> -> memref<512xi32, #tpu.memory_space<hbm>>
        tpu.wait_dma2 semaphore(%run_scoped3A : memref<!tpu.dma_semaphore, #tpu.memory_space<semaphore_mem>>) src(%dma_wait3A_19 : memref<512xi32, #tpu.memory_space<hbm>>) dst(%arg5 : memref<512xi32, #tpu.memory_space<vmem>>)
        tpu.yield
      }) : () -> ()
      %dma_start3A = arith.constant 0 : i32
      %dma_start3A_12 = arith.constant 0 : i32
      %dma_start3A_13 = tpu.memref_slice %arg2[%dma_start3A, %dma_start3A_12] : memref<8192x128xf32, #tpu.memory_space<hbm>> -> memref<8192x128xf32, #tpu.memory_space<hbm>>
      tpu.enqueue_indirect_dma source(%dma_start3A_13 : memref<8192x128xf32, #tpu.memory_space<hbm>>) target(%arg6 : memref<512x128xf32, #tpu.memory_space<vmem>>) offsets(%arg5 : memref<512xi32, #tpu.memory_space<vmem>>) semaphore(%arg7 : memref<!tpu.dma_semaphore, #tpu.memory_space<semaphore_mem>>)
      %dma_wait3A = arith.constant 0 : i32
      %dma_wait3A_14 = arith.constant 0 : i32
      %dma_wait3A_15 = tpu.memref_slice %arg2[%dma_wait3A, %dma_wait3A_14] : memref<8192x128xf32, #tpu.memory_space<hbm>> -> memref<8192x128xf32, #tpu.memory_space<hbm>>
      tpu.wait_indirect_dma semaphore(%arg7 : memref<!tpu.dma_semaphore, #tpu.memory_space<semaphore_mem>>) src(%dma_wait3A_15 : memref<8192x128xf32, #tpu.memory_space<hbm>>) dst(%arg6 : memref<512x128xf32, #tpu.memory_space<vmem>>)
      "tpu.region"() ({
        %run_scoped3A = tpu.sem_alloc : memref<!tpu.dma_semaphore, #tpu.memory_space<semaphore_mem>>
        %dma_start3A_16 = arith.constant 0 : i32
        %dma_start3A_17 = tpu.memref_slice %arg4[%add3A_11, %dma_start3A_16] : memref<163840x128xf32, #tpu.memory_space<hbm>> -> memref<512x128xf32, #tpu.memory_space<hbm>>
        %dma_start3A_18 = arith.constant 0 : i32
        %dma_start3A_19 = tpu.memref_slice %arg4[%add3A_11, %dma_start3A_18] : memref<163840x128xf32, #tpu.memory_space<hbm>> -> memref<512x128xf32, #tpu.memory_space<hbm>>
        tpu.enqueue_dma source(%arg6 : memref<512x128xf32, #tpu.memory_space<vmem>>) target(%dma_start3A_19 : memref<512x128xf32, #tpu.memory_space<hbm>>) target_semaphore(%run_scoped3A : memref<!tpu.dma_semaphore, #tpu.memory_space<semaphore_mem>>)
        %dma_wait3A_20 = arith.constant 0 : i32
        %dma_wait3A_21 = tpu.memref_slice %arg4[%add3A_11, %dma_wait3A_20] : memref<163840x128xf32, #tpu.memory_space<hbm>> -> memref<512x128xf32, #tpu.memory_space<hbm>>
        %dma_wait3A_22 = arith.constant 0 : i32
        %dma_wait3A_23 = tpu.memref_slice %arg4[%add3A_11, %dma_wait3A_22] : memref<163840x128xf32, #tpu.memory_space<hbm>> -> memref<512x128xf32, #tpu.memory_space<hbm>>
        tpu.wait_dma2 semaphore(%run_scoped3A : memref<!tpu.dma_semaphore, #tpu.memory_space<semaphore_mem>>) src(%arg6 : memref<512x128xf32, #tpu.memory_space<vmem>>) dst(%dma_wait3A_23 : memref<512x128xf32, #tpu.memory_space<hbm>>)
        tpu.yield
      }) : () -> ()
    }
    %scan3A_7 = arith.constant 10 : i32
    return
  }
}

#map = affine_map<(d0, d1) -> (0, 0)>
#map1 = affine_map<(d0, d1) -> (0)>
module attributes {stable_mosaic.version = 14 : i64} {
  func.func @gather_k(%arg0: i32, %arg1: i32, %arg2: memref<8192x128xf32, #tpu.memory_space<hbm>>, %arg3: memref<163840xi32, #tpu.memory_space<hbm>>, %arg4: memref<163840x128xf32, #tpu.memory_space<hbm>>, %arg5: memref<512xi32, #tpu.memory_space<vmem>>, %arg6: memref<512x128xf32, #tpu.memory_space<vmem>>, %arg7: memref<!tpu.dma_semaphore, #tpu.memory_space<semaphore_mem>>) attributes {dimension_semantics = [#tpu.dimension_semantics<core_parallel>, #tpu.dimension_semantics<subcore_parallel>], iteration_bounds = array<i64: 2, 16>, scalar_prefetch = 0 : i64, scratch_operands = 3 : i64, tpu.core_type = #tpu.core_type<sc_vector_subcore>, window_params = [{transform_indices = #map}, {transform_indices = #map1}, {transform_indices = #map}]} {
    %mul3A = arith.constant 2 : i32
    %mul3A_0 = arith.muli %arg1, %mul3A : i32
    %add3A = arith.addi %mul3A_0, %arg0 : i32
    %mul3A_1 = arith.constant 5120 : i32
    %mul3A_2 = arith.muli %add3A, %mul3A_1 : i32
    %scan3A = arith.constant 0 : i32
    %scan3A_3 = arith.constant 0 : i32
    %scan3A_4 = arith.constant 10 : i32
    %scan3A_5 = arith.addi %scan3A_3, %scan3A_4 : i32
    %scan3A_6 = arith.constant 1 : i32
    scf.for %scan3A_8 = %scan3A_3 to %scan3A_5 step %scan3A_6  : i32 {
      %mul3A_9 = arith.constant 512 : i32
      %mul3A_10 = arith.muli %scan3A_8, %mul3A_9 : i32
      %add3A_11 = arith.addi %mul3A_2, %mul3A_10 : i32
      "tpu.region"() ({
        %run_scoped3A = tpu.sem_alloc : memref<!tpu.dma_semaphore, #tpu.memory_space<semaphore_mem>>
        %dma_start3A_16 = tpu.memref_slice %arg3[%add3A_11] : memref<163840xi32, #tpu.memory_space<hbm>> -> memref<512xi32, #tpu.memory_space<hbm>>
        %dma_start3A_17 = tpu.memref_slice %arg3[%add3A_11] : memref<163840xi32, #tpu.memory_space<hbm>> -> memref<512xi32, #tpu.memory_space<hbm>>
        tpu.enqueue_dma source(%dma_start3A_17 : memref<512xi32, #tpu.memory_space<hbm>>) target(%arg5 : memref<512xi32, #tpu.memory_space<vmem>>) target_semaphore(%run_scoped3A : memref<!tpu.dma_semaphore, #tpu.memory_space<semaphore_mem>>)
        %dma_wait3A_18 = tpu.memref_slice %arg3[%add3A_11] : memref<163840xi32, #tpu.memory_space<hbm>> -> memref<512xi32, #tpu.memory_space<hbm>>
        %dma_wait3A_19 = tpu.memref_slice %arg3[%add3A_11] : memref<163840xi32, #tpu.memory_space<hbm>> -> memref<512xi32, #tpu.memory_space<hbm>>
        tpu.wait_dma2 semaphore(%run_scoped3A : memref<!tpu.dma_semaphore, #tpu.memory_space<semaphore_mem>>) src(%dma_wait3A_19 : memref<512xi32, #tpu.memory_space<hbm>>) dst(%arg5 : memref<512xi32, #tpu.memory_space<vmem>>)
        tpu.yield
      }) : () -> ()
      %dma_start3A = arith.constant 0 : i32
      %dma_start3A_12 = arith.constant 0 : i32
      %dma_start3A_13 = tpu.memref_slice %arg2[%dma_start3A, %dma_start3A_12] : memref<8192x128xf32, #tpu.memory_space<hbm>> -> memref<8192x128xf32, #tpu.memory_space<hbm>>
      tpu.enqueue_indirect_dma source(%dma_start3A_13 : memref<8192x128xf32, #tpu.memory_space<hbm>>) target(%arg6 : memref<512x128xf32, #tpu.memory_space<vmem>>) offsets(%arg5 : memref<512xi32, #tpu.memory_space<vmem>>) semaphore(%arg7 : memref<!tpu.dma_semaphore, #tpu.memory_space<semaphore_mem>>)
      %dma_wait3A = arith.constant 0 : i32
      %dma_wait3A_14 = arith.constant 0 : i32
      %dma_wait3A_15 = tpu.memref_slice %arg2[%dma_wait3A, %dma_wait3A_14] : memref<8192x128xf32, #tpu.memory_space<hbm>> -> memref<8192x128xf32, #tpu.memory_space<hbm>>
      tpu.wait_indirect_dma semaphore(%arg7 : memref<!tpu.dma_semaphore, #tpu.memory_space<semaphore_mem>>) src(%dma_wait3A_15 : memref<8192x128xf32, #tpu.memory_space<hbm>>) dst(%arg6 : memref<512x128xf32, #tpu.memory_space<vmem>>)
      "tpu.region"() ({
        %run_scoped3A = tpu.sem_alloc : memref<!tpu.dma_semaphore, #tpu.memory_space<semaphore_mem>>
        %dma_start3A_16 = arith.constant 0 : i32
        %dma_start3A_17 = tpu.memref_slice %arg4[%add3A_11, %dma_start3A_16] : memref<163840x128xf32, #tpu.memory_space<hbm>> -> memref<512x128xf32, #tpu.memory_space<hbm>>
        %dma_start3A_18 = arith.constant 0 : i32
        %dma_start3A_19 = tpu.memref_slice %arg4[%add3A_11, %dma_start3A_18] : memref<163840x128xf32, #tpu.memory_space<hbm>> -> memref<512x128xf32, #tpu.memory_space<hbm>>
        tpu.enqueue_dma source(%arg6 : memref<512x128xf32, #tpu.memory_space<vmem>>) target(%dma_start3A_19 : memref<512x128xf32, #tpu.memory_space<hbm>>) target_semaphore(%run_scoped3A : memref<!tpu.dma_semaphore, #tpu.memory_space<semaphore_mem>>)
        %dma_wait3A_20 = arith.constant 0 : i32
        %dma_wait3A_21 = tpu.memref_slice %arg4[%add3A_11, %dma_wait3A_20] : memref<163840x128xf32, #tpu.memory_space<hbm>> -> memref<512x128xf32, #tpu.memory_space<hbm>>
        %dma_wait3A_22 = arith.constant 0 : i32
        %dma_wait3A_23 = tpu.memref_slice %arg4[%add3A_11, %dma_wait3A_22] : memref<163840x128xf32, #tpu.memory_space<hbm>> -> memref<512x128xf32, #tpu.memory_space<hbm>>
        tpu.wait_dma2 semaphore(%run_scoped3A : memref<!tpu.dma_semaphore, #tpu.memory_space<semaphore_mem>>) src(%arg6 : memref<512x128xf32, #tpu.memory_space<vmem>>) dst(%dma_wait3A_23 : memref<512x128xf32, #tpu.memory_space<hbm>>)
        tpu.yield
      }) : () -> ()
    }
    %scan3A_7 = arith.constant 10 : i32
    return
  }
}

#map = affine_map<(d0, d1) -> (0, 0)>
#map1 = affine_map<(d0, d1) -> (0)>
module attributes {stable_mosaic.version = 14 : i64} {
  func.func @gather_k(%arg0: i32, %arg1: i32, %arg2: memref<8192x128xf32, #tpu.memory_space<hbm>>, %arg3: memref<163840xi32, #tpu.memory_space<hbm>>, %arg4: memref<163840x128xf32, #tpu.memory_space<hbm>>, %arg5: memref<512xi32, #tpu.memory_space<vmem>>, %arg6: memref<512x128xf32, #tpu.memory_space<vmem>>, %arg7: memref<!tpu.dma_semaphore, #tpu.memory_space<semaphore_mem>>) attributes {dimension_semantics = [#tpu.dimension_semantics<core_parallel>, #tpu.dimension_semantics<subcore_parallel>], iteration_bounds = array<i64: 2, 16>, scalar_prefetch = 0 : i64, scratch_operands = 3 : i64, tpu.core_type = #tpu.core_type<sc_vector_subcore>, window_params = [{transform_indices = #map}, {transform_indices = #map1}, {transform_indices = #map}]} {
    %mul3A = arith.constant 2 : i32
    %mul3A_0 = arith.muli %arg1, %mul3A : i32
    %add3A = arith.addi %mul3A_0, %arg0 : i32
    %mul3A_1 = arith.constant 5120 : i32
    %mul3A_2 = arith.muli %add3A, %mul3A_1 : i32
    %scan3A = arith.constant 0 : i32
    %scan3A_3 = arith.constant 0 : i32
    %scan3A_4 = arith.constant 10 : i32
    %scan3A_5 = arith.addi %scan3A_3, %scan3A_4 : i32
    %scan3A_6 = arith.constant 1 : i32
    scf.for %scan3A_8 = %scan3A_3 to %scan3A_5 step %scan3A_6  : i32 {
      %mul3A_9 = arith.constant 512 : i32
      %mul3A_10 = arith.muli %scan3A_8, %mul3A_9 : i32
      %add3A_11 = arith.addi %mul3A_2, %mul3A_10 : i32
      "tpu.region"() ({
        %run_scoped3A = tpu.sem_alloc : memref<!tpu.dma_semaphore, #tpu.memory_space<semaphore_mem>>
        %dma_start3A_16 = tpu.memref_slice %arg3[%add3A_11] : memref<163840xi32, #tpu.memory_space<hbm>> -> memref<512xi32, #tpu.memory_space<hbm>>
        %dma_start3A_17 = tpu.memref_slice %arg3[%add3A_11] : memref<163840xi32, #tpu.memory_space<hbm>> -> memref<512xi32, #tpu.memory_space<hbm>>
        tpu.enqueue_dma source(%dma_start3A_17 : memref<512xi32, #tpu.memory_space<hbm>>) target(%arg5 : memref<512xi32, #tpu.memory_space<vmem>>) target_semaphore(%run_scoped3A : memref<!tpu.dma_semaphore, #tpu.memory_space<semaphore_mem>>)
        %dma_wait3A_18 = tpu.memref_slice %arg3[%add3A_11] : memref<163840xi32, #tpu.memory_space<hbm>> -> memref<512xi32, #tpu.memory_space<hbm>>
        %dma_wait3A_19 = tpu.memref_slice %arg3[%add3A_11] : memref<163840xi32, #tpu.memory_space<hbm>> -> memref<512xi32, #tpu.memory_space<hbm>>
        tpu.wait_dma2 semaphore(%run_scoped3A : memref<!tpu.dma_semaphore, #tpu.memory_space<semaphore_mem>>) src(%dma_wait3A_19 : memref<512xi32, #tpu.memory_space<hbm>>) dst(%arg5 : memref<512xi32, #tpu.memory_space<vmem>>)
        tpu.yield
      }) : () -> ()
      %dma_start3A = arith.constant 0 : i32
      %dma_start3A_12 = arith.constant 0 : i32
      %dma_start3A_13 = tpu.memref_slice %arg2[%dma_start3A, %dma_start3A_12] : memref<8192x128xf32, #tpu.memory_space<hbm>> -> memref<8192x128xf32, #tpu.memory_space<hbm>>
      tpu.enqueue_indirect_dma source(%dma_start3A_13 : memref<8192x128xf32, #tpu.memory_space<hbm>>) target(%arg6 : memref<512x128xf32, #tpu.memory_space<vmem>>) offsets(%arg5 : memref<512xi32, #tpu.memory_space<vmem>>) semaphore(%arg7 : memref<!tpu.dma_semaphore, #tpu.memory_space<semaphore_mem>>)
      %dma_wait3A = arith.constant 0 : i32
      %dma_wait3A_14 = arith.constant 0 : i32
      %dma_wait3A_15 = tpu.memref_slice %arg2[%dma_wait3A, %dma_wait3A_14] : memref<8192x128xf32, #tpu.memory_space<hbm>> -> memref<8192x128xf32, #tpu.memory_space<hbm>>
      tpu.wait_indirect_dma semaphore(%arg7 : memref<!tpu.dma_semaphore, #tpu.memory_space<semaphore_mem>>) src(%dma_wait3A_15 : memref<8192x128xf32, #tpu.memory_space<hbm>>) dst(%arg6 : memref<512x128xf32, #tpu.memory_space<vmem>>)
      "tpu.region"() ({
        %run_scoped3A = tpu.sem_alloc : memref<!tpu.dma_semaphore, #tpu.memory_space<semaphore_mem>>
        %dma_start3A_16 = arith.constant 0 : i32
        %dma_start3A_17 = tpu.memref_slice %arg4[%add3A_11, %dma_start3A_16] : memref<163840x128xf32, #tpu.memory_space<hbm>> -> memref<512x128xf32, #tpu.memory_space<hbm>>
        %dma_start3A_18 = arith.constant 0 : i32
        %dma_start3A_19 = tpu.memref_slice %arg4[%add3A_11, %dma_start3A_18] : memref<163840x128xf32, #tpu.memory_space<hbm>> -> memref<512x128xf32, #tpu.memory_space<hbm>>
        tpu.enqueue_dma source(%arg6 : memref<512x128xf32, #tpu.memory_space<vmem>>) target(%dma_start3A_19 : memref<512x128xf32, #tpu.memory_space<hbm>>) target_semaphore(%run_scoped3A : memref<!tpu.dma_semaphore, #tpu.memory_space<semaphore_mem>>)
        %dma_wait3A_20 = arith.constant 0 : i32
        %dma_wait3A_21 = tpu.memref_slice %arg4[%add3A_11, %dma_wait3A_20] : memref<163840x128xf32, #tpu.memory_space<hbm>> -> memref<512x128xf32, #tpu.memory_space<hbm>>
        %dma_wait3A_22 = arith.constant 0 : i32
        %dma_wait3A_23 = tpu.memref_slice %arg4[%add3A_11, %dma_wait3A_22] : memref<163840x128xf32, #tpu.memory_space<hbm>> -> memref<512x128xf32, #tpu.memory_space<hbm>>
        tpu.wait_dma2 semaphore(%run_scoped3A : memref<!tpu.dma_semaphore, #tpu.memory_space<semaphore_mem>>) src(%arg6 : memref<512x128xf32, #tpu.memory_space<vmem>>) dst(%dma_wait3A_23 : memref<512x128xf32, #tpu.memory_space<hbm>>)
        tpu.yield
      }) : () -> ()
    }
    %scan3A_7 = arith.constant 10 : i32
    return
  }
}

#map = affine_map<(d0, d1) -> (0, 0)>
#map1 = affine_map<(d0, d1) -> (0)>
module attributes {stable_mosaic.version = 14 : i64} {
  func.func @gather_k(%arg0: i32, %arg1: i32, %arg2: memref<8192x128xf32, #tpu.memory_space<hbm>>, %arg3: memref<163840xi32, #tpu.memory_space<hbm>>, %arg4: memref<163840x128xf32, #tpu.memory_space<hbm>>, %arg5: memref<512xi32, #tpu.memory_space<vmem>>, %arg6: memref<512x128xf32, #tpu.memory_space<vmem>>, %arg7: memref<!tpu.dma_semaphore, #tpu.memory_space<semaphore_mem>>) attributes {dimension_semantics = [#tpu.dimension_semantics<core_parallel>, #tpu.dimension_semantics<subcore_parallel>], iteration_bounds = array<i64: 2, 16>, scalar_prefetch = 0 : i64, scratch_operands = 3 : i64, tpu.core_type = #tpu.core_type<sc_vector_subcore>, window_params = [{transform_indices = #map}, {transform_indices = #map1}, {transform_indices = #map}]} {
    %mul3A = arith.constant 2 : i32
    %mul3A_0 = arith.muli %arg1, %mul3A : i32
    %add3A = arith.addi %mul3A_0, %arg0 : i32
    %mul3A_1 = arith.constant 5120 : i32
    %mul3A_2 = arith.muli %add3A, %mul3A_1 : i32
    %scan3A = arith.constant 0 : i32
    %scan3A_3 = arith.constant 0 : i32
    %scan3A_4 = arith.constant 10 : i32
    %scan3A_5 = arith.addi %scan3A_3, %scan3A_4 : i32
    %scan3A_6 = arith.constant 1 : i32
    scf.for %scan3A_8 = %scan3A_3 to %scan3A_5 step %scan3A_6  : i32 {
      %mul3A_9 = arith.constant 512 : i32
      %mul3A_10 = arith.muli %scan3A_8, %mul3A_9 : i32
      %add3A_11 = arith.addi %mul3A_2, %mul3A_10 : i32
      "tpu.region"() ({
        %run_scoped3A = tpu.sem_alloc : memref<!tpu.dma_semaphore, #tpu.memory_space<semaphore_mem>>
        %dma_start3A_16 = tpu.memref_slice %arg3[%add3A_11] : memref<163840xi32, #tpu.memory_space<hbm>> -> memref<512xi32, #tpu.memory_space<hbm>>
        %dma_start3A_17 = tpu.memref_slice %arg3[%add3A_11] : memref<163840xi32, #tpu.memory_space<hbm>> -> memref<512xi32, #tpu.memory_space<hbm>>
        tpu.enqueue_dma source(%dma_start3A_17 : memref<512xi32, #tpu.memory_space<hbm>>) target(%arg5 : memref<512xi32, #tpu.memory_space<vmem>>) target_semaphore(%run_scoped3A : memref<!tpu.dma_semaphore, #tpu.memory_space<semaphore_mem>>)
        %dma_wait3A_18 = tpu.memref_slice %arg3[%add3A_11] : memref<163840xi32, #tpu.memory_space<hbm>> -> memref<512xi32, #tpu.memory_space<hbm>>
        %dma_wait3A_19 = tpu.memref_slice %arg3[%add3A_11] : memref<163840xi32, #tpu.memory_space<hbm>> -> memref<512xi32, #tpu.memory_space<hbm>>
        tpu.wait_dma2 semaphore(%run_scoped3A : memref<!tpu.dma_semaphore, #tpu.memory_space<semaphore_mem>>) src(%dma_wait3A_19 : memref<512xi32, #tpu.memory_space<hbm>>) dst(%arg5 : memref<512xi32, #tpu.memory_space<vmem>>)
        tpu.yield
      }) : () -> ()
      %dma_start3A = arith.constant 0 : i32
      %dma_start3A_12 = arith.constant 0 : i32
      %dma_start3A_13 = tpu.memref_slice %arg2[%dma_start3A, %dma_start3A_12] : memref<8192x128xf32, #tpu.memory_space<hbm>> -> memref<8192x128xf32, #tpu.memory_space<hbm>>
      tpu.enqueue_indirect_dma source(%dma_start3A_13 : memref<8192x128xf32, #tpu.memory_space<hbm>>) target(%arg6 : memref<512x128xf32, #tpu.memory_space<vmem>>) offsets(%arg5 : memref<512xi32, #tpu.memory_space<vmem>>) semaphore(%arg7 : memref<!tpu.dma_semaphore, #tpu.memory_space<semaphore_mem>>)
      %dma_wait3A = arith.constant 0 : i32
      %dma_wait3A_14 = arith.constant 0 : i32
      %dma_wait3A_15 = tpu.memref_slice %arg2[%dma_wait3A, %dma_wait3A_14] : memref<8192x128xf32, #tpu.memory_space<hbm>> -> memref<8192x128xf32, #tpu.memory_space<hbm>>
      tpu.wait_indirect_dma semaphore(%arg7 : memref<!tpu.dma_semaphore, #tpu.memory_space<semaphore_mem>>) src(%dma_wait3A_15 : memref<8192x128xf32, #tpu.memory_space<hbm>>) dst(%arg6 : memref<512x128xf32, #tpu.memory_space<vmem>>)
      "tpu.region"() ({
        %run_scoped3A = tpu.sem_alloc : memref<!tpu.dma_semaphore, #tpu.memory_space<semaphore_mem>>
        %dma_start3A_16 = arith.constant 0 : i32
        %dma_start3A_17 = tpu.memref_slice %arg4[%add3A_11, %dma_start3A_16] : memref<163840x128xf32, #tpu.memory_space<hbm>> -> memref<512x128xf32, #tpu.memory_space<hbm>>
        %dma_start3A_18 = arith.constant 0 : i32
        %dma_start3A_19 = tpu.memref_slice %arg4[%add3A_11, %dma_start3A_18] : memref<163840x128xf32, #tpu.memory_space<hbm>> -> memref<512x128xf32, #tpu.memory_space<hbm>>
        tpu.enqueue_dma source(%arg6 : memref<512x128xf32, #tpu.memory_space<vmem>>) target(%dma_start3A_19 : memref<512x128xf32, #tpu.memory_space<hbm>>) target_semaphore(%run_scoped3A : memref<!tpu.dma_semaphore, #tpu.memory_space<semaphore_mem>>)
        %dma_wait3A_20 = arith.constant 0 : i32
        %dma_wait3A_21 = tpu.memref_slice %arg4[%add3A_11, %dma_wait3A_20] : memref<163840x128xf32, #tpu.memory_space<hbm>> -> memref<512x128xf32, #tpu.memory_space<hbm>>
        %dma_wait3A_22 = arith.constant 0 : i32
        %dma_wait3A_23 = tpu.memref_slice %arg4[%add3A_11, %dma_wait3A_22] : memref<163840x128xf32, #tpu.memory_space<hbm>> -> memref<512x128xf32, #tpu.memory_space<hbm>>
        tpu.wait_dma2 semaphore(%run_scoped3A : memref<!tpu.dma_semaphore, #tpu.memory_space<semaphore_mem>>) src(%arg6 : memref<512x128xf32, #tpu.memory_space<vmem>>) dst(%dma_wait3A_23 : memref<512x128xf32, #tpu.memory_space<hbm>>)
        tpu.yield
      }) : () -> ()
    }
    %scan3A_7 = arith.constant 10 : i32
    return
  }
}

module attributes {stable_mosaic.version = 14 : i64} {
  func.func @_knn_body(%arg0: i32, %arg1: i32, %arg2: memref<1x256x2xf32, #tpu.memory_space<vmem>>, %arg3: memref<1x2x4096xf32, #tpu.memory_space<vmem>>, %arg4: memref<1x256x20xi32, #tpu.memory_space<vmem>>, %arg5: memref<256x4096xf32, #tpu.memory_space<vmem>>) attributes {dimension_semantics = [#tpu.dimension_semantics<arbitrary>, #tpu.dimension_semantics<arbitrary>], iteration_bounds = array<i64: 2, 16>, scalar_prefetch = 0 : i64, scratch_operands = 1 : i64, tpu.core_type = #tpu.core_type<tc>, window_params = [{transform_indices = @transform_0, window_bounds = array<i64: 1, 256, 2>}, {transform_indices = @transform_1, window_bounds = array<i64: 1, 2, 4096>}, {transform_indices = @transform_2, window_bounds = array<i64: 1, 256, 20>}]} {
    %get3A = arith.constant 0 : index
    %get3A_0 = arith.constant 0 : index
    %get3A_1 = arith.constant 0 : index
    %get3A_2 = vector.load %arg2[%get3A, %get3A_0, %get3A_1] : memref<1x256x2xf32, #tpu.memory_space<vmem>>, vector<1x256x2xf32>
    %get3A_3 = vector.shape_cast %get3A_2 : vector<1x256x2xf32> to vector<256x2xf32>
    %get3A_4 = arith.constant 0 : index
    %get3A_5 = arith.constant 0 : index
    %get3A_6 = arith.constant 0 : index
    %get3A_7 = vector.load %arg3[%get3A_4, %get3A_5, %get3A_6] : memref<1x2x4096xf32, #tpu.memory_space<vmem>>, vector<1x2x4096xf32>
    %get3A_8 = vector.shape_cast %get3A_7 : vector<1x2x4096xf32> to vector<2x4096xf32>
    %slice3A = vector.extract_strided_slice %get3A_3 {offsets = [0, 0], sizes = [256, 1], strides = [1, 1]} : vector<256x2xf32> to vector<256x1xf32>
    %slice3A_9 = vector.extract_strided_slice %get3A_3 {offsets = [0, 1], sizes = [256, 1], strides = [1, 1]} : vector<256x2xf32> to vector<256x1xf32>
    %slice3A_10 = vector.extract_strided_slice %get3A_8 {offsets = [0, 0], sizes = [1, 4096], strides = [1, 1]} : vector<2x4096xf32> to vector<1x4096xf32>
    %slice3A_11 = vector.extract_strided_slice %get3A_8 {offsets = [1, 0], sizes = [1, 4096], strides = [1, 1]} : vector<2x4096xf32> to vector<1x4096xf32>
    %mul3A = arith.mulf %slice3A, %slice3A : vector<256x1xf32>
    %mul3A_12 = arith.mulf %slice3A_9, %slice3A_9 : vector<256x1xf32>
    %add3A = arith.addf %mul3A, %mul3A_12 : vector<256x1xf32>
    %mul3A_13 = arith.mulf %slice3A_10, %slice3A_10 : vector<1x4096xf32>
    %mul3A_14 = arith.mulf %slice3A_11, %slice3A_11 : vector<1x4096xf32>
    %add3A_15 = arith.addf %mul3A_13, %mul3A_14 : vector<1x4096xf32>
    %convert_element_type3A = arith.truncf %slice3A : vector<256x1xf32> to vector<256x1xbf16>
    %convert_element_type3A_16 = arith.extf %convert_element_type3A : vector<256x1xbf16> to vector<256x1xf32>
    %convert_element_type3A_17 = arith.truncf %slice3A_9 : vector<256x1xf32> to vector<256x1xbf16>
    %convert_element_type3A_18 = arith.extf %convert_element_type3A_17 : vector<256x1xbf16> to vector<256x1xf32>
    %convert_element_type3A_19 = arith.truncf %slice3A_10 : vector<1x4096xf32> to vector<1x4096xbf16>
    %convert_element_type3A_20 = arith.extf %convert_element_type3A_19 : vector<1x4096xbf16> to vector<1x4096xf32>
    %convert_element_type3A_21 = arith.truncf %slice3A_11 : vector<1x4096xf32> to vector<1x4096xbf16>
    %convert_element_type3A_22 = arith.extf %convert_element_type3A_21 : vector<1x4096xbf16> to vector<1x4096xf32>
    %mul3A_23 = vector.broadcast %convert_element_type3A_16 : vector<256x1xf32> to vector<256x4096xf32>
    %mul3A_24 = vector.broadcast %convert_element_type3A_20 : vector<1x4096xf32> to vector<256x4096xf32>
    %mul3A_25 = arith.mulf %mul3A_23, %mul3A_24 : vector<256x4096xf32>
    %mul3A_26 = vector.broadcast %convert_element_type3A_18 : vector<256x1xf32> to vector<256x4096xf32>
    %mul3A_27 = vector.broadcast %convert_element_type3A_22 : vector<1x4096xf32> to vector<256x4096xf32>
    %mul3A_28 = arith.mulf %mul3A_26, %mul3A_27 : vector<256x4096xf32>
    %add3A_29 = arith.addf %mul3A_25, %mul3A_28 : vector<256x4096xf32>
    %mul3A_30 = arith.constant -2.000000e+00 : f32
    %mul3A_31 = vector.broadcast %mul3A_30 : f32 to vector<256x4096xf32>
    %mul3A_32 = arith.mulf %mul3A_31, %add3A_29 : vector<256x4096xf32>
    %neg3A = arith.constant 0.000000e+00 : f32
    %neg3A_33 = vector.broadcast %neg3A : f32 to vector<256x1xf32>
    %neg3A_34 = arith.subf %neg3A_33, %add3A : vector<256x1xf32>
    %sub3A = vector.broadcast %neg3A_34 : vector<256x1xf32> to vector<256x4096xf32>
    %sub3A_35 = arith.subf %sub3A, %mul3A_32 : vector<256x4096xf32>
    %sub3A_36 = vector.broadcast %add3A_15 : vector<1x4096xf32> to vector<256x4096xf32>
    %sub3A_37 = arith.subf %sub3A_35, %sub3A_36 : vector<256x4096xf32>
    %swap3A = arith.constant 0 : index
    %swap3A_38 = arith.constant 0 : index
    %swap3A_39 = vector.load %arg5[%swap3A, %swap3A_38] : memref<256x4096xf32, #tpu.memory_space<vmem>>, vector<256x4096xf32>
    tpu.vector_store %arg5[%swap3A, %swap3A_38], %sub3A_37 {strides = array<i32>} : memref<256x4096xf32, #tpu.memory_space<vmem>>, vector<256x4096xf32>,
    %iota3A = tpu.iota {dimensions = array<i32: 1>} : vector<256x4096xi32>
    %get3A_40 = arith.constant 0 : index
    %get3A_41 = arith.constant 0 : index
    %get3A_42 = vector.load %arg5[%get3A_40, %get3A_41] : memref<256x4096xf32, #tpu.memory_space<vmem>>, vector<256x4096xf32>
    %reduce_max3A = arith.constant dense<0xFF800000> : vector<256xf32>
    %reduce_max3A_43 = vector.multi_reduction <maximumf>, %get3A_42, %reduce_max3A [1] : vector<256x4096xf32> to vector<256xf32>
    %broadcast_in_dim3A = vector.shape_cast %reduce_max3A_43 : vector<256xf32> to vector<256x1xf32>
    %ge3A = vector.broadcast %broadcast_in_dim3A : vector<256x1xf32> to vector<256x4096xf32>
    %ge3A_44 = arith.cmpf oge, %get3A_42, %ge3A : vector<256x4096xf32>
    %jit3A = arith.constant 4096 : i32
    %broadcast_in_dim3A_45 = vector.broadcast %jit3A : i32 to vector<256x4096xi32>
    %select_n3A = arith.select %ge3A_44, %iota3A, %broadcast_in_dim3A_45 : vector<256x4096xi1>, vector<256x4096xi32>
    %reduce_min3A = arith.constant dense<2147483647> : vector<256xi32>
    %reduce_min3A_46 = vector.multi_reduction <minsi>, %select_n3A, %reduce_min3A [1] : vector<256x4096xi32> to vector<256xi32>
    %broadcast_in_dim3A_47 = vector.shape_cast %reduce_min3A_46 : vector<256xi32> to vector<256x1xi32>
    %swap3A_48 = arith.constant 0 : index
    %swap3A_49 = arith.constant 0 : index
    %swap3A_50 = arith.constant 0 : index
    %swap3A_51 = vector.load %arg4[%swap3A_48, %swap3A_49, %swap3A_50] : memref<1x256x20xi32, #tpu.memory_space<vmem>>, vector<1x256x1xi32>
    %swap3A_52 = vector.shape_cast %swap3A_51 : vector<1x256x1xi32> to vector<256x1xi32>
    %swap3A_53 = vector.shape_cast %broadcast_in_dim3A_47 : vector<256x1xi32> to vector<1x256x1xi32>
    tpu.vector_store %arg4[%swap3A_48, %swap3A_49, %swap3A_50], %swap3A_53 {strides = array<i32>} : memref<1x256x20xi32, #tpu.memory_space<vmem>>, vector<1x256x1xi32>,
    %eq3A = vector.broadcast %broadcast_in_dim3A_47 : vector<256x1xi32> to vector<256x4096xi32>
    %eq3A_54 = arith.cmpi eq, %iota3A, %eq3A : vector<256x4096xi32>
    %jit3A_55 = arith.constant 0xFF800000 : f32
    %broadcast_in_dim3A_56 = vector.broadcast %jit3A_55 : f32 to vector<256x4096xf32>
    %select_n3A_57 = arith.select %eq3A_54, %broadcast_in_dim3A_56, %get3A_42 : vector<256x4096xi1>, vector<256x4096xf32>
    %swap3A_58 = arith.constant 0 : index
    %swap3A_59 = arith.constant 0 : index
    %swap3A_60 = vector.load %arg5[%swap3A_58, %swap3A_59] : memref<256x4096xf32, #tpu.memory_space<vmem>>, vector<256x4096xf32>
    tpu.vector_store %arg5[%swap3A_58, %swap3A_59], %select_n3A_57 {strides = array<i32>} : memref<256x4096xf32, #tpu.memory_space<vmem>>, vector<256x4096xf32>,
    %get3A_61 = arith.constant 0 : index
    %get3A_62 = arith.constant 0 : index
    %get3A_63 = vector.load %arg5[%get3A_61, %get3A_62] : memref<256x4096xf32, #tpu.memory_space<vmem>>, vector<256x4096xf32>
    %reduce_max3A_64 = arith.constant dense<0xFF800000> : vector<256xf32>
    %reduce_max3A_65 = vector.multi_reduction <maximumf>, %get3A_63, %reduce_max3A_64 [1] : vector<256x4096xf32> to vector<256xf32>
    %broadcast_in_dim3A_66 = vector.shape_cast %reduce_max3A_65 : vector<256xf32> to vector<256x1xf32>
    %ge3A_67 = vector.broadcast %broadcast_in_dim3A_66 : vector<256x1xf32> to vector<256x4096xf32>
    %ge3A_68 = arith.cmpf oge, %get3A_63, %ge3A_67 : vector<256x4096xf32>
    %jit3A_69 = arith.constant 4096 : i32
    %broadcast_in_dim3A_70 = vector.broadcast %jit3A_69 : i32 to vector<256x4096xi32>
    %select_n3A_71 = arith.select %ge3A_68, %iota3A, %broadcast_in_dim3A_70 : vector<256x4096xi1>, vector<256x4096xi32>
    %reduce_min3A_72 = arith.constant dense<2147483647> : vector<256xi32>
    %reduce_min3A_73 = vector.multi_reduction <minsi>, %select_n3A_71, %reduce_min3A_72 [1] : vector<256x4096xi32> to vector<256xi32>
    %broadcast_in_dim3A_74 = vector.shape_cast %reduce_min3A_73 : vector<256xi32> to vector<256x1xi32>
    %swap3A_75 = arith.constant 0 : index
    %swap3A_76 = arith.constant 0 : index
    %swap3A_77 = arith.constant 1 : index
    %swap3A_78 = vector.load %arg4[%swap3A_75, %swap3A_76, %swap3A_77] : memref<1x256x20xi32, #tpu.memory_space<vmem>>, vector<1x256x1xi32>
    %swap3A_79 = vector.shape_cast %swap3A_78 : vector<1x256x1xi32> to vector<256x1xi32>
    %swap3A_80 = vector.shape_cast %broadcast_in_dim3A_74 : vector<256x1xi32> to vector<1x256x1xi32>
    tpu.vector_store %arg4[%swap3A_75, %swap3A_76, %swap3A_77], %swap3A_80 {strides = array<i32>} : memref<1x256x20xi32, #tpu.memory_space<vmem>>, vector<1x256x1xi32>,
    %eq3A_81 = vector.broadcast %broadcast_in_dim3A_74 : vector<256x1xi32> to vector<256x4096xi32>
    %eq3A_82 = arith.cmpi eq, %iota3A, %eq3A_81 : vector<256x4096xi32>
    %jit3A_83 = arith.constant 0xFF800000 : f32
    %broadcast_in_dim3A_84 = vector.broadcast %jit3A_83 : f32 to vector<256x4096xf32>
    %select_n3A_85 = arith.select %eq3A_82, %broadcast_in_dim3A_84, %get3A_63 : vector<256x4096xi1>, vector<256x4096xf32>
    %swap3A_86 = arith.constant 0 : index
    %swap3A_87 = arith.constant 0 : index
    %swap3A_88 = vector.load %arg5[%swap3A_86, %swap3A_87] : memref<256x4096xf32, #tpu.memory_space<vmem>>, vector<256x4096xf32>
    tpu.vector_store %arg5[%swap3A_86, %swap3A_87], %select_n3A_85 {strides = array<i32>} : memref<256x4096xf32, #tpu.memory_space<vmem>>, vector<256x4096xf32>,
    %get3A_89 = arith.constant 0 : index
    %get3A_90 = arith.constant 0 : index
    %get3A_91 = vector.load %arg5[%get3A_89, %get3A_90] : memref<256x4096xf32, #tpu.memory_space<vmem>>, vector<256x4096xf32>
    %reduce_max3A_92 = arith.constant dense<0xFF800000> : vector<256xf32>
    %reduce_max3A_93 = vector.multi_reduction <maximumf>, %get3A_91, %reduce_max3A_92 [1] : vector<256x4096xf32> to vector<256xf32>
    %broadcast_in_dim3A_94 = vector.shape_cast %reduce_max3A_93 : vector<256xf32> to vector<256x1xf32>
    %ge3A_95 = vector.broadcast %broadcast_in_dim3A_94 : vector<256x1xf32> to vector<256x4096xf32>
    %ge3A_96 = arith.cmpf oge, %get3A_91, %ge3A_95 : vector<256x4096xf32>
    %jit3A_97 = arith.constant 4096 : i32
    %broadcast_in_dim3A_98 = vector.broadcast %jit3A_97 : i32 to vector<256x4096xi32>
    %select_n3A_99 = arith.select %ge3A_96, %iota3A, %broadcast_in_dim3A_98 : vector<256x4096xi1>, vector<256x4096xi32>
    %reduce_min3A_100 = arith.constant dense<2147483647> : vector<256xi32>
    %reduce_min3A_101 = vector.multi_reduction <minsi>, %select_n3A_99, %reduce_min3A_100 [1] : vector<256x4096xi32> to vector<256xi32>
    %broadcast_in_dim3A_102 = vector.shape_cast %reduce_min3A_101 : vector<256xi32> to vector<256x1xi32>
    %swap3A_103 = arith.constant 0 : index
    %swap3A_104 = arith.constant 0 : index
    %swap3A_105 = arith.constant 2 : index
    %swap3A_106 = vector.load %arg4[%swap3A_103, %swap3A_104, %swap3A_105] : memref<1x256x20xi32, #tpu.memory_space<vmem>>, vector<1x256x1xi32>
    %swap3A_107 = vector.shape_cast %swap3A_106 : vector<1x256x1xi32> to vector<256x1xi32>
    %swap3A_108 = vector.shape_cast %broadcast_in_dim3A_102 : vector<256x1xi32> to vector<1x256x1xi32>
    tpu.vector_store %arg4[%swap3A_103, %swap3A_104, %swap3A_105], %swap3A_108 {strides = array<i32>} : memref<1x256x20xi32, #tpu.memory_space<vmem>>, vector<1x256x1xi32>,
    %eq3A_109 = vector.broadcast %broadcast_in_dim3A_102 : vector<256x1xi32> to vector<256x4096xi32>
    %eq3A_110 = arith.cmpi eq, %iota3A, %eq3A_109 : vector<256x4096xi32>
    %jit3A_111 = arith.constant 0xFF800000 : f32
    %broadcast_in_dim3A_112 = vector.broadcast %jit3A_111 : f32 to vector<256x4096xf32>
    %select_n3A_113 = arith.select %eq3A_110, %broadcast_in_dim3A_112, %get3A_91 : vector<256x4096xi1>, vector<256x4096xf32>
    %swap3A_114 = arith.constant 0 : index
    %swap3A_115 = arith.constant 0 : index
    %swap3A_116 = vector.load %arg5[%swap3A_114, %swap3A_115] : memref<256x4096xf32, #tpu.memory_space<vmem>>, vector<256x4096xf32>
    tpu.vector_store %arg5[%swap3A_114, %swap3A_115], %select_n3A_113 {strides = array<i32>} : memref<256x4096xf32, #tpu.memory_space<vmem>>, vector<256x4096xf32>,
    %get3A_117 = arith.constant 0 : index
    %get3A_118 = arith.constant 0 : index
    %get3A_119 = vector.load %arg5[%get3A_117, %get3A_118] : memref<256x4096xf32, #tpu.memory_space<vmem>>, vector<256x4096xf32>
    %reduce_max3A_120 = arith.constant dense<0xFF800000> : vector<256xf32>
    %reduce_max3A_121 = vector.multi_reduction <maximumf>, %get3A_119, %reduce_max3A_120 [1] : vector<256x4096xf32> to vector<256xf32>
    %broadcast_in_dim3A_122 = vector.shape_cast %reduce_max3A_121 : vector<256xf32> to vector<256x1xf32>
    %ge3A_123 = vector.broadcast %broadcast_in_dim3A_122 : vector<256x1xf32> to vector<256x4096xf32>
    %ge3A_124 = arith.cmpf oge, %get3A_119, %ge3A_123 : vector<256x4096xf32>
    %jit3A_125 = arith.constant 4096 : i32
    %broadcast_in_dim3A_126 = vector.broadcast %jit3A_125 : i32 to vector<256x4096xi32>
    %select_n3A_127 = arith.select %ge3A_124, %iota3A, %broadcast_in_dim3A_126 : vector<256x4096xi1>, vector<256x4096xi32>
    %reduce_min3A_128 = arith.constant dense<2147483647> : vector<256xi32>
    %reduce_min3A_129 = vector.multi_reduction <minsi>, %select_n3A_127, %reduce_min3A_128 [1] : vector<256x4096xi32> to vector<256xi32>
    %broadcast_in_dim3A_130 = vector.shape_cast %reduce_min3A_129 : vector<256xi32> to vector<256x1xi32>
    %swap3A_131 = arith.constant 0 : index
    %swap3A_132 = arith.constant 0 : index
    %swap3A_133 = arith.constant 3 : index
    %swap3A_134 = vector.load %arg4[%swap3A_131, %swap3A_132, %swap3A_133] : memref<1x256x20xi32, #tpu.memory_space<vmem>>, vector<1x256x1xi32>
    %swap3A_135 = vector.shape_cast %swap3A_134 : vector<1x256x1xi32> to vector<256x1xi32>
    %swap3A_136 = vector.shape_cast %broadcast_in_dim3A_130 : vector<256x1xi32> to vector<1x256x1xi32>
    tpu.vector_store %arg4[%swap3A_131, %swap3A_132, %swap3A_133], %swap3A_136 {strides = array<i32>} : memref<1x256x20xi32, #tpu.memory_space<vmem>>, vector<1x256x1xi32>,
    %eq3A_137 = vector.broadcast %broadcast_in_dim3A_130 : vector<256x1xi32> to vector<256x4096xi32>
    %eq3A_138 = arith.cmpi eq, %iota3A, %eq3A_137 : vector<256x4096xi32>
    %jit3A_139 = arith.constant 0xFF800000 : f32
    %broadcast_in_dim3A_140 = vector.broadcast %jit3A_139 : f32 to vector<256x4096xf32>
    %select_n3A_141 = arith.select %eq3A_138, %broadcast_in_dim3A_140, %get3A_119 : vector<256x4096xi1>, vector<256x4096xf32>
    %swap3A_142 = arith.constant 0 : index
    %swap3A_143 = arith.constant 0 : index
    %swap3A_144 = vector.load %arg5[%swap3A_142, %swap3A_143] : memref<256x4096xf32, #tpu.memory_space<vmem>>, vector<256x4096xf32>
    tpu.vector_store %arg5[%swap3A_142, %swap3A_143], %select_n3A_141 {strides = array<i32>} : memref<256x4096xf32, #tpu.memory_space<vmem>>, vector<256x4096xf32>,
    %get3A_145 = arith.constant 0 : index
    %get3A_146 = arith.constant 0 : index
    %get3A_147 = vector.load %arg5[%get3A_145, %get3A_146] : memref<256x4096xf32, #tpu.memory_space<vmem>>, vector<256x4096xf32>
    %reduce_max3A_148 = arith.constant dense<0xFF800000> : vector<256xf32>
    %reduce_max3A_149 = vector.multi_reduction <maximumf>, %get3A_147, %reduce_max3A_148 [1] : vector<256x4096xf32> to vector<256xf32>
    %broadcast_in_dim3A_150 = vector.shape_cast %reduce_max3A_149 : vector<256xf32> to vector<256x1xf32>
    %ge3A_151 = vector.broadcast %broadcast_in_dim3A_150 : vector<256x1xf32> to vector<256x4096xf32>
    %ge3A_152 = arith.cmpf oge, %get3A_147, %ge3A_151 : vector<256x4096xf32>
    %jit3A_153 = arith.constant 4096 : i32
    %broadcast_in_dim3A_154 = vector.broadcast %jit3A_153 : i32 to vector<256x4096xi32>
    %select_n3A_155 = arith.select %ge3A_152, %iota3A, %broadcast_in_dim3A_154 : vector<256x4096xi1>, vector<256x4096xi32>
    %reduce_min3A_156 = arith.constant dense<2147483647> : vector<256xi32>
    %reduce_min3A_157 = vector.multi_reduction <minsi>, %select_n3A_155, %reduce_min3A_156 [1] : vector<256x4096xi32> to vector<256xi32>
    %broadcast_in_dim3A_158 = vector.shape_cast %reduce_min3A_157 : vector<256xi32> to vector<256x1xi32>
    %swap3A_159 = arith.constant 0 : index
    %swap3A_160 = arith.constant 0 : index
    %swap3A_161 = arith.constant 4 : index
    %swap3A_162 = vector.load %arg4[%swap3A_159, %swap3A_160, %swap3A_161] : memref<1x256x20xi32, #tpu.memory_space<vmem>>, vector<1x256x1xi32>
    %swap3A_163 = vector.shape_cast %swap3A_162 : vector<1x256x1xi32> to vector<256x1xi32>
    %swap3A_164 = vector.shape_cast %broadcast_in_dim3A_158 : vector<256x1xi32> to vector<1x256x1xi32>
    tpu.vector_store %arg4[%swap3A_159, %swap3A_160, %swap3A_161], %swap3A_164 {strides = array<i32>} : memref<1x256x20xi32, #tpu.memory_space<vmem>>, vector<1x256x1xi32>,
    %eq3A_165 = vector.broadcast %broadcast_in_dim3A_158 : vector<256x1xi32> to vector<256x4096xi32>
    %eq3A_166 = arith.cmpi eq, %iota3A, %eq3A_165 : vector<256x4096xi32>
    %jit3A_167 = arith.constant 0xFF800000 : f32
    %broadcast_in_dim3A_168 = vector.broadcast %jit3A_167 : f32 to vector<256x4096xf32>
    %select_n3A_169 = arith.select %eq3A_166, %broadcast_in_dim3A_168, %get3A_147 : vector<256x4096xi1>, vector<256x4096xf32>
    %swap3A_170 = arith.constant 0 : index
    %swap3A_171 = arith.constant 0 : index
    %swap3A_172 = vector.load %arg5[%swap3A_170, %swap3A_171] : memref<256x4096xf32, #tpu.memory_space<vmem>>, vector<256x4096xf32>
    tpu.vector_store %arg5[%swap3A_170, %swap3A_171], %select_n3A_169 {strides = array<i32>} : memref<256x4096xf32, #tpu.memory_space<vmem>>, vector<256x4096xf32>,
    %get3A_173 = arith.constant 0 : index
    %get3A_174 = arith.constant 0 : index
    %get3A_175 = vector.load %arg5[%get3A_173, %get3A_174] : memref<256x4096xf32, #tpu.memory_space<vmem>>, vector<256x4096xf32>
    %reduce_max3A_176 = arith.constant dense<0xFF800000> : vector<256xf32>
    %reduce_max3A_177 = vector.multi_reduction <maximumf>, %get3A_175, %reduce_max3A_176 [1] : vector<256x4096xf32> to vector<256xf32>
    %broadcast_in_dim3A_178 = vector.shape_cast %reduce_max3A_177 : vector<256xf32> to vector<256x1xf32>
    %ge3A_179 = vector.broadcast %broadcast_in_dim3A_178 : vector<256x1xf32> to vector<256x4096xf32>
    %ge3A_180 = arith.cmpf oge, %get3A_175, %ge3A_179 : vector<256x4096xf32>
    %jit3A_181 = arith.constant 4096 : i32
    %broadcast_in_dim3A_182 = vector.broadcast %jit3A_181 : i32 to vector<256x4096xi32>
    %select_n3A_183 = arith.select %ge3A_180, %iota3A, %broadcast_in_dim3A_182 : vector<256x4096xi1>, vector<256x4096xi32>
    %reduce_min3A_184 = arith.constant dense<2147483647> : vector<256xi32>
    %reduce_min3A_185 = vector.multi_reduction <minsi>, %select_n3A_183, %reduce_min3A_184 [1] : vector<256x4096xi32> to vector<256xi32>
    %broadcast_in_dim3A_186 = vector.shape_cast %reduce_min3A_185 : vector<256xi32> to vector<256x1xi32>
    %swap3A_187 = arith.constant 0 : index
    %swap3A_188 = arith.constant 0 : index
    %swap3A_189 = arith.constant 5 : index
    %swap3A_190 = vector.load %arg4[%swap3A_187, %swap3A_188, %swap3A_189] : memref<1x256x20xi32, #tpu.memory_space<vmem>>, vector<1x256x1xi32>
    %swap3A_191 = vector.shape_cast %swap3A_190 : vector<1x256x1xi32> to vector<256x1xi32>
    %swap3A_192 = vector.shape_cast %broadcast_in_dim3A_186 : vector<256x1xi32> to vector<1x256x1xi32>
    tpu.vector_store %arg4[%swap3A_187, %swap3A_188, %swap3A_189], %swap3A_192 {strides = array<i32>} : memref<1x256x20xi32, #tpu.memory_space<vmem>>, vector<1x256x1xi32>,
    %eq3A_193 = vector.broadcast %broadcast_in_dim3A_186 : vector<256x1xi32> to vector<256x4096xi32>
    %eq3A_194 = arith.cmpi eq, %iota3A, %eq3A_193 : vector<256x4096xi32>
    %jit3A_195 = arith.constant 0xFF800000 : f32
    %broadcast_in_dim3A_196 = vector.broadcast %jit3A_195 : f32 to vector<256x4096xf32>
    %select_n3A_197 = arith.select %eq3A_194, %broadcast_in_dim3A_196, %get3A_175 : vector<256x4096xi1>, vector<256x4096xf32>
    %swap3A_198 = arith.constant 0 : index
    %swap3A_199 = arith.constant 0 : index
    %swap3A_200 = vector.load %arg5[%swap3A_198, %swap3A_199] : memref<256x4096xf32, #tpu.memory_space<vmem>>, vector<256x4096xf32>
    tpu.vector_store %arg5[%swap3A_198, %swap3A_199], %select_n3A_197 {strides = array<i32>} : memref<256x4096xf32, #tpu.memory_space<vmem>>, vector<256x4096xf32>,
    %get3A_201 = arith.constant 0 : index
    %get3A_202 = arith.constant 0 : index
    %get3A_203 = vector.load %arg5[%get3A_201, %get3A_202] : memref<256x4096xf32, #tpu.memory_space<vmem>>, vector<256x4096xf32>
    %reduce_max3A_204 = arith.constant dense<0xFF800000> : vector<256xf32>
    %reduce_max3A_205 = vector.multi_reduction <maximumf>, %get3A_203, %reduce_max3A_204 [1] : vector<256x4096xf32> to vector<256xf32>
    %broadcast_in_dim3A_206 = vector.shape_cast %reduce_max3A_205 : vector<256xf32> to vector<256x1xf32>
    %ge3A_207 = vector.broadcast %broadcast_in_dim3A_206 : vector<256x1xf32> to vector<256x4096xf32>
    %ge3A_208 = arith.cmpf oge, %get3A_203, %ge3A_207 : vector<256x4096xf32>
    %jit3A_209 = arith.constant 4096 : i32
    %broadcast_in_dim3A_210 = vector.broadcast %jit3A_209 : i32 to vector<256x4096xi32>
    %select_n3A_211 = arith.select %ge3A_208, %iota3A, %broadcast_in_dim3A_210 : vector<256x4096xi1>, vector<256x4096xi32>
    %reduce_min3A_212 = arith.constant dense<2147483647> : vector<256xi32>
    %reduce_min3A_213 = vector.multi_reduction <minsi>, %select_n3A_211, %reduce_min3A_212 [1] : vector<256x4096xi32> to vector<256xi32>
    %broadcast_in_dim3A_214 = vector.shape_cast %reduce_min3A_213 : vector<256xi32> to vector<256x1xi32>
    %swap3A_215 = arith.constant 0 : index
    %swap3A_216 = arith.constant 0 : index
    %swap3A_217 = arith.constant 6 : index
    %swap3A_218 = vector.load %arg4[%swap3A_215, %swap3A_216, %swap3A_217] : memref<1x256x20xi32, #tpu.memory_space<vmem>>, vector<1x256x1xi32>
    %swap3A_219 = vector.shape_cast %swap3A_218 : vector<1x256x1xi32> to vector<256x1xi32>
    %swap3A_220 = vector.shape_cast %broadcast_in_dim3A_214 : vector<256x1xi32> to vector<1x256x1xi32>
    tpu.vector_store %arg4[%swap3A_215, %swap3A_216, %swap3A_217], %swap3A_220 {strides = array<i32>} : memref<1x256x20xi32, #tpu.memory_space<vmem>>, vector<1x256x1xi32>,
    %eq3A_221 = vector.broadcast %broadcast_in_dim3A_214 : vector<256x1xi32> to vector<256x4096xi32>
    %eq3A_222 = arith.cmpi eq, %iota3A, %eq3A_221 : vector<256x4096xi32>
    %jit3A_223 = arith.constant 0xFF800000 : f32
    %broadcast_in_dim3A_224 = vector.broadcast %jit3A_223 : f32 to vector<256x4096xf32>
    %select_n3A_225 = arith.select %eq3A_222, %broadcast_in_dim3A_224, %get3A_203 : vector<256x4096xi1>, vector<256x4096xf32>
    %swap3A_226 = arith.constant 0 : index
    %swap3A_227 = arith.constant 0 : index
    %swap3A_228 = vector.load %arg5[%swap3A_226, %swap3A_227] : memref<256x4096xf32, #tpu.memory_space<vmem>>, vector<256x4096xf32>
    tpu.vector_store %arg5[%swap3A_226, %swap3A_227], %select_n3A_225 {strides = array<i32>} : memref<256x4096xf32, #tpu.memory_space<vmem>>, vector<256x4096xf32>,
    %get3A_229 = arith.constant 0 : index
    %get3A_230 = arith.constant 0 : index
    %get3A_231 = vector.load %arg5[%get3A_229, %get3A_230] : memref<256x4096xf32, #tpu.memory_space<vmem>>, vector<256x4096xf32>
    %reduce_max3A_232 = arith.constant dense<0xFF800000> : vector<256xf32>
    %reduce_max3A_233 = vector.multi_reduction <maximumf>, %get3A_231, %reduce_max3A_232 [1] : vector<256x4096xf32> to vector<256xf32>
    %broadcast_in_dim3A_234 = vector.shape_cast %reduce_max3A_233 : vector<256xf32> to vector<256x1xf32>
    %ge3A_235 = vector.broadcast %broadcast_in_dim3A_234 : vector<256x1xf32> to vector<256x4096xf32>
    %ge3A_236 = arith.cmpf oge, %get3A_231, %ge3A_235 : vector<256x4096xf32>
    %jit3A_237 = arith.constant 4096 : i32
    %broadcast_in_dim3A_238 = vector.broadcast %jit3A_237 : i32 to vector<256x4096xi32>
    %select_n3A_239 = arith.select %ge3A_236, %iota3A, %broadcast_in_dim3A_238 : vector<256x4096xi1>, vector<256x4096xi32>
    %reduce_min3A_240 = arith.constant dense<2147483647> : vector<256xi32>
    %reduce_min3A_241 = vector.multi_reduction <minsi>, %select_n3A_239, %reduce_min3A_240 [1] : vector<256x4096xi32> to vector<256xi32>
    %broadcast_in_dim3A_242 = vector.shape_cast %reduce_min3A_241 : vector<256xi32> to vector<256x1xi32>
    %swap3A_243 = arith.constant 0 : index
    %swap3A_244 = arith.constant 0 : index
    %swap3A_245 = arith.constant 7 : index
    %swap3A_246 = vector.load %arg4[%swap3A_243, %swap3A_244, %swap3A_245] : memref<1x256x20xi32, #tpu.memory_space<vmem>>, vector<1x256x1xi32>
    %swap3A_247 = vector.shape_cast %swap3A_246 : vector<1x256x1xi32> to vector<256x1xi32>
    %swap3A_248 = vector.shape_cast %broadcast_in_dim3A_242 : vector<256x1xi32> to vector<1x256x1xi32>
    tpu.vector_store %arg4[%swap3A_243, %swap3A_244, %swap3A_245], %swap3A_248 {strides = array<i32>} : memref<1x256x20xi32, #tpu.memory_space<vmem>>, vector<1x256x1xi32>,
    %eq3A_249 = vector.broadcast %broadcast_in_dim3A_242 : vector<256x1xi32> to vector<256x4096xi32>
    %eq3A_250 = arith.cmpi eq, %iota3A, %eq3A_249 : vector<256x4096xi32>
    %jit3A_251 = arith.constant 0xFF800000 : f32
    %broadcast_in_dim3A_252 = vector.broadcast %jit3A_251 : f32 to vector<256x4096xf32>
    %select_n3A_253 = arith.select %eq3A_250, %broadcast_in_dim3A_252, %get3A_231 : vector<256x4096xi1>, vector<256x4096xf32>
    %swap3A_254 = arith.constant 0 : index
    %swap3A_255 = arith.constant 0 : index
    %swap3A_256 = vector.load %arg5[%swap3A_254, %swap3A_255] : memref<256x4096xf32, #tpu.memory_space<vmem>>, vector<256x4096xf32>
    tpu.vector_store %arg5[%swap3A_254, %swap3A_255], %select_n3A_253 {strides = array<i32>} : memref<256x4096xf32, #tpu.memory_space<vmem>>, vector<256x4096xf32>,
    %get3A_257 = arith.constant 0 : index
    %get3A_258 = arith.constant 0 : index
    %get3A_259 = vector.load %arg5[%get3A_257, %get3A_258] : memref<256x4096xf32, #tpu.memory_space<vmem>>, vector<256x4096xf32>
    %reduce_max3A_260 = arith.constant dense<0xFF800000> : vector<256xf32>
    %reduce_max3A_261 = vector.multi_reduction <maximumf>, %get3A_259, %reduce_max3A_260 [1] : vector<256x4096xf32> to vector<256xf32>
    %broadcast_in_dim3A_262 = vector.shape_cast %reduce_max3A_261 : vector<256xf32> to vector<256x1xf32>
    %ge3A_263 = vector.broadcast %broadcast_in_dim3A_262 : vector<256x1xf32> to vector<256x4096xf32>
    %ge3A_264 = arith.cmpf oge, %get3A_259, %ge3A_263 : vector<256x4096xf32>
    %jit3A_265 = arith.constant 4096 : i32
    %broadcast_in_dim3A_266 = vector.broadcast %jit3A_265 : i32 to vector<256x4096xi32>
    %select_n3A_267 = arith.select %ge3A_264, %iota3A, %broadcast_in_dim3A_266 : vector<256x4096xi1>, vector<256x4096xi32>
    %reduce_min3A_268 = arith.constant dense<2147483647> : vector<256xi32>
    %reduce_min3A_269 = vector.multi_reduction <minsi>, %select_n3A_267, %reduce_min3A_268 [1] : vector<256x4096xi32> to vector<256xi32>
    %broadcast_in_dim3A_270 = vector.shape_cast %reduce_min3A_269 : vector<256xi32> to vector<256x1xi32>
    %swap3A_271 = arith.constant 0 : index
    %swap3A_272 = arith.constant 0 : index
    %swap3A_273 = arith.constant 8 : index
    %swap3A_274 = vector.load %arg4[%swap3A_271, %swap3A_272, %swap3A_273] : memref<1x256x20xi32, #tpu.memory_space<vmem>>, vector<1x256x1xi32>
    %swap3A_275 = vector.shape_cast %swap3A_274 : vector<1x256x1xi32> to vector<256x1xi32>
    %swap3A_276 = vector.shape_cast %broadcast_in_dim3A_270 : vector<256x1xi32> to vector<1x256x1xi32>
    tpu.vector_store %arg4[%swap3A_271, %swap3A_272, %swap3A_273], %swap3A_276 {strides = array<i32>} : memref<1x256x20xi32, #tpu.memory_space<vmem>>, vector<1x256x1xi32>,
    %eq3A_277 = vector.broadcast %broadcast_in_dim3A_270 : vector<256x1xi32> to vector<256x4096xi32>
    %eq3A_278 = arith.cmpi eq, %iota3A, %eq3A_277 : vector<256x4096xi32>
    %jit3A_279 = arith.constant 0xFF800000 : f32
    %broadcast_in_dim3A_280 = vector.broadcast %jit3A_279 : f32 to vector<256x4096xf32>
    %select_n3A_281 = arith.select %eq3A_278, %broadcast_in_dim3A_280, %get3A_259 : vector<256x4096xi1>, vector<256x4096xf32>
    %swap3A_282 = arith.constant 0 : index
    %swap3A_283 = arith.constant 0 : index
    %swap3A_284 = vector.load %arg5[%swap3A_282, %swap3A_283] : memref<256x4096xf32, #tpu.memory_space<vmem>>, vector<256x4096xf32>
    tpu.vector_store %arg5[%swap3A_282, %swap3A_283], %select_n3A_281 {strides = array<i32>} : memref<256x4096xf32, #tpu.memory_space<vmem>>, vector<256x4096xf32>,
    %get3A_285 = arith.constant 0 : index
    %get3A_286 = arith.constant 0 : index
    %get3A_287 = vector.load %arg5[%get3A_285, %get3A_286] : memref<256x4096xf32, #tpu.memory_space<vmem>>, vector<256x4096xf32>
    %reduce_max3A_288 = arith.constant dense<0xFF800000> : vector<256xf32>
    %reduce_max3A_289 = vector.multi_reduction <maximumf>, %get3A_287, %reduce_max3A_288 [1] : vector<256x4096xf32> to vector<256xf32>
    %broadcast_in_dim3A_290 = vector.shape_cast %reduce_max3A_289 : vector<256xf32> to vector<256x1xf32>
    %ge3A_291 = vector.broadcast %broadcast_in_dim3A_290 : vector<256x1xf32> to vector<256x4096xf32>
    %ge3A_292 = arith.cmpf oge, %get3A_287, %ge3A_291 : vector<256x4096xf32>
    %jit3A_293 = arith.constant 4096 : i32
    %broadcast_in_dim3A_294 = vector.broadcast %jit3A_293 : i32 to vector<256x4096xi32>
    %select_n3A_295 = arith.select %ge3A_292, %iota3A, %broadcast_in_dim3A_294 : vector<256x4096xi1>, vector<256x4096xi32>
    %reduce_min3A_296 = arith.constant dense<2147483647> : vector<256xi32>
    %reduce_min3A_297 = vector.multi_reduction <minsi>, %select_n3A_295, %reduce_min3A_296 [1] : vector<256x4096xi32> to vector<256xi32>
    %broadcast_in_dim3A_298 = vector.shape_cast %reduce_min3A_297 : vector<256xi32> to vector<256x1xi32>
    %swap3A_299 = arith.constant 0 : index
    %swap3A_300 = arith.constant 0 : index
    %swap3A_301 = arith.constant 9 : index
    %swap3A_302 = vector.load %arg4[%swap3A_299, %swap3A_300, %swap3A_301] : memref<1x256x20xi32, #tpu.memory_space<vmem>>, vector<1x256x1xi32>
    %swap3A_303 = vector.shape_cast %swap3A_302 : vector<1x256x1xi32> to vector<256x1xi32>
    %swap3A_304 = vector.shape_cast %broadcast_in_dim3A_298 : vector<256x1xi32> to vector<1x256x1xi32>
    tpu.vector_store %arg4[%swap3A_299, %swap3A_300, %swap3A_301], %swap3A_304 {strides = array<i32>} : memref<1x256x20xi32, #tpu.memory_space<vmem>>, vector<1x256x1xi32>,
    %eq3A_305 = vector.broadcast %broadcast_in_dim3A_298 : vector<256x1xi32> to vector<256x4096xi32>
    %eq3A_306 = arith.cmpi eq, %iota3A, %eq3A_305 : vector<256x4096xi32>
    %jit3A_307 = arith.constant 0xFF800000 : f32
    %broadcast_in_dim3A_308 = vector.broadcast %jit3A_307 : f32 to vector<256x4096xf32>
    %select_n3A_309 = arith.select %eq3A_306, %broadcast_in_dim3A_308, %get3A_287 : vector<256x4096xi1>, vector<256x4096xf32>
    %swap3A_310 = arith.constant 0 : index
    %swap3A_311 = arith.constant 0 : index
    %swap3A_312 = vector.load %arg5[%swap3A_310, %swap3A_311] : memref<256x4096xf32, #tpu.memory_space<vmem>>, vector<256x4096xf32>
    tpu.vector_store %arg5[%swap3A_310, %swap3A_311], %select_n3A_309 {strides = array<i32>} : memref<256x4096xf32, #tpu.memory_space<vmem>>, vector<256x4096xf32>,
    %get3A_313 = arith.constant 0 : index
    %get3A_314 = arith.constant 0 : index
    %get3A_315 = vector.load %arg5[%get3A_313, %get3A_314] : memref<256x4096xf32, #tpu.memory_space<vmem>>, vector<256x4096xf32>
    %reduce_max3A_316 = arith.constant dense<0xFF800000> : vector<256xf32>
    %reduce_max3A_317 = vector.multi_reduction <maximumf>, %get3A_315, %reduce_max3A_316 [1] : vector<256x4096xf32> to vector<256xf32>
    %broadcast_in_dim3A_318 = vector.shape_cast %reduce_max3A_317 : vector<256xf32> to vector<256x1xf32>
    %ge3A_319 = vector.broadcast %broadcast_in_dim3A_318 : vector<256x1xf32> to vector<256x4096xf32>
    %ge3A_320 = arith.cmpf oge, %get3A_315, %ge3A_319 : vector<256x4096xf32>
    %jit3A_321 = arith.constant 4096 : i32
    %broadcast_in_dim3A_322 = vector.broadcast %jit3A_321 : i32 to vector<256x4096xi32>
    %select_n3A_323 = arith.select %ge3A_320, %iota3A, %broadcast_in_dim3A_322 : vector<256x4096xi1>, vector<256x4096xi32>
    %reduce_min3A_324 = arith.constant dense<2147483647> : vector<256xi32>
    %reduce_min3A_325 = vector.multi_reduction <minsi>, %select_n3A_323, %reduce_min3A_324 [1] : vector<256x4096xi32> to vector<256xi32>
    %broadcast_in_dim3A_326 = vector.shape_cast %reduce_min3A_325 : vector<256xi32> to vector<256x1xi32>
    %swap3A_327 = arith.constant 0 : index
    %swap3A_328 = arith.constant 0 : index
    %swap3A_329 = arith.constant 10 : index
    %swap3A_330 = vector.load %arg4[%swap3A_327, %swap3A_328, %swap3A_329] : memref<1x256x20xi32, #tpu.memory_space<vmem>>, vector<1x256x1xi32>
    %swap3A_331 = vector.shape_cast %swap3A_330 : vector<1x256x1xi32> to vector<256x1xi32>
    %swap3A_332 = vector.shape_cast %broadcast_in_dim3A_326 : vector<256x1xi32> to vector<1x256x1xi32>
    tpu.vector_store %arg4[%swap3A_327, %swap3A_328, %swap3A_329], %swap3A_332 {strides = array<i32>} : memref<1x256x20xi32, #tpu.memory_space<vmem>>, vector<1x256x1xi32>,
    %eq3A_333 = vector.broadcast %broadcast_in_dim3A_326 : vector<256x1xi32> to vector<256x4096xi32>
    %eq3A_334 = arith.cmpi eq, %iota3A, %eq3A_333 : vector<256x4096xi32>
    %jit3A_335 = arith.constant 0xFF800000 : f32
    %broadcast_in_dim3A_336 = vector.broadcast %jit3A_335 : f32 to vector<256x4096xf32>
    %select_n3A_337 = arith.select %eq3A_334, %broadcast_in_dim3A_336, %get3A_315 : vector<256x4096xi1>, vector<256x4096xf32>
    %swap3A_338 = arith.constant 0 : index
    %swap3A_339 = arith.constant 0 : index
    %swap3A_340 = vector.load %arg5[%swap3A_338, %swap3A_339] : memref<256x4096xf32, #tpu.memory_space<vmem>>, vector<256x4096xf32>
    tpu.vector_store %arg5[%swap3A_338, %swap3A_339], %select_n3A_337 {strides = array<i32>} : memref<256x4096xf32, #tpu.memory_space<vmem>>, vector<256x4096xf32>,
    %get3A_341 = arith.constant 0 : index
    %get3A_342 = arith.constant 0 : index
    %get3A_343 = vector.load %arg5[%get3A_341, %get3A_342] : memref<256x4096xf32, #tpu.memory_space<vmem>>, vector<256x4096xf32>
    %reduce_max3A_344 = arith.constant dense<0xFF800000> : vector<256xf32>
    %reduce_max3A_345 = vector.multi_reduction <maximumf>, %get3A_343, %reduce_max3A_344 [1] : vector<256x4096xf32> to vector<256xf32>
    %broadcast_in_dim3A_346 = vector.shape_cast %reduce_max3A_345 : vector<256xf32> to vector<256x1xf32>
    %ge3A_347 = vector.broadcast %broadcast_in_dim3A_346 : vector<256x1xf32> to vector<256x4096xf32>
    %ge3A_348 = arith.cmpf oge, %get3A_343, %ge3A_347 : vector<256x4096xf32>
    %jit3A_349 = arith.constant 4096 : i32
    %broadcast_in_dim3A_350 = vector.broadcast %jit3A_349 : i32 to vector<256x4096xi32>
    %select_n3A_351 = arith.select %ge3A_348, %iota3A, %broadcast_in_dim3A_350 : vector<256x4096xi1>, vector<256x4096xi32>
    %reduce_min3A_352 = arith.constant dense<2147483647> : vector<256xi32>
    %reduce_min3A_353 = vector.multi_reduction <minsi>, %select_n3A_351, %reduce_min3A_352 [1] : vector<256x4096xi32> to vector<256xi32>
    %broadcast_in_dim3A_354 = vector.shape_cast %reduce_min3A_353 : vector<256xi32> to vector<256x1xi32>
    %swap3A_355 = arith.constant 0 : index
    %swap3A_356 = arith.constant 0 : index
    %swap3A_357 = arith.constant 11 : index
    %swap3A_358 = vector.load %arg4[%swap3A_355, %swap3A_356, %swap3A_357] : memref<1x256x20xi32, #tpu.memory_space<vmem>>, vector<1x256x1xi32>
    %swap3A_359 = vector.shape_cast %swap3A_358 : vector<1x256x1xi32> to vector<256x1xi32>
    %swap3A_360 = vector.shape_cast %broadcast_in_dim3A_354 : vector<256x1xi32> to vector<1x256x1xi32>
    tpu.vector_store %arg4[%swap3A_355, %swap3A_356, %swap3A_357], %swap3A_360 {strides = array<i32>} : memref<1x256x20xi32, #tpu.memory_space<vmem>>, vector<1x256x1xi32>,
    %eq3A_361 = vector.broadcast %broadcast_in_dim3A_354 : vector<256x1xi32> to vector<256x4096xi32>
    %eq3A_362 = arith.cmpi eq, %iota3A, %eq3A_361 : vector<256x4096xi32>
    %jit3A_363 = arith.constant 0xFF800000 : f32
    %broadcast_in_dim3A_364 = vector.broadcast %jit3A_363 : f32 to vector<256x4096xf32>
    %select_n3A_365 = arith.select %eq3A_362, %broadcast_in_dim3A_364, %get3A_343 : vector<256x4096xi1>, vector<256x4096xf32>
    %swap3A_366 = arith.constant 0 : index
    %swap3A_367 = arith.constant 0 : index
    %swap3A_368 = vector.load %arg5[%swap3A_366, %swap3A_367] : memref<256x4096xf32, #tpu.memory_space<vmem>>, vector<256x4096xf32>
    tpu.vector_store %arg5[%swap3A_366, %swap3A_367], %select_n3A_365 {strides = array<i32>} : memref<256x4096xf32, #tpu.memory_space<vmem>>, vector<256x4096xf32>,
    %get3A_369 = arith.constant 0 : index
    %get3A_370 = arith.constant 0 : index
    %get3A_371 = vector.load %arg5[%get3A_369, %get3A_370] : memref<256x4096xf32, #tpu.memory_space<vmem>>, vector<256x4096xf32>
    %reduce_max3A_372 = arith.constant dense<0xFF800000> : vector<256xf32>
    %reduce_max3A_373 = vector.multi_reduction <maximumf>, %get3A_371, %reduce_max3A_372 [1] : vector<256x4096xf32> to vector<256xf32>
    %broadcast_in_dim3A_374 = vector.shape_cast %reduce_max3A_373 : vector<256xf32> to vector<256x1xf32>
    %ge3A_375 = vector.broadcast %broadcast_in_dim3A_374 : vector<256x1xf32> to vector<256x4096xf32>
    %ge3A_376 = arith.cmpf oge, %get3A_371, %ge3A_375 : vector<256x4096xf32>
    %jit3A_377 = arith.constant 4096 : i32
    %broadcast_in_dim3A_378 = vector.broadcast %jit3A_377 : i32 to vector<256x4096xi32>
    %select_n3A_379 = arith.select %ge3A_376, %iota3A, %broadcast_in_dim3A_378 : vector<256x4096xi1>, vector<256x4096xi32>
    %reduce_min3A_380 = arith.constant dense<2147483647> : vector<256xi32>
    %reduce_min3A_381 = vector.multi_reduction <minsi>, %select_n3A_379, %reduce_min3A_380 [1] : vector<256x4096xi32> to vector<256xi32>
    %broadcast_in_dim3A_382 = vector.shape_cast %reduce_min3A_381 : vector<256xi32> to vector<256x1xi32>
    %swap3A_383 = arith.constant 0 : index
    %swap3A_384 = arith.constant 0 : index
    %swap3A_385 = arith.constant 12 : index
    %swap3A_386 = vector.load %arg4[%swap3A_383, %swap3A_384, %swap3A_385] : memref<1x256x20xi32, #tpu.memory_space<vmem>>, vector<1x256x1xi32>
    %swap3A_387 = vector.shape_cast %swap3A_386 : vector<1x256x1xi32> to vector<256x1xi32>
    %swap3A_388 = vector.shape_cast %broadcast_in_dim3A_382 : vector<256x1xi32> to vector<1x256x1xi32>
    tpu.vector_store %arg4[%swap3A_383, %swap3A_384, %swap3A_385], %swap3A_388 {strides = array<i32>} : memref<1x256x20xi32, #tpu.memory_space<vmem>>, vector<1x256x1xi32>,
    %eq3A_389 = vector.broadcast %broadcast_in_dim3A_382 : vector<256x1xi32> to vector<256x4096xi32>
    %eq3A_390 = arith.cmpi eq, %iota3A, %eq3A_389 : vector<256x4096xi32>
    %jit3A_391 = arith.constant 0xFF800000 : f32
    %broadcast_in_dim3A_392 = vector.broadcast %jit3A_391 : f32 to vector<256x4096xf32>
    %select_n3A_393 = arith.select %eq3A_390, %broadcast_in_dim3A_392, %get3A_371 : vector<256x4096xi1>, vector<256x4096xf32>
    %swap3A_394 = arith.constant 0 : index
    %swap3A_395 = arith.constant 0 : index
    %swap3A_396 = vector.load %arg5[%swap3A_394, %swap3A_395] : memref<256x4096xf32, #tpu.memory_space<vmem>>, vector<256x4096xf32>
    tpu.vector_store %arg5[%swap3A_394, %swap3A_395], %select_n3A_393 {strides = array<i32>} : memref<256x4096xf32, #tpu.memory_space<vmem>>, vector<256x4096xf32>,
    %get3A_397 = arith.constant 0 : index
    %get3A_398 = arith.constant 0 : index
    %get3A_399 = vector.load %arg5[%get3A_397, %get3A_398] : memref<256x4096xf32, #tpu.memory_space<vmem>>, vector<256x4096xf32>
    %reduce_max3A_400 = arith.constant dense<0xFF800000> : vector<256xf32>
    %reduce_max3A_401 = vector.multi_reduction <maximumf>, %get3A_399, %reduce_max3A_400 [1] : vector<256x4096xf32> to vector<256xf32>
    %broadcast_in_dim3A_402 = vector.shape_cast %reduce_max3A_401 : vector<256xf32> to vector<256x1xf32>
    %ge3A_403 = vector.broadcast %broadcast_in_dim3A_402 : vector<256x1xf32> to vector<256x4096xf32>
    %ge3A_404 = arith.cmpf oge, %get3A_399, %ge3A_403 : vector<256x4096xf32>
    %jit3A_405 = arith.constant 4096 : i32
    %broadcast_in_dim3A_406 = vector.broadcast %jit3A_405 : i32 to vector<256x4096xi32>
    %select_n3A_407 = arith.select %ge3A_404, %iota3A, %broadcast_in_dim3A_406 : vector<256x4096xi1>, vector<256x4096xi32>
    %reduce_min3A_408 = arith.constant dense<2147483647> : vector<256xi32>
    %reduce_min3A_409 = vector.multi_reduction <minsi>, %select_n3A_407, %reduce_min3A_408 [1] : vector<256x4096xi32> to vector<256xi32>
    %broadcast_in_dim3A_410 = vector.shape_cast %reduce_min3A_409 : vector<256xi32> to vector<256x1xi32>
    %swap3A_411 = arith.constant 0 : index
    %swap3A_412 = arith.constant 0 : index
    %swap3A_413 = arith.constant 13 : index
    %swap3A_414 = vector.load %arg4[%swap3A_411, %swap3A_412, %swap3A_413] : memref<1x256x20xi32, #tpu.memory_space<vmem>>, vector<1x256x1xi32>
    %swap3A_415 = vector.shape_cast %swap3A_414 : vector<1x256x1xi32> to vector<256x1xi32>
    %swap3A_416 = vector.shape_cast %broadcast_in_dim3A_410 : vector<256x1xi32> to vector<1x256x1xi32>
    tpu.vector_store %arg4[%swap3A_411, %swap3A_412, %swap3A_413], %swap3A_416 {strides = array<i32>} : memref<1x256x20xi32, #tpu.memory_space<vmem>>, vector<1x256x1xi32>,
    %eq3A_417 = vector.broadcast %broadcast_in_dim3A_410 : vector<256x1xi32> to vector<256x4096xi32>
    %eq3A_418 = arith.cmpi eq, %iota3A, %eq3A_417 : vector<256x4096xi32>
    %jit3A_419 = arith.constant 0xFF800000 : f32
    %broadcast_in_dim3A_420 = vector.broadcast %jit3A_419 : f32 to vector<256x4096xf32>
    %select_n3A_421 = arith.select %eq3A_418, %broadcast_in_dim3A_420, %get3A_399 : vector<256x4096xi1>, vector<256x4096xf32>
    %swap3A_422 = arith.constant 0 : index
    %swap3A_423 = arith.constant 0 : index
    %swap3A_424 = vector.load %arg5[%swap3A_422, %swap3A_423] : memref<256x4096xf32, #tpu.memory_space<vmem>>, vector<256x4096xf32>
    tpu.vector_store %arg5[%swap3A_422, %swap3A_423], %select_n3A_421 {strides = array<i32>} : memref<256x4096xf32, #tpu.memory_space<vmem>>, vector<256x4096xf32>,
    %get3A_425 = arith.constant 0 : index
    %get3A_426 = arith.constant 0 : index
    %get3A_427 = vector.load %arg5[%get3A_425, %get3A_426] : memref<256x4096xf32, #tpu.memory_space<vmem>>, vector<256x4096xf32>
    %reduce_max3A_428 = arith.constant dense<0xFF800000> : vector<256xf32>
    %reduce_max3A_429 = vector.multi_reduction <maximumf>, %get3A_427, %reduce_max3A_428 [1] : vector<256x4096xf32> to vector<256xf32>
    %broadcast_in_dim3A_430 = vector.shape_cast %reduce_max3A_429 : vector<256xf32> to vector<256x1xf32>
    %ge3A_431 = vector.broadcast %broadcast_in_dim3A_430 : vector<256x1xf32> to vector<256x4096xf32>
    %ge3A_432 = arith.cmpf oge, %get3A_427, %ge3A_431 : vector<256x4096xf32>
    %jit3A_433 = arith.constant 4096 : i32
    %broadcast_in_dim3A_434 = vector.broadcast %jit3A_433 : i32 to vector<256x4096xi32>
    %select_n3A_435 = arith.select %ge3A_432, %iota3A, %broadcast_in_dim3A_434 : vector<256x4096xi1>, vector<256x4096xi32>
    %reduce_min3A_436 = arith.constant dense<2147483647> : vector<256xi32>
    %reduce_min3A_437 = vector.multi_reduction <minsi>, %select_n3A_435, %reduce_min3A_436 [1] : vector<256x4096xi32> to vector<256xi32>
    %broadcast_in_dim3A_438 = vector.shape_cast %reduce_min3A_437 : vector<256xi32> to vector<256x1xi32>
    %swap3A_439 = arith.constant 0 : index
    %swap3A_440 = arith.constant 0 : index
    %swap3A_441 = arith.constant 14 : index
    %swap3A_442 = vector.load %arg4[%swap3A_439, %swap3A_440, %swap3A_441] : memref<1x256x20xi32, #tpu.memory_space<vmem>>, vector<1x256x1xi32>
    %swap3A_443 = vector.shape_cast %swap3A_442 : vector<1x256x1xi32> to vector<256x1xi32>
    %swap3A_444 = vector.shape_cast %broadcast_in_dim3A_438 : vector<256x1xi32> to vector<1x256x1xi32>
    tpu.vector_store %arg4[%swap3A_439, %swap3A_440, %swap3A_441], %swap3A_444 {strides = array<i32>} : memref<1x256x20xi32, #tpu.memory_space<vmem>>, vector<1x256x1xi32>,
    %eq3A_445 = vector.broadcast %broadcast_in_dim3A_438 : vector<256x1xi32> to vector<256x4096xi32>
    %eq3A_446 = arith.cmpi eq, %iota3A, %eq3A_445 : vector<256x4096xi32>
    %jit3A_447 = arith.constant 0xFF800000 : f32
    %broadcast_in_dim3A_448 = vector.broadcast %jit3A_447 : f32 to vector<256x4096xf32>
    %select_n3A_449 = arith.select %eq3A_446, %broadcast_in_dim3A_448, %get3A_427 : vector<256x4096xi1>, vector<256x4096xf32>
    %swap3A_450 = arith.constant 0 : index
    %swap3A_451 = arith.constant 0 : index
    %swap3A_452 = vector.load %arg5[%swap3A_450, %swap3A_451] : memref<256x4096xf32, #tpu.memory_space<vmem>>, vector<256x4096xf32>
    tpu.vector_store %arg5[%swap3A_450, %swap3A_451], %select_n3A_449 {strides = array<i32>} : memref<256x4096xf32, #tpu.memory_space<vmem>>, vector<256x4096xf32>,
    %get3A_453 = arith.constant 0 : index
    %get3A_454 = arith.constant 0 : index
    %get3A_455 = vector.load %arg5[%get3A_453, %get3A_454] : memref<256x4096xf32, #tpu.memory_space<vmem>>, vector<256x4096xf32>
    %reduce_max3A_456 = arith.constant dense<0xFF800000> : vector<256xf32>
    %reduce_max3A_457 = vector.multi_reduction <maximumf>, %get3A_455, %reduce_max3A_456 [1] : vector<256x4096xf32> to vector<256xf32>
    %broadcast_in_dim3A_458 = vector.shape_cast %reduce_max3A_457 : vector<256xf32> to vector<256x1xf32>
    %ge3A_459 = vector.broadcast %broadcast_in_dim3A_458 : vector<256x1xf32> to vector<256x4096xf32>
    %ge3A_460 = arith.cmpf oge, %get3A_455, %ge3A_459 : vector<256x4096xf32>
    %jit3A_461 = arith.constant 4096 : i32
    %broadcast_in_dim3A_462 = vector.broadcast %jit3A_461 : i32 to vector<256x4096xi32>
    %select_n3A_463 = arith.select %ge3A_460, %iota3A, %broadcast_in_dim3A_462 : vector<256x4096xi1>, vector<256x4096xi32>
    %reduce_min3A_464 = arith.constant dense<2147483647> : vector<256xi32>
    %reduce_min3A_465 = vector.multi_reduction <minsi>, %select_n3A_463, %reduce_min3A_464 [1] : vector<256x4096xi32> to vector<256xi32>
    %broadcast_in_dim3A_466 = vector.shape_cast %reduce_min3A_465 : vector<256xi32> to vector<256x1xi32>
    %swap3A_467 = arith.constant 0 : index
    %swap3A_468 = arith.constant 0 : index
    %swap3A_469 = arith.constant 15 : index
    %swap3A_470 = vector.load %arg4[%swap3A_467, %swap3A_468, %swap3A_469] : memref<1x256x20xi32, #tpu.memory_space<vmem>>, vector<1x256x1xi32>
    %swap3A_471 = vector.shape_cast %swap3A_470 : vector<1x256x1xi32> to vector<256x1xi32>
    %swap3A_472 = vector.shape_cast %broadcast_in_dim3A_466 : vector<256x1xi32> to vector<1x256x1xi32>
    tpu.vector_store %arg4[%swap3A_467, %swap3A_468, %swap3A_469], %swap3A_472 {strides = array<i32>} : memref<1x256x20xi32, #tpu.memory_space<vmem>>, vector<1x256x1xi32>,
    %eq3A_473 = vector.broadcast %broadcast_in_dim3A_466 : vector<256x1xi32> to vector<256x4096xi32>
    %eq3A_474 = arith.cmpi eq, %iota3A, %eq3A_473 : vector<256x4096xi32>
    %jit3A_475 = arith.constant 0xFF800000 : f32
    %broadcast_in_dim3A_476 = vector.broadcast %jit3A_475 : f32 to vector<256x4096xf32>
    %select_n3A_477 = arith.select %eq3A_474, %broadcast_in_dim3A_476, %get3A_455 : vector<256x4096xi1>, vector<256x4096xf32>
    %swap3A_478 = arith.constant 0 : index
    %swap3A_479 = arith.constant 0 : index
    %swap3A_480 = vector.load %arg5[%swap3A_478, %swap3A_479] : memref<256x4096xf32, #tpu.memory_space<vmem>>, vector<256x4096xf32>
    tpu.vector_store %arg5[%swap3A_478, %swap3A_479], %select_n3A_477 {strides = array<i32>} : memref<256x4096xf32, #tpu.memory_space<vmem>>, vector<256x4096xf32>,
    %get3A_481 = arith.constant 0 : index
    %get3A_482 = arith.constant 0 : index
    %get3A_483 = vector.load %arg5[%get3A_481, %get3A_482] : memref<256x4096xf32, #tpu.memory_space<vmem>>, vector<256x4096xf32>
    %reduce_max3A_484 = arith.constant dense<0xFF800000> : vector<256xf32>
    %reduce_max3A_485 = vector.multi_reduction <maximumf>, %get3A_483, %reduce_max3A_484 [1] : vector<256x4096xf32> to vector<256xf32>
    %broadcast_in_dim3A_486 = vector.shape_cast %reduce_max3A_485 : vector<256xf32> to vector<256x1xf32>
    %ge3A_487 = vector.broadcast %broadcast_in_dim3A_486 : vector<256x1xf32> to vector<256x4096xf32>
    %ge3A_488 = arith.cmpf oge, %get3A_483, %ge3A_487 : vector<256x4096xf32>
    %jit3A_489 = arith.constant 4096 : i32
    %broadcast_in_dim3A_490 = vector.broadcast %jit3A_489 : i32 to vector<256x4096xi32>
    %select_n3A_491 = arith.select %ge3A_488, %iota3A, %broadcast_in_dim3A_490 : vector<256x4096xi1>, vector<256x4096xi32>
    %reduce_min3A_492 = arith.constant dense<2147483647> : vector<256xi32>
    %reduce_min3A_493 = vector.multi_reduction <minsi>, %select_n3A_491, %reduce_min3A_492 [1] : vector<256x4096xi32> to vector<256xi32>
    %broadcast_in_dim3A_494 = vector.shape_cast %reduce_min3A_493 : vector<256xi32> to vector<256x1xi32>
    %swap3A_495 = arith.constant 0 : index
    %swap3A_496 = arith.constant 0 : index
    %swap3A_497 = arith.constant 16 : index
    %swap3A_498 = vector.load %arg4[%swap3A_495, %swap3A_496, %swap3A_497] : memref<1x256x20xi32, #tpu.memory_space<vmem>>, vector<1x256x1xi32>
    %swap3A_499 = vector.shape_cast %swap3A_498 : vector<1x256x1xi32> to vector<256x1xi32>
    %swap3A_500 = vector.shape_cast %broadcast_in_dim3A_494 : vector<256x1xi32> to vector<1x256x1xi32>
    tpu.vector_store %arg4[%swap3A_495, %swap3A_496, %swap3A_497], %swap3A_500 {strides = array<i32>} : memref<1x256x20xi32, #tpu.memory_space<vmem>>, vector<1x256x1xi32>,
    %eq3A_501 = vector.broadcast %broadcast_in_dim3A_494 : vector<256x1xi32> to vector<256x4096xi32>
    %eq3A_502 = arith.cmpi eq, %iota3A, %eq3A_501 : vector<256x4096xi32>
    %jit3A_503 = arith.constant 0xFF800000 : f32
    %broadcast_in_dim3A_504 = vector.broadcast %jit3A_503 : f32 to vector<256x4096xf32>
    %select_n3A_505 = arith.select %eq3A_502, %broadcast_in_dim3A_504, %get3A_483 : vector<256x4096xi1>, vector<256x4096xf32>
    %swap3A_506 = arith.constant 0 : index
    %swap3A_507 = arith.constant 0 : index
    %swap3A_508 = vector.load %arg5[%swap3A_506, %swap3A_507] : memref<256x4096xf32, #tpu.memory_space<vmem>>, vector<256x4096xf32>
    tpu.vector_store %arg5[%swap3A_506, %swap3A_507], %select_n3A_505 {strides = array<i32>} : memref<256x4096xf32, #tpu.memory_space<vmem>>, vector<256x4096xf32>,
    %get3A_509 = arith.constant 0 : index
    %get3A_510 = arith.constant 0 : index
    %get3A_511 = vector.load %arg5[%get3A_509, %get3A_510] : memref<256x4096xf32, #tpu.memory_space<vmem>>, vector<256x4096xf32>
    %reduce_max3A_512 = arith.constant dense<0xFF800000> : vector<256xf32>
    %reduce_max3A_513 = vector.multi_reduction <maximumf>, %get3A_511, %reduce_max3A_512 [1] : vector<256x4096xf32> to vector<256xf32>
    %broadcast_in_dim3A_514 = vector.shape_cast %reduce_max3A_513 : vector<256xf32> to vector<256x1xf32>
    %ge3A_515 = vector.broadcast %broadcast_in_dim3A_514 : vector<256x1xf32> to vector<256x4096xf32>
    %ge3A_516 = arith.cmpf oge, %get3A_511, %ge3A_515 : vector<256x4096xf32>
    %jit3A_517 = arith.constant 4096 : i32
    %broadcast_in_dim3A_518 = vector.broadcast %jit3A_517 : i32 to vector<256x4096xi32>
    %select_n3A_519 = arith.select %ge3A_516, %iota3A, %broadcast_in_dim3A_518 : vector<256x4096xi1>, vector<256x4096xi32>
    %reduce_min3A_520 = arith.constant dense<2147483647> : vector<256xi32>
    %reduce_min3A_521 = vector.multi_reduction <minsi>, %select_n3A_519, %reduce_min3A_520 [1] : vector<256x4096xi32> to vector<256xi32>
    %broadcast_in_dim3A_522 = vector.shape_cast %reduce_min3A_521 : vector<256xi32> to vector<256x1xi32>
    %swap3A_523 = arith.constant 0 : index
    %swap3A_524 = arith.constant 0 : index
    %swap3A_525 = arith.constant 17 : index
    %swap3A_526 = vector.load %arg4[%swap3A_523, %swap3A_524, %swap3A_525] : memref<1x256x20xi32, #tpu.memory_space<vmem>>, vector<1x256x1xi32>
    %swap3A_527 = vector.shape_cast %swap3A_526 : vector<1x256x1xi32> to vector<256x1xi32>
    %swap3A_528 = vector.shape_cast %broadcast_in_dim3A_522 : vector<256x1xi32> to vector<1x256x1xi32>
    tpu.vector_store %arg4[%swap3A_523, %swap3A_524, %swap3A_525], %swap3A_528 {strides = array<i32>} : memref<1x256x20xi32, #tpu.memory_space<vmem>>, vector<1x256x1xi32>,
    %eq3A_529 = vector.broadcast %broadcast_in_dim3A_522 : vector<256x1xi32> to vector<256x4096xi32>
    %eq3A_530 = arith.cmpi eq, %iota3A, %eq3A_529 : vector<256x4096xi32>
    %jit3A_531 = arith.constant 0xFF800000 : f32
    %broadcast_in_dim3A_532 = vector.broadcast %jit3A_531 : f32 to vector<256x4096xf32>
    %select_n3A_533 = arith.select %eq3A_530, %broadcast_in_dim3A_532, %get3A_511 : vector<256x4096xi1>, vector<256x4096xf32>
    %swap3A_534 = arith.constant 0 : index
    %swap3A_535 = arith.constant 0 : index
    %swap3A_536 = vector.load %arg5[%swap3A_534, %swap3A_535] : memref<256x4096xf32, #tpu.memory_space<vmem>>, vector<256x4096xf32>
    tpu.vector_store %arg5[%swap3A_534, %swap3A_535], %select_n3A_533 {strides = array<i32>} : memref<256x4096xf32, #tpu.memory_space<vmem>>, vector<256x4096xf32>,
    %get3A_537 = arith.constant 0 : index
    %get3A_538 = arith.constant 0 : index
    %get3A_539 = vector.load %arg5[%get3A_537, %get3A_538] : memref<256x4096xf32, #tpu.memory_space<vmem>>, vector<256x4096xf32>
    %reduce_max3A_540 = arith.constant dense<0xFF800000> : vector<256xf32>
    %reduce_max3A_541 = vector.multi_reduction <maximumf>, %get3A_539, %reduce_max3A_540 [1] : vector<256x4096xf32> to vector<256xf32>
    %broadcast_in_dim3A_542 = vector.shape_cast %reduce_max3A_541 : vector<256xf32> to vector<256x1xf32>
    %ge3A_543 = vector.broadcast %broadcast_in_dim3A_542 : vector<256x1xf32> to vector<256x4096xf32>
    %ge3A_544 = arith.cmpf oge, %get3A_539, %ge3A_543 : vector<256x4096xf32>
    %jit3A_545 = arith.constant 4096 : i32
    %broadcast_in_dim3A_546 = vector.broadcast %jit3A_545 : i32 to vector<256x4096xi32>
    %select_n3A_547 = arith.select %ge3A_544, %iota3A, %broadcast_in_dim3A_546 : vector<256x4096xi1>, vector<256x4096xi32>
    %reduce_min3A_548 = arith.constant dense<2147483647> : vector<256xi32>
    %reduce_min3A_549 = vector.multi_reduction <minsi>, %select_n3A_547, %reduce_min3A_548 [1] : vector<256x4096xi32> to vector<256xi32>
    %broadcast_in_dim3A_550 = vector.shape_cast %reduce_min3A_549 : vector<256xi32> to vector<256x1xi32>
    %swap3A_551 = arith.constant 0 : index
    %swap3A_552 = arith.constant 0 : index
    %swap3A_553 = arith.constant 18 : index
    %swap3A_554 = vector.load %arg4[%swap3A_551, %swap3A_552, %swap3A_553] : memref<1x256x20xi32, #tpu.memory_space<vmem>>, vector<1x256x1xi32>
    %swap3A_555 = vector.shape_cast %swap3A_554 : vector<1x256x1xi32> to vector<256x1xi32>
    %swap3A_556 = vector.shape_cast %broadcast_in_dim3A_550 : vector<256x1xi32> to vector<1x256x1xi32>
    tpu.vector_store %arg4[%swap3A_551, %swap3A_552, %swap3A_553], %swap3A_556 {strides = array<i32>} : memref<1x256x20xi32, #tpu.memory_space<vmem>>, vector<1x256x1xi32>,
    %eq3A_557 = vector.broadcast %broadcast_in_dim3A_550 : vector<256x1xi32> to vector<256x4096xi32>
    %eq3A_558 = arith.cmpi eq, %iota3A, %eq3A_557 : vector<256x4096xi32>
    %jit3A_559 = arith.constant 0xFF800000 : f32
    %broadcast_in_dim3A_560 = vector.broadcast %jit3A_559 : f32 to vector<256x4096xf32>
    %select_n3A_561 = arith.select %eq3A_558, %broadcast_in_dim3A_560, %get3A_539 : vector<256x4096xi1>, vector<256x4096xf32>
    %swap3A_562 = arith.constant 0 : index
    %swap3A_563 = arith.constant 0 : index
    %swap3A_564 = vector.load %arg5[%swap3A_562, %swap3A_563] : memref<256x4096xf32, #tpu.memory_space<vmem>>, vector<256x4096xf32>
    tpu.vector_store %arg5[%swap3A_562, %swap3A_563], %select_n3A_561 {strides = array<i32>} : memref<256x4096xf32, #tpu.memory_space<vmem>>, vector<256x4096xf32>,
    %get3A_565 = arith.constant 0 : index
    %get3A_566 = arith.constant 0 : index
    %get3A_567 = vector.load %arg5[%get3A_565, %get3A_566] : memref<256x4096xf32, #tpu.memory_space<vmem>>, vector<256x4096xf32>
    %reduce_max3A_568 = arith.constant dense<0xFF800000> : vector<256xf32>
    %reduce_max3A_569 = vector.multi_reduction <maximumf>, %get3A_567, %reduce_max3A_568 [1] : vector<256x4096xf32> to vector<256xf32>
    %broadcast_in_dim3A_570 = vector.shape_cast %reduce_max3A_569 : vector<256xf32> to vector<256x1xf32>
    %ge3A_571 = vector.broadcast %broadcast_in_dim3A_570 : vector<256x1xf32> to vector<256x4096xf32>
    %ge3A_572 = arith.cmpf oge, %get3A_567, %ge3A_571 : vector<256x4096xf32>
    %jit3A_573 = arith.constant 4096 : i32
    %broadcast_in_dim3A_574 = vector.broadcast %jit3A_573 : i32 to vector<256x4096xi32>
    %select_n3A_575 = arith.select %ge3A_572, %iota3A, %broadcast_in_dim3A_574 : vector<256x4096xi1>, vector<256x4096xi32>
    %reduce_min3A_576 = arith.constant dense<2147483647> : vector<256xi32>
    %reduce_min3A_577 = vector.multi_reduction <minsi>, %select_n3A_575, %reduce_min3A_576 [1] : vector<256x4096xi32> to vector<256xi32>
    %broadcast_in_dim3A_578 = vector.shape_cast %reduce_min3A_577 : vector<256xi32> to vector<256x1xi32>
    %swap3A_579 = arith.constant 0 : index
    %swap3A_580 = arith.constant 0 : index
    %swap3A_581 = arith.constant 19 : index
    %swap3A_582 = vector.load %arg4[%swap3A_579, %swap3A_580, %swap3A_581] : memref<1x256x20xi32, #tpu.memory_space<vmem>>, vector<1x256x1xi32>
    %swap3A_583 = vector.shape_cast %swap3A_582 : vector<1x256x1xi32> to vector<256x1xi32>
    %swap3A_584 = vector.shape_cast %broadcast_in_dim3A_578 : vector<256x1xi32> to vector<1x256x1xi32>
    tpu.vector_store %arg4[%swap3A_579, %swap3A_580, %swap3A_581], %swap3A_584 {strides = array<i32>} : memref<1x256x20xi32, #tpu.memory_space<vmem>>, vector<1x256x1xi32>,
    %eq3A_585 = vector.broadcast %broadcast_in_dim3A_578 : vector<256x1xi32> to vector<256x4096xi32>
    %eq3A_586 = arith.cmpi eq, %iota3A, %eq3A_585 : vector<256x4096xi32>
    %jit3A_587 = arith.constant 0xFF800000 : f32
    %broadcast_in_dim3A_588 = vector.broadcast %jit3A_587 : f32 to vector<256x4096xf32>
    %select_n3A_589 = arith.select %eq3A_586, %broadcast_in_dim3A_588, %get3A_567 : vector<256x4096xi1>, vector<256x4096xf32>
    %swap3A_590 = arith.constant 0 : index
    %swap3A_591 = arith.constant 0 : index
    %swap3A_592 = vector.load %arg5[%swap3A_590, %swap3A_591] : memref<256x4096xf32, #tpu.memory_space<vmem>>, vector<256x4096xf32>
    tpu.vector_store %arg5[%swap3A_590, %swap3A_591], %select_n3A_589 {strides = array<i32>} : memref<256x4096xf32, #tpu.memory_space<vmem>>, vector<256x4096xf32>,
    return
  }
  func.func @transform_0(%arg0: i32, %arg1: i32) -> (i32, i32, i32) {
    %c0_i32 = arith.constant 0 : i32
    %c0_i32_0 = arith.constant 0 : i32
    return %arg0, %arg1, %c0_i32 : i32, i32, i32
  }
  func.func @transform_1(%arg0: i32, %arg1: i32) -> (i32, i32, i32) {
    %c0_i32 = arith.constant 0 : i32
    %c0_i32_0 = arith.constant 0 : i32
    %c0_i32_1 = arith.constant 0 : i32
    return %arg0, %c0_i32, %c0_i32_0 : i32, i32, i32
  }
  func.func @transform_2(%arg0: i32, %arg1: i32) -> (i32, i32, i32) {
    %c0_i32 = arith.constant 0 : i32
    %c0_i32_0 = arith.constant 0 : i32
    return %arg0, %arg1, %c0_i32 : i32, i32, i32
  }
}

module attributes {stable_mosaic.version = 14 : i64} {
  func.func @_edge_body(%arg0: i32, %arg1: memref<20x256x128xf32, #tpu.memory_space<vmem>>, %arg2: memref<256x128xf32, #tpu.memory_space<vmem>>, %arg3: memref<128x256xf32, #tpu.memory_space<vmem>>, %arg4: memref<1x128xf32, #tpu.memory_space<vmem>>, %arg5: memref<1x128xf32, #tpu.memory_space<vmem>>, %arg6: memref<256x128xf32, #tpu.memory_space<vmem>>, %arg7: memref<8x128xf32, #tpu.memory_space<vmem>>, %arg8: memref<8x128xf32, #tpu.memory_space<vmem>>) attributes {dimension_semantics = [#tpu.dimension_semantics<arbitrary>], iteration_bounds = array<i64: 32>, scalar_prefetch = 0 : i64, scratch_operands = 0 : i64, tpu.core_type = #tpu.core_type<tc>, window_params = [{transform_indices = @transform_0, window_bounds = array<i64: 20, 256, 128>}, {transform_indices = @transform_1, window_bounds = array<i64: 256, 128>}, {pipeline_mode = #tpu.pipeline_mode<synchronous>, transform_indices = @transform_2, window_bounds = array<i64: 128, 256>}, {pipeline_mode = #tpu.pipeline_mode<synchronous>, transform_indices = @transform_3, window_bounds = array<i64: 1, 128>}, {pipeline_mode = #tpu.pipeline_mode<synchronous>, transform_indices = @transform_4, window_bounds = array<i64: 1, 128>}, {transform_indices = @transform_5, window_bounds = array<i64: 256, 128>}, {pipeline_mode = #tpu.pipeline_mode<synchronous>, transform_indices = @transform_6, window_bounds = array<i64: 8, 128>}, {pipeline_mode = #tpu.pipeline_mode<synchronous>, transform_indices = @transform_7, window_bounds = array<i64: 8, 128>}]} {
    %get3A = arith.constant 0 : index
    %get3A_0 = arith.constant 0 : index
    %get3A_1 = vector.load %arg2[%get3A, %get3A_0] : memref<256x128xf32, #tpu.memory_space<vmem>>, vector<256x128xf32>
    %broadcast_in_dim3A = arith.constant 0xFF800000 : f32
    %broadcast_in_dim3A_2 = vector.broadcast %broadcast_in_dim3A : f32 to vector<256x128xf32>
    %broadcast_in_dim3A_3 = arith.constant 0.000000e+00 : f32
    %broadcast_in_dim3A_4 = vector.broadcast %broadcast_in_dim3A_3 : f32 to vector<1x128xf32>
    %broadcast_in_dim3A_5 = arith.constant 0.000000e+00 : f32
    %broadcast_in_dim3A_6 = vector.broadcast %broadcast_in_dim3A_5 : f32 to vector<1x128xf32>
    %get3A_7 = arith.constant 0 : index
    %get3A_8 = arith.constant 0 : index
    %get3A_9 = arith.constant 0 : index
    %get3A_10 = vector.load %arg1[%get3A_7, %get3A_8, %get3A_9] : memref<20x256x128xf32, #tpu.memory_space<vmem>>, vector<1x256x128xf32>
    %get3A_11 = vector.shape_cast %get3A_10 : vector<1x256x128xf32> to vector<256x128xf32>
    %sub3A = arith.subf %get3A_11, %get3A_1 : vector<256x128xf32>
    %concatenate3A = tpu.concatenate %sub3A, %get3A_1 in 1 : vector<256x128xf32>, vector<256x128xf32> -> vector<256x256xf32>
    %get3A_12 = arith.constant 0 : index
    %get3A_13 = arith.constant 0 : index
    %get3A_14 = vector.load %arg3[%get3A_12, %get3A_13] : memref<128x256xf32, #tpu.memory_space<vmem>>, vector<128x256xf32>
    %dot_general3A = arith.constant dense<0.000000e+00> : vector<256x128xf32>
    %dot_general3A_15 = tpu.matmul %concatenate3A, %get3A_14, %dot_general3A {dimension_numbers = #tpu.dot_dimension_numbers<[1], [1], [0], [0], [0, 0, 1, 0], [], []>, transpose_lhs_hint = false} : vector<256x256xf32>, vector<128x256xf32>, vector<256x128xf32> -> vector<256x128xf32>
    %max3A = arith.maximumf %broadcast_in_dim3A_2, %dot_general3A_15 : vector<256x128xf32>
    %reduce_sum3A = arith.constant dense<0.000000e+00> : vector<128xf32>
    %reduce_sum3A_16 = vector.multi_reduction <add>, %dot_general3A_15, %reduce_sum3A [0] : vector<256x128xf32> to vector<128xf32>
    %broadcast_in_dim3A_17 = vector.shape_cast %reduce_sum3A_16 : vector<128xf32> to vector<1x128xf32>
    %add3A = arith.addf %broadcast_in_dim3A_4, %broadcast_in_dim3A_17 : vector<1x128xf32>
    %mul3A = arith.mulf %dot_general3A_15, %dot_general3A_15 : vector<256x128xf32>
    %reduce_sum3A_18 = arith.constant dense<0.000000e+00> : vector<128xf32>
    %reduce_sum3A_19 = vector.multi_reduction <add>, %mul3A, %reduce_sum3A_18 [0] : vector<256x128xf32> to vector<128xf32>
    %broadcast_in_dim3A_20 = vector.shape_cast %reduce_sum3A_19 : vector<128xf32> to vector<1x128xf32>
    %add3A_21 = arith.addf %broadcast_in_dim3A_6, %broadcast_in_dim3A_20 : vector<1x128xf32>
    %get3A_22 = arith.constant 1 : index
    %get3A_23 = arith.constant 0 : index
    %get3A_24 = arith.constant 0 : index
    %get3A_25 = vector.load %arg1[%get3A_22, %get3A_23, %get3A_24] : memref<20x256x128xf32, #tpu.memory_space<vmem>>, vector<1x256x128xf32>
    %get3A_26 = vector.shape_cast %get3A_25 : vector<1x256x128xf32> to vector<256x128xf32>
    %sub3A_27 = arith.subf %get3A_26, %get3A_1 : vector<256x128xf32>
    %concatenate3A_28 = tpu.concatenate %sub3A_27, %get3A_1 in 1 : vector<256x128xf32>, vector<256x128xf32> -> vector<256x256xf32>
    %get3A_29 = arith.constant 0 : index
    %get3A_30 = arith.constant 0 : index
    %get3A_31 = vector.load %arg3[%get3A_29, %get3A_30] : memref<128x256xf32, #tpu.memory_space<vmem>>, vector<128x256xf32>
    %dot_general3A_32 = arith.constant dense<0.000000e+00> : vector<256x128xf32>
    %dot_general3A_33 = tpu.matmul %concatenate3A_28, %get3A_31, %dot_general3A_32 {dimension_numbers = #tpu.dot_dimension_numbers<[1], [1], [0], [0], [0, 0, 1, 0], [], []>, transpose_lhs_hint = false} : vector<256x256xf32>, vector<128x256xf32>, vector<256x128xf32> -> vector<256x128xf32>
    %max3A_34 = arith.maximumf %max3A, %dot_general3A_33 : vector<256x128xf32>
    %reduce_sum3A_35 = arith.constant dense<0.000000e+00> : vector<128xf32>
    %reduce_sum3A_36 = vector.multi_reduction <add>, %dot_general3A_33, %reduce_sum3A_35 [0] : vector<256x128xf32> to vector<128xf32>
    %broadcast_in_dim3A_37 = vector.shape_cast %reduce_sum3A_36 : vector<128xf32> to vector<1x128xf32>
    %add3A_38 = arith.addf %add3A, %broadcast_in_dim3A_37 : vector<1x128xf32>
    %mul3A_39 = arith.mulf %dot_general3A_33, %dot_general3A_33 : vector<256x128xf32>
    %reduce_sum3A_40 = arith.constant dense<0.000000e+00> : vector<128xf32>
    %reduce_sum3A_41 = vector.multi_reduction <add>, %mul3A_39, %reduce_sum3A_40 [0] : vector<256x128xf32> to vector<128xf32>
    %broadcast_in_dim3A_42 = vector.shape_cast %reduce_sum3A_41 : vector<128xf32> to vector<1x128xf32>
    %add3A_43 = arith.addf %add3A_21, %broadcast_in_dim3A_42 : vector<1x128xf32>
    %get3A_44 = arith.constant 2 : index
    %get3A_45 = arith.constant 0 : index
    %get3A_46 = arith.constant 0 : index
    %get3A_47 = vector.load %arg1[%get3A_44, %get3A_45, %get3A_46] : memref<20x256x128xf32, #tpu.memory_space<vmem>>, vector<1x256x128xf32>
    %get3A_48 = vector.shape_cast %get3A_47 : vector<1x256x128xf32> to vector<256x128xf32>
    %sub3A_49 = arith.subf %get3A_48, %get3A_1 : vector<256x128xf32>
    %concatenate3A_50 = tpu.concatenate %sub3A_49, %get3A_1 in 1 : vector<256x128xf32>, vector<256x128xf32> -> vector<256x256xf32>
    %get3A_51 = arith.constant 0 : index
    %get3A_52 = arith.constant 0 : index
    %get3A_53 = vector.load %arg3[%get3A_51, %get3A_52] : memref<128x256xf32, #tpu.memory_space<vmem>>, vector<128x256xf32>
    %dot_general3A_54 = arith.constant dense<0.000000e+00> : vector<256x128xf32>
    %dot_general3A_55 = tpu.matmul %concatenate3A_50, %get3A_53, %dot_general3A_54 {dimension_numbers = #tpu.dot_dimension_numbers<[1], [1], [0], [0], [0, 0, 1, 0], [], []>, transpose_lhs_hint = false} : vector<256x256xf32>, vector<128x256xf32>, vector<256x128xf32> -> vector<256x128xf32>
    %max3A_56 = arith.maximumf %max3A_34, %dot_general3A_55 : vector<256x128xf32>
    %reduce_sum3A_57 = arith.constant dense<0.000000e+00> : vector<128xf32>
    %reduce_sum3A_58 = vector.multi_reduction <add>, %dot_general3A_55, %reduce_sum3A_57 [0] : vector<256x128xf32> to vector<128xf32>
    %broadcast_in_dim3A_59 = vector.shape_cast %reduce_sum3A_58 : vector<128xf32> to vector<1x128xf32>
    %add3A_60 = arith.addf %add3A_38, %broadcast_in_dim3A_59 : vector<1x128xf32>
    %mul3A_61 = arith.mulf %dot_general3A_55, %dot_general3A_55 : vector<256x128xf32>
    %reduce_sum3A_62 = arith.constant dense<0.000000e+00> : vector<128xf32>
    %reduce_sum3A_63 = vector.multi_reduction <add>, %mul3A_61, %reduce_sum3A_62 [0] : vector<256x128xf32> to vector<128xf32>
    %broadcast_in_dim3A_64 = vector.shape_cast %reduce_sum3A_63 : vector<128xf32> to vector<1x128xf32>
    %add3A_65 = arith.addf %add3A_43, %broadcast_in_dim3A_64 : vector<1x128xf32>
    %get3A_66 = arith.constant 3 : index
    %get3A_67 = arith.constant 0 : index
    %get3A_68 = arith.constant 0 : index
    %get3A_69 = vector.load %arg1[%get3A_66, %get3A_67, %get3A_68] : memref<20x256x128xf32, #tpu.memory_space<vmem>>, vector<1x256x128xf32>
    %get3A_70 = vector.shape_cast %get3A_69 : vector<1x256x128xf32> to vector<256x128xf32>
    %sub3A_71 = arith.subf %get3A_70, %get3A_1 : vector<256x128xf32>
    %concatenate3A_72 = tpu.concatenate %sub3A_71, %get3A_1 in 1 : vector<256x128xf32>, vector<256x128xf32> -> vector<256x256xf32>
    %get3A_73 = arith.constant 0 : index
    %get3A_74 = arith.constant 0 : index
    %get3A_75 = vector.load %arg3[%get3A_73, %get3A_74] : memref<128x256xf32, #tpu.memory_space<vmem>>, vector<128x256xf32>
    %dot_general3A_76 = arith.constant dense<0.000000e+00> : vector<256x128xf32>
    %dot_general3A_77 = tpu.matmul %concatenate3A_72, %get3A_75, %dot_general3A_76 {dimension_numbers = #tpu.dot_dimension_numbers<[1], [1], [0], [0], [0, 0, 1, 0], [], []>, transpose_lhs_hint = false} : vector<256x256xf32>, vector<128x256xf32>, vector<256x128xf32> -> vector<256x128xf32>
    %max3A_78 = arith.maximumf %max3A_56, %dot_general3A_77 : vector<256x128xf32>
    %reduce_sum3A_79 = arith.constant dense<0.000000e+00> : vector<128xf32>
    %reduce_sum3A_80 = vector.multi_reduction <add>, %dot_general3A_77, %reduce_sum3A_79 [0] : vector<256x128xf32> to vector<128xf32>
    %broadcast_in_dim3A_81 = vector.shape_cast %reduce_sum3A_80 : vector<128xf32> to vector<1x128xf32>
    %add3A_82 = arith.addf %add3A_60, %broadcast_in_dim3A_81 : vector<1x128xf32>
    %mul3A_83 = arith.mulf %dot_general3A_77, %dot_general3A_77 : vector<256x128xf32>
    %reduce_sum3A_84 = arith.constant dense<0.000000e+00> : vector<128xf32>
    %reduce_sum3A_85 = vector.multi_reduction <add>, %mul3A_83, %reduce_sum3A_84 [0] : vector<256x128xf32> to vector<128xf32>
    %broadcast_in_dim3A_86 = vector.shape_cast %reduce_sum3A_85 : vector<128xf32> to vector<1x128xf32>
    %add3A_87 = arith.addf %add3A_65, %broadcast_in_dim3A_86 : vector<1x128xf32>
    %get3A_88 = arith.constant 4 : index
    %get3A_89 = arith.constant 0 : index
    %get3A_90 = arith.constant 0 : index
    %get3A_91 = vector.load %arg1[%get3A_88, %get3A_89, %get3A_90] : memref<20x256x128xf32, #tpu.memory_space<vmem>>, vector<1x256x128xf32>
    %get3A_92 = vector.shape_cast %get3A_91 : vector<1x256x128xf32> to vector<256x128xf32>
    %sub3A_93 = arith.subf %get3A_92, %get3A_1 : vector<256x128xf32>
    %concatenate3A_94 = tpu.concatenate %sub3A_93, %get3A_1 in 1 : vector<256x128xf32>, vector<256x128xf32> -> vector<256x256xf32>
    %get3A_95 = arith.constant 0 : index
    %get3A_96 = arith.constant 0 : index
    %get3A_97 = vector.load %arg3[%get3A_95, %get3A_96] : memref<128x256xf32, #tpu.memory_space<vmem>>, vector<128x256xf32>
    %dot_general3A_98 = arith.constant dense<0.000000e+00> : vector<256x128xf32>
    %dot_general3A_99 = tpu.matmul %concatenate3A_94, %get3A_97, %dot_general3A_98 {dimension_numbers = #tpu.dot_dimension_numbers<[1], [1], [0], [0], [0, 0, 1, 0], [], []>, transpose_lhs_hint = false} : vector<256x256xf32>, vector<128x256xf32>, vector<256x128xf32> -> vector<256x128xf32>
    %max3A_100 = arith.maximumf %max3A_78, %dot_general3A_99 : vector<256x128xf32>
    %reduce_sum3A_101 = arith.constant dense<0.000000e+00> : vector<128xf32>
    %reduce_sum3A_102 = vector.multi_reduction <add>, %dot_general3A_99, %reduce_sum3A_101 [0] : vector<256x128xf32> to vector<128xf32>
    %broadcast_in_dim3A_103 = vector.shape_cast %reduce_sum3A_102 : vector<128xf32> to vector<1x128xf32>
    %add3A_104 = arith.addf %add3A_82, %broadcast_in_dim3A_103 : vector<1x128xf32>
    %mul3A_105 = arith.mulf %dot_general3A_99, %dot_general3A_99 : vector<256x128xf32>
    %reduce_sum3A_106 = arith.constant dense<0.000000e+00> : vector<128xf32>
    %reduce_sum3A_107 = vector.multi_reduction <add>, %mul3A_105, %reduce_sum3A_106 [0] : vector<256x128xf32> to vector<128xf32>
    %broadcast_in_dim3A_108 = vector.shape_cast %reduce_sum3A_107 : vector<128xf32> to vector<1x128xf32>
    %add3A_109 = arith.addf %add3A_87, %broadcast_in_dim3A_108 : vector<1x128xf32>
    %get3A_110 = arith.constant 5 : index
    %get3A_111 = arith.constant 0 : index
    %get3A_112 = arith.constant 0 : index
    %get3A_113 = vector.load %arg1[%get3A_110, %get3A_111, %get3A_112] : memref<20x256x128xf32, #tpu.memory_space<vmem>>, vector<1x256x128xf32>
    %get3A_114 = vector.shape_cast %get3A_113 : vector<1x256x128xf32> to vector<256x128xf32>
    %sub3A_115 = arith.subf %get3A_114, %get3A_1 : vector<256x128xf32>
    %concatenate3A_116 = tpu.concatenate %sub3A_115, %get3A_1 in 1 : vector<256x128xf32>, vector<256x128xf32> -> vector<256x256xf32>
    %get3A_117 = arith.constant 0 : index
    %get3A_118 = arith.constant 0 : index
    %get3A_119 = vector.load %arg3[%get3A_117, %get3A_118] : memref<128x256xf32, #tpu.memory_space<vmem>>, vector<128x256xf32>
    %dot_general3A_120 = arith.constant dense<0.000000e+00> : vector<256x128xf32>
    %dot_general3A_121 = tpu.matmul %concatenate3A_116, %get3A_119, %dot_general3A_120 {dimension_numbers = #tpu.dot_dimension_numbers<[1], [1], [0], [0], [0, 0, 1, 0], [], []>, transpose_lhs_hint = false} : vector<256x256xf32>, vector<128x256xf32>, vector<256x128xf32> -> vector<256x128xf32>
    %max3A_122 = arith.maximumf %max3A_100, %dot_general3A_121 : vector<256x128xf32>
    %reduce_sum3A_123 = arith.constant dense<0.000000e+00> : vector<128xf32>
    %reduce_sum3A_124 = vector.multi_reduction <add>, %dot_general3A_121, %reduce_sum3A_123 [0] : vector<256x128xf32> to vector<128xf32>
    %broadcast_in_dim3A_125 = vector.shape_cast %reduce_sum3A_124 : vector<128xf32> to vector<1x128xf32>
    %add3A_126 = arith.addf %add3A_104, %broadcast_in_dim3A_125 : vector<1x128xf32>
    %mul3A_127 = arith.mulf %dot_general3A_121, %dot_general3A_121 : vector<256x128xf32>
    %reduce_sum3A_128 = arith.constant dense<0.000000e+00> : vector<128xf32>
    %reduce_sum3A_129 = vector.multi_reduction <add>, %mul3A_127, %reduce_sum3A_128 [0] : vector<256x128xf32> to vector<128xf32>
    %broadcast_in_dim3A_130 = vector.shape_cast %reduce_sum3A_129 : vector<128xf32> to vector<1x128xf32>
    %add3A_131 = arith.addf %add3A_109, %broadcast_in_dim3A_130 : vector<1x128xf32>
    %get3A_132 = arith.constant 6 : index
    %get3A_133 = arith.constant 0 : index
    %get3A_134 = arith.constant 0 : index
    %get3A_135 = vector.load %arg1[%get3A_132, %get3A_133, %get3A_134] : memref<20x256x128xf32, #tpu.memory_space<vmem>>, vector<1x256x128xf32>
    %get3A_136 = vector.shape_cast %get3A_135 : vector<1x256x128xf32> to vector<256x128xf32>
    %sub3A_137 = arith.subf %get3A_136, %get3A_1 : vector<256x128xf32>
    %concatenate3A_138 = tpu.concatenate %sub3A_137, %get3A_1 in 1 : vector<256x128xf32>, vector<256x128xf32> -> vector<256x256xf32>
    %get3A_139 = arith.constant 0 : index
    %get3A_140 = arith.constant 0 : index
    %get3A_141 = vector.load %arg3[%get3A_139, %get3A_140] : memref<128x256xf32, #tpu.memory_space<vmem>>, vector<128x256xf32>
    %dot_general3A_142 = arith.constant dense<0.000000e+00> : vector<256x128xf32>
    %dot_general3A_143 = tpu.matmul %concatenate3A_138, %get3A_141, %dot_general3A_142 {dimension_numbers = #tpu.dot_dimension_numbers<[1], [1], [0], [0], [0, 0, 1, 0], [], []>, transpose_lhs_hint = false} : vector<256x256xf32>, vector<128x256xf32>, vector<256x128xf32> -> vector<256x128xf32>
    %max3A_144 = arith.maximumf %max3A_122, %dot_general3A_143 : vector<256x128xf32>
    %reduce_sum3A_145 = arith.constant dense<0.000000e+00> : vector<128xf32>
    %reduce_sum3A_146 = vector.multi_reduction <add>, %dot_general3A_143, %reduce_sum3A_145 [0] : vector<256x128xf32> to vector<128xf32>
    %broadcast_in_dim3A_147 = vector.shape_cast %reduce_sum3A_146 : vector<128xf32> to vector<1x128xf32>
    %add3A_148 = arith.addf %add3A_126, %broadcast_in_dim3A_147 : vector<1x128xf32>
    %mul3A_149 = arith.mulf %dot_general3A_143, %dot_general3A_143 : vector<256x128xf32>
    %reduce_sum3A_150 = arith.constant dense<0.000000e+00> : vector<128xf32>
    %reduce_sum3A_151 = vector.multi_reduction <add>, %mul3A_149, %reduce_sum3A_150 [0] : vector<256x128xf32> to vector<128xf32>
    %broadcast_in_dim3A_152 = vector.shape_cast %reduce_sum3A_151 : vector<128xf32> to vector<1x128xf32>
    %add3A_153 = arith.addf %add3A_131, %broadcast_in_dim3A_152 : vector<1x128xf32>
    %get3A_154 = arith.constant 7 : index
    %get3A_155 = arith.constant 0 : index
    %get3A_156 = arith.constant 0 : index
    %get3A_157 = vector.load %arg1[%get3A_154, %get3A_155, %get3A_156] : memref<20x256x128xf32, #tpu.memory_space<vmem>>, vector<1x256x128xf32>
    %get3A_158 = vector.shape_cast %get3A_157 : vector<1x256x128xf32> to vector<256x128xf32>
    %sub3A_159 = arith.subf %get3A_158, %get3A_1 : vector<256x128xf32>
    %concatenate3A_160 = tpu.concatenate %sub3A_159, %get3A_1 in 1 : vector<256x128xf32>, vector<256x128xf32> -> vector<256x256xf32>
    %get3A_161 = arith.constant 0 : index
    %get3A_162 = arith.constant 0 : index
    %get3A_163 = vector.load %arg3[%get3A_161, %get3A_162] : memref<128x256xf32, #tpu.memory_space<vmem>>, vector<128x256xf32>
    %dot_general3A_164 = arith.constant dense<0.000000e+00> : vector<256x128xf32>
    %dot_general3A_165 = tpu.matmul %concatenate3A_160, %get3A_163, %dot_general3A_164 {dimension_numbers = #tpu.dot_dimension_numbers<[1], [1], [0], [0], [0, 0, 1, 0], [], []>, transpose_lhs_hint = false} : vector<256x256xf32>, vector<128x256xf32>, vector<256x128xf32> -> vector<256x128xf32>
    %max3A_166 = arith.maximumf %max3A_144, %dot_general3A_165 : vector<256x128xf32>
    %reduce_sum3A_167 = arith.constant dense<0.000000e+00> : vector<128xf32>
    %reduce_sum3A_168 = vector.multi_reduction <add>, %dot_general3A_165, %reduce_sum3A_167 [0] : vector<256x128xf32> to vector<128xf32>
    %broadcast_in_dim3A_169 = vector.shape_cast %reduce_sum3A_168 : vector<128xf32> to vector<1x128xf32>
    %add3A_170 = arith.addf %add3A_148, %broadcast_in_dim3A_169 : vector<1x128xf32>
    %mul3A_171 = arith.mulf %dot_general3A_165, %dot_general3A_165 : vector<256x128xf32>
    %reduce_sum3A_172 = arith.constant dense<0.000000e+00> : vector<128xf32>
    %reduce_sum3A_173 = vector.multi_reduction <add>, %mul3A_171, %reduce_sum3A_172 [0] : vector<256x128xf32> to vector<128xf32>
    %broadcast_in_dim3A_174 = vector.shape_cast %reduce_sum3A_173 : vector<128xf32> to vector<1x128xf32>
    %add3A_175 = arith.addf %add3A_153, %broadcast_in_dim3A_174 : vector<1x128xf32>
    %get3A_176 = arith.constant 8 : index
    %get3A_177 = arith.constant 0 : index
    %get3A_178 = arith.constant 0 : index
    %get3A_179 = vector.load %arg1[%get3A_176, %get3A_177, %get3A_178] : memref<20x256x128xf32, #tpu.memory_space<vmem>>, vector<1x256x128xf32>
    %get3A_180 = vector.shape_cast %get3A_179 : vector<1x256x128xf32> to vector<256x128xf32>
    %sub3A_181 = arith.subf %get3A_180, %get3A_1 : vector<256x128xf32>
    %concatenate3A_182 = tpu.concatenate %sub3A_181, %get3A_1 in 1 : vector<256x128xf32>, vector<256x128xf32> -> vector<256x256xf32>
    %get3A_183 = arith.constant 0 : index
    %get3A_184 = arith.constant 0 : index
    %get3A_185 = vector.load %arg3[%get3A_183, %get3A_184] : memref<128x256xf32, #tpu.memory_space<vmem>>, vector<128x256xf32>
    %dot_general3A_186 = arith.constant dense<0.000000e+00> : vector<256x128xf32>
    %dot_general3A_187 = tpu.matmul %concatenate3A_182, %get3A_185, %dot_general3A_186 {dimension_numbers = #tpu.dot_dimension_numbers<[1], [1], [0], [0], [0, 0, 1, 0], [], []>, transpose_lhs_hint = false} : vector<256x256xf32>, vector<128x256xf32>, vector<256x128xf32> -> vector<256x128xf32>
    %max3A_188 = arith.maximumf %max3A_166, %dot_general3A_187 : vector<256x128xf32>
    %reduce_sum3A_189 = arith.constant dense<0.000000e+00> : vector<128xf32>
    %reduce_sum3A_190 = vector.multi_reduction <add>, %dot_general3A_187, %reduce_sum3A_189 [0] : vector<256x128xf32> to vector<128xf32>
    %broadcast_in_dim3A_191 = vector.shape_cast %reduce_sum3A_190 : vector<128xf32> to vector<1x128xf32>
    %add3A_192 = arith.addf %add3A_170, %broadcast_in_dim3A_191 : vector<1x128xf32>
    %mul3A_193 = arith.mulf %dot_general3A_187, %dot_general3A_187 : vector<256x128xf32>
    %reduce_sum3A_194 = arith.constant dense<0.000000e+00> : vector<128xf32>
    %reduce_sum3A_195 = vector.multi_reduction <add>, %mul3A_193, %reduce_sum3A_194 [0] : vector<256x128xf32> to vector<128xf32>
    %broadcast_in_dim3A_196 = vector.shape_cast %reduce_sum3A_195 : vector<128xf32> to vector<1x128xf32>
    %add3A_197 = arith.addf %add3A_175, %broadcast_in_dim3A_196 : vector<1x128xf32>
    %get3A_198 = arith.constant 9 : index
    %get3A_199 = arith.constant 0 : index
    %get3A_200 = arith.constant 0 : index
    %get3A_201 = vector.load %arg1[%get3A_198, %get3A_199, %get3A_200] : memref<20x256x128xf32, #tpu.memory_space<vmem>>, vector<1x256x128xf32>
    %get3A_202 = vector.shape_cast %get3A_201 : vector<1x256x128xf32> to vector<256x128xf32>
    %sub3A_203 = arith.subf %get3A_202, %get3A_1 : vector<256x128xf32>
    %concatenate3A_204 = tpu.concatenate %sub3A_203, %get3A_1 in 1 : vector<256x128xf32>, vector<256x128xf32> -> vector<256x256xf32>
    %get3A_205 = arith.constant 0 : index
    %get3A_206 = arith.constant 0 : index
    %get3A_207 = vector.load %arg3[%get3A_205, %get3A_206] : memref<128x256xf32, #tpu.memory_space<vmem>>, vector<128x256xf32>
    %dot_general3A_208 = arith.constant dense<0.000000e+00> : vector<256x128xf32>
    %dot_general3A_209 = tpu.matmul %concatenate3A_204, %get3A_207, %dot_general3A_208 {dimension_numbers = #tpu.dot_dimension_numbers<[1], [1], [0], [0], [0, 0, 1, 0], [], []>, transpose_lhs_hint = false} : vector<256x256xf32>, vector<128x256xf32>, vector<256x128xf32> -> vector<256x128xf32>
    %max3A_210 = arith.maximumf %max3A_188, %dot_general3A_209 : vector<256x128xf32>
    %reduce_sum3A_211 = arith.constant dense<0.000000e+00> : vector<128xf32>
    %reduce_sum3A_212 = vector.multi_reduction <add>, %dot_general3A_209, %reduce_sum3A_211 [0] : vector<256x128xf32> to vector<128xf32>
    %broadcast_in_dim3A_213 = vector.shape_cast %reduce_sum3A_212 : vector<128xf32> to vector<1x128xf32>
    %add3A_214 = arith.addf %add3A_192, %broadcast_in_dim3A_213 : vector<1x128xf32>
    %mul3A_215 = arith.mulf %dot_general3A_209, %dot_general3A_209 : vector<256x128xf32>
    %reduce_sum3A_216 = arith.constant dense<0.000000e+00> : vector<128xf32>
    %reduce_sum3A_217 = vector.multi_reduction <add>, %mul3A_215, %reduce_sum3A_216 [0] : vector<256x128xf32> to vector<128xf32>
    %broadcast_in_dim3A_218 = vector.shape_cast %reduce_sum3A_217 : vector<128xf32> to vector<1x128xf32>
    %add3A_219 = arith.addf %add3A_197, %broadcast_in_dim3A_218 : vector<1x128xf32>
    %get3A_220 = arith.constant 10 : index
    %get3A_221 = arith.constant 0 : index
    %get3A_222 = arith.constant 0 : index
    %get3A_223 = vector.load %arg1[%get3A_220, %get3A_221, %get3A_222] : memref<20x256x128xf32, #tpu.memory_space<vmem>>, vector<1x256x128xf32>
    %get3A_224 = vector.shape_cast %get3A_223 : vector<1x256x128xf32> to vector<256x128xf32>
    %sub3A_225 = arith.subf %get3A_224, %get3A_1 : vector<256x128xf32>
    %concatenate3A_226 = tpu.concatenate %sub3A_225, %get3A_1 in 1 : vector<256x128xf32>, vector<256x128xf32> -> vector<256x256xf32>
    %get3A_227 = arith.constant 0 : index
    %get3A_228 = arith.constant 0 : index
    %get3A_229 = vector.load %arg3[%get3A_227, %get3A_228] : memref<128x256xf32, #tpu.memory_space<vmem>>, vector<128x256xf32>
    %dot_general3A_230 = arith.constant dense<0.000000e+00> : vector<256x128xf32>
    %dot_general3A_231 = tpu.matmul %concatenate3A_226, %get3A_229, %dot_general3A_230 {dimension_numbers = #tpu.dot_dimension_numbers<[1], [1], [0], [0], [0, 0, 1, 0], [], []>, transpose_lhs_hint = false} : vector<256x256xf32>, vector<128x256xf32>, vector<256x128xf32> -> vector<256x128xf32>
    %max3A_232 = arith.maximumf %max3A_210, %dot_general3A_231 : vector<256x128xf32>
    %reduce_sum3A_233 = arith.constant dense<0.000000e+00> : vector<128xf32>
    %reduce_sum3A_234 = vector.multi_reduction <add>, %dot_general3A_231, %reduce_sum3A_233 [0] : vector<256x128xf32> to vector<128xf32>
    %broadcast_in_dim3A_235 = vector.shape_cast %reduce_sum3A_234 : vector<128xf32> to vector<1x128xf32>
    %add3A_236 = arith.addf %add3A_214, %broadcast_in_dim3A_235 : vector<1x128xf32>
    %mul3A_237 = arith.mulf %dot_general3A_231, %dot_general3A_231 : vector<256x128xf32>
    %reduce_sum3A_238 = arith.constant dense<0.000000e+00> : vector<128xf32>
    %reduce_sum3A_239 = vector.multi_reduction <add>, %mul3A_237, %reduce_sum3A_238 [0] : vector<256x128xf32> to vector<128xf32>
    %broadcast_in_dim3A_240 = vector.shape_cast %reduce_sum3A_239 : vector<128xf32> to vector<1x128xf32>
    %add3A_241 = arith.addf %add3A_219, %broadcast_in_dim3A_240 : vector<1x128xf32>
    %get3A_242 = arith.constant 11 : index
    %get3A_243 = arith.constant 0 : index
    %get3A_244 = arith.constant 0 : index
    %get3A_245 = vector.load %arg1[%get3A_242, %get3A_243, %get3A_244] : memref<20x256x128xf32, #tpu.memory_space<vmem>>, vector<1x256x128xf32>
    %get3A_246 = vector.shape_cast %get3A_245 : vector<1x256x128xf32> to vector<256x128xf32>
    %sub3A_247 = arith.subf %get3A_246, %get3A_1 : vector<256x128xf32>
    %concatenate3A_248 = tpu.concatenate %sub3A_247, %get3A_1 in 1 : vector<256x128xf32>, vector<256x128xf32> -> vector<256x256xf32>
    %get3A_249 = arith.constant 0 : index
    %get3A_250 = arith.constant 0 : index
    %get3A_251 = vector.load %arg3[%get3A_249, %get3A_250] : memref<128x256xf32, #tpu.memory_space<vmem>>, vector<128x256xf32>
    %dot_general3A_252 = arith.constant dense<0.000000e+00> : vector<256x128xf32>
    %dot_general3A_253 = tpu.matmul %concatenate3A_248, %get3A_251, %dot_general3A_252 {dimension_numbers = #tpu.dot_dimension_numbers<[1], [1], [0], [0], [0, 0, 1, 0], [], []>, transpose_lhs_hint = false} : vector<256x256xf32>, vector<128x256xf32>, vector<256x128xf32> -> vector<256x128xf32>
    %max3A_254 = arith.maximumf %max3A_232, %dot_general3A_253 : vector<256x128xf32>
    %reduce_sum3A_255 = arith.constant dense<0.000000e+00> : vector<128xf32>
    %reduce_sum3A_256 = vector.multi_reduction <add>, %dot_general3A_253, %reduce_sum3A_255 [0] : vector<256x128xf32> to vector<128xf32>
    %broadcast_in_dim3A_257 = vector.shape_cast %reduce_sum3A_256 : vector<128xf32> to vector<1x128xf32>
    %add3A_258 = arith.addf %add3A_236, %broadcast_in_dim3A_257 : vector<1x128xf32>
    %mul3A_259 = arith.mulf %dot_general3A_253, %dot_general3A_253 : vector<256x128xf32>
    %reduce_sum3A_260 = arith.constant dense<0.000000e+00> : vector<128xf32>
    %reduce_sum3A_261 = vector.multi_reduction <add>, %mul3A_259, %reduce_sum3A_260 [0] : vector<256x128xf32> to vector<128xf32>
    %broadcast_in_dim3A_262 = vector.shape_cast %reduce_sum3A_261 : vector<128xf32> to vector<1x128xf32>
    %add3A_263 = arith.addf %add3A_241, %broadcast_in_dim3A_262 : vector<1x128xf32>
    %get3A_264 = arith.constant 12 : index
    %get3A_265 = arith.constant 0 : index
    %get3A_266 = arith.constant 0 : index
    %get3A_267 = vector.load %arg1[%get3A_264, %get3A_265, %get3A_266] : memref<20x256x128xf32, #tpu.memory_space<vmem>>, vector<1x256x128xf32>
    %get3A_268 = vector.shape_cast %get3A_267 : vector<1x256x128xf32> to vector<256x128xf32>
    %sub3A_269 = arith.subf %get3A_268, %get3A_1 : vector<256x128xf32>
    %concatenate3A_270 = tpu.concatenate %sub3A_269, %get3A_1 in 1 : vector<256x128xf32>, vector<256x128xf32> -> vector<256x256xf32>
    %get3A_271 = arith.constant 0 : index
    %get3A_272 = arith.constant 0 : index
    %get3A_273 = vector.load %arg3[%get3A_271, %get3A_272] : memref<128x256xf32, #tpu.memory_space<vmem>>, vector<128x256xf32>
    %dot_general3A_274 = arith.constant dense<0.000000e+00> : vector<256x128xf32>
    %dot_general3A_275 = tpu.matmul %concatenate3A_270, %get3A_273, %dot_general3A_274 {dimension_numbers = #tpu.dot_dimension_numbers<[1], [1], [0], [0], [0, 0, 1, 0], [], []>, transpose_lhs_hint = false} : vector<256x256xf32>, vector<128x256xf32>, vector<256x128xf32> -> vector<256x128xf32>
    %max3A_276 = arith.maximumf %max3A_254, %dot_general3A_275 : vector<256x128xf32>
    %reduce_sum3A_277 = arith.constant dense<0.000000e+00> : vector<128xf32>
    %reduce_sum3A_278 = vector.multi_reduction <add>, %dot_general3A_275, %reduce_sum3A_277 [0] : vector<256x128xf32> to vector<128xf32>
    %broadcast_in_dim3A_279 = vector.shape_cast %reduce_sum3A_278 : vector<128xf32> to vector<1x128xf32>
    %add3A_280 = arith.addf %add3A_258, %broadcast_in_dim3A_279 : vector<1x128xf32>
    %mul3A_281 = arith.mulf %dot_general3A_275, %dot_general3A_275 : vector<256x128xf32>
    %reduce_sum3A_282 = arith.constant dense<0.000000e+00> : vector<128xf32>
    %reduce_sum3A_283 = vector.multi_reduction <add>, %mul3A_281, %reduce_sum3A_282 [0] : vector<256x128xf32> to vector<128xf32>
    %broadcast_in_dim3A_284 = vector.shape_cast %reduce_sum3A_283 : vector<128xf32> to vector<1x128xf32>
    %add3A_285 = arith.addf %add3A_263, %broadcast_in_dim3A_284 : vector<1x128xf32>
    %get3A_286 = arith.constant 13 : index
    %get3A_287 = arith.constant 0 : index
    %get3A_288 = arith.constant 0 : index
    %get3A_289 = vector.load %arg1[%get3A_286, %get3A_287, %get3A_288] : memref<20x256x128xf32, #tpu.memory_space<vmem>>, vector<1x256x128xf32>
    %get3A_290 = vector.shape_cast %get3A_289 : vector<1x256x128xf32> to vector<256x128xf32>
    %sub3A_291 = arith.subf %get3A_290, %get3A_1 : vector<256x128xf32>
    %concatenate3A_292 = tpu.concatenate %sub3A_291, %get3A_1 in 1 : vector<256x128xf32>, vector<256x128xf32> -> vector<256x256xf32>
    %get3A_293 = arith.constant 0 : index
    %get3A_294 = arith.constant 0 : index
    %get3A_295 = vector.load %arg3[%get3A_293, %get3A_294] : memref<128x256xf32, #tpu.memory_space<vmem>>, vector<128x256xf32>
    %dot_general3A_296 = arith.constant dense<0.000000e+00> : vector<256x128xf32>
    %dot_general3A_297 = tpu.matmul %concatenate3A_292, %get3A_295, %dot_general3A_296 {dimension_numbers = #tpu.dot_dimension_numbers<[1], [1], [0], [0], [0, 0, 1, 0], [], []>, transpose_lhs_hint = false} : vector<256x256xf32>, vector<128x256xf32>, vector<256x128xf32> -> vector<256x128xf32>
    %max3A_298 = arith.maximumf %max3A_276, %dot_general3A_297 : vector<256x128xf32>
    %reduce_sum3A_299 = arith.constant dense<0.000000e+00> : vector<128xf32>
    %reduce_sum3A_300 = vector.multi_reduction <add>, %dot_general3A_297, %reduce_sum3A_299 [0] : vector<256x128xf32> to vector<128xf32>
    %broadcast_in_dim3A_301 = vector.shape_cast %reduce_sum3A_300 : vector<128xf32> to vector<1x128xf32>
    %add3A_302 = arith.addf %add3A_280, %broadcast_in_dim3A_301 : vector<1x128xf32>
    %mul3A_303 = arith.mulf %dot_general3A_297, %dot_general3A_297 : vector<256x128xf32>
    %reduce_sum3A_304 = arith.constant dense<0.000000e+00> : vector<128xf32>
    %reduce_sum3A_305 = vector.multi_reduction <add>, %mul3A_303, %reduce_sum3A_304 [0] : vector<256x128xf32> to vector<128xf32>
    %broadcast_in_dim3A_306 = vector.shape_cast %reduce_sum3A_305 : vector<128xf32> to vector<1x128xf32>
    %add3A_307 = arith.addf %add3A_285, %broadcast_in_dim3A_306 : vector<1x128xf32>
    %get3A_308 = arith.constant 14 : index
    %get3A_309 = arith.constant 0 : index
    %get3A_310 = arith.constant 0 : index
    %get3A_311 = vector.load %arg1[%get3A_308, %get3A_309, %get3A_310] : memref<20x256x128xf32, #tpu.memory_space<vmem>>, vector<1x256x128xf32>
    %get3A_312 = vector.shape_cast %get3A_311 : vector<1x256x128xf32> to vector<256x128xf32>
    %sub3A_313 = arith.subf %get3A_312, %get3A_1 : vector<256x128xf32>
    %concatenate3A_314 = tpu.concatenate %sub3A_313, %get3A_1 in 1 : vector<256x128xf32>, vector<256x128xf32> -> vector<256x256xf32>
    %get3A_315 = arith.constant 0 : index
    %get3A_316 = arith.constant 0 : index
    %get3A_317 = vector.load %arg3[%get3A_315, %get3A_316] : memref<128x256xf32, #tpu.memory_space<vmem>>, vector<128x256xf32>
    %dot_general3A_318 = arith.constant dense<0.000000e+00> : vector<256x128xf32>
    %dot_general3A_319 = tpu.matmul %concatenate3A_314, %get3A_317, %dot_general3A_318 {dimension_numbers = #tpu.dot_dimension_numbers<[1], [1], [0], [0], [0, 0, 1, 0], [], []>, transpose_lhs_hint = false} : vector<256x256xf32>, vector<128x256xf32>, vector<256x128xf32> -> vector<256x128xf32>
    %max3A_320 = arith.maximumf %max3A_298, %dot_general3A_319 : vector<256x128xf32>
    %reduce_sum3A_321 = arith.constant dense<0.000000e+00> : vector<128xf32>
    %reduce_sum3A_322 = vector.multi_reduction <add>, %dot_general3A_319, %reduce_sum3A_321 [0] : vector<256x128xf32> to vector<128xf32>
    %broadcast_in_dim3A_323 = vector.shape_cast %reduce_sum3A_322 : vector<128xf32> to vector<1x128xf32>
    %add3A_324 = arith.addf %add3A_302, %broadcast_in_dim3A_323 : vector<1x128xf32>
    %mul3A_325 = arith.mulf %dot_general3A_319, %dot_general3A_319 : vector<256x128xf32>
    %reduce_sum3A_326 = arith.constant dense<0.000000e+00> : vector<128xf32>
    %reduce_sum3A_327 = vector.multi_reduction <add>, %mul3A_325, %reduce_sum3A_326 [0] : vector<256x128xf32> to vector<128xf32>
    %broadcast_in_dim3A_328 = vector.shape_cast %reduce_sum3A_327 : vector<128xf32> to vector<1x128xf32>
    %add3A_329 = arith.addf %add3A_307, %broadcast_in_dim3A_328 : vector<1x128xf32>
    %get3A_330 = arith.constant 15 : index
    %get3A_331 = arith.constant 0 : index
    %get3A_332 = arith.constant 0 : index
    %get3A_333 = vector.load %arg1[%get3A_330, %get3A_331, %get3A_332] : memref<20x256x128xf32, #tpu.memory_space<vmem>>, vector<1x256x128xf32>
    %get3A_334 = vector.shape_cast %get3A_333 : vector<1x256x128xf32> to vector<256x128xf32>
    %sub3A_335 = arith.subf %get3A_334, %get3A_1 : vector<256x128xf32>
    %concatenate3A_336 = tpu.concatenate %sub3A_335, %get3A_1 in 1 : vector<256x128xf32>, vector<256x128xf32> -> vector<256x256xf32>
    %get3A_337 = arith.constant 0 : index
    %get3A_338 = arith.constant 0 : index
    %get3A_339 = vector.load %arg3[%get3A_337, %get3A_338] : memref<128x256xf32, #tpu.memory_space<vmem>>, vector<128x256xf32>
    %dot_general3A_340 = arith.constant dense<0.000000e+00> : vector<256x128xf32>
    %dot_general3A_341 = tpu.matmul %concatenate3A_336, %get3A_339, %dot_general3A_340 {dimension_numbers = #tpu.dot_dimension_numbers<[1], [1], [0], [0], [0, 0, 1, 0], [], []>, transpose_lhs_hint = false} : vector<256x256xf32>, vector<128x256xf32>, vector<256x128xf32> -> vector<256x128xf32>
    %max3A_342 = arith.maximumf %max3A_320, %dot_general3A_341 : vector<256x128xf32>
    %reduce_sum3A_343 = arith.constant dense<0.000000e+00> : vector<128xf32>
    %reduce_sum3A_344 = vector.multi_reduction <add>, %dot_general3A_341, %reduce_sum3A_343 [0] : vector<256x128xf32> to vector<128xf32>
    %broadcast_in_dim3A_345 = vector.shape_cast %reduce_sum3A_344 : vector<128xf32> to vector<1x128xf32>
    %add3A_346 = arith.addf %add3A_324, %broadcast_in_dim3A_345 : vector<1x128xf32>
    %mul3A_347 = arith.mulf %dot_general3A_341, %dot_general3A_341 : vector<256x128xf32>
    %reduce_sum3A_348 = arith.constant dense<0.000000e+00> : vector<128xf32>
    %reduce_sum3A_349 = vector.multi_reduction <add>, %mul3A_347, %reduce_sum3A_348 [0] : vector<256x128xf32> to vector<128xf32>
    %broadcast_in_dim3A_350 = vector.shape_cast %reduce_sum3A_349 : vector<128xf32> to vector<1x128xf32>
    %add3A_351 = arith.addf %add3A_329, %broadcast_in_dim3A_350 : vector<1x128xf32>
    %get3A_352 = arith.constant 16 : index
    %get3A_353 = arith.constant 0 : index
    %get3A_354 = arith.constant 0 : index
    %get3A_355 = vector.load %arg1[%get3A_352, %get3A_353, %get3A_354] : memref<20x256x128xf32, #tpu.memory_space<vmem>>, vector<1x256x128xf32>
    %get3A_356 = vector.shape_cast %get3A_355 : vector<1x256x128xf32> to vector<256x128xf32>
    %sub3A_357 = arith.subf %get3A_356, %get3A_1 : vector<256x128xf32>
    %concatenate3A_358 = tpu.concatenate %sub3A_357, %get3A_1 in 1 : vector<256x128xf32>, vector<256x128xf32> -> vector<256x256xf32>
    %get3A_359 = arith.constant 0 : index
    %get3A_360 = arith.constant 0 : index
    %get3A_361 = vector.load %arg3[%get3A_359, %get3A_360] : memref<128x256xf32, #tpu.memory_space<vmem>>, vector<128x256xf32>
    %dot_general3A_362 = arith.constant dense<0.000000e+00> : vector<256x128xf32>
    %dot_general3A_363 = tpu.matmul %concatenate3A_358, %get3A_361, %dot_general3A_362 {dimension_numbers = #tpu.dot_dimension_numbers<[1], [1], [0], [0], [0, 0, 1, 0], [], []>, transpose_lhs_hint = false} : vector<256x256xf32>, vector<128x256xf32>, vector<256x128xf32> -> vector<256x128xf32>
    %max3A_364 = arith.maximumf %max3A_342, %dot_general3A_363 : vector<256x128xf32>
    %reduce_sum3A_365 = arith.constant dense<0.000000e+00> : vector<128xf32>
    %reduce_sum3A_366 = vector.multi_reduction <add>, %dot_general3A_363, %reduce_sum3A_365 [0] : vector<256x128xf32> to vector<128xf32>
    %broadcast_in_dim3A_367 = vector.shape_cast %reduce_sum3A_366 : vector<128xf32> to vector<1x128xf32>
    %add3A_368 = arith.addf %add3A_346, %broadcast_in_dim3A_367 : vector<1x128xf32>
    %mul3A_369 = arith.mulf %dot_general3A_363, %dot_general3A_363 : vector<256x128xf32>
    %reduce_sum3A_370 = arith.constant dense<0.000000e+00> : vector<128xf32>
    %reduce_sum3A_371 = vector.multi_reduction <add>, %mul3A_369, %reduce_sum3A_370 [0] : vector<256x128xf32> to vector<128xf32>
    %broadcast_in_dim3A_372 = vector.shape_cast %reduce_sum3A_371 : vector<128xf32> to vector<1x128xf32>
    %add3A_373 = arith.addf %add3A_351, %broadcast_in_dim3A_372 : vector<1x128xf32>
    %get3A_374 = arith.constant 17 : index
    %get3A_375 = arith.constant 0 : index
    %get3A_376 = arith.constant 0 : index
    %get3A_377 = vector.load %arg1[%get3A_374, %get3A_375, %get3A_376] : memref<20x256x128xf32, #tpu.memory_space<vmem>>, vector<1x256x128xf32>
    %get3A_378 = vector.shape_cast %get3A_377 : vector<1x256x128xf32> to vector<256x128xf32>
    %sub3A_379 = arith.subf %get3A_378, %get3A_1 : vector<256x128xf32>
    %concatenate3A_380 = tpu.concatenate %sub3A_379, %get3A_1 in 1 : vector<256x128xf32>, vector<256x128xf32> -> vector<256x256xf32>
    %get3A_381 = arith.constant 0 : index
    %get3A_382 = arith.constant 0 : index
    %get3A_383 = vector.load %arg3[%get3A_381, %get3A_382] : memref<128x256xf32, #tpu.memory_space<vmem>>, vector<128x256xf32>
    %dot_general3A_384 = arith.constant dense<0.000000e+00> : vector<256x128xf32>
    %dot_general3A_385 = tpu.matmul %concatenate3A_380, %get3A_383, %dot_general3A_384 {dimension_numbers = #tpu.dot_dimension_numbers<[1], [1], [0], [0], [0, 0, 1, 0], [], []>, transpose_lhs_hint = false} : vector<256x256xf32>, vector<128x256xf32>, vector<256x128xf32> -> vector<256x128xf32>
    %max3A_386 = arith.maximumf %max3A_364, %dot_general3A_385 : vector<256x128xf32>
    %reduce_sum3A_387 = arith.constant dense<0.000000e+00> : vector<128xf32>
    %reduce_sum3A_388 = vector.multi_reduction <add>, %dot_general3A_385, %reduce_sum3A_387 [0] : vector<256x128xf32> to vector<128xf32>
    %broadcast_in_dim3A_389 = vector.shape_cast %reduce_sum3A_388 : vector<128xf32> to vector<1x128xf32>
    %add3A_390 = arith.addf %add3A_368, %broadcast_in_dim3A_389 : vector<1x128xf32>
    %mul3A_391 = arith.mulf %dot_general3A_385, %dot_general3A_385 : vector<256x128xf32>
    %reduce_sum3A_392 = arith.constant dense<0.000000e+00> : vector<128xf32>
    %reduce_sum3A_393 = vector.multi_reduction <add>, %mul3A_391, %reduce_sum3A_392 [0] : vector<256x128xf32> to vector<128xf32>
    %broadcast_in_dim3A_394 = vector.shape_cast %reduce_sum3A_393 : vector<128xf32> to vector<1x128xf32>
    %add3A_395 = arith.addf %add3A_373, %broadcast_in_dim3A_394 : vector<1x128xf32>
    %get3A_396 = arith.constant 18 : index
    %get3A_397 = arith.constant 0 : index
    %get3A_398 = arith.constant 0 : index
    %get3A_399 = vector.load %arg1[%get3A_396, %get3A_397, %get3A_398] : memref<20x256x128xf32, #tpu.memory_space<vmem>>, vector<1x256x128xf32>
    %get3A_400 = vector.shape_cast %get3A_399 : vector<1x256x128xf32> to vector<256x128xf32>
    %sub3A_401 = arith.subf %get3A_400, %get3A_1 : vector<256x128xf32>
    %concatenate3A_402 = tpu.concatenate %sub3A_401, %get3A_1 in 1 : vector<256x128xf32>, vector<256x128xf32> -> vector<256x256xf32>
    %get3A_403 = arith.constant 0 : index
    %get3A_404 = arith.constant 0 : index
    %get3A_405 = vector.load %arg3[%get3A_403, %get3A_404] : memref<128x256xf32, #tpu.memory_space<vmem>>, vector<128x256xf32>
    %dot_general3A_406 = arith.constant dense<0.000000e+00> : vector<256x128xf32>
    %dot_general3A_407 = tpu.matmul %concatenate3A_402, %get3A_405, %dot_general3A_406 {dimension_numbers = #tpu.dot_dimension_numbers<[1], [1], [0], [0], [0, 0, 1, 0], [], []>, transpose_lhs_hint = false} : vector<256x256xf32>, vector<128x256xf32>, vector<256x128xf32> -> vector<256x128xf32>
    %max3A_408 = arith.maximumf %max3A_386, %dot_general3A_407 : vector<256x128xf32>
    %reduce_sum3A_409 = arith.constant dense<0.000000e+00> : vector<128xf32>
    %reduce_sum3A_410 = vector.multi_reduction <add>, %dot_general3A_407, %reduce_sum3A_409 [0] : vector<256x128xf32> to vector<128xf32>
    %broadcast_in_dim3A_411 = vector.shape_cast %reduce_sum3A_410 : vector<128xf32> to vector<1x128xf32>
    %add3A_412 = arith.addf %add3A_390, %broadcast_in_dim3A_411 : vector<1x128xf32>
    %mul3A_413 = arith.mulf %dot_general3A_407, %dot_general3A_407 : vector<256x128xf32>
    %reduce_sum3A_414 = arith.constant dense<0.000000e+00> : vector<128xf32>
    %reduce_sum3A_415 = vector.multi_reduction <add>, %mul3A_413, %reduce_sum3A_414 [0] : vector<256x128xf32> to vector<128xf32>
    %broadcast_in_dim3A_416 = vector.shape_cast %reduce_sum3A_415 : vector<128xf32> to vector<1x128xf32>
    %add3A_417 = arith.addf %add3A_395, %broadcast_in_dim3A_416 : vector<1x128xf32>
    %get3A_418 = arith.constant 19 : index
    %get3A_419 = arith.constant 0 : index
    %get3A_420 = arith.constant 0 : index
    %get3A_421 = vector.load %arg1[%get3A_418, %get3A_419, %get3A_420] : memref<20x256x128xf32, #tpu.memory_space<vmem>>, vector<1x256x128xf32>
    %get3A_422 = vector.shape_cast %get3A_421 : vector<1x256x128xf32> to vector<256x128xf32>
    %sub3A_423 = arith.subf %get3A_422, %get3A_1 : vector<256x128xf32>
    %concatenate3A_424 = tpu.concatenate %sub3A_423, %get3A_1 in 1 : vector<256x128xf32>, vector<256x128xf32> -> vector<256x256xf32>
    %get3A_425 = arith.constant 0 : index
    %get3A_426 = arith.constant 0 : index
    %get3A_427 = vector.load %arg3[%get3A_425, %get3A_426] : memref<128x256xf32, #tpu.memory_space<vmem>>, vector<128x256xf32>
    %dot_general3A_428 = arith.constant dense<0.000000e+00> : vector<256x128xf32>
    %dot_general3A_429 = tpu.matmul %concatenate3A_424, %get3A_427, %dot_general3A_428 {dimension_numbers = #tpu.dot_dimension_numbers<[1], [1], [0], [0], [0, 0, 1, 0], [], []>, transpose_lhs_hint = false} : vector<256x256xf32>, vector<128x256xf32>, vector<256x128xf32> -> vector<256x128xf32>
    %max3A_430 = arith.maximumf %max3A_408, %dot_general3A_429 : vector<256x128xf32>
    %reduce_sum3A_431 = arith.constant dense<0.000000e+00> : vector<128xf32>
    %reduce_sum3A_432 = vector.multi_reduction <add>, %dot_general3A_429, %reduce_sum3A_431 [0] : vector<256x128xf32> to vector<128xf32>
    %broadcast_in_dim3A_433 = vector.shape_cast %reduce_sum3A_432 : vector<128xf32> to vector<1x128xf32>
    %add3A_434 = arith.addf %add3A_412, %broadcast_in_dim3A_433 : vector<1x128xf32>
    %mul3A_435 = arith.mulf %dot_general3A_429, %dot_general3A_429 : vector<256x128xf32>
    %reduce_sum3A_436 = arith.constant dense<0.000000e+00> : vector<128xf32>
    %reduce_sum3A_437 = vector.multi_reduction <add>, %mul3A_435, %reduce_sum3A_436 [0] : vector<256x128xf32> to vector<128xf32>
    %broadcast_in_dim3A_438 = vector.shape_cast %reduce_sum3A_437 : vector<128xf32> to vector<1x128xf32>
    %add3A_439 = arith.addf %add3A_417, %broadcast_in_dim3A_438 : vector<1x128xf32>
    %swap3A = arith.constant 0 : index
    %swap3A_440 = arith.constant 0 : index
    %swap3A_441 = vector.load %arg6[%swap3A, %swap3A_440] : memref<256x128xf32, #tpu.memory_space<vmem>>, vector<256x128xf32>
    tpu.vector_store %arg6[%swap3A, %swap3A_440], %max3A_430 {strides = array<i32>} : memref<256x128xf32, #tpu.memory_space<vmem>>, vector<256x128xf32>,
    %eq3A = arith.constant 0 : i32
    %eq3A_442 = arith.cmpi eq, %arg0, %eq3A : i32
    %convert_element_type3A = arith.extui %eq3A_442 : i1 to i32
    %cond3A = arith.constant 0 : i32
    %cond3A_443 = arith.cmpi ne, %convert_element_type3A, %cond3A : i32
    scf.if %cond3A_443 {
      %broadcast_in_dim3A_462 = arith.constant 0.000000e+00 : f32
      %broadcast_in_dim3A_463 = vector.broadcast %broadcast_in_dim3A_462 : f32 to vector<8x128xf32>
      %swap3A_464 = arith.constant 0 : index
      %swap3A_465 = arith.constant 0 : index
      %swap3A_466 = vector.load %arg7[%swap3A_464, %swap3A_465] : memref<8x128xf32, #tpu.memory_space<vmem>>, vector<8x128xf32>
      tpu.vector_store %arg7[%swap3A_464, %swap3A_465], %broadcast_in_dim3A_463 {strides = array<i32>} : memref<8x128xf32, #tpu.memory_space<vmem>>, vector<8x128xf32>,
      %broadcast_in_dim3A_467 = arith.constant 0.000000e+00 : f32
      %broadcast_in_dim3A_468 = vector.broadcast %broadcast_in_dim3A_467 : f32 to vector<8x128xf32>
      %swap3A_469 = arith.constant 0 : index
      %swap3A_470 = arith.constant 0 : index
      %swap3A_471 = vector.load %arg8[%swap3A_469, %swap3A_470] : memref<8x128xf32, #tpu.memory_space<vmem>>, vector<8x128xf32>
      tpu.vector_store %arg8[%swap3A_469, %swap3A_470], %broadcast_in_dim3A_468 {strides = array<i32>} : memref<8x128xf32, #tpu.memory_space<vmem>>, vector<8x128xf32>,
    } else {
    }
    %get3A_444 = arith.constant 0 : index
    %get3A_445 = arith.constant 0 : index
    %get3A_446 = vector.load %arg7[%get3A_444, %get3A_445] : memref<8x128xf32, #tpu.memory_space<vmem>>, vector<8x128xf32>
    %broadcast_in_dim3A_447 = vector.shape_cast %add3A_434 : vector<1x128xf32> to vector<1x128xf32>
    %broadcast_in_dim3A_448 = vector.broadcast %broadcast_in_dim3A_447 : vector<1x128xf32> to vector<8x128xf32>
    %add3A_449 = arith.addf %get3A_446, %broadcast_in_dim3A_448 : vector<8x128xf32>
    %swap3A_450 = arith.constant 0 : index
    %swap3A_451 = arith.constant 0 : index
    %swap3A_452 = vector.load %arg7[%swap3A_450, %swap3A_451] : memref<8x128xf32, #tpu.memory_space<vmem>>, vector<8x128xf32>
    tpu.vector_store %arg7[%swap3A_450, %swap3A_451], %add3A_449 {strides = array<i32>} : memref<8x128xf32, #tpu.memory_space<vmem>>, vector<8x128xf32>,
    %get3A_453 = arith.constant 0 : index
    %get3A_454 = arith.constant 0 : index
    %get3A_455 = vector.load %arg8[%get3A_453, %get3A_454] : memref<8x128xf32, #tpu.memory_space<vmem>>, vector<8x128xf32>
    %broadcast_in_dim3A_456 = vector.shape_cast %add3A_439 : vector<1x128xf32> to vector<1x128xf32>
    %broadcast_in_dim3A_457 = vector.broadcast %broadcast_in_dim3A_456 : vector<1x128xf32> to vector<8x128xf32>
    %add3A_458 = arith.addf %get3A_455, %broadcast_in_dim3A_457 : vector<8x128xf32>
    %swap3A_459 = arith.constant 0 : index
    %swap3A_460 = arith.constant 0 : index
    %swap3A_461 = vector.load %arg8[%swap3A_459, %swap3A_460] : memref<8x128xf32, #tpu.memory_space<vmem>>, vector<8x128xf32>
    tpu.vector_store %arg8[%swap3A_459, %swap3A_460], %add3A_458 {strides = array<i32>} : memref<8x128xf32, #tpu.memory_space<vmem>>, vector<8x128xf32>,
    return
  }
  func.func @transform_0(%arg0: i32) -> (i32, i32, i32) {
    %c0_i32 = arith.constant 0 : i32
    %c0_i32_0 = arith.constant 0 : i32
    %c0_i32_1 = arith.constant 0 : i32
    return %c0_i32, %arg0, %c0_i32_0 : i32, i32, i32
  }
  func.func @transform_1(%arg0: i32) -> (i32, i32) {
    %c0_i32 = arith.constant 0 : i32
    %c0_i32_0 = arith.constant 0 : i32
    return %arg0, %c0_i32 : i32, i32
  }
  func.func @transform_2(%arg0: i32) -> (i32, i32) {
    %c0_i32 = arith.constant 0 : i32
    %c0_i32_0 = arith.constant 0 : i32
    %c0_i32_1 = arith.constant 0 : i32
    return %c0_i32, %c0_i32_0 : i32, i32
  }
  func.func @transform_3(%arg0: i32) -> (i32, i32) {
    %c0_i32 = arith.constant 0 : i32
    %c0_i32_0 = arith.constant 0 : i32
    %c0_i32_1 = arith.constant 0 : i32
    return %c0_i32, %c0_i32_0 : i32, i32
  }
  func.func @transform_4(%arg0: i32) -> (i32, i32) {
    %c0_i32 = arith.constant 0 : i32
    %c0_i32_0 = arith.constant 0 : i32
    %c0_i32_1 = arith.constant 0 : i32
    return %c0_i32, %c0_i32_0 : i32, i32
  }
  func.func @transform_5(%arg0: i32) -> (i32, i32) {
    %c0_i32 = arith.constant 0 : i32
    %c0_i32_0 = arith.constant 0 : i32
    return %arg0, %c0_i32 : i32, i32
  }
  func.func @transform_6(%arg0: i32) -> (i32, i32) {
    %c0_i32 = arith.constant 0 : i32
    %c0_i32_0 = arith.constant 0 : i32
    %c0_i32_1 = arith.constant 0 : i32
    return %c0_i32, %c0_i32_0 : i32, i32
  }
  func.func @transform_7(%arg0: i32) -> (i32, i32) {
    %c0_i32 = arith.constant 0 : i32
    %c0_i32_0 = arith.constant 0 : i32
    %c0_i32_1 = arith.constant 0 : i32
    return %c0_i32, %c0_i32_0 : i32, i32
  }
}

module attributes {stable_mosaic.version = 14 : i64} {
  func.func @_edge_body(%arg0: i32, %arg1: memref<20x256x128xf32, #tpu.memory_space<vmem>>, %arg2: memref<256x128xf32, #tpu.memory_space<vmem>>, %arg3: memref<128x256xf32, #tpu.memory_space<vmem>>, %arg4: memref<1x128xf32, #tpu.memory_space<vmem>>, %arg5: memref<1x128xf32, #tpu.memory_space<vmem>>, %arg6: memref<256x128xf32, #tpu.memory_space<vmem>>, %arg7: memref<8x128xf32, #tpu.memory_space<vmem>>, %arg8: memref<8x128xf32, #tpu.memory_space<vmem>>) attributes {dimension_semantics = [#tpu.dimension_semantics<arbitrary>], iteration_bounds = array<i64: 32>, scalar_prefetch = 0 : i64, scratch_operands = 0 : i64, tpu.core_type = #tpu.core_type<tc>, window_params = [{transform_indices = @transform_0, window_bounds = array<i64: 20, 256, 128>}, {transform_indices = @transform_1, window_bounds = array<i64: 256, 128>}, {pipeline_mode = #tpu.pipeline_mode<synchronous>, transform_indices = @transform_2, window_bounds = array<i64: 128, 256>}, {pipeline_mode = #tpu.pipeline_mode<synchronous>, transform_indices = @transform_3, window_bounds = array<i64: 1, 128>}, {pipeline_mode = #tpu.pipeline_mode<synchronous>, transform_indices = @transform_4, window_bounds = array<i64: 1, 128>}, {transform_indices = @transform_5, window_bounds = array<i64: 256, 128>}, {pipeline_mode = #tpu.pipeline_mode<synchronous>, transform_indices = @transform_6, window_bounds = array<i64: 8, 128>}, {pipeline_mode = #tpu.pipeline_mode<synchronous>, transform_indices = @transform_7, window_bounds = array<i64: 8, 128>}]} {
    %get3A = arith.constant 0 : index
    %get3A_0 = arith.constant 0 : index
    %get3A_1 = vector.load %arg2[%get3A, %get3A_0] : memref<256x128xf32, #tpu.memory_space<vmem>>, vector<256x128xf32>
    %get3A_2 = arith.constant 0 : index
    %get3A_3 = arith.constant 0 : index
    %get3A_4 = vector.load %arg4[%get3A_2, %get3A_3] : memref<1x128xf32, #tpu.memory_space<vmem>>, vector<1x128xf32>
    %mul3A = vector.broadcast %get3A_4 : vector<1x128xf32> to vector<256x128xf32>
    %mul3A_5 = arith.mulf %get3A_1, %mul3A : vector<256x128xf32>
    %get3A_6 = arith.constant 0 : index
    %get3A_7 = arith.constant 0 : index
    %get3A_8 = vector.load %arg5[%get3A_6, %get3A_7] : memref<1x128xf32, #tpu.memory_space<vmem>>, vector<1x128xf32>
    %add3A = vector.broadcast %get3A_8 : vector<1x128xf32> to vector<256x128xf32>
    %add3A_9 = arith.addf %mul3A_5, %add3A : vector<256x128xf32>
    %gt3A = arith.constant 0.000000e+00 : f32
    %gt3A_10 = vector.broadcast %gt3A : f32 to vector<256x128xf32>
    %gt3A_11 = arith.cmpf ogt, %add3A_9, %gt3A_10 : vector<256x128xf32>
    %mul3A_12 = arith.constant 2.000000e-01 : f32
    %mul3A_13 = vector.broadcast %mul3A_12 : f32 to vector<256x128xf32>
    %mul3A_14 = arith.mulf %mul3A_13, %add3A_9 : vector<256x128xf32>
    %select_n3A = arith.select %gt3A_11, %add3A_9, %mul3A_14 : vector<256x128xi1>, vector<256x128xf32>
    %broadcast_in_dim3A = arith.constant 0xFF800000 : f32
    %broadcast_in_dim3A_15 = vector.broadcast %broadcast_in_dim3A : f32 to vector<256x128xf32>
    %broadcast_in_dim3A_16 = arith.constant 0.000000e+00 : f32
    %broadcast_in_dim3A_17 = vector.broadcast %broadcast_in_dim3A_16 : f32 to vector<1x128xf32>
    %broadcast_in_dim3A_18 = arith.constant 0.000000e+00 : f32
    %broadcast_in_dim3A_19 = vector.broadcast %broadcast_in_dim3A_18 : f32 to vector<1x128xf32>
    %get3A_20 = arith.constant 0 : index
    %get3A_21 = arith.constant 0 : index
    %get3A_22 = arith.constant 0 : index
    %get3A_23 = vector.load %arg1[%get3A_20, %get3A_21, %get3A_22] : memref<20x256x128xf32, #tpu.memory_space<vmem>>, vector<1x256x128xf32>
    %get3A_24 = vector.shape_cast %get3A_23 : vector<1x256x128xf32> to vector<256x128xf32>
    %get3A_25 = arith.constant 0 : index
    %get3A_26 = arith.constant 0 : index
    %get3A_27 = vector.load %arg4[%get3A_25, %get3A_26] : memref<1x128xf32, #tpu.memory_space<vmem>>, vector<1x128xf32>
    %mul3A_28 = vector.broadcast %get3A_27 : vector<1x128xf32> to vector<256x128xf32>
    %mul3A_29 = arith.mulf %get3A_24, %mul3A_28 : vector<256x128xf32>
    %get3A_30 = arith.constant 0 : index
    %get3A_31 = arith.constant 0 : index
    %get3A_32 = vector.load %arg5[%get3A_30, %get3A_31] : memref<1x128xf32, #tpu.memory_space<vmem>>, vector<1x128xf32>
    %add3A_33 = vector.broadcast %get3A_32 : vector<1x128xf32> to vector<256x128xf32>
    %add3A_34 = arith.addf %mul3A_29, %add3A_33 : vector<256x128xf32>
    %gt3A_35 = arith.constant 0.000000e+00 : f32
    %gt3A_36 = vector.broadcast %gt3A_35 : f32 to vector<256x128xf32>
    %gt3A_37 = arith.cmpf ogt, %add3A_34, %gt3A_36 : vector<256x128xf32>
    %mul3A_38 = arith.constant 2.000000e-01 : f32
    %mul3A_39 = vector.broadcast %mul3A_38 : f32 to vector<256x128xf32>
    %mul3A_40 = arith.mulf %mul3A_39, %add3A_34 : vector<256x128xf32>
    %select_n3A_41 = arith.select %gt3A_37, %add3A_34, %mul3A_40 : vector<256x128xi1>, vector<256x128xf32>
    %sub3A = arith.subf %select_n3A_41, %select_n3A : vector<256x128xf32>
    %concatenate3A = tpu.concatenate %sub3A, %select_n3A in 1 : vector<256x128xf32>, vector<256x128xf32> -> vector<256x256xf32>
    %get3A_42 = arith.constant 0 : index
    %get3A_43 = arith.constant 0 : index
    %get3A_44 = vector.load %arg3[%get3A_42, %get3A_43] : memref<128x256xf32, #tpu.memory_space<vmem>>, vector<128x256xf32>
    %dot_general3A = arith.constant dense<0.000000e+00> : vector<256x128xf32>
    %dot_general3A_45 = tpu.matmul %concatenate3A, %get3A_44, %dot_general3A {dimension_numbers = #tpu.dot_dimension_numbers<[1], [1], [0], [0], [0, 0, 1, 0], [], []>, transpose_lhs_hint = false} : vector<256x256xf32>, vector<128x256xf32>, vector<256x128xf32> -> vector<256x128xf32>
    %max3A = arith.maximumf %broadcast_in_dim3A_15, %dot_general3A_45 : vector<256x128xf32>
    %reduce_sum3A = arith.constant dense<0.000000e+00> : vector<128xf32>
    %reduce_sum3A_46 = vector.multi_reduction <add>, %dot_general3A_45, %reduce_sum3A [0] : vector<256x128xf32> to vector<128xf32>
    %broadcast_in_dim3A_47 = vector.shape_cast %reduce_sum3A_46 : vector<128xf32> to vector<1x128xf32>
    %add3A_48 = arith.addf %broadcast_in_dim3A_17, %broadcast_in_dim3A_47 : vector<1x128xf32>
    %mul3A_49 = arith.mulf %dot_general3A_45, %dot_general3A_45 : vector<256x128xf32>
    %reduce_sum3A_50 = arith.constant dense<0.000000e+00> : vector<128xf32>
    %reduce_sum3A_51 = vector.multi_reduction <add>, %mul3A_49, %reduce_sum3A_50 [0] : vector<256x128xf32> to vector<128xf32>
    %broadcast_in_dim3A_52 = vector.shape_cast %reduce_sum3A_51 : vector<128xf32> to vector<1x128xf32>
    %add3A_53 = arith.addf %broadcast_in_dim3A_19, %broadcast_in_dim3A_52 : vector<1x128xf32>
    %get3A_54 = arith.constant 1 : index
    %get3A_55 = arith.constant 0 : index
    %get3A_56 = arith.constant 0 : index
    %get3A_57 = vector.load %arg1[%get3A_54, %get3A_55, %get3A_56] : memref<20x256x128xf32, #tpu.memory_space<vmem>>, vector<1x256x128xf32>
    %get3A_58 = vector.shape_cast %get3A_57 : vector<1x256x128xf32> to vector<256x128xf32>
    %get3A_59 = arith.constant 0 : index
    %get3A_60 = arith.constant 0 : index
    %get3A_61 = vector.load %arg4[%get3A_59, %get3A_60] : memref<1x128xf32, #tpu.memory_space<vmem>>, vector<1x128xf32>
    %mul3A_62 = vector.broadcast %get3A_61 : vector<1x128xf32> to vector<256x128xf32>
    %mul3A_63 = arith.mulf %get3A_58, %mul3A_62 : vector<256x128xf32>
    %get3A_64 = arith.constant 0 : index
    %get3A_65 = arith.constant 0 : index
    %get3A_66 = vector.load %arg5[%get3A_64, %get3A_65] : memref<1x128xf32, #tpu.memory_space<vmem>>, vector<1x128xf32>
    %add3A_67 = vector.broadcast %get3A_66 : vector<1x128xf32> to vector<256x128xf32>
    %add3A_68 = arith.addf %mul3A_63, %add3A_67 : vector<256x128xf32>
    %gt3A_69 = arith.constant 0.000000e+00 : f32
    %gt3A_70 = vector.broadcast %gt3A_69 : f32 to vector<256x128xf32>
    %gt3A_71 = arith.cmpf ogt, %add3A_68, %gt3A_70 : vector<256x128xf32>
    %mul3A_72 = arith.constant 2.000000e-01 : f32
    %mul3A_73 = vector.broadcast %mul3A_72 : f32 to vector<256x128xf32>
    %mul3A_74 = arith.mulf %mul3A_73, %add3A_68 : vector<256x128xf32>
    %select_n3A_75 = arith.select %gt3A_71, %add3A_68, %mul3A_74 : vector<256x128xi1>, vector<256x128xf32>
    %sub3A_76 = arith.subf %select_n3A_75, %select_n3A : vector<256x128xf32>
    %concatenate3A_77 = tpu.concatenate %sub3A_76, %select_n3A in 1 : vector<256x128xf32>, vector<256x128xf32> -> vector<256x256xf32>
    %get3A_78 = arith.constant 0 : index
    %get3A_79 = arith.constant 0 : index
    %get3A_80 = vector.load %arg3[%get3A_78, %get3A_79] : memref<128x256xf32, #tpu.memory_space<vmem>>, vector<128x256xf32>
    %dot_general3A_81 = arith.constant dense<0.000000e+00> : vector<256x128xf32>
    %dot_general3A_82 = tpu.matmul %concatenate3A_77, %get3A_80, %dot_general3A_81 {dimension_numbers = #tpu.dot_dimension_numbers<[1], [1], [0], [0], [0, 0, 1, 0], [], []>, transpose_lhs_hint = false} : vector<256x256xf32>, vector<128x256xf32>, vector<256x128xf32> -> vector<256x128xf32>
    %max3A_83 = arith.maximumf %max3A, %dot_general3A_82 : vector<256x128xf32>
    %reduce_sum3A_84 = arith.constant dense<0.000000e+00> : vector<128xf32>
    %reduce_sum3A_85 = vector.multi_reduction <add>, %dot_general3A_82, %reduce_sum3A_84 [0] : vector<256x128xf32> to vector<128xf32>
    %broadcast_in_dim3A_86 = vector.shape_cast %reduce_sum3A_85 : vector<128xf32> to vector<1x128xf32>
    %add3A_87 = arith.addf %add3A_48, %broadcast_in_dim3A_86 : vector<1x128xf32>
    %mul3A_88 = arith.mulf %dot_general3A_82, %dot_general3A_82 : vector<256x128xf32>
    %reduce_sum3A_89 = arith.constant dense<0.000000e+00> : vector<128xf32>
    %reduce_sum3A_90 = vector.multi_reduction <add>, %mul3A_88, %reduce_sum3A_89 [0] : vector<256x128xf32> to vector<128xf32>
    %broadcast_in_dim3A_91 = vector.shape_cast %reduce_sum3A_90 : vector<128xf32> to vector<1x128xf32>
    %add3A_92 = arith.addf %add3A_53, %broadcast_in_dim3A_91 : vector<1x128xf32>
    %get3A_93 = arith.constant 2 : index
    %get3A_94 = arith.constant 0 : index
    %get3A_95 = arith.constant 0 : index
    %get3A_96 = vector.load %arg1[%get3A_93, %get3A_94, %get3A_95] : memref<20x256x128xf32, #tpu.memory_space<vmem>>, vector<1x256x128xf32>
    %get3A_97 = vector.shape_cast %get3A_96 : vector<1x256x128xf32> to vector<256x128xf32>
    %get3A_98 = arith.constant 0 : index
    %get3A_99 = arith.constant 0 : index
    %get3A_100 = vector.load %arg4[%get3A_98, %get3A_99] : memref<1x128xf32, #tpu.memory_space<vmem>>, vector<1x128xf32>
    %mul3A_101 = vector.broadcast %get3A_100 : vector<1x128xf32> to vector<256x128xf32>
    %mul3A_102 = arith.mulf %get3A_97, %mul3A_101 : vector<256x128xf32>
    %get3A_103 = arith.constant 0 : index
    %get3A_104 = arith.constant 0 : index
    %get3A_105 = vector.load %arg5[%get3A_103, %get3A_104] : memref<1x128xf32, #tpu.memory_space<vmem>>, vector<1x128xf32>
    %add3A_106 = vector.broadcast %get3A_105 : vector<1x128xf32> to vector<256x128xf32>
    %add3A_107 = arith.addf %mul3A_102, %add3A_106 : vector<256x128xf32>
    %gt3A_108 = arith.constant 0.000000e+00 : f32
    %gt3A_109 = vector.broadcast %gt3A_108 : f32 to vector<256x128xf32>
    %gt3A_110 = arith.cmpf ogt, %add3A_107, %gt3A_109 : vector<256x128xf32>
    %mul3A_111 = arith.constant 2.000000e-01 : f32
    %mul3A_112 = vector.broadcast %mul3A_111 : f32 to vector<256x128xf32>
    %mul3A_113 = arith.mulf %mul3A_112, %add3A_107 : vector<256x128xf32>
    %select_n3A_114 = arith.select %gt3A_110, %add3A_107, %mul3A_113 : vector<256x128xi1>, vector<256x128xf32>
    %sub3A_115 = arith.subf %select_n3A_114, %select_n3A : vector<256x128xf32>
    %concatenate3A_116 = tpu.concatenate %sub3A_115, %select_n3A in 1 : vector<256x128xf32>, vector<256x128xf32> -> vector<256x256xf32>
    %get3A_117 = arith.constant 0 : index
    %get3A_118 = arith.constant 0 : index
    %get3A_119 = vector.load %arg3[%get3A_117, %get3A_118] : memref<128x256xf32, #tpu.memory_space<vmem>>, vector<128x256xf32>
    %dot_general3A_120 = arith.constant dense<0.000000e+00> : vector<256x128xf32>
    %dot_general3A_121 = tpu.matmul %concatenate3A_116, %get3A_119, %dot_general3A_120 {dimension_numbers = #tpu.dot_dimension_numbers<[1], [1], [0], [0], [0, 0, 1, 0], [], []>, transpose_lhs_hint = false} : vector<256x256xf32>, vector<128x256xf32>, vector<256x128xf32> -> vector<256x128xf32>
    %max3A_122 = arith.maximumf %max3A_83, %dot_general3A_121 : vector<256x128xf32>
    %reduce_sum3A_123 = arith.constant dense<0.000000e+00> : vector<128xf32>
    %reduce_sum3A_124 = vector.multi_reduction <add>, %dot_general3A_121, %reduce_sum3A_123 [0] : vector<256x128xf32> to vector<128xf32>
    %broadcast_in_dim3A_125 = vector.shape_cast %reduce_sum3A_124 : vector<128xf32> to vector<1x128xf32>
    %add3A_126 = arith.addf %add3A_87, %broadcast_in_dim3A_125 : vector<1x128xf32>
    %mul3A_127 = arith.mulf %dot_general3A_121, %dot_general3A_121 : vector<256x128xf32>
    %reduce_sum3A_128 = arith.constant dense<0.000000e+00> : vector<128xf32>
    %reduce_sum3A_129 = vector.multi_reduction <add>, %mul3A_127, %reduce_sum3A_128 [0] : vector<256x128xf32> to vector<128xf32>
    %broadcast_in_dim3A_130 = vector.shape_cast %reduce_sum3A_129 : vector<128xf32> to vector<1x128xf32>
    %add3A_131 = arith.addf %add3A_92, %broadcast_in_dim3A_130 : vector<1x128xf32>
    %get3A_132 = arith.constant 3 : index
    %get3A_133 = arith.constant 0 : index
    %get3A_134 = arith.constant 0 : index
    %get3A_135 = vector.load %arg1[%get3A_132, %get3A_133, %get3A_134] : memref<20x256x128xf32, #tpu.memory_space<vmem>>, vector<1x256x128xf32>
    %get3A_136 = vector.shape_cast %get3A_135 : vector<1x256x128xf32> to vector<256x128xf32>
    %get3A_137 = arith.constant 0 : index
    %get3A_138 = arith.constant 0 : index
    %get3A_139 = vector.load %arg4[%get3A_137, %get3A_138] : memref<1x128xf32, #tpu.memory_space<vmem>>, vector<1x128xf32>
    %mul3A_140 = vector.broadcast %get3A_139 : vector<1x128xf32> to vector<256x128xf32>
    %mul3A_141 = arith.mulf %get3A_136, %mul3A_140 : vector<256x128xf32>
    %get3A_142 = arith.constant 0 : index
    %get3A_143 = arith.constant 0 : index
    %get3A_144 = vector.load %arg5[%get3A_142, %get3A_143] : memref<1x128xf32, #tpu.memory_space<vmem>>, vector<1x128xf32>
    %add3A_145 = vector.broadcast %get3A_144 : vector<1x128xf32> to vector<256x128xf32>
    %add3A_146 = arith.addf %mul3A_141, %add3A_145 : vector<256x128xf32>
    %gt3A_147 = arith.constant 0.000000e+00 : f32
    %gt3A_148 = vector.broadcast %gt3A_147 : f32 to vector<256x128xf32>
    %gt3A_149 = arith.cmpf ogt, %add3A_146, %gt3A_148 : vector<256x128xf32>
    %mul3A_150 = arith.constant 2.000000e-01 : f32
    %mul3A_151 = vector.broadcast %mul3A_150 : f32 to vector<256x128xf32>
    %mul3A_152 = arith.mulf %mul3A_151, %add3A_146 : vector<256x128xf32>
    %select_n3A_153 = arith.select %gt3A_149, %add3A_146, %mul3A_152 : vector<256x128xi1>, vector<256x128xf32>
    %sub3A_154 = arith.subf %select_n3A_153, %select_n3A : vector<256x128xf32>
    %concatenate3A_155 = tpu.concatenate %sub3A_154, %select_n3A in 1 : vector<256x128xf32>, vector<256x128xf32> -> vector<256x256xf32>
    %get3A_156 = arith.constant 0 : index
    %get3A_157 = arith.constant 0 : index
    %get3A_158 = vector.load %arg3[%get3A_156, %get3A_157] : memref<128x256xf32, #tpu.memory_space<vmem>>, vector<128x256xf32>
    %dot_general3A_159 = arith.constant dense<0.000000e+00> : vector<256x128xf32>
    %dot_general3A_160 = tpu.matmul %concatenate3A_155, %get3A_158, %dot_general3A_159 {dimension_numbers = #tpu.dot_dimension_numbers<[1], [1], [0], [0], [0, 0, 1, 0], [], []>, transpose_lhs_hint = false} : vector<256x256xf32>, vector<128x256xf32>, vector<256x128xf32> -> vector<256x128xf32>
    %max3A_161 = arith.maximumf %max3A_122, %dot_general3A_160 : vector<256x128xf32>
    %reduce_sum3A_162 = arith.constant dense<0.000000e+00> : vector<128xf32>
    %reduce_sum3A_163 = vector.multi_reduction <add>, %dot_general3A_160, %reduce_sum3A_162 [0] : vector<256x128xf32> to vector<128xf32>
    %broadcast_in_dim3A_164 = vector.shape_cast %reduce_sum3A_163 : vector<128xf32> to vector<1x128xf32>
    %add3A_165 = arith.addf %add3A_126, %broadcast_in_dim3A_164 : vector<1x128xf32>
    %mul3A_166 = arith.mulf %dot_general3A_160, %dot_general3A_160 : vector<256x128xf32>
    %reduce_sum3A_167 = arith.constant dense<0.000000e+00> : vector<128xf32>
    %reduce_sum3A_168 = vector.multi_reduction <add>, %mul3A_166, %reduce_sum3A_167 [0] : vector<256x128xf32> to vector<128xf32>
    %broadcast_in_dim3A_169 = vector.shape_cast %reduce_sum3A_168 : vector<128xf32> to vector<1x128xf32>
    %add3A_170 = arith.addf %add3A_131, %broadcast_in_dim3A_169 : vector<1x128xf32>
    %get3A_171 = arith.constant 4 : index
    %get3A_172 = arith.constant 0 : index
    %get3A_173 = arith.constant 0 : index
    %get3A_174 = vector.load %arg1[%get3A_171, %get3A_172, %get3A_173] : memref<20x256x128xf32, #tpu.memory_space<vmem>>, vector<1x256x128xf32>
    %get3A_175 = vector.shape_cast %get3A_174 : vector<1x256x128xf32> to vector<256x128xf32>
    %get3A_176 = arith.constant 0 : index
    %get3A_177 = arith.constant 0 : index
    %get3A_178 = vector.load %arg4[%get3A_176, %get3A_177] : memref<1x128xf32, #tpu.memory_space<vmem>>, vector<1x128xf32>
    %mul3A_179 = vector.broadcast %get3A_178 : vector<1x128xf32> to vector<256x128xf32>
    %mul3A_180 = arith.mulf %get3A_175, %mul3A_179 : vector<256x128xf32>
    %get3A_181 = arith.constant 0 : index
    %get3A_182 = arith.constant 0 : index
    %get3A_183 = vector.load %arg5[%get3A_181, %get3A_182] : memref<1x128xf32, #tpu.memory_space<vmem>>, vector<1x128xf32>
    %add3A_184 = vector.broadcast %get3A_183 : vector<1x128xf32> to vector<256x128xf32>
    %add3A_185 = arith.addf %mul3A_180, %add3A_184 : vector<256x128xf32>
    %gt3A_186 = arith.constant 0.000000e+00 : f32
    %gt3A_187 = vector.broadcast %gt3A_186 : f32 to vector<256x128xf32>
    %gt3A_188 = arith.cmpf ogt, %add3A_185, %gt3A_187 : vector<256x128xf32>
    %mul3A_189 = arith.constant 2.000000e-01 : f32
    %mul3A_190 = vector.broadcast %mul3A_189 : f32 to vector<256x128xf32>
    %mul3A_191 = arith.mulf %mul3A_190, %add3A_185 : vector<256x128xf32>
    %select_n3A_192 = arith.select %gt3A_188, %add3A_185, %mul3A_191 : vector<256x128xi1>, vector<256x128xf32>
    %sub3A_193 = arith.subf %select_n3A_192, %select_n3A : vector<256x128xf32>
    %concatenate3A_194 = tpu.concatenate %sub3A_193, %select_n3A in 1 : vector<256x128xf32>, vector<256x128xf32> -> vector<256x256xf32>
    %get3A_195 = arith.constant 0 : index
    %get3A_196 = arith.constant 0 : index
    %get3A_197 = vector.load %arg3[%get3A_195, %get3A_196] : memref<128x256xf32, #tpu.memory_space<vmem>>, vector<128x256xf32>
    %dot_general3A_198 = arith.constant dense<0.000000e+00> : vector<256x128xf32>
    %dot_general3A_199 = tpu.matmul %concatenate3A_194, %get3A_197, %dot_general3A_198 {dimension_numbers = #tpu.dot_dimension_numbers<[1], [1], [0], [0], [0, 0, 1, 0], [], []>, transpose_lhs_hint = false} : vector<256x256xf32>, vector<128x256xf32>, vector<256x128xf32> -> vector<256x128xf32>
    %max3A_200 = arith.maximumf %max3A_161, %dot_general3A_199 : vector<256x128xf32>
    %reduce_sum3A_201 = arith.constant dense<0.000000e+00> : vector<128xf32>
    %reduce_sum3A_202 = vector.multi_reduction <add>, %dot_general3A_199, %reduce_sum3A_201 [0] : vector<256x128xf32> to vector<128xf32>
    %broadcast_in_dim3A_203 = vector.shape_cast %reduce_sum3A_202 : vector<128xf32> to vector<1x128xf32>
    %add3A_204 = arith.addf %add3A_165, %broadcast_in_dim3A_203 : vector<1x128xf32>
    %mul3A_205 = arith.mulf %dot_general3A_199, %dot_general3A_199 : vector<256x128xf32>
    %reduce_sum3A_206 = arith.constant dense<0.000000e+00> : vector<128xf32>
    %reduce_sum3A_207 = vector.multi_reduction <add>, %mul3A_205, %reduce_sum3A_206 [0] : vector<256x128xf32> to vector<128xf32>
    %broadcast_in_dim3A_208 = vector.shape_cast %reduce_sum3A_207 : vector<128xf32> to vector<1x128xf32>
    %add3A_209 = arith.addf %add3A_170, %broadcast_in_dim3A_208 : vector<1x128xf32>
    %get3A_210 = arith.constant 5 : index
    %get3A_211 = arith.constant 0 : index
    %get3A_212 = arith.constant 0 : index
    %get3A_213 = vector.load %arg1[%get3A_210, %get3A_211, %get3A_212] : memref<20x256x128xf32, #tpu.memory_space<vmem>>, vector<1x256x128xf32>
    %get3A_214 = vector.shape_cast %get3A_213 : vector<1x256x128xf32> to vector<256x128xf32>
    %get3A_215 = arith.constant 0 : index
    %get3A_216 = arith.constant 0 : index
    %get3A_217 = vector.load %arg4[%get3A_215, %get3A_216] : memref<1x128xf32, #tpu.memory_space<vmem>>, vector<1x128xf32>
    %mul3A_218 = vector.broadcast %get3A_217 : vector<1x128xf32> to vector<256x128xf32>
    %mul3A_219 = arith.mulf %get3A_214, %mul3A_218 : vector<256x128xf32>
    %get3A_220 = arith.constant 0 : index
    %get3A_221 = arith.constant 0 : index
    %get3A_222 = vector.load %arg5[%get3A_220, %get3A_221] : memref<1x128xf32, #tpu.memory_space<vmem>>, vector<1x128xf32>
    %add3A_223 = vector.broadcast %get3A_222 : vector<1x128xf32> to vector<256x128xf32>
    %add3A_224 = arith.addf %mul3A_219, %add3A_223 : vector<256x128xf32>
    %gt3A_225 = arith.constant 0.000000e+00 : f32
    %gt3A_226 = vector.broadcast %gt3A_225 : f32 to vector<256x128xf32>
    %gt3A_227 = arith.cmpf ogt, %add3A_224, %gt3A_226 : vector<256x128xf32>
    %mul3A_228 = arith.constant 2.000000e-01 : f32
    %mul3A_229 = vector.broadcast %mul3A_228 : f32 to vector<256x128xf32>
    %mul3A_230 = arith.mulf %mul3A_229, %add3A_224 : vector<256x128xf32>
    %select_n3A_231 = arith.select %gt3A_227, %add3A_224, %mul3A_230 : vector<256x128xi1>, vector<256x128xf32>
    %sub3A_232 = arith.subf %select_n3A_231, %select_n3A : vector<256x128xf32>
    %concatenate3A_233 = tpu.concatenate %sub3A_232, %select_n3A in 1 : vector<256x128xf32>, vector<256x128xf32> -> vector<256x256xf32>
    %get3A_234 = arith.constant 0 : index
    %get3A_235 = arith.constant 0 : index
    %get3A_236 = vector.load %arg3[%get3A_234, %get3A_235] : memref<128x256xf32, #tpu.memory_space<vmem>>, vector<128x256xf32>
    %dot_general3A_237 = arith.constant dense<0.000000e+00> : vector<256x128xf32>
    %dot_general3A_238 = tpu.matmul %concatenate3A_233, %get3A_236, %dot_general3A_237 {dimension_numbers = #tpu.dot_dimension_numbers<[1], [1], [0], [0], [0, 0, 1, 0], [], []>, transpose_lhs_hint = false} : vector<256x256xf32>, vector<128x256xf32>, vector<256x128xf32> -> vector<256x128xf32>
    %max3A_239 = arith.maximumf %max3A_200, %dot_general3A_238 : vector<256x128xf32>
    %reduce_sum3A_240 = arith.constant dense<0.000000e+00> : vector<128xf32>
    %reduce_sum3A_241 = vector.multi_reduction <add>, %dot_general3A_238, %reduce_sum3A_240 [0] : vector<256x128xf32> to vector<128xf32>
    %broadcast_in_dim3A_242 = vector.shape_cast %reduce_sum3A_241 : vector<128xf32> to vector<1x128xf32>
    %add3A_243 = arith.addf %add3A_204, %broadcast_in_dim3A_242 : vector<1x128xf32>
    %mul3A_244 = arith.mulf %dot_general3A_238, %dot_general3A_238 : vector<256x128xf32>
    %reduce_sum3A_245 = arith.constant dense<0.000000e+00> : vector<128xf32>
    %reduce_sum3A_246 = vector.multi_reduction <add>, %mul3A_244, %reduce_sum3A_245 [0] : vector<256x128xf32> to vector<128xf32>
    %broadcast_in_dim3A_247 = vector.shape_cast %reduce_sum3A_246 : vector<128xf32> to vector<1x128xf32>
    %add3A_248 = arith.addf %add3A_209, %broadcast_in_dim3A_247 : vector<1x128xf32>
    %get3A_249 = arith.constant 6 : index
    %get3A_250 = arith.constant 0 : index
    %get3A_251 = arith.constant 0 : index
    %get3A_252 = vector.load %arg1[%get3A_249, %get3A_250, %get3A_251] : memref<20x256x128xf32, #tpu.memory_space<vmem>>, vector<1x256x128xf32>
    %get3A_253 = vector.shape_cast %get3A_252 : vector<1x256x128xf32> to vector<256x128xf32>
    %get3A_254 = arith.constant 0 : index
    %get3A_255 = arith.constant 0 : index
    %get3A_256 = vector.load %arg4[%get3A_254, %get3A_255] : memref<1x128xf32, #tpu.memory_space<vmem>>, vector<1x128xf32>
    %mul3A_257 = vector.broadcast %get3A_256 : vector<1x128xf32> to vector<256x128xf32>
    %mul3A_258 = arith.mulf %get3A_253, %mul3A_257 : vector<256x128xf32>
    %get3A_259 = arith.constant 0 : index
    %get3A_260 = arith.constant 0 : index
    %get3A_261 = vector.load %arg5[%get3A_259, %get3A_260] : memref<1x128xf32, #tpu.memory_space<vmem>>, vector<1x128xf32>
    %add3A_262 = vector.broadcast %get3A_261 : vector<1x128xf32> to vector<256x128xf32>
    %add3A_263 = arith.addf %mul3A_258, %add3A_262 : vector<256x128xf32>
    %gt3A_264 = arith.constant 0.000000e+00 : f32
    %gt3A_265 = vector.broadcast %gt3A_264 : f32 to vector<256x128xf32>
    %gt3A_266 = arith.cmpf ogt, %add3A_263, %gt3A_265 : vector<256x128xf32>
    %mul3A_267 = arith.constant 2.000000e-01 : f32
    %mul3A_268 = vector.broadcast %mul3A_267 : f32 to vector<256x128xf32>
    %mul3A_269 = arith.mulf %mul3A_268, %add3A_263 : vector<256x128xf32>
    %select_n3A_270 = arith.select %gt3A_266, %add3A_263, %mul3A_269 : vector<256x128xi1>, vector<256x128xf32>
    %sub3A_271 = arith.subf %select_n3A_270, %select_n3A : vector<256x128xf32>
    %concatenate3A_272 = tpu.concatenate %sub3A_271, %select_n3A in 1 : vector<256x128xf32>, vector<256x128xf32> -> vector<256x256xf32>
    %get3A_273 = arith.constant 0 : index
    %get3A_274 = arith.constant 0 : index
    %get3A_275 = vector.load %arg3[%get3A_273, %get3A_274] : memref<128x256xf32, #tpu.memory_space<vmem>>, vector<128x256xf32>
    %dot_general3A_276 = arith.constant dense<0.000000e+00> : vector<256x128xf32>
    %dot_general3A_277 = tpu.matmul %concatenate3A_272, %get3A_275, %dot_general3A_276 {dimension_numbers = #tpu.dot_dimension_numbers<[1], [1], [0], [0], [0, 0, 1, 0], [], []>, transpose_lhs_hint = false} : vector<256x256xf32>, vector<128x256xf32>, vector<256x128xf32> -> vector<256x128xf32>
    %max3A_278 = arith.maximumf %max3A_239, %dot_general3A_277 : vector<256x128xf32>
    %reduce_sum3A_279 = arith.constant dense<0.000000e+00> : vector<128xf32>
    %reduce_sum3A_280 = vector.multi_reduction <add>, %dot_general3A_277, %reduce_sum3A_279 [0] : vector<256x128xf32> to vector<128xf32>
    %broadcast_in_dim3A_281 = vector.shape_cast %reduce_sum3A_280 : vector<128xf32> to vector<1x128xf32>
    %add3A_282 = arith.addf %add3A_243, %broadcast_in_dim3A_281 : vector<1x128xf32>
    %mul3A_283 = arith.mulf %dot_general3A_277, %dot_general3A_277 : vector<256x128xf32>
    %reduce_sum3A_284 = arith.constant dense<0.000000e+00> : vector<128xf32>
    %reduce_sum3A_285 = vector.multi_reduction <add>, %mul3A_283, %reduce_sum3A_284 [0] : vector<256x128xf32> to vector<128xf32>
    %broadcast_in_dim3A_286 = vector.shape_cast %reduce_sum3A_285 : vector<128xf32> to vector<1x128xf32>
    %add3A_287 = arith.addf %add3A_248, %broadcast_in_dim3A_286 : vector<1x128xf32>
    %get3A_288 = arith.constant 7 : index
    %get3A_289 = arith.constant 0 : index
    %get3A_290 = arith.constant 0 : index
    %get3A_291 = vector.load %arg1[%get3A_288, %get3A_289, %get3A_290] : memref<20x256x128xf32, #tpu.memory_space<vmem>>, vector<1x256x128xf32>
    %get3A_292 = vector.shape_cast %get3A_291 : vector<1x256x128xf32> to vector<256x128xf32>
    %get3A_293 = arith.constant 0 : index
    %get3A_294 = arith.constant 0 : index
    %get3A_295 = vector.load %arg4[%get3A_293, %get3A_294] : memref<1x128xf32, #tpu.memory_space<vmem>>, vector<1x128xf32>
    %mul3A_296 = vector.broadcast %get3A_295 : vector<1x128xf32> to vector<256x128xf32>
    %mul3A_297 = arith.mulf %get3A_292, %mul3A_296 : vector<256x128xf32>
    %get3A_298 = arith.constant 0 : index
    %get3A_299 = arith.constant 0 : index
    %get3A_300 = vector.load %arg5[%get3A_298, %get3A_299] : memref<1x128xf32, #tpu.memory_space<vmem>>, vector<1x128xf32>
    %add3A_301 = vector.broadcast %get3A_300 : vector<1x128xf32> to vector<256x128xf32>
    %add3A_302 = arith.addf %mul3A_297, %add3A_301 : vector<256x128xf32>
    %gt3A_303 = arith.constant 0.000000e+00 : f32
    %gt3A_304 = vector.broadcast %gt3A_303 : f32 to vector<256x128xf32>
    %gt3A_305 = arith.cmpf ogt, %add3A_302, %gt3A_304 : vector<256x128xf32>
    %mul3A_306 = arith.constant 2.000000e-01 : f32
    %mul3A_307 = vector.broadcast %mul3A_306 : f32 to vector<256x128xf32>
    %mul3A_308 = arith.mulf %mul3A_307, %add3A_302 : vector<256x128xf32>
    %select_n3A_309 = arith.select %gt3A_305, %add3A_302, %mul3A_308 : vector<256x128xi1>, vector<256x128xf32>
    %sub3A_310 = arith.subf %select_n3A_309, %select_n3A : vector<256x128xf32>
    %concatenate3A_311 = tpu.concatenate %sub3A_310, %select_n3A in 1 : vector<256x128xf32>, vector<256x128xf32> -> vector<256x256xf32>
    %get3A_312 = arith.constant 0 : index
    %get3A_313 = arith.constant 0 : index
    %get3A_314 = vector.load %arg3[%get3A_312, %get3A_313] : memref<128x256xf32, #tpu.memory_space<vmem>>, vector<128x256xf32>
    %dot_general3A_315 = arith.constant dense<0.000000e+00> : vector<256x128xf32>
    %dot_general3A_316 = tpu.matmul %concatenate3A_311, %get3A_314, %dot_general3A_315 {dimension_numbers = #tpu.dot_dimension_numbers<[1], [1], [0], [0], [0, 0, 1, 0], [], []>, transpose_lhs_hint = false} : vector<256x256xf32>, vector<128x256xf32>, vector<256x128xf32> -> vector<256x128xf32>
    %max3A_317 = arith.maximumf %max3A_278, %dot_general3A_316 : vector<256x128xf32>
    %reduce_sum3A_318 = arith.constant dense<0.000000e+00> : vector<128xf32>
    %reduce_sum3A_319 = vector.multi_reduction <add>, %dot_general3A_316, %reduce_sum3A_318 [0] : vector<256x128xf32> to vector<128xf32>
    %broadcast_in_dim3A_320 = vector.shape_cast %reduce_sum3A_319 : vector<128xf32> to vector<1x128xf32>
    %add3A_321 = arith.addf %add3A_282, %broadcast_in_dim3A_320 : vector<1x128xf32>
    %mul3A_322 = arith.mulf %dot_general3A_316, %dot_general3A_316 : vector<256x128xf32>
    %reduce_sum3A_323 = arith.constant dense<0.000000e+00> : vector<128xf32>
    %reduce_sum3A_324 = vector.multi_reduction <add>, %mul3A_322, %reduce_sum3A_323 [0] : vector<256x128xf32> to vector<128xf32>
    %broadcast_in_dim3A_325 = vector.shape_cast %reduce_sum3A_324 : vector<128xf32> to vector<1x128xf32>
    %add3A_326 = arith.addf %add3A_287, %broadcast_in_dim3A_325 : vector<1x128xf32>
    %get3A_327 = arith.constant 8 : index
    %get3A_328 = arith.constant 0 : index
    %get3A_329 = arith.constant 0 : index
    %get3A_330 = vector.load %arg1[%get3A_327, %get3A_328, %get3A_329] : memref<20x256x128xf32, #tpu.memory_space<vmem>>, vector<1x256x128xf32>
    %get3A_331 = vector.shape_cast %get3A_330 : vector<1x256x128xf32> to vector<256x128xf32>
    %get3A_332 = arith.constant 0 : index
    %get3A_333 = arith.constant 0 : index
    %get3A_334 = vector.load %arg4[%get3A_332, %get3A_333] : memref<1x128xf32, #tpu.memory_space<vmem>>, vector<1x128xf32>
    %mul3A_335 = vector.broadcast %get3A_334 : vector<1x128xf32> to vector<256x128xf32>
    %mul3A_336 = arith.mulf %get3A_331, %mul3A_335 : vector<256x128xf32>
    %get3A_337 = arith.constant 0 : index
    %get3A_338 = arith.constant 0 : index
    %get3A_339 = vector.load %arg5[%get3A_337, %get3A_338] : memref<1x128xf32, #tpu.memory_space<vmem>>, vector<1x128xf32>
    %add3A_340 = vector.broadcast %get3A_339 : vector<1x128xf32> to vector<256x128xf32>
    %add3A_341 = arith.addf %mul3A_336, %add3A_340 : vector<256x128xf32>
    %gt3A_342 = arith.constant 0.000000e+00 : f32
    %gt3A_343 = vector.broadcast %gt3A_342 : f32 to vector<256x128xf32>
    %gt3A_344 = arith.cmpf ogt, %add3A_341, %gt3A_343 : vector<256x128xf32>
    %mul3A_345 = arith.constant 2.000000e-01 : f32
    %mul3A_346 = vector.broadcast %mul3A_345 : f32 to vector<256x128xf32>
    %mul3A_347 = arith.mulf %mul3A_346, %add3A_341 : vector<256x128xf32>
    %select_n3A_348 = arith.select %gt3A_344, %add3A_341, %mul3A_347 : vector<256x128xi1>, vector<256x128xf32>
    %sub3A_349 = arith.subf %select_n3A_348, %select_n3A : vector<256x128xf32>
    %concatenate3A_350 = tpu.concatenate %sub3A_349, %select_n3A in 1 : vector<256x128xf32>, vector<256x128xf32> -> vector<256x256xf32>
    %get3A_351 = arith.constant 0 : index
    %get3A_352 = arith.constant 0 : index
    %get3A_353 = vector.load %arg3[%get3A_351, %get3A_352] : memref<128x256xf32, #tpu.memory_space<vmem>>, vector<128x256xf32>
    %dot_general3A_354 = arith.constant dense<0.000000e+00> : vector<256x128xf32>
    %dot_general3A_355 = tpu.matmul %concatenate3A_350, %get3A_353, %dot_general3A_354 {dimension_numbers = #tpu.dot_dimension_numbers<[1], [1], [0], [0], [0, 0, 1, 0], [], []>, transpose_lhs_hint = false} : vector<256x256xf32>, vector<128x256xf32>, vector<256x128xf32> -> vector<256x128xf32>
    %max3A_356 = arith.maximumf %max3A_317, %dot_general3A_355 : vector<256x128xf32>
    %reduce_sum3A_357 = arith.constant dense<0.000000e+00> : vector<128xf32>
    %reduce_sum3A_358 = vector.multi_reduction <add>, %dot_general3A_355, %reduce_sum3A_357 [0] : vector<256x128xf32> to vector<128xf32>
    %broadcast_in_dim3A_359 = vector.shape_cast %reduce_sum3A_358 : vector<128xf32> to vector<1x128xf32>
    %add3A_360 = arith.addf %add3A_321, %broadcast_in_dim3A_359 : vector<1x128xf32>
    %mul3A_361 = arith.mulf %dot_general3A_355, %dot_general3A_355 : vector<256x128xf32>
    %reduce_sum3A_362 = arith.constant dense<0.000000e+00> : vector<128xf32>
    %reduce_sum3A_363 = vector.multi_reduction <add>, %mul3A_361, %reduce_sum3A_362 [0] : vector<256x128xf32> to vector<128xf32>
    %broadcast_in_dim3A_364 = vector.shape_cast %reduce_sum3A_363 : vector<128xf32> to vector<1x128xf32>
    %add3A_365 = arith.addf %add3A_326, %broadcast_in_dim3A_364 : vector<1x128xf32>
    %get3A_366 = arith.constant 9 : index
    %get3A_367 = arith.constant 0 : index
    %get3A_368 = arith.constant 0 : index
    %get3A_369 = vector.load %arg1[%get3A_366, %get3A_367, %get3A_368] : memref<20x256x128xf32, #tpu.memory_space<vmem>>, vector<1x256x128xf32>
    %get3A_370 = vector.shape_cast %get3A_369 : vector<1x256x128xf32> to vector<256x128xf32>
    %get3A_371 = arith.constant 0 : index
    %get3A_372 = arith.constant 0 : index
    %get3A_373 = vector.load %arg4[%get3A_371, %get3A_372] : memref<1x128xf32, #tpu.memory_space<vmem>>, vector<1x128xf32>
    %mul3A_374 = vector.broadcast %get3A_373 : vector<1x128xf32> to vector<256x128xf32>
    %mul3A_375 = arith.mulf %get3A_370, %mul3A_374 : vector<256x128xf32>
    %get3A_376 = arith.constant 0 : index
    %get3A_377 = arith.constant 0 : index
    %get3A_378 = vector.load %arg5[%get3A_376, %get3A_377] : memref<1x128xf32, #tpu.memory_space<vmem>>, vector<1x128xf32>
    %add3A_379 = vector.broadcast %get3A_378 : vector<1x128xf32> to vector<256x128xf32>
    %add3A_380 = arith.addf %mul3A_375, %add3A_379 : vector<256x128xf32>
    %gt3A_381 = arith.constant 0.000000e+00 : f32
    %gt3A_382 = vector.broadcast %gt3A_381 : f32 to vector<256x128xf32>
    %gt3A_383 = arith.cmpf ogt, %add3A_380, %gt3A_382 : vector<256x128xf32>
    %mul3A_384 = arith.constant 2.000000e-01 : f32
    %mul3A_385 = vector.broadcast %mul3A_384 : f32 to vector<256x128xf32>
    %mul3A_386 = arith.mulf %mul3A_385, %add3A_380 : vector<256x128xf32>
    %select_n3A_387 = arith.select %gt3A_383, %add3A_380, %mul3A_386 : vector<256x128xi1>, vector<256x128xf32>
    %sub3A_388 = arith.subf %select_n3A_387, %select_n3A : vector<256x128xf32>
    %concatenate3A_389 = tpu.concatenate %sub3A_388, %select_n3A in 1 : vector<256x128xf32>, vector<256x128xf32> -> vector<256x256xf32>
    %get3A_390 = arith.constant 0 : index
    %get3A_391 = arith.constant 0 : index
    %get3A_392 = vector.load %arg3[%get3A_390, %get3A_391] : memref<128x256xf32, #tpu.memory_space<vmem>>, vector<128x256xf32>
    %dot_general3A_393 = arith.constant dense<0.000000e+00> : vector<256x128xf32>
    %dot_general3A_394 = tpu.matmul %concatenate3A_389, %get3A_392, %dot_general3A_393 {dimension_numbers = #tpu.dot_dimension_numbers<[1], [1], [0], [0], [0, 0, 1, 0], [], []>, transpose_lhs_hint = false} : vector<256x256xf32>, vector<128x256xf32>, vector<256x128xf32> -> vector<256x128xf32>
    %max3A_395 = arith.maximumf %max3A_356, %dot_general3A_394 : vector<256x128xf32>
    %reduce_sum3A_396 = arith.constant dense<0.000000e+00> : vector<128xf32>
    %reduce_sum3A_397 = vector.multi_reduction <add>, %dot_general3A_394, %reduce_sum3A_396 [0] : vector<256x128xf32> to vector<128xf32>
    %broadcast_in_dim3A_398 = vector.shape_cast %reduce_sum3A_397 : vector<128xf32> to vector<1x128xf32>
    %add3A_399 = arith.addf %add3A_360, %broadcast_in_dim3A_398 : vector<1x128xf32>
    %mul3A_400 = arith.mulf %dot_general3A_394, %dot_general3A_394 : vector<256x128xf32>
    %reduce_sum3A_401 = arith.constant dense<0.000000e+00> : vector<128xf32>
    %reduce_sum3A_402 = vector.multi_reduction <add>, %mul3A_400, %reduce_sum3A_401 [0] : vector<256x128xf32> to vector<128xf32>
    %broadcast_in_dim3A_403 = vector.shape_cast %reduce_sum3A_402 : vector<128xf32> to vector<1x128xf32>
    %add3A_404 = arith.addf %add3A_365, %broadcast_in_dim3A_403 : vector<1x128xf32>
    %get3A_405 = arith.constant 10 : index
    %get3A_406 = arith.constant 0 : index
    %get3A_407 = arith.constant 0 : index
    %get3A_408 = vector.load %arg1[%get3A_405, %get3A_406, %get3A_407] : memref<20x256x128xf32, #tpu.memory_space<vmem>>, vector<1x256x128xf32>
    %get3A_409 = vector.shape_cast %get3A_408 : vector<1x256x128xf32> to vector<256x128xf32>
    %get3A_410 = arith.constant 0 : index
    %get3A_411 = arith.constant 0 : index
    %get3A_412 = vector.load %arg4[%get3A_410, %get3A_411] : memref<1x128xf32, #tpu.memory_space<vmem>>, vector<1x128xf32>
    %mul3A_413 = vector.broadcast %get3A_412 : vector<1x128xf32> to vector<256x128xf32>
    %mul3A_414 = arith.mulf %get3A_409, %mul3A_413 : vector<256x128xf32>
    %get3A_415 = arith.constant 0 : index
    %get3A_416 = arith.constant 0 : index
    %get3A_417 = vector.load %arg5[%get3A_415, %get3A_416] : memref<1x128xf32, #tpu.memory_space<vmem>>, vector<1x128xf32>
    %add3A_418 = vector.broadcast %get3A_417 : vector<1x128xf32> to vector<256x128xf32>
    %add3A_419 = arith.addf %mul3A_414, %add3A_418 : vector<256x128xf32>
    %gt3A_420 = arith.constant 0.000000e+00 : f32
    %gt3A_421 = vector.broadcast %gt3A_420 : f32 to vector<256x128xf32>
    %gt3A_422 = arith.cmpf ogt, %add3A_419, %gt3A_421 : vector<256x128xf32>
    %mul3A_423 = arith.constant 2.000000e-01 : f32
    %mul3A_424 = vector.broadcast %mul3A_423 : f32 to vector<256x128xf32>
    %mul3A_425 = arith.mulf %mul3A_424, %add3A_419 : vector<256x128xf32>
    %select_n3A_426 = arith.select %gt3A_422, %add3A_419, %mul3A_425 : vector<256x128xi1>, vector<256x128xf32>
    %sub3A_427 = arith.subf %select_n3A_426, %select_n3A : vector<256x128xf32>
    %concatenate3A_428 = tpu.concatenate %sub3A_427, %select_n3A in 1 : vector<256x128xf32>, vector<256x128xf32> -> vector<256x256xf32>
    %get3A_429 = arith.constant 0 : index
    %get3A_430 = arith.constant 0 : index
    %get3A_431 = vector.load %arg3[%get3A_429, %get3A_430] : memref<128x256xf32, #tpu.memory_space<vmem>>, vector<128x256xf32>
    %dot_general3A_432 = arith.constant dense<0.000000e+00> : vector<256x128xf32>
    %dot_general3A_433 = tpu.matmul %concatenate3A_428, %get3A_431, %dot_general3A_432 {dimension_numbers = #tpu.dot_dimension_numbers<[1], [1], [0], [0], [0, 0, 1, 0], [], []>, transpose_lhs_hint = false} : vector<256x256xf32>, vector<128x256xf32>, vector<256x128xf32> -> vector<256x128xf32>
    %max3A_434 = arith.maximumf %max3A_395, %dot_general3A_433 : vector<256x128xf32>
    %reduce_sum3A_435 = arith.constant dense<0.000000e+00> : vector<128xf32>
    %reduce_sum3A_436 = vector.multi_reduction <add>, %dot_general3A_433, %reduce_sum3A_435 [0] : vector<256x128xf32> to vector<128xf32>
    %broadcast_in_dim3A_437 = vector.shape_cast %reduce_sum3A_436 : vector<128xf32> to vector<1x128xf32>
    %add3A_438 = arith.addf %add3A_399, %broadcast_in_dim3A_437 : vector<1x128xf32>
    %mul3A_439 = arith.mulf %dot_general3A_433, %dot_general3A_433 : vector<256x128xf32>
    %reduce_sum3A_440 = arith.constant dense<0.000000e+00> : vector<128xf32>
    %reduce_sum3A_441 = vector.multi_reduction <add>, %mul3A_439, %reduce_sum3A_440 [0] : vector<256x128xf32> to vector<128xf32>
    %broadcast_in_dim3A_442 = vector.shape_cast %reduce_sum3A_441 : vector<128xf32> to vector<1x128xf32>
    %add3A_443 = arith.addf %add3A_404, %broadcast_in_dim3A_442 : vector<1x128xf32>
    %get3A_444 = arith.constant 11 : index
    %get3A_445 = arith.constant 0 : index
    %get3A_446 = arith.constant 0 : index
    %get3A_447 = vector.load %arg1[%get3A_444, %get3A_445, %get3A_446] : memref<20x256x128xf32, #tpu.memory_space<vmem>>, vector<1x256x128xf32>
    %get3A_448 = vector.shape_cast %get3A_447 : vector<1x256x128xf32> to vector<256x128xf32>
    %get3A_449 = arith.constant 0 : index
    %get3A_450 = arith.constant 0 : index
    %get3A_451 = vector.load %arg4[%get3A_449, %get3A_450] : memref<1x128xf32, #tpu.memory_space<vmem>>, vector<1x128xf32>
    %mul3A_452 = vector.broadcast %get3A_451 : vector<1x128xf32> to vector<256x128xf32>
    %mul3A_453 = arith.mulf %get3A_448, %mul3A_452 : vector<256x128xf32>
    %get3A_454 = arith.constant 0 : index
    %get3A_455 = arith.constant 0 : index
    %get3A_456 = vector.load %arg5[%get3A_454, %get3A_455] : memref<1x128xf32, #tpu.memory_space<vmem>>, vector<1x128xf32>
    %add3A_457 = vector.broadcast %get3A_456 : vector<1x128xf32> to vector<256x128xf32>
    %add3A_458 = arith.addf %mul3A_453, %add3A_457 : vector<256x128xf32>
    %gt3A_459 = arith.constant 0.000000e+00 : f32
    %gt3A_460 = vector.broadcast %gt3A_459 : f32 to vector<256x128xf32>
    %gt3A_461 = arith.cmpf ogt, %add3A_458, %gt3A_460 : vector<256x128xf32>
    %mul3A_462 = arith.constant 2.000000e-01 : f32
    %mul3A_463 = vector.broadcast %mul3A_462 : f32 to vector<256x128xf32>
    %mul3A_464 = arith.mulf %mul3A_463, %add3A_458 : vector<256x128xf32>
    %select_n3A_465 = arith.select %gt3A_461, %add3A_458, %mul3A_464 : vector<256x128xi1>, vector<256x128xf32>
    %sub3A_466 = arith.subf %select_n3A_465, %select_n3A : vector<256x128xf32>
    %concatenate3A_467 = tpu.concatenate %sub3A_466, %select_n3A in 1 : vector<256x128xf32>, vector<256x128xf32> -> vector<256x256xf32>
    %get3A_468 = arith.constant 0 : index
    %get3A_469 = arith.constant 0 : index
    %get3A_470 = vector.load %arg3[%get3A_468, %get3A_469] : memref<128x256xf32, #tpu.memory_space<vmem>>, vector<128x256xf32>
    %dot_general3A_471 = arith.constant dense<0.000000e+00> : vector<256x128xf32>
    %dot_general3A_472 = tpu.matmul %concatenate3A_467, %get3A_470, %dot_general3A_471 {dimension_numbers = #tpu.dot_dimension_numbers<[1], [1], [0], [0], [0, 0, 1, 0], [], []>, transpose_lhs_hint = false} : vector<256x256xf32>, vector<128x256xf32>, vector<256x128xf32> -> vector<256x128xf32>
    %max3A_473 = arith.maximumf %max3A_434, %dot_general3A_472 : vector<256x128xf32>
    %reduce_sum3A_474 = arith.constant dense<0.000000e+00> : vector<128xf32>
    %reduce_sum3A_475 = vector.multi_reduction <add>, %dot_general3A_472, %reduce_sum3A_474 [0] : vector<256x128xf32> to vector<128xf32>
    %broadcast_in_dim3A_476 = vector.shape_cast %reduce_sum3A_475 : vector<128xf32> to vector<1x128xf32>
    %add3A_477 = arith.addf %add3A_438, %broadcast_in_dim3A_476 : vector<1x128xf32>
    %mul3A_478 = arith.mulf %dot_general3A_472, %dot_general3A_472 : vector<256x128xf32>
    %reduce_sum3A_479 = arith.constant dense<0.000000e+00> : vector<128xf32>
    %reduce_sum3A_480 = vector.multi_reduction <add>, %mul3A_478, %reduce_sum3A_479 [0] : vector<256x128xf32> to vector<128xf32>
    %broadcast_in_dim3A_481 = vector.shape_cast %reduce_sum3A_480 : vector<128xf32> to vector<1x128xf32>
    %add3A_482 = arith.addf %add3A_443, %broadcast_in_dim3A_481 : vector<1x128xf32>
    %get3A_483 = arith.constant 12 : index
    %get3A_484 = arith.constant 0 : index
    %get3A_485 = arith.constant 0 : index
    %get3A_486 = vector.load %arg1[%get3A_483, %get3A_484, %get3A_485] : memref<20x256x128xf32, #tpu.memory_space<vmem>>, vector<1x256x128xf32>
    %get3A_487 = vector.shape_cast %get3A_486 : vector<1x256x128xf32> to vector<256x128xf32>
    %get3A_488 = arith.constant 0 : index
    %get3A_489 = arith.constant 0 : index
    %get3A_490 = vector.load %arg4[%get3A_488, %get3A_489] : memref<1x128xf32, #tpu.memory_space<vmem>>, vector<1x128xf32>
    %mul3A_491 = vector.broadcast %get3A_490 : vector<1x128xf32> to vector<256x128xf32>
    %mul3A_492 = arith.mulf %get3A_487, %mul3A_491 : vector<256x128xf32>
    %get3A_493 = arith.constant 0 : index
    %get3A_494 = arith.constant 0 : index
    %get3A_495 = vector.load %arg5[%get3A_493, %get3A_494] : memref<1x128xf32, #tpu.memory_space<vmem>>, vector<1x128xf32>
    %add3A_496 = vector.broadcast %get3A_495 : vector<1x128xf32> to vector<256x128xf32>
    %add3A_497 = arith.addf %mul3A_492, %add3A_496 : vector<256x128xf32>
    %gt3A_498 = arith.constant 0.000000e+00 : f32
    %gt3A_499 = vector.broadcast %gt3A_498 : f32 to vector<256x128xf32>
    %gt3A_500 = arith.cmpf ogt, %add3A_497, %gt3A_499 : vector<256x128xf32>
    %mul3A_501 = arith.constant 2.000000e-01 : f32
    %mul3A_502 = vector.broadcast %mul3A_501 : f32 to vector<256x128xf32>
    %mul3A_503 = arith.mulf %mul3A_502, %add3A_497 : vector<256x128xf32>
    %select_n3A_504 = arith.select %gt3A_500, %add3A_497, %mul3A_503 : vector<256x128xi1>, vector<256x128xf32>
    %sub3A_505 = arith.subf %select_n3A_504, %select_n3A : vector<256x128xf32>
    %concatenate3A_506 = tpu.concatenate %sub3A_505, %select_n3A in 1 : vector<256x128xf32>, vector<256x128xf32> -> vector<256x256xf32>
    %get3A_507 = arith.constant 0 : index
    %get3A_508 = arith.constant 0 : index
    %get3A_509 = vector.load %arg3[%get3A_507, %get3A_508] : memref<128x256xf32, #tpu.memory_space<vmem>>, vector<128x256xf32>
    %dot_general3A_510 = arith.constant dense<0.000000e+00> : vector<256x128xf32>
    %dot_general3A_511 = tpu.matmul %concatenate3A_506, %get3A_509, %dot_general3A_510 {dimension_numbers = #tpu.dot_dimension_numbers<[1], [1], [0], [0], [0, 0, 1, 0], [], []>, transpose_lhs_hint = false} : vector<256x256xf32>, vector<128x256xf32>, vector<256x128xf32> -> vector<256x128xf32>
    %max3A_512 = arith.maximumf %max3A_473, %dot_general3A_511 : vector<256x128xf32>
    %reduce_sum3A_513 = arith.constant dense<0.000000e+00> : vector<128xf32>
    %reduce_sum3A_514 = vector.multi_reduction <add>, %dot_general3A_511, %reduce_sum3A_513 [0] : vector<256x128xf32> to vector<128xf32>
    %broadcast_in_dim3A_515 = vector.shape_cast %reduce_sum3A_514 : vector<128xf32> to vector<1x128xf32>
    %add3A_516 = arith.addf %add3A_477, %broadcast_in_dim3A_515 : vector<1x128xf32>
    %mul3A_517 = arith.mulf %dot_general3A_511, %dot_general3A_511 : vector<256x128xf32>
    %reduce_sum3A_518 = arith.constant dense<0.000000e+00> : vector<128xf32>
    %reduce_sum3A_519 = vector.multi_reduction <add>, %mul3A_517, %reduce_sum3A_518 [0] : vector<256x128xf32> to vector<128xf32>
    %broadcast_in_dim3A_520 = vector.shape_cast %reduce_sum3A_519 : vector<128xf32> to vector<1x128xf32>
    %add3A_521 = arith.addf %add3A_482, %broadcast_in_dim3A_520 : vector<1x128xf32>
    %get3A_522 = arith.constant 13 : index
    %get3A_523 = arith.constant 0 : index
    %get3A_524 = arith.constant 0 : index
    %get3A_525 = vector.load %arg1[%get3A_522, %get3A_523, %get3A_524] : memref<20x256x128xf32, #tpu.memory_space<vmem>>, vector<1x256x128xf32>
    %get3A_526 = vector.shape_cast %get3A_525 : vector<1x256x128xf32> to vector<256x128xf32>
    %get3A_527 = arith.constant 0 : index
    %get3A_528 = arith.constant 0 : index
    %get3A_529 = vector.load %arg4[%get3A_527, %get3A_528] : memref<1x128xf32, #tpu.memory_space<vmem>>, vector<1x128xf32>
    %mul3A_530 = vector.broadcast %get3A_529 : vector<1x128xf32> to vector<256x128xf32>
    %mul3A_531 = arith.mulf %get3A_526, %mul3A_530 : vector<256x128xf32>
    %get3A_532 = arith.constant 0 : index
    %get3A_533 = arith.constant 0 : index
    %get3A_534 = vector.load %arg5[%get3A_532, %get3A_533] : memref<1x128xf32, #tpu.memory_space<vmem>>, vector<1x128xf32>
    %add3A_535 = vector.broadcast %get3A_534 : vector<1x128xf32> to vector<256x128xf32>
    %add3A_536 = arith.addf %mul3A_531, %add3A_535 : vector<256x128xf32>
    %gt3A_537 = arith.constant 0.000000e+00 : f32
    %gt3A_538 = vector.broadcast %gt3A_537 : f32 to vector<256x128xf32>
    %gt3A_539 = arith.cmpf ogt, %add3A_536, %gt3A_538 : vector<256x128xf32>
    %mul3A_540 = arith.constant 2.000000e-01 : f32
    %mul3A_541 = vector.broadcast %mul3A_540 : f32 to vector<256x128xf32>
    %mul3A_542 = arith.mulf %mul3A_541, %add3A_536 : vector<256x128xf32>
    %select_n3A_543 = arith.select %gt3A_539, %add3A_536, %mul3A_542 : vector<256x128xi1>, vector<256x128xf32>
    %sub3A_544 = arith.subf %select_n3A_543, %select_n3A : vector<256x128xf32>
    %concatenate3A_545 = tpu.concatenate %sub3A_544, %select_n3A in 1 : vector<256x128xf32>, vector<256x128xf32> -> vector<256x256xf32>
    %get3A_546 = arith.constant 0 : index
    %get3A_547 = arith.constant 0 : index
    %get3A_548 = vector.load %arg3[%get3A_546, %get3A_547] : memref<128x256xf32, #tpu.memory_space<vmem>>, vector<128x256xf32>
    %dot_general3A_549 = arith.constant dense<0.000000e+00> : vector<256x128xf32>
    %dot_general3A_550 = tpu.matmul %concatenate3A_545, %get3A_548, %dot_general3A_549 {dimension_numbers = #tpu.dot_dimension_numbers<[1], [1], [0], [0], [0, 0, 1, 0], [], []>, transpose_lhs_hint = false} : vector<256x256xf32>, vector<128x256xf32>, vector<256x128xf32> -> vector<256x128xf32>
    %max3A_551 = arith.maximumf %max3A_512, %dot_general3A_550 : vector<256x128xf32>
    %reduce_sum3A_552 = arith.constant dense<0.000000e+00> : vector<128xf32>
    %reduce_sum3A_553 = vector.multi_reduction <add>, %dot_general3A_550, %reduce_sum3A_552 [0] : vector<256x128xf32> to vector<128xf32>
    %broadcast_in_dim3A_554 = vector.shape_cast %reduce_sum3A_553 : vector<128xf32> to vector<1x128xf32>
    %add3A_555 = arith.addf %add3A_516, %broadcast_in_dim3A_554 : vector<1x128xf32>
    %mul3A_556 = arith.mulf %dot_general3A_550, %dot_general3A_550 : vector<256x128xf32>
    %reduce_sum3A_557 = arith.constant dense<0.000000e+00> : vector<128xf32>
    %reduce_sum3A_558 = vector.multi_reduction <add>, %mul3A_556, %reduce_sum3A_557 [0] : vector<256x128xf32> to vector<128xf32>
    %broadcast_in_dim3A_559 = vector.shape_cast %reduce_sum3A_558 : vector<128xf32> to vector<1x128xf32>
    %add3A_560 = arith.addf %add3A_521, %broadcast_in_dim3A_559 : vector<1x128xf32>
    %get3A_561 = arith.constant 14 : index
    %get3A_562 = arith.constant 0 : index
    %get3A_563 = arith.constant 0 : index
    %get3A_564 = vector.load %arg1[%get3A_561, %get3A_562, %get3A_563] : memref<20x256x128xf32, #tpu.memory_space<vmem>>, vector<1x256x128xf32>
    %get3A_565 = vector.shape_cast %get3A_564 : vector<1x256x128xf32> to vector<256x128xf32>
    %get3A_566 = arith.constant 0 : index
    %get3A_567 = arith.constant 0 : index
    %get3A_568 = vector.load %arg4[%get3A_566, %get3A_567] : memref<1x128xf32, #tpu.memory_space<vmem>>, vector<1x128xf32>
    %mul3A_569 = vector.broadcast %get3A_568 : vector<1x128xf32> to vector<256x128xf32>
    %mul3A_570 = arith.mulf %get3A_565, %mul3A_569 : vector<256x128xf32>
    %get3A_571 = arith.constant 0 : index
    %get3A_572 = arith.constant 0 : index
    %get3A_573 = vector.load %arg5[%get3A_571, %get3A_572] : memref<1x128xf32, #tpu.memory_space<vmem>>, vector<1x128xf32>
    %add3A_574 = vector.broadcast %get3A_573 : vector<1x128xf32> to vector<256x128xf32>
    %add3A_575 = arith.addf %mul3A_570, %add3A_574 : vector<256x128xf32>
    %gt3A_576 = arith.constant 0.000000e+00 : f32
    %gt3A_577 = vector.broadcast %gt3A_576 : f32 to vector<256x128xf32>
    %gt3A_578 = arith.cmpf ogt, %add3A_575, %gt3A_577 : vector<256x128xf32>
    %mul3A_579 = arith.constant 2.000000e-01 : f32
    %mul3A_580 = vector.broadcast %mul3A_579 : f32 to vector<256x128xf32>
    %mul3A_581 = arith.mulf %mul3A_580, %add3A_575 : vector<256x128xf32>
    %select_n3A_582 = arith.select %gt3A_578, %add3A_575, %mul3A_581 : vector<256x128xi1>, vector<256x128xf32>
    %sub3A_583 = arith.subf %select_n3A_582, %select_n3A : vector<256x128xf32>
    %concatenate3A_584 = tpu.concatenate %sub3A_583, %select_n3A in 1 : vector<256x128xf32>, vector<256x128xf32> -> vector<256x256xf32>
    %get3A_585 = arith.constant 0 : index
    %get3A_586 = arith.constant 0 : index
    %get3A_587 = vector.load %arg3[%get3A_585, %get3A_586] : memref<128x256xf32, #tpu.memory_space<vmem>>, vector<128x256xf32>
    %dot_general3A_588 = arith.constant dense<0.000000e+00> : vector<256x128xf32>
    %dot_general3A_589 = tpu.matmul %concatenate3A_584, %get3A_587, %dot_general3A_588 {dimension_numbers = #tpu.dot_dimension_numbers<[1], [1], [0], [0], [0, 0, 1, 0], [], []>, transpose_lhs_hint = false} : vector<256x256xf32>, vector<128x256xf32>, vector<256x128xf32> -> vector<256x128xf32>
    %max3A_590 = arith.maximumf %max3A_551, %dot_general3A_589 : vector<256x128xf32>
    %reduce_sum3A_591 = arith.constant dense<0.000000e+00> : vector<128xf32>
    %reduce_sum3A_592 = vector.multi_reduction <add>, %dot_general3A_589, %reduce_sum3A_591 [0] : vector<256x128xf32> to vector<128xf32>
    %broadcast_in_dim3A_593 = vector.shape_cast %reduce_sum3A_592 : vector<128xf32> to vector<1x128xf32>
    %add3A_594 = arith.addf %add3A_555, %broadcast_in_dim3A_593 : vector<1x128xf32>
    %mul3A_595 = arith.mulf %dot_general3A_589, %dot_general3A_589 : vector<256x128xf32>
    %reduce_sum3A_596 = arith.constant dense<0.000000e+00> : vector<128xf32>
    %reduce_sum3A_597 = vector.multi_reduction <add>, %mul3A_595, %reduce_sum3A_596 [0] : vector<256x128xf32> to vector<128xf32>
    %broadcast_in_dim3A_598 = vector.shape_cast %reduce_sum3A_597 : vector<128xf32> to vector<1x128xf32>
    %add3A_599 = arith.addf %add3A_560, %broadcast_in_dim3A_598 : vector<1x128xf32>
    %get3A_600 = arith.constant 15 : index
    %get3A_601 = arith.constant 0 : index
    %get3A_602 = arith.constant 0 : index
    %get3A_603 = vector.load %arg1[%get3A_600, %get3A_601, %get3A_602] : memref<20x256x128xf32, #tpu.memory_space<vmem>>, vector<1x256x128xf32>
    %get3A_604 = vector.shape_cast %get3A_603 : vector<1x256x128xf32> to vector<256x128xf32>
    %get3A_605 = arith.constant 0 : index
    %get3A_606 = arith.constant 0 : index
    %get3A_607 = vector.load %arg4[%get3A_605, %get3A_606] : memref<1x128xf32, #tpu.memory_space<vmem>>, vector<1x128xf32>
    %mul3A_608 = vector.broadcast %get3A_607 : vector<1x128xf32> to vector<256x128xf32>
    %mul3A_609 = arith.mulf %get3A_604, %mul3A_608 : vector<256x128xf32>
    %get3A_610 = arith.constant 0 : index
    %get3A_611 = arith.constant 0 : index
    %get3A_612 = vector.load %arg5[%get3A_610, %get3A_611] : memref<1x128xf32, #tpu.memory_space<vmem>>, vector<1x128xf32>
    %add3A_613 = vector.broadcast %get3A_612 : vector<1x128xf32> to vector<256x128xf32>
    %add3A_614 = arith.addf %mul3A_609, %add3A_613 : vector<256x128xf32>
    %gt3A_615 = arith.constant 0.000000e+00 : f32
    %gt3A_616 = vector.broadcast %gt3A_615 : f32 to vector<256x128xf32>
    %gt3A_617 = arith.cmpf ogt, %add3A_614, %gt3A_616 : vector<256x128xf32>
    %mul3A_618 = arith.constant 2.000000e-01 : f32
    %mul3A_619 = vector.broadcast %mul3A_618 : f32 to vector<256x128xf32>
    %mul3A_620 = arith.mulf %mul3A_619, %add3A_614 : vector<256x128xf32>
    %select_n3A_621 = arith.select %gt3A_617, %add3A_614, %mul3A_620 : vector<256x128xi1>, vector<256x128xf32>
    %sub3A_622 = arith.subf %select_n3A_621, %select_n3A : vector<256x128xf32>
    %concatenate3A_623 = tpu.concatenate %sub3A_622, %select_n3A in 1 : vector<256x128xf32>, vector<256x128xf32> -> vector<256x256xf32>
    %get3A_624 = arith.constant 0 : index
    %get3A_625 = arith.constant 0 : index
    %get3A_626 = vector.load %arg3[%get3A_624, %get3A_625] : memref<128x256xf32, #tpu.memory_space<vmem>>, vector<128x256xf32>
    %dot_general3A_627 = arith.constant dense<0.000000e+00> : vector<256x128xf32>
    %dot_general3A_628 = tpu.matmul %concatenate3A_623, %get3A_626, %dot_general3A_627 {dimension_numbers = #tpu.dot_dimension_numbers<[1], [1], [0], [0], [0, 0, 1, 0], [], []>, transpose_lhs_hint = false} : vector<256x256xf32>, vector<128x256xf32>, vector<256x128xf32> -> vector<256x128xf32>
    %max3A_629 = arith.maximumf %max3A_590, %dot_general3A_628 : vector<256x128xf32>
    %reduce_sum3A_630 = arith.constant dense<0.000000e+00> : vector<128xf32>
    %reduce_sum3A_631 = vector.multi_reduction <add>, %dot_general3A_628, %reduce_sum3A_630 [0] : vector<256x128xf32> to vector<128xf32>
    %broadcast_in_dim3A_632 = vector.shape_cast %reduce_sum3A_631 : vector<128xf32> to vector<1x128xf32>
    %add3A_633 = arith.addf %add3A_594, %broadcast_in_dim3A_632 : vector<1x128xf32>
    %mul3A_634 = arith.mulf %dot_general3A_628, %dot_general3A_628 : vector<256x128xf32>
    %reduce_sum3A_635 = arith.constant dense<0.000000e+00> : vector<128xf32>
    %reduce_sum3A_636 = vector.multi_reduction <add>, %mul3A_634, %reduce_sum3A_635 [0] : vector<256x128xf32> to vector<128xf32>
    %broadcast_in_dim3A_637 = vector.shape_cast %reduce_sum3A_636 : vector<128xf32> to vector<1x128xf32>
    %add3A_638 = arith.addf %add3A_599, %broadcast_in_dim3A_637 : vector<1x128xf32>
    %get3A_639 = arith.constant 16 : index
    %get3A_640 = arith.constant 0 : index
    %get3A_641 = arith.constant 0 : index
    %get3A_642 = vector.load %arg1[%get3A_639, %get3A_640, %get3A_641] : memref<20x256x128xf32, #tpu.memory_space<vmem>>, vector<1x256x128xf32>
    %get3A_643 = vector.shape_cast %get3A_642 : vector<1x256x128xf32> to vector<256x128xf32>
    %get3A_644 = arith.constant 0 : index
    %get3A_645 = arith.constant 0 : index
    %get3A_646 = vector.load %arg4[%get3A_644, %get3A_645] : memref<1x128xf32, #tpu.memory_space<vmem>>, vector<1x128xf32>
    %mul3A_647 = vector.broadcast %get3A_646 : vector<1x128xf32> to vector<256x128xf32>
    %mul3A_648 = arith.mulf %get3A_643, %mul3A_647 : vector<256x128xf32>
    %get3A_649 = arith.constant 0 : index
    %get3A_650 = arith.constant 0 : index
    %get3A_651 = vector.load %arg5[%get3A_649, %get3A_650] : memref<1x128xf32, #tpu.memory_space<vmem>>, vector<1x128xf32>
    %add3A_652 = vector.broadcast %get3A_651 : vector<1x128xf32> to vector<256x128xf32>
    %add3A_653 = arith.addf %mul3A_648, %add3A_652 : vector<256x128xf32>
    %gt3A_654 = arith.constant 0.000000e+00 : f32
    %gt3A_655 = vector.broadcast %gt3A_654 : f32 to vector<256x128xf32>
    %gt3A_656 = arith.cmpf ogt, %add3A_653, %gt3A_655 : vector<256x128xf32>
    %mul3A_657 = arith.constant 2.000000e-01 : f32
    %mul3A_658 = vector.broadcast %mul3A_657 : f32 to vector<256x128xf32>
    %mul3A_659 = arith.mulf %mul3A_658, %add3A_653 : vector<256x128xf32>
    %select_n3A_660 = arith.select %gt3A_656, %add3A_653, %mul3A_659 : vector<256x128xi1>, vector<256x128xf32>
    %sub3A_661 = arith.subf %select_n3A_660, %select_n3A : vector<256x128xf32>
    %concatenate3A_662 = tpu.concatenate %sub3A_661, %select_n3A in 1 : vector<256x128xf32>, vector<256x128xf32> -> vector<256x256xf32>
    %get3A_663 = arith.constant 0 : index
    %get3A_664 = arith.constant 0 : index
    %get3A_665 = vector.load %arg3[%get3A_663, %get3A_664] : memref<128x256xf32, #tpu.memory_space<vmem>>, vector<128x256xf32>
    %dot_general3A_666 = arith.constant dense<0.000000e+00> : vector<256x128xf32>
    %dot_general3A_667 = tpu.matmul %concatenate3A_662, %get3A_665, %dot_general3A_666 {dimension_numbers = #tpu.dot_dimension_numbers<[1], [1], [0], [0], [0, 0, 1, 0], [], []>, transpose_lhs_hint = false} : vector<256x256xf32>, vector<128x256xf32>, vector<256x128xf32> -> vector<256x128xf32>
    %max3A_668 = arith.maximumf %max3A_629, %dot_general3A_667 : vector<256x128xf32>
    %reduce_sum3A_669 = arith.constant dense<0.000000e+00> : vector<128xf32>
    %reduce_sum3A_670 = vector.multi_reduction <add>, %dot_general3A_667, %reduce_sum3A_669 [0] : vector<256x128xf32> to vector<128xf32>
    %broadcast_in_dim3A_671 = vector.shape_cast %reduce_sum3A_670 : vector<128xf32> to vector<1x128xf32>
    %add3A_672 = arith.addf %add3A_633, %broadcast_in_dim3A_671 : vector<1x128xf32>
    %mul3A_673 = arith.mulf %dot_general3A_667, %dot_general3A_667 : vector<256x128xf32>
    %reduce_sum3A_674 = arith.constant dense<0.000000e+00> : vector<128xf32>
    %reduce_sum3A_675 = vector.multi_reduction <add>, %mul3A_673, %reduce_sum3A_674 [0] : vector<256x128xf32> to vector<128xf32>
    %broadcast_in_dim3A_676 = vector.shape_cast %reduce_sum3A_675 : vector<128xf32> to vector<1x128xf32>
    %add3A_677 = arith.addf %add3A_638, %broadcast_in_dim3A_676 : vector<1x128xf32>
    %get3A_678 = arith.constant 17 : index
    %get3A_679 = arith.constant 0 : index
    %get3A_680 = arith.constant 0 : index
    %get3A_681 = vector.load %arg1[%get3A_678, %get3A_679, %get3A_680] : memref<20x256x128xf32, #tpu.memory_space<vmem>>, vector<1x256x128xf32>
    %get3A_682 = vector.shape_cast %get3A_681 : vector<1x256x128xf32> to vector<256x128xf32>
    %get3A_683 = arith.constant 0 : index
    %get3A_684 = arith.constant 0 : index
    %get3A_685 = vector.load %arg4[%get3A_683, %get3A_684] : memref<1x128xf32, #tpu.memory_space<vmem>>, vector<1x128xf32>
    %mul3A_686 = vector.broadcast %get3A_685 : vector<1x128xf32> to vector<256x128xf32>
    %mul3A_687 = arith.mulf %get3A_682, %mul3A_686 : vector<256x128xf32>
    %get3A_688 = arith.constant 0 : index
    %get3A_689 = arith.constant 0 : index
    %get3A_690 = vector.load %arg5[%get3A_688, %get3A_689] : memref<1x128xf32, #tpu.memory_space<vmem>>, vector<1x128xf32>
    %add3A_691 = vector.broadcast %get3A_690 : vector<1x128xf32> to vector<256x128xf32>
    %add3A_692 = arith.addf %mul3A_687, %add3A_691 : vector<256x128xf32>
    %gt3A_693 = arith.constant 0.000000e+00 : f32
    %gt3A_694 = vector.broadcast %gt3A_693 : f32 to vector<256x128xf32>
    %gt3A_695 = arith.cmpf ogt, %add3A_692, %gt3A_694 : vector<256x128xf32>
    %mul3A_696 = arith.constant 2.000000e-01 : f32
    %mul3A_697 = vector.broadcast %mul3A_696 : f32 to vector<256x128xf32>
    %mul3A_698 = arith.mulf %mul3A_697, %add3A_692 : vector<256x128xf32>
    %select_n3A_699 = arith.select %gt3A_695, %add3A_692, %mul3A_698 : vector<256x128xi1>, vector<256x128xf32>
    %sub3A_700 = arith.subf %select_n3A_699, %select_n3A : vector<256x128xf32>
    %concatenate3A_701 = tpu.concatenate %sub3A_700, %select_n3A in 1 : vector<256x128xf32>, vector<256x128xf32> -> vector<256x256xf32>
    %get3A_702 = arith.constant 0 : index
    %get3A_703 = arith.constant 0 : index
    %get3A_704 = vector.load %arg3[%get3A_702, %get3A_703] : memref<128x256xf32, #tpu.memory_space<vmem>>, vector<128x256xf32>
    %dot_general3A_705 = arith.constant dense<0.000000e+00> : vector<256x128xf32>
    %dot_general3A_706 = tpu.matmul %concatenate3A_701, %get3A_704, %dot_general3A_705 {dimension_numbers = #tpu.dot_dimension_numbers<[1], [1], [0], [0], [0, 0, 1, 0], [], []>, transpose_lhs_hint = false} : vector<256x256xf32>, vector<128x256xf32>, vector<256x128xf32> -> vector<256x128xf32>
    %max3A_707 = arith.maximumf %max3A_668, %dot_general3A_706 : vector<256x128xf32>
    %reduce_sum3A_708 = arith.constant dense<0.000000e+00> : vector<128xf32>
    %reduce_sum3A_709 = vector.multi_reduction <add>, %dot_general3A_706, %reduce_sum3A_708 [0] : vector<256x128xf32> to vector<128xf32>
    %broadcast_in_dim3A_710 = vector.shape_cast %reduce_sum3A_709 : vector<128xf32> to vector<1x128xf32>
    %add3A_711 = arith.addf %add3A_672, %broadcast_in_dim3A_710 : vector<1x128xf32>
    %mul3A_712 = arith.mulf %dot_general3A_706, %dot_general3A_706 : vector<256x128xf32>
    %reduce_sum3A_713 = arith.constant dense<0.000000e+00> : vector<128xf32>
    %reduce_sum3A_714 = vector.multi_reduction <add>, %mul3A_712, %reduce_sum3A_713 [0] : vector<256x128xf32> to vector<128xf32>
    %broadcast_in_dim3A_715 = vector.shape_cast %reduce_sum3A_714 : vector<128xf32> to vector<1x128xf32>
    %add3A_716 = arith.addf %add3A_677, %broadcast_in_dim3A_715 : vector<1x128xf32>
    %get3A_717 = arith.constant 18 : index
    %get3A_718 = arith.constant 0 : index
    %get3A_719 = arith.constant 0 : index
    %get3A_720 = vector.load %arg1[%get3A_717, %get3A_718, %get3A_719] : memref<20x256x128xf32, #tpu.memory_space<vmem>>, vector<1x256x128xf32>
    %get3A_721 = vector.shape_cast %get3A_720 : vector<1x256x128xf32> to vector<256x128xf32>
    %get3A_722 = arith.constant 0 : index
    %get3A_723 = arith.constant 0 : index
    %get3A_724 = vector.load %arg4[%get3A_722, %get3A_723] : memref<1x128xf32, #tpu.memory_space<vmem>>, vector<1x128xf32>
    %mul3A_725 = vector.broadcast %get3A_724 : vector<1x128xf32> to vector<256x128xf32>
    %mul3A_726 = arith.mulf %get3A_721, %mul3A_725 : vector<256x128xf32>
    %get3A_727 = arith.constant 0 : index
    %get3A_728 = arith.constant 0 : index
    %get3A_729 = vector.load %arg5[%get3A_727, %get3A_728] : memref<1x128xf32, #tpu.memory_space<vmem>>, vector<1x128xf32>
    %add3A_730 = vector.broadcast %get3A_729 : vector<1x128xf32> to vector<256x128xf32>
    %add3A_731 = arith.addf %mul3A_726, %add3A_730 : vector<256x128xf32>
    %gt3A_732 = arith.constant 0.000000e+00 : f32
    %gt3A_733 = vector.broadcast %gt3A_732 : f32 to vector<256x128xf32>
    %gt3A_734 = arith.cmpf ogt, %add3A_731, %gt3A_733 : vector<256x128xf32>
    %mul3A_735 = arith.constant 2.000000e-01 : f32
    %mul3A_736 = vector.broadcast %mul3A_735 : f32 to vector<256x128xf32>
    %mul3A_737 = arith.mulf %mul3A_736, %add3A_731 : vector<256x128xf32>
    %select_n3A_738 = arith.select %gt3A_734, %add3A_731, %mul3A_737 : vector<256x128xi1>, vector<256x128xf32>
    %sub3A_739 = arith.subf %select_n3A_738, %select_n3A : vector<256x128xf32>
    %concatenate3A_740 = tpu.concatenate %sub3A_739, %select_n3A in 1 : vector<256x128xf32>, vector<256x128xf32> -> vector<256x256xf32>
    %get3A_741 = arith.constant 0 : index
    %get3A_742 = arith.constant 0 : index
    %get3A_743 = vector.load %arg3[%get3A_741, %get3A_742] : memref<128x256xf32, #tpu.memory_space<vmem>>, vector<128x256xf32>
    %dot_general3A_744 = arith.constant dense<0.000000e+00> : vector<256x128xf32>
    %dot_general3A_745 = tpu.matmul %concatenate3A_740, %get3A_743, %dot_general3A_744 {dimension_numbers = #tpu.dot_dimension_numbers<[1], [1], [0], [0], [0, 0, 1, 0], [], []>, transpose_lhs_hint = false} : vector<256x256xf32>, vector<128x256xf32>, vector<256x128xf32> -> vector<256x128xf32>
    %max3A_746 = arith.maximumf %max3A_707, %dot_general3A_745 : vector<256x128xf32>
    %reduce_sum3A_747 = arith.constant dense<0.000000e+00> : vector<128xf32>
    %reduce_sum3A_748 = vector.multi_reduction <add>, %dot_general3A_745, %reduce_sum3A_747 [0] : vector<256x128xf32> to vector<128xf32>
    %broadcast_in_dim3A_749 = vector.shape_cast %reduce_sum3A_748 : vector<128xf32> to vector<1x128xf32>
    %add3A_750 = arith.addf %add3A_711, %broadcast_in_dim3A_749 : vector<1x128xf32>
    %mul3A_751 = arith.mulf %dot_general3A_745, %dot_general3A_745 : vector<256x128xf32>
    %reduce_sum3A_752 = arith.constant dense<0.000000e+00> : vector<128xf32>
    %reduce_sum3A_753 = vector.multi_reduction <add>, %mul3A_751, %reduce_sum3A_752 [0] : vector<256x128xf32> to vector<128xf32>
    %broadcast_in_dim3A_754 = vector.shape_cast %reduce_sum3A_753 : vector<128xf32> to vector<1x128xf32>
    %add3A_755 = arith.addf %add3A_716, %broadcast_in_dim3A_754 : vector<1x128xf32>
    %get3A_756 = arith.constant 19 : index
    %get3A_757 = arith.constant 0 : index
    %get3A_758 = arith.constant 0 : index
    %get3A_759 = vector.load %arg1[%get3A_756, %get3A_757, %get3A_758] : memref<20x256x128xf32, #tpu.memory_space<vmem>>, vector<1x256x128xf32>
    %get3A_760 = vector.shape_cast %get3A_759 : vector<1x256x128xf32> to vector<256x128xf32>
    %get3A_761 = arith.constant 0 : index
    %get3A_762 = arith.constant 0 : index
    %get3A_763 = vector.load %arg4[%get3A_761, %get3A_762] : memref<1x128xf32, #tpu.memory_space<vmem>>, vector<1x128xf32>
    %mul3A_764 = vector.broadcast %get3A_763 : vector<1x128xf32> to vector<256x128xf32>
    %mul3A_765 = arith.mulf %get3A_760, %mul3A_764 : vector<256x128xf32>
    %get3A_766 = arith.constant 0 : index
    %get3A_767 = arith.constant 0 : index
    %get3A_768 = vector.load %arg5[%get3A_766, %get3A_767] : memref<1x128xf32, #tpu.memory_space<vmem>>, vector<1x128xf32>
    %add3A_769 = vector.broadcast %get3A_768 : vector<1x128xf32> to vector<256x128xf32>
    %add3A_770 = arith.addf %mul3A_765, %add3A_769 : vector<256x128xf32>
    %gt3A_771 = arith.constant 0.000000e+00 : f32
    %gt3A_772 = vector.broadcast %gt3A_771 : f32 to vector<256x128xf32>
    %gt3A_773 = arith.cmpf ogt, %add3A_770, %gt3A_772 : vector<256x128xf32>
    %mul3A_774 = arith.constant 2.000000e-01 : f32
    %mul3A_775 = vector.broadcast %mul3A_774 : f32 to vector<256x128xf32>
    %mul3A_776 = arith.mulf %mul3A_775, %add3A_770 : vector<256x128xf32>
    %select_n3A_777 = arith.select %gt3A_773, %add3A_770, %mul3A_776 : vector<256x128xi1>, vector<256x128xf32>
    %sub3A_778 = arith.subf %select_n3A_777, %select_n3A : vector<256x128xf32>
    %concatenate3A_779 = tpu.concatenate %sub3A_778, %select_n3A in 1 : vector<256x128xf32>, vector<256x128xf32> -> vector<256x256xf32>
    %get3A_780 = arith.constant 0 : index
    %get3A_781 = arith.constant 0 : index
    %get3A_782 = vector.load %arg3[%get3A_780, %get3A_781] : memref<128x256xf32, #tpu.memory_space<vmem>>, vector<128x256xf32>
    %dot_general3A_783 = arith.constant dense<0.000000e+00> : vector<256x128xf32>
    %dot_general3A_784 = tpu.matmul %concatenate3A_779, %get3A_782, %dot_general3A_783 {dimension_numbers = #tpu.dot_dimension_numbers<[1], [1], [0], [0], [0, 0, 1, 0], [], []>, transpose_lhs_hint = false} : vector<256x256xf32>, vector<128x256xf32>, vector<256x128xf32> -> vector<256x128xf32>
    %max3A_785 = arith.maximumf %max3A_746, %dot_general3A_784 : vector<256x128xf32>
    %reduce_sum3A_786 = arith.constant dense<0.000000e+00> : vector<128xf32>
    %reduce_sum3A_787 = vector.multi_reduction <add>, %dot_general3A_784, %reduce_sum3A_786 [0] : vector<256x128xf32> to vector<128xf32>
    %broadcast_in_dim3A_788 = vector.shape_cast %reduce_sum3A_787 : vector<128xf32> to vector<1x128xf32>
    %add3A_789 = arith.addf %add3A_750, %broadcast_in_dim3A_788 : vector<1x128xf32>
    %mul3A_790 = arith.mulf %dot_general3A_784, %dot_general3A_784 : vector<256x128xf32>
    %reduce_sum3A_791 = arith.constant dense<0.000000e+00> : vector<128xf32>
    %reduce_sum3A_792 = vector.multi_reduction <add>, %mul3A_790, %reduce_sum3A_791 [0] : vector<256x128xf32> to vector<128xf32>
    %broadcast_in_dim3A_793 = vector.shape_cast %reduce_sum3A_792 : vector<128xf32> to vector<1x128xf32>
    %add3A_794 = arith.addf %add3A_755, %broadcast_in_dim3A_793 : vector<1x128xf32>
    %swap3A = arith.constant 0 : index
    %swap3A_795 = arith.constant 0 : index
    %swap3A_796 = vector.load %arg6[%swap3A, %swap3A_795] : memref<256x128xf32, #tpu.memory_space<vmem>>, vector<256x128xf32>
    tpu.vector_store %arg6[%swap3A, %swap3A_795], %max3A_785 {strides = array<i32>} : memref<256x128xf32, #tpu.memory_space<vmem>>, vector<256x128xf32>,
    %eq3A = arith.constant 0 : i32
    %eq3A_797 = arith.cmpi eq, %arg0, %eq3A : i32
    %convert_element_type3A = arith.extui %eq3A_797 : i1 to i32
    %cond3A = arith.constant 0 : i32
    %cond3A_798 = arith.cmpi ne, %convert_element_type3A, %cond3A : i32
    scf.if %cond3A_798 {
      %broadcast_in_dim3A_817 = arith.constant 0.000000e+00 : f32
      %broadcast_in_dim3A_818 = vector.broadcast %broadcast_in_dim3A_817 : f32 to vector<8x128xf32>
      %swap3A_819 = arith.constant 0 : index
      %swap3A_820 = arith.constant 0 : index
      %swap3A_821 = vector.load %arg7[%swap3A_819, %swap3A_820] : memref<8x128xf32, #tpu.memory_space<vmem>>, vector<8x128xf32>
      tpu.vector_store %arg7[%swap3A_819, %swap3A_820], %broadcast_in_dim3A_818 {strides = array<i32>} : memref<8x128xf32, #tpu.memory_space<vmem>>, vector<8x128xf32>,
      %broadcast_in_dim3A_822 = arith.constant 0.000000e+00 : f32
      %broadcast_in_dim3A_823 = vector.broadcast %broadcast_in_dim3A_822 : f32 to vector<8x128xf32>
      %swap3A_824 = arith.constant 0 : index
      %swap3A_825 = arith.constant 0 : index
      %swap3A_826 = vector.load %arg8[%swap3A_824, %swap3A_825] : memref<8x128xf32, #tpu.memory_space<vmem>>, vector<8x128xf32>
      tpu.vector_store %arg8[%swap3A_824, %swap3A_825], %broadcast_in_dim3A_823 {strides = array<i32>} : memref<8x128xf32, #tpu.memory_space<vmem>>, vector<8x128xf32>,
    } else {
    }
    %get3A_799 = arith.constant 0 : index
    %get3A_800 = arith.constant 0 : index
    %get3A_801 = vector.load %arg7[%get3A_799, %get3A_800] : memref<8x128xf32, #tpu.memory_space<vmem>>, vector<8x128xf32>
    %broadcast_in_dim3A_802 = vector.shape_cast %add3A_789 : vector<1x128xf32> to vector<1x128xf32>
    %broadcast_in_dim3A_803 = vector.broadcast %broadcast_in_dim3A_802 : vector<1x128xf32> to vector<8x128xf32>
    %add3A_804 = arith.addf %get3A_801, %broadcast_in_dim3A_803 : vector<8x128xf32>
    %swap3A_805 = arith.constant 0 : index
    %swap3A_806 = arith.constant 0 : index
    %swap3A_807 = vector.load %arg7[%swap3A_805, %swap3A_806] : memref<8x128xf32, #tpu.memory_space<vmem>>, vector<8x128xf32>
    tpu.vector_store %arg7[%swap3A_805, %swap3A_806], %add3A_804 {strides = array<i32>} : memref<8x128xf32, #tpu.memory_space<vmem>>, vector<8x128xf32>,
    %get3A_808 = arith.constant 0 : index
    %get3A_809 = arith.constant 0 : index
    %get3A_810 = vector.load %arg8[%get3A_808, %get3A_809] : memref<8x128xf32, #tpu.memory_space<vmem>>, vector<8x128xf32>
    %broadcast_in_dim3A_811 = vector.shape_cast %add3A_794 : vector<1x128xf32> to vector<1x128xf32>
    %broadcast_in_dim3A_812 = vector.broadcast %broadcast_in_dim3A_811 : vector<1x128xf32> to vector<8x128xf32>
    %add3A_813 = arith.addf %get3A_810, %broadcast_in_dim3A_812 : vector<8x128xf32>
    %swap3A_814 = arith.constant 0 : index
    %swap3A_815 = arith.constant 0 : index
    %swap3A_816 = vector.load %arg8[%swap3A_814, %swap3A_815] : memref<8x128xf32, #tpu.memory_space<vmem>>, vector<8x128xf32>
    tpu.vector_store %arg8[%swap3A_814, %swap3A_815], %add3A_813 {strides = array<i32>} : memref<8x128xf32, #tpu.memory_space<vmem>>, vector<8x128xf32>,
    return
  }
  func.func @transform_0(%arg0: i32) -> (i32, i32, i32) {
    %c0_i32 = arith.constant 0 : i32
    %c0_i32_0 = arith.constant 0 : i32
    %c0_i32_1 = arith.constant 0 : i32
    return %c0_i32, %arg0, %c0_i32_0 : i32, i32, i32
  }
  func.func @transform_1(%arg0: i32) -> (i32, i32) {
    %c0_i32 = arith.constant 0 : i32
    %c0_i32_0 = arith.constant 0 : i32
    return %arg0, %c0_i32 : i32, i32
  }
  func.func @transform_2(%arg0: i32) -> (i32, i32) {
    %c0_i32 = arith.constant 0 : i32
    %c0_i32_0 = arith.constant 0 : i32
    %c0_i32_1 = arith.constant 0 : i32
    return %c0_i32, %c0_i32_0 : i32, i32
  }
  func.func @transform_3(%arg0: i32) -> (i32, i32) {
    %c0_i32 = arith.constant 0 : i32
    %c0_i32_0 = arith.constant 0 : i32
    %c0_i32_1 = arith.constant 0 : i32
    return %c0_i32, %c0_i32_0 : i32, i32
  }
  func.func @transform_4(%arg0: i32) -> (i32, i32) {
    %c0_i32 = arith.constant 0 : i32
    %c0_i32_0 = arith.constant 0 : i32
    %c0_i32_1 = arith.constant 0 : i32
    return %c0_i32, %c0_i32_0 : i32, i32
  }
  func.func @transform_5(%arg0: i32) -> (i32, i32) {
    %c0_i32 = arith.constant 0 : i32
    %c0_i32_0 = arith.constant 0 : i32
    return %arg0, %c0_i32 : i32, i32
  }
  func.func @transform_6(%arg0: i32) -> (i32, i32) {
    %c0_i32 = arith.constant 0 : i32
    %c0_i32_0 = arith.constant 0 : i32
    %c0_i32_1 = arith.constant 0 : i32
    return %c0_i32, %c0_i32_0 : i32, i32
  }
  func.func @transform_7(%arg0: i32) -> (i32, i32) {
    %c0_i32 = arith.constant 0 : i32
    %c0_i32_0 = arith.constant 0 : i32
    %c0_i32_1 = arith.constant 0 : i32
    return %c0_i32, %c0_i32_0 : i32, i32
  }
}

module attributes {stable_mosaic.version = 14 : i64} {
  func.func @_edge_body(%arg0: i32, %arg1: memref<20x256x128xf32, #tpu.memory_space<vmem>>, %arg2: memref<256x128xf32, #tpu.memory_space<vmem>>, %arg3: memref<256x256xf32, #tpu.memory_space<vmem>>, %arg4: memref<1x128xf32, #tpu.memory_space<vmem>>, %arg5: memref<1x128xf32, #tpu.memory_space<vmem>>, %arg6: memref<256x256xf32, #tpu.memory_space<vmem>>, %arg7: memref<8x256xf32, #tpu.memory_space<vmem>>, %arg8: memref<8x256xf32, #tpu.memory_space<vmem>>) attributes {dimension_semantics = [#tpu.dimension_semantics<arbitrary>], iteration_bounds = array<i64: 32>, scalar_prefetch = 0 : i64, scratch_operands = 0 : i64, tpu.core_type = #tpu.core_type<tc>, window_params = [{transform_indices = @transform_0, window_bounds = array<i64: 20, 256, 128>}, {transform_indices = @transform_1, window_bounds = array<i64: 256, 128>}, {pipeline_mode = #tpu.pipeline_mode<synchronous>, transform_indices = @transform_2, window_bounds = array<i64: 256, 256>}, {pipeline_mode = #tpu.pipeline_mode<synchronous>, transform_indices = @transform_3, window_bounds = array<i64: 1, 128>}, {pipeline_mode = #tpu.pipeline_mode<synchronous>, transform_indices = @transform_4, window_bounds = array<i64: 1, 128>}, {transform_indices = @transform_5, window_bounds = array<i64: 256, 256>}, {pipeline_mode = #tpu.pipeline_mode<synchronous>, transform_indices = @transform_6, window_bounds = array<i64: 8, 256>}, {pipeline_mode = #tpu.pipeline_mode<synchronous>, transform_indices = @transform_7, window_bounds = array<i64: 8, 256>}]} {
    %get3A = arith.constant 0 : index
    %get3A_0 = arith.constant 0 : index
    %get3A_1 = vector.load %arg2[%get3A, %get3A_0] : memref<256x128xf32, #tpu.memory_space<vmem>>, vector<256x128xf32>
    %get3A_2 = arith.constant 0 : index
    %get3A_3 = arith.constant 0 : index
    %get3A_4 = vector.load %arg4[%get3A_2, %get3A_3] : memref<1x128xf32, #tpu.memory_space<vmem>>, vector<1x128xf32>
    %mul3A = vector.broadcast %get3A_4 : vector<1x128xf32> to vector<256x128xf32>
    %mul3A_5 = arith.mulf %get3A_1, %mul3A : vector<256x128xf32>
    %get3A_6 = arith.constant 0 : index
    %get3A_7 = arith.constant 0 : index
    %get3A_8 = vector.load %arg5[%get3A_6, %get3A_7] : memref<1x128xf32, #tpu.memory_space<vmem>>, vector<1x128xf32>
    %add3A = vector.broadcast %get3A_8 : vector<1x128xf32> to vector<256x128xf32>
    %add3A_9 = arith.addf %mul3A_5, %add3A : vector<256x128xf32>
    %gt3A = arith.constant 0.000000e+00 : f32
    %gt3A_10 = vector.broadcast %gt3A : f32 to vector<256x128xf32>
    %gt3A_11 = arith.cmpf ogt, %add3A_9, %gt3A_10 : vector<256x128xf32>
    %mul3A_12 = arith.constant 2.000000e-01 : f32
    %mul3A_13 = vector.broadcast %mul3A_12 : f32 to vector<256x128xf32>
    %mul3A_14 = arith.mulf %mul3A_13, %add3A_9 : vector<256x128xf32>
    %select_n3A = arith.select %gt3A_11, %add3A_9, %mul3A_14 : vector<256x128xi1>, vector<256x128xf32>
    %broadcast_in_dim3A = arith.constant 0xFF800000 : f32
    %broadcast_in_dim3A_15 = vector.broadcast %broadcast_in_dim3A : f32 to vector<256x256xf32>
    %broadcast_in_dim3A_16 = arith.constant 0.000000e+00 : f32
    %broadcast_in_dim3A_17 = vector.broadcast %broadcast_in_dim3A_16 : f32 to vector<1x256xf32>
    %broadcast_in_dim3A_18 = arith.constant 0.000000e+00 : f32
    %broadcast_in_dim3A_19 = vector.broadcast %broadcast_in_dim3A_18 : f32 to vector<1x256xf32>
    %get3A_20 = arith.constant 0 : index
    %get3A_21 = arith.constant 0 : index
    %get3A_22 = arith.constant 0 : index
    %get3A_23 = vector.load %arg1[%get3A_20, %get3A_21, %get3A_22] : memref<20x256x128xf32, #tpu.memory_space<vmem>>, vector<1x256x128xf32>
    %get3A_24 = vector.shape_cast %get3A_23 : vector<1x256x128xf32> to vector<256x128xf32>
    %get3A_25 = arith.constant 0 : index
    %get3A_26 = arith.constant 0 : index
    %get3A_27 = vector.load %arg4[%get3A_25, %get3A_26] : memref<1x128xf32, #tpu.memory_space<vmem>>, vector<1x128xf32>
    %mul3A_28 = vector.broadcast %get3A_27 : vector<1x128xf32> to vector<256x128xf32>
    %mul3A_29 = arith.mulf %get3A_24, %mul3A_28 : vector<256x128xf32>
    %get3A_30 = arith.constant 0 : index
    %get3A_31 = arith.constant 0 : index
    %get3A_32 = vector.load %arg5[%get3A_30, %get3A_31] : memref<1x128xf32, #tpu.memory_space<vmem>>, vector<1x128xf32>
    %add3A_33 = vector.broadcast %get3A_32 : vector<1x128xf32> to vector<256x128xf32>
    %add3A_34 = arith.addf %mul3A_29, %add3A_33 : vector<256x128xf32>
    %gt3A_35 = arith.constant 0.000000e+00 : f32
    %gt3A_36 = vector.broadcast %gt3A_35 : f32 to vector<256x128xf32>
    %gt3A_37 = arith.cmpf ogt, %add3A_34, %gt3A_36 : vector<256x128xf32>
    %mul3A_38 = arith.constant 2.000000e-01 : f32
    %mul3A_39 = vector.broadcast %mul3A_38 : f32 to vector<256x128xf32>
    %mul3A_40 = arith.mulf %mul3A_39, %add3A_34 : vector<256x128xf32>
    %select_n3A_41 = arith.select %gt3A_37, %add3A_34, %mul3A_40 : vector<256x128xi1>, vector<256x128xf32>
    %sub3A = arith.subf %select_n3A_41, %select_n3A : vector<256x128xf32>
    %concatenate3A = tpu.concatenate %sub3A, %select_n3A in 1 : vector<256x128xf32>, vector<256x128xf32> -> vector<256x256xf32>
    %get3A_42 = arith.constant 0 : index
    %get3A_43 = arith.constant 0 : index
    %get3A_44 = vector.load %arg3[%get3A_42, %get3A_43] : memref<256x256xf32, #tpu.memory_space<vmem>>, vector<256x256xf32>
    %dot_general3A = arith.constant dense<0.000000e+00> : vector<256x256xf32>
    %dot_general3A_45 = tpu.matmul %concatenate3A, %get3A_44, %dot_general3A {dimension_numbers = #tpu.dot_dimension_numbers<[1], [1], [0], [0], [0, 0, 1, 0], [], []>, transpose_lhs_hint = false} : vector<256x256xf32>, vector<256x256xf32>, vector<256x256xf32> -> vector<256x256xf32>
    %max3A = arith.maximumf %broadcast_in_dim3A_15, %dot_general3A_45 : vector<256x256xf32>
    %reduce_sum3A = arith.constant dense<0.000000e+00> : vector<256xf32>
    %reduce_sum3A_46 = vector.multi_reduction <add>, %dot_general3A_45, %reduce_sum3A [0] : vector<256x256xf32> to vector<256xf32>
    %broadcast_in_dim3A_47 = vector.shape_cast %reduce_sum3A_46 : vector<256xf32> to vector<1x256xf32>
    %add3A_48 = arith.addf %broadcast_in_dim3A_17, %broadcast_in_dim3A_47 : vector<1x256xf32>
    %mul3A_49 = arith.mulf %dot_general3A_45, %dot_general3A_45 : vector<256x256xf32>
    %reduce_sum3A_50 = arith.constant dense<0.000000e+00> : vector<256xf32>
    %reduce_sum3A_51 = vector.multi_reduction <add>, %mul3A_49, %reduce_sum3A_50 [0] : vector<256x256xf32> to vector<256xf32>
    %broadcast_in_dim3A_52 = vector.shape_cast %reduce_sum3A_51 : vector<256xf32> to vector<1x256xf32>
    %add3A_53 = arith.addf %broadcast_in_dim3A_19, %broadcast_in_dim3A_52 : vector<1x256xf32>
    %get3A_54 = arith.constant 1 : index
    %get3A_55 = arith.constant 0 : index
    %get3A_56 = arith.constant 0 : index
    %get3A_57 = vector.load %arg1[%get3A_54, %get3A_55, %get3A_56] : memref<20x256x128xf32, #tpu.memory_space<vmem>>, vector<1x256x128xf32>
    %get3A_58 = vector.shape_cast %get3A_57 : vector<1x256x128xf32> to vector<256x128xf32>
    %get3A_59 = arith.constant 0 : index
    %get3A_60 = arith.constant 0 : index
    %get3A_61 = vector.load %arg4[%get3A_59, %get3A_60] : memref<1x128xf32, #tpu.memory_space<vmem>>, vector<1x128xf32>
    %mul3A_62 = vector.broadcast %get3A_61 : vector<1x128xf32> to vector<256x128xf32>
    %mul3A_63 = arith.mulf %get3A_58, %mul3A_62 : vector<256x128xf32>
    %get3A_64 = arith.constant 0 : index
    %get3A_65 = arith.constant 0 : index
    %get3A_66 = vector.load %arg5[%get3A_64, %get3A_65] : memref<1x128xf32, #tpu.memory_space<vmem>>, vector<1x128xf32>
    %add3A_67 = vector.broadcast %get3A_66 : vector<1x128xf32> to vector<256x128xf32>
    %add3A_68 = arith.addf %mul3A_63, %add3A_67 : vector<256x128xf32>
    %gt3A_69 = arith.constant 0.000000e+00 : f32
    %gt3A_70 = vector.broadcast %gt3A_69 : f32 to vector<256x128xf32>
    %gt3A_71 = arith.cmpf ogt, %add3A_68, %gt3A_70 : vector<256x128xf32>
    %mul3A_72 = arith.constant 2.000000e-01 : f32
    %mul3A_73 = vector.broadcast %mul3A_72 : f32 to vector<256x128xf32>
    %mul3A_74 = arith.mulf %mul3A_73, %add3A_68 : vector<256x128xf32>
    %select_n3A_75 = arith.select %gt3A_71, %add3A_68, %mul3A_74 : vector<256x128xi1>, vector<256x128xf32>
    %sub3A_76 = arith.subf %select_n3A_75, %select_n3A : vector<256x128xf32>
    %concatenate3A_77 = tpu.concatenate %sub3A_76, %select_n3A in 1 : vector<256x128xf32>, vector<256x128xf32> -> vector<256x256xf32>
    %get3A_78 = arith.constant 0 : index
    %get3A_79 = arith.constant 0 : index
    %get3A_80 = vector.load %arg3[%get3A_78, %get3A_79] : memref<256x256xf32, #tpu.memory_space<vmem>>, vector<256x256xf32>
    %dot_general3A_81 = arith.constant dense<0.000000e+00> : vector<256x256xf32>
    %dot_general3A_82 = tpu.matmul %concatenate3A_77, %get3A_80, %dot_general3A_81 {dimension_numbers = #tpu.dot_dimension_numbers<[1], [1], [0], [0], [0, 0, 1, 0], [], []>, transpose_lhs_hint = false} : vector<256x256xf32>, vector<256x256xf32>, vector<256x256xf32> -> vector<256x256xf32>
    %max3A_83 = arith.maximumf %max3A, %dot_general3A_82 : vector<256x256xf32>
    %reduce_sum3A_84 = arith.constant dense<0.000000e+00> : vector<256xf32>
    %reduce_sum3A_85 = vector.multi_reduction <add>, %dot_general3A_82, %reduce_sum3A_84 [0] : vector<256x256xf32> to vector<256xf32>
    %broadcast_in_dim3A_86 = vector.shape_cast %reduce_sum3A_85 : vector<256xf32> to vector<1x256xf32>
    %add3A_87 = arith.addf %add3A_48, %broadcast_in_dim3A_86 : vector<1x256xf32>
    %mul3A_88 = arith.mulf %dot_general3A_82, %dot_general3A_82 : vector<256x256xf32>
    %reduce_sum3A_89 = arith.constant dense<0.000000e+00> : vector<256xf32>
    %reduce_sum3A_90 = vector.multi_reduction <add>, %mul3A_88, %reduce_sum3A_89 [0] : vector<256x256xf32> to vector<256xf32>
    %broadcast_in_dim3A_91 = vector.shape_cast %reduce_sum3A_90 : vector<256xf32> to vector<1x256xf32>
    %add3A_92 = arith.addf %add3A_53, %broadcast_in_dim3A_91 : vector<1x256xf32>
    %get3A_93 = arith.constant 2 : index
    %get3A_94 = arith.constant 0 : index
    %get3A_95 = arith.constant 0 : index
    %get3A_96 = vector.load %arg1[%get3A_93, %get3A_94, %get3A_95] : memref<20x256x128xf32, #tpu.memory_space<vmem>>, vector<1x256x128xf32>
    %get3A_97 = vector.shape_cast %get3A_96 : vector<1x256x128xf32> to vector<256x128xf32>
    %get3A_98 = arith.constant 0 : index
    %get3A_99 = arith.constant 0 : index
    %get3A_100 = vector.load %arg4[%get3A_98, %get3A_99] : memref<1x128xf32, #tpu.memory_space<vmem>>, vector<1x128xf32>
    %mul3A_101 = vector.broadcast %get3A_100 : vector<1x128xf32> to vector<256x128xf32>
    %mul3A_102 = arith.mulf %get3A_97, %mul3A_101 : vector<256x128xf32>
    %get3A_103 = arith.constant 0 : index
    %get3A_104 = arith.constant 0 : index
    %get3A_105 = vector.load %arg5[%get3A_103, %get3A_104] : memref<1x128xf32, #tpu.memory_space<vmem>>, vector<1x128xf32>
    %add3A_106 = vector.broadcast %get3A_105 : vector<1x128xf32> to vector<256x128xf32>
    %add3A_107 = arith.addf %mul3A_102, %add3A_106 : vector<256x128xf32>
    %gt3A_108 = arith.constant 0.000000e+00 : f32
    %gt3A_109 = vector.broadcast %gt3A_108 : f32 to vector<256x128xf32>
    %gt3A_110 = arith.cmpf ogt, %add3A_107, %gt3A_109 : vector<256x128xf32>
    %mul3A_111 = arith.constant 2.000000e-01 : f32
    %mul3A_112 = vector.broadcast %mul3A_111 : f32 to vector<256x128xf32>
    %mul3A_113 = arith.mulf %mul3A_112, %add3A_107 : vector<256x128xf32>
    %select_n3A_114 = arith.select %gt3A_110, %add3A_107, %mul3A_113 : vector<256x128xi1>, vector<256x128xf32>
    %sub3A_115 = arith.subf %select_n3A_114, %select_n3A : vector<256x128xf32>
    %concatenate3A_116 = tpu.concatenate %sub3A_115, %select_n3A in 1 : vector<256x128xf32>, vector<256x128xf32> -> vector<256x256xf32>
    %get3A_117 = arith.constant 0 : index
    %get3A_118 = arith.constant 0 : index
    %get3A_119 = vector.load %arg3[%get3A_117, %get3A_118] : memref<256x256xf32, #tpu.memory_space<vmem>>, vector<256x256xf32>
    %dot_general3A_120 = arith.constant dense<0.000000e+00> : vector<256x256xf32>
    %dot_general3A_121 = tpu.matmul %concatenate3A_116, %get3A_119, %dot_general3A_120 {dimension_numbers = #tpu.dot_dimension_numbers<[1], [1], [0], [0], [0, 0, 1, 0], [], []>, transpose_lhs_hint = false} : vector<256x256xf32>, vector<256x256xf32>, vector<256x256xf32> -> vector<256x256xf32>
    %max3A_122 = arith.maximumf %max3A_83, %dot_general3A_121 : vector<256x256xf32>
    %reduce_sum3A_123 = arith.constant dense<0.000000e+00> : vector<256xf32>
    %reduce_sum3A_124 = vector.multi_reduction <add>, %dot_general3A_121, %reduce_sum3A_123 [0] : vector<256x256xf32> to vector<256xf32>
    %broadcast_in_dim3A_125 = vector.shape_cast %reduce_sum3A_124 : vector<256xf32> to vector<1x256xf32>
    %add3A_126 = arith.addf %add3A_87, %broadcast_in_dim3A_125 : vector<1x256xf32>
    %mul3A_127 = arith.mulf %dot_general3A_121, %dot_general3A_121 : vector<256x256xf32>
    %reduce_sum3A_128 = arith.constant dense<0.000000e+00> : vector<256xf32>
    %reduce_sum3A_129 = vector.multi_reduction <add>, %mul3A_127, %reduce_sum3A_128 [0] : vector<256x256xf32> to vector<256xf32>
    %broadcast_in_dim3A_130 = vector.shape_cast %reduce_sum3A_129 : vector<256xf32> to vector<1x256xf32>
    %add3A_131 = arith.addf %add3A_92, %broadcast_in_dim3A_130 : vector<1x256xf32>
    %get3A_132 = arith.constant 3 : index
    %get3A_133 = arith.constant 0 : index
    %get3A_134 = arith.constant 0 : index
    %get3A_135 = vector.load %arg1[%get3A_132, %get3A_133, %get3A_134] : memref<20x256x128xf32, #tpu.memory_space<vmem>>, vector<1x256x128xf32>
    %get3A_136 = vector.shape_cast %get3A_135 : vector<1x256x128xf32> to vector<256x128xf32>
    %get3A_137 = arith.constant 0 : index
    %get3A_138 = arith.constant 0 : index
    %get3A_139 = vector.load %arg4[%get3A_137, %get3A_138] : memref<1x128xf32, #tpu.memory_space<vmem>>, vector<1x128xf32>
    %mul3A_140 = vector.broadcast %get3A_139 : vector<1x128xf32> to vector<256x128xf32>
    %mul3A_141 = arith.mulf %get3A_136, %mul3A_140 : vector<256x128xf32>
    %get3A_142 = arith.constant 0 : index
    %get3A_143 = arith.constant 0 : index
    %get3A_144 = vector.load %arg5[%get3A_142, %get3A_143] : memref<1x128xf32, #tpu.memory_space<vmem>>, vector<1x128xf32>
    %add3A_145 = vector.broadcast %get3A_144 : vector<1x128xf32> to vector<256x128xf32>
    %add3A_146 = arith.addf %mul3A_141, %add3A_145 : vector<256x128xf32>
    %gt3A_147 = arith.constant 0.000000e+00 : f32
    %gt3A_148 = vector.broadcast %gt3A_147 : f32 to vector<256x128xf32>
    %gt3A_149 = arith.cmpf ogt, %add3A_146, %gt3A_148 : vector<256x128xf32>
    %mul3A_150 = arith.constant 2.000000e-01 : f32
    %mul3A_151 = vector.broadcast %mul3A_150 : f32 to vector<256x128xf32>
    %mul3A_152 = arith.mulf %mul3A_151, %add3A_146 : vector<256x128xf32>
    %select_n3A_153 = arith.select %gt3A_149, %add3A_146, %mul3A_152 : vector<256x128xi1>, vector<256x128xf32>
    %sub3A_154 = arith.subf %select_n3A_153, %select_n3A : vector<256x128xf32>
    %concatenate3A_155 = tpu.concatenate %sub3A_154, %select_n3A in 1 : vector<256x128xf32>, vector<256x128xf32> -> vector<256x256xf32>
    %get3A_156 = arith.constant 0 : index
    %get3A_157 = arith.constant 0 : index
    %get3A_158 = vector.load %arg3[%get3A_156, %get3A_157] : memref<256x256xf32, #tpu.memory_space<vmem>>, vector<256x256xf32>
    %dot_general3A_159 = arith.constant dense<0.000000e+00> : vector<256x256xf32>
    %dot_general3A_160 = tpu.matmul %concatenate3A_155, %get3A_158, %dot_general3A_159 {dimension_numbers = #tpu.dot_dimension_numbers<[1], [1], [0], [0], [0, 0, 1, 0], [], []>, transpose_lhs_hint = false} : vector<256x256xf32>, vector<256x256xf32>, vector<256x256xf32> -> vector<256x256xf32>
    %max3A_161 = arith.maximumf %max3A_122, %dot_general3A_160 : vector<256x256xf32>
    %reduce_sum3A_162 = arith.constant dense<0.000000e+00> : vector<256xf32>
    %reduce_sum3A_163 = vector.multi_reduction <add>, %dot_general3A_160, %reduce_sum3A_162 [0] : vector<256x256xf32> to vector<256xf32>
    %broadcast_in_dim3A_164 = vector.shape_cast %reduce_sum3A_163 : vector<256xf32> to vector<1x256xf32>
    %add3A_165 = arith.addf %add3A_126, %broadcast_in_dim3A_164 : vector<1x256xf32>
    %mul3A_166 = arith.mulf %dot_general3A_160, %dot_general3A_160 : vector<256x256xf32>
    %reduce_sum3A_167 = arith.constant dense<0.000000e+00> : vector<256xf32>
    %reduce_sum3A_168 = vector.multi_reduction <add>, %mul3A_166, %reduce_sum3A_167 [0] : vector<256x256xf32> to vector<256xf32>
    %broadcast_in_dim3A_169 = vector.shape_cast %reduce_sum3A_168 : vector<256xf32> to vector<1x256xf32>
    %add3A_170 = arith.addf %add3A_131, %broadcast_in_dim3A_169 : vector<1x256xf32>
    %get3A_171 = arith.constant 4 : index
    %get3A_172 = arith.constant 0 : index
    %get3A_173 = arith.constant 0 : index
    %get3A_174 = vector.load %arg1[%get3A_171, %get3A_172, %get3A_173] : memref<20x256x128xf32, #tpu.memory_space<vmem>>, vector<1x256x128xf32>
    %get3A_175 = vector.shape_cast %get3A_174 : vector<1x256x128xf32> to vector<256x128xf32>
    %get3A_176 = arith.constant 0 : index
    %get3A_177 = arith.constant 0 : index
    %get3A_178 = vector.load %arg4[%get3A_176, %get3A_177] : memref<1x128xf32, #tpu.memory_space<vmem>>, vector<1x128xf32>
    %mul3A_179 = vector.broadcast %get3A_178 : vector<1x128xf32> to vector<256x128xf32>
    %mul3A_180 = arith.mulf %get3A_175, %mul3A_179 : vector<256x128xf32>
    %get3A_181 = arith.constant 0 : index
    %get3A_182 = arith.constant 0 : index
    %get3A_183 = vector.load %arg5[%get3A_181, %get3A_182] : memref<1x128xf32, #tpu.memory_space<vmem>>, vector<1x128xf32>
    %add3A_184 = vector.broadcast %get3A_183 : vector<1x128xf32> to vector<256x128xf32>
    %add3A_185 = arith.addf %mul3A_180, %add3A_184 : vector<256x128xf32>
    %gt3A_186 = arith.constant 0.000000e+00 : f32
    %gt3A_187 = vector.broadcast %gt3A_186 : f32 to vector<256x128xf32>
    %gt3A_188 = arith.cmpf ogt, %add3A_185, %gt3A_187 : vector<256x128xf32>
    %mul3A_189 = arith.constant 2.000000e-01 : f32
    %mul3A_190 = vector.broadcast %mul3A_189 : f32 to vector<256x128xf32>
    %mul3A_191 = arith.mulf %mul3A_190, %add3A_185 : vector<256x128xf32>
    %select_n3A_192 = arith.select %gt3A_188, %add3A_185, %mul3A_191 : vector<256x128xi1>, vector<256x128xf32>
    %sub3A_193 = arith.subf %select_n3A_192, %select_n3A : vector<256x128xf32>
    %concatenate3A_194 = tpu.concatenate %sub3A_193, %select_n3A in 1 : vector<256x128xf32>, vector<256x128xf32> -> vector<256x256xf32>
    %get3A_195 = arith.constant 0 : index
    %get3A_196 = arith.constant 0 : index
    %get3A_197 = vector.load %arg3[%get3A_195, %get3A_196] : memref<256x256xf32, #tpu.memory_space<vmem>>, vector<256x256xf32>
    %dot_general3A_198 = arith.constant dense<0.000000e+00> : vector<256x256xf32>
    %dot_general3A_199 = tpu.matmul %concatenate3A_194, %get3A_197, %dot_general3A_198 {dimension_numbers = #tpu.dot_dimension_numbers<[1], [1], [0], [0], [0, 0, 1, 0], [], []>, transpose_lhs_hint = false} : vector<256x256xf32>, vector<256x256xf32>, vector<256x256xf32> -> vector<256x256xf32>
    %max3A_200 = arith.maximumf %max3A_161, %dot_general3A_199 : vector<256x256xf32>
    %reduce_sum3A_201 = arith.constant dense<0.000000e+00> : vector<256xf32>
    %reduce_sum3A_202 = vector.multi_reduction <add>, %dot_general3A_199, %reduce_sum3A_201 [0] : vector<256x256xf32> to vector<256xf32>
    %broadcast_in_dim3A_203 = vector.shape_cast %reduce_sum3A_202 : vector<256xf32> to vector<1x256xf32>
    %add3A_204 = arith.addf %add3A_165, %broadcast_in_dim3A_203 : vector<1x256xf32>
    %mul3A_205 = arith.mulf %dot_general3A_199, %dot_general3A_199 : vector<256x256xf32>
    %reduce_sum3A_206 = arith.constant dense<0.000000e+00> : vector<256xf32>
    %reduce_sum3A_207 = vector.multi_reduction <add>, %mul3A_205, %reduce_sum3A_206 [0] : vector<256x256xf32> to vector<256xf32>
    %broadcast_in_dim3A_208 = vector.shape_cast %reduce_sum3A_207 : vector<256xf32> to vector<1x256xf32>
    %add3A_209 = arith.addf %add3A_170, %broadcast_in_dim3A_208 : vector<1x256xf32>
    %get3A_210 = arith.constant 5 : index
    %get3A_211 = arith.constant 0 : index
    %get3A_212 = arith.constant 0 : index
    %get3A_213 = vector.load %arg1[%get3A_210, %get3A_211, %get3A_212] : memref<20x256x128xf32, #tpu.memory_space<vmem>>, vector<1x256x128xf32>
    %get3A_214 = vector.shape_cast %get3A_213 : vector<1x256x128xf32> to vector<256x128xf32>
    %get3A_215 = arith.constant 0 : index
    %get3A_216 = arith.constant 0 : index
    %get3A_217 = vector.load %arg4[%get3A_215, %get3A_216] : memref<1x128xf32, #tpu.memory_space<vmem>>, vector<1x128xf32>
    %mul3A_218 = vector.broadcast %get3A_217 : vector<1x128xf32> to vector<256x128xf32>
    %mul3A_219 = arith.mulf %get3A_214, %mul3A_218 : vector<256x128xf32>
    %get3A_220 = arith.constant 0 : index
    %get3A_221 = arith.constant 0 : index
    %get3A_222 = vector.load %arg5[%get3A_220, %get3A_221] : memref<1x128xf32, #tpu.memory_space<vmem>>, vector<1x128xf32>
    %add3A_223 = vector.broadcast %get3A_222 : vector<1x128xf32> to vector<256x128xf32>
    %add3A_224 = arith.addf %mul3A_219, %add3A_223 : vector<256x128xf32>
    %gt3A_225 = arith.constant 0.000000e+00 : f32
    %gt3A_226 = vector.broadcast %gt3A_225 : f32 to vector<256x128xf32>
    %gt3A_227 = arith.cmpf ogt, %add3A_224, %gt3A_226 : vector<256x128xf32>
    %mul3A_228 = arith.constant 2.000000e-01 : f32
    %mul3A_229 = vector.broadcast %mul3A_228 : f32 to vector<256x128xf32>
    %mul3A_230 = arith.mulf %mul3A_229, %add3A_224 : vector<256x128xf32>
    %select_n3A_231 = arith.select %gt3A_227, %add3A_224, %mul3A_230 : vector<256x128xi1>, vector<256x128xf32>
    %sub3A_232 = arith.subf %select_n3A_231, %select_n3A : vector<256x128xf32>
    %concatenate3A_233 = tpu.concatenate %sub3A_232, %select_n3A in 1 : vector<256x128xf32>, vector<256x128xf32> -> vector<256x256xf32>
    %get3A_234 = arith.constant 0 : index
    %get3A_235 = arith.constant 0 : index
    %get3A_236 = vector.load %arg3[%get3A_234, %get3A_235] : memref<256x256xf32, #tpu.memory_space<vmem>>, vector<256x256xf32>
    %dot_general3A_237 = arith.constant dense<0.000000e+00> : vector<256x256xf32>
    %dot_general3A_238 = tpu.matmul %concatenate3A_233, %get3A_236, %dot_general3A_237 {dimension_numbers = #tpu.dot_dimension_numbers<[1], [1], [0], [0], [0, 0, 1, 0], [], []>, transpose_lhs_hint = false} : vector<256x256xf32>, vector<256x256xf32>, vector<256x256xf32> -> vector<256x256xf32>
    %max3A_239 = arith.maximumf %max3A_200, %dot_general3A_238 : vector<256x256xf32>
    %reduce_sum3A_240 = arith.constant dense<0.000000e+00> : vector<256xf32>
    %reduce_sum3A_241 = vector.multi_reduction <add>, %dot_general3A_238, %reduce_sum3A_240 [0] : vector<256x256xf32> to vector<256xf32>
    %broadcast_in_dim3A_242 = vector.shape_cast %reduce_sum3A_241 : vector<256xf32> to vector<1x256xf32>
    %add3A_243 = arith.addf %add3A_204, %broadcast_in_dim3A_242 : vector<1x256xf32>
    %mul3A_244 = arith.mulf %dot_general3A_238, %dot_general3A_238 : vector<256x256xf32>
    %reduce_sum3A_245 = arith.constant dense<0.000000e+00> : vector<256xf32>
    %reduce_sum3A_246 = vector.multi_reduction <add>, %mul3A_244, %reduce_sum3A_245 [0] : vector<256x256xf32> to vector<256xf32>
    %broadcast_in_dim3A_247 = vector.shape_cast %reduce_sum3A_246 : vector<256xf32> to vector<1x256xf32>
    %add3A_248 = arith.addf %add3A_209, %broadcast_in_dim3A_247 : vector<1x256xf32>
    %get3A_249 = arith.constant 6 : index
    %get3A_250 = arith.constant 0 : index
    %get3A_251 = arith.constant 0 : index
    %get3A_252 = vector.load %arg1[%get3A_249, %get3A_250, %get3A_251] : memref<20x256x128xf32, #tpu.memory_space<vmem>>, vector<1x256x128xf32>
    %get3A_253 = vector.shape_cast %get3A_252 : vector<1x256x128xf32> to vector<256x128xf32>
    %get3A_254 = arith.constant 0 : index
    %get3A_255 = arith.constant 0 : index
    %get3A_256 = vector.load %arg4[%get3A_254, %get3A_255] : memref<1x128xf32, #tpu.memory_space<vmem>>, vector<1x128xf32>
    %mul3A_257 = vector.broadcast %get3A_256 : vector<1x128xf32> to vector<256x128xf32>
    %mul3A_258 = arith.mulf %get3A_253, %mul3A_257 : vector<256x128xf32>
    %get3A_259 = arith.constant 0 : index
    %get3A_260 = arith.constant 0 : index
    %get3A_261 = vector.load %arg5[%get3A_259, %get3A_260] : memref<1x128xf32, #tpu.memory_space<vmem>>, vector<1x128xf32>
    %add3A_262 = vector.broadcast %get3A_261 : vector<1x128xf32> to vector<256x128xf32>
    %add3A_263 = arith.addf %mul3A_258, %add3A_262 : vector<256x128xf32>
    %gt3A_264 = arith.constant 0.000000e+00 : f32
    %gt3A_265 = vector.broadcast %gt3A_264 : f32 to vector<256x128xf32>
    %gt3A_266 = arith.cmpf ogt, %add3A_263, %gt3A_265 : vector<256x128xf32>
    %mul3A_267 = arith.constant 2.000000e-01 : f32
    %mul3A_268 = vector.broadcast %mul3A_267 : f32 to vector<256x128xf32>
    %mul3A_269 = arith.mulf %mul3A_268, %add3A_263 : vector<256x128xf32>
    %select_n3A_270 = arith.select %gt3A_266, %add3A_263, %mul3A_269 : vector<256x128xi1>, vector<256x128xf32>
    %sub3A_271 = arith.subf %select_n3A_270, %select_n3A : vector<256x128xf32>
    %concatenate3A_272 = tpu.concatenate %sub3A_271, %select_n3A in 1 : vector<256x128xf32>, vector<256x128xf32> -> vector<256x256xf32>
    %get3A_273 = arith.constant 0 : index
    %get3A_274 = arith.constant 0 : index
    %get3A_275 = vector.load %arg3[%get3A_273, %get3A_274] : memref<256x256xf32, #tpu.memory_space<vmem>>, vector<256x256xf32>
    %dot_general3A_276 = arith.constant dense<0.000000e+00> : vector<256x256xf32>
    %dot_general3A_277 = tpu.matmul %concatenate3A_272, %get3A_275, %dot_general3A_276 {dimension_numbers = #tpu.dot_dimension_numbers<[1], [1], [0], [0], [0, 0, 1, 0], [], []>, transpose_lhs_hint = false} : vector<256x256xf32>, vector<256x256xf32>, vector<256x256xf32> -> vector<256x256xf32>
    %max3A_278 = arith.maximumf %max3A_239, %dot_general3A_277 : vector<256x256xf32>
    %reduce_sum3A_279 = arith.constant dense<0.000000e+00> : vector<256xf32>
    %reduce_sum3A_280 = vector.multi_reduction <add>, %dot_general3A_277, %reduce_sum3A_279 [0] : vector<256x256xf32> to vector<256xf32>
    %broadcast_in_dim3A_281 = vector.shape_cast %reduce_sum3A_280 : vector<256xf32> to vector<1x256xf32>
    %add3A_282 = arith.addf %add3A_243, %broadcast_in_dim3A_281 : vector<1x256xf32>
    %mul3A_283 = arith.mulf %dot_general3A_277, %dot_general3A_277 : vector<256x256xf32>
    %reduce_sum3A_284 = arith.constant dense<0.000000e+00> : vector<256xf32>
    %reduce_sum3A_285 = vector.multi_reduction <add>, %mul3A_283, %reduce_sum3A_284 [0] : vector<256x256xf32> to vector<256xf32>
    %broadcast_in_dim3A_286 = vector.shape_cast %reduce_sum3A_285 : vector<256xf32> to vector<1x256xf32>
    %add3A_287 = arith.addf %add3A_248, %broadcast_in_dim3A_286 : vector<1x256xf32>
    %get3A_288 = arith.constant 7 : index
    %get3A_289 = arith.constant 0 : index
    %get3A_290 = arith.constant 0 : index
    %get3A_291 = vector.load %arg1[%get3A_288, %get3A_289, %get3A_290] : memref<20x256x128xf32, #tpu.memory_space<vmem>>, vector<1x256x128xf32>
    %get3A_292 = vector.shape_cast %get3A_291 : vector<1x256x128xf32> to vector<256x128xf32>
    %get3A_293 = arith.constant 0 : index
    %get3A_294 = arith.constant 0 : index
    %get3A_295 = vector.load %arg4[%get3A_293, %get3A_294] : memref<1x128xf32, #tpu.memory_space<vmem>>, vector<1x128xf32>
    %mul3A_296 = vector.broadcast %get3A_295 : vector<1x128xf32> to vector<256x128xf32>
    %mul3A_297 = arith.mulf %get3A_292, %mul3A_296 : vector<256x128xf32>
    %get3A_298 = arith.constant 0 : index
    %get3A_299 = arith.constant 0 : index
    %get3A_300 = vector.load %arg5[%get3A_298, %get3A_299] : memref<1x128xf32, #tpu.memory_space<vmem>>, vector<1x128xf32>
    %add3A_301 = vector.broadcast %get3A_300 : vector<1x128xf32> to vector<256x128xf32>
    %add3A_302 = arith.addf %mul3A_297, %add3A_301 : vector<256x128xf32>
    %gt3A_303 = arith.constant 0.000000e+00 : f32
    %gt3A_304 = vector.broadcast %gt3A_303 : f32 to vector<256x128xf32>
    %gt3A_305 = arith.cmpf ogt, %add3A_302, %gt3A_304 : vector<256x128xf32>
    %mul3A_306 = arith.constant 2.000000e-01 : f32
    %mul3A_307 = vector.broadcast %mul3A_306 : f32 to vector<256x128xf32>
    %mul3A_308 = arith.mulf %mul3A_307, %add3A_302 : vector<256x128xf32>
    %select_n3A_309 = arith.select %gt3A_305, %add3A_302, %mul3A_308 : vector<256x128xi1>, vector<256x128xf32>
    %sub3A_310 = arith.subf %select_n3A_309, %select_n3A : vector<256x128xf32>
    %concatenate3A_311 = tpu.concatenate %sub3A_310, %select_n3A in 1 : vector<256x128xf32>, vector<256x128xf32> -> vector<256x256xf32>
    %get3A_312 = arith.constant 0 : index
    %get3A_313 = arith.constant 0 : index
    %get3A_314 = vector.load %arg3[%get3A_312, %get3A_313] : memref<256x256xf32, #tpu.memory_space<vmem>>, vector<256x256xf32>
    %dot_general3A_315 = arith.constant dense<0.000000e+00> : vector<256x256xf32>
    %dot_general3A_316 = tpu.matmul %concatenate3A_311, %get3A_314, %dot_general3A_315 {dimension_numbers = #tpu.dot_dimension_numbers<[1], [1], [0], [0], [0, 0, 1, 0], [], []>, transpose_lhs_hint = false} : vector<256x256xf32>, vector<256x256xf32>, vector<256x256xf32> -> vector<256x256xf32>
    %max3A_317 = arith.maximumf %max3A_278, %dot_general3A_316 : vector<256x256xf32>
    %reduce_sum3A_318 = arith.constant dense<0.000000e+00> : vector<256xf32>
    %reduce_sum3A_319 = vector.multi_reduction <add>, %dot_general3A_316, %reduce_sum3A_318 [0] : vector<256x256xf32> to vector<256xf32>
    %broadcast_in_dim3A_320 = vector.shape_cast %reduce_sum3A_319 : vector<256xf32> to vector<1x256xf32>
    %add3A_321 = arith.addf %add3A_282, %broadcast_in_dim3A_320 : vector<1x256xf32>
    %mul3A_322 = arith.mulf %dot_general3A_316, %dot_general3A_316 : vector<256x256xf32>
    %reduce_sum3A_323 = arith.constant dense<0.000000e+00> : vector<256xf32>
    %reduce_sum3A_324 = vector.multi_reduction <add>, %mul3A_322, %reduce_sum3A_323 [0] : vector<256x256xf32> to vector<256xf32>
    %broadcast_in_dim3A_325 = vector.shape_cast %reduce_sum3A_324 : vector<256xf32> to vector<1x256xf32>
    %add3A_326 = arith.addf %add3A_287, %broadcast_in_dim3A_325 : vector<1x256xf32>
    %get3A_327 = arith.constant 8 : index
    %get3A_328 = arith.constant 0 : index
    %get3A_329 = arith.constant 0 : index
    %get3A_330 = vector.load %arg1[%get3A_327, %get3A_328, %get3A_329] : memref<20x256x128xf32, #tpu.memory_space<vmem>>, vector<1x256x128xf32>
    %get3A_331 = vector.shape_cast %get3A_330 : vector<1x256x128xf32> to vector<256x128xf32>
    %get3A_332 = arith.constant 0 : index
    %get3A_333 = arith.constant 0 : index
    %get3A_334 = vector.load %arg4[%get3A_332, %get3A_333] : memref<1x128xf32, #tpu.memory_space<vmem>>, vector<1x128xf32>
    %mul3A_335 = vector.broadcast %get3A_334 : vector<1x128xf32> to vector<256x128xf32>
    %mul3A_336 = arith.mulf %get3A_331, %mul3A_335 : vector<256x128xf32>
    %get3A_337 = arith.constant 0 : index
    %get3A_338 = arith.constant 0 : index
    %get3A_339 = vector.load %arg5[%get3A_337, %get3A_338] : memref<1x128xf32, #tpu.memory_space<vmem>>, vector<1x128xf32>
    %add3A_340 = vector.broadcast %get3A_339 : vector<1x128xf32> to vector<256x128xf32>
    %add3A_341 = arith.addf %mul3A_336, %add3A_340 : vector<256x128xf32>
    %gt3A_342 = arith.constant 0.000000e+00 : f32
    %gt3A_343 = vector.broadcast %gt3A_342 : f32 to vector<256x128xf32>
    %gt3A_344 = arith.cmpf ogt, %add3A_341, %gt3A_343 : vector<256x128xf32>
    %mul3A_345 = arith.constant 2.000000e-01 : f32
    %mul3A_346 = vector.broadcast %mul3A_345 : f32 to vector<256x128xf32>
    %mul3A_347 = arith.mulf %mul3A_346, %add3A_341 : vector<256x128xf32>
    %select_n3A_348 = arith.select %gt3A_344, %add3A_341, %mul3A_347 : vector<256x128xi1>, vector<256x128xf32>
    %sub3A_349 = arith.subf %select_n3A_348, %select_n3A : vector<256x128xf32>
    %concatenate3A_350 = tpu.concatenate %sub3A_349, %select_n3A in 1 : vector<256x128xf32>, vector<256x128xf32> -> vector<256x256xf32>
    %get3A_351 = arith.constant 0 : index
    %get3A_352 = arith.constant 0 : index
    %get3A_353 = vector.load %arg3[%get3A_351, %get3A_352] : memref<256x256xf32, #tpu.memory_space<vmem>>, vector<256x256xf32>
    %dot_general3A_354 = arith.constant dense<0.000000e+00> : vector<256x256xf32>
    %dot_general3A_355 = tpu.matmul %concatenate3A_350, %get3A_353, %dot_general3A_354 {dimension_numbers = #tpu.dot_dimension_numbers<[1], [1], [0], [0], [0, 0, 1, 0], [], []>, transpose_lhs_hint = false} : vector<256x256xf32>, vector<256x256xf32>, vector<256x256xf32> -> vector<256x256xf32>
    %max3A_356 = arith.maximumf %max3A_317, %dot_general3A_355 : vector<256x256xf32>
    %reduce_sum3A_357 = arith.constant dense<0.000000e+00> : vector<256xf32>
    %reduce_sum3A_358 = vector.multi_reduction <add>, %dot_general3A_355, %reduce_sum3A_357 [0] : vector<256x256xf32> to vector<256xf32>
    %broadcast_in_dim3A_359 = vector.shape_cast %reduce_sum3A_358 : vector<256xf32> to vector<1x256xf32>
    %add3A_360 = arith.addf %add3A_321, %broadcast_in_dim3A_359 : vector<1x256xf32>
    %mul3A_361 = arith.mulf %dot_general3A_355, %dot_general3A_355 : vector<256x256xf32>
    %reduce_sum3A_362 = arith.constant dense<0.000000e+00> : vector<256xf32>
    %reduce_sum3A_363 = vector.multi_reduction <add>, %mul3A_361, %reduce_sum3A_362 [0] : vector<256x256xf32> to vector<256xf32>
    %broadcast_in_dim3A_364 = vector.shape_cast %reduce_sum3A_363 : vector<256xf32> to vector<1x256xf32>
    %add3A_365 = arith.addf %add3A_326, %broadcast_in_dim3A_364 : vector<1x256xf32>
    %get3A_366 = arith.constant 9 : index
    %get3A_367 = arith.constant 0 : index
    %get3A_368 = arith.constant 0 : index
    %get3A_369 = vector.load %arg1[%get3A_366, %get3A_367, %get3A_368] : memref<20x256x128xf32, #tpu.memory_space<vmem>>, vector<1x256x128xf32>
    %get3A_370 = vector.shape_cast %get3A_369 : vector<1x256x128xf32> to vector<256x128xf32>
    %get3A_371 = arith.constant 0 : index
    %get3A_372 = arith.constant 0 : index
    %get3A_373 = vector.load %arg4[%get3A_371, %get3A_372] : memref<1x128xf32, #tpu.memory_space<vmem>>, vector<1x128xf32>
    %mul3A_374 = vector.broadcast %get3A_373 : vector<1x128xf32> to vector<256x128xf32>
    %mul3A_375 = arith.mulf %get3A_370, %mul3A_374 : vector<256x128xf32>
    %get3A_376 = arith.constant 0 : index
    %get3A_377 = arith.constant 0 : index
    %get3A_378 = vector.load %arg5[%get3A_376, %get3A_377] : memref<1x128xf32, #tpu.memory_space<vmem>>, vector<1x128xf32>
    %add3A_379 = vector.broadcast %get3A_378 : vector<1x128xf32> to vector<256x128xf32>
    %add3A_380 = arith.addf %mul3A_375, %add3A_379 : vector<256x128xf32>
    %gt3A_381 = arith.constant 0.000000e+00 : f32
    %gt3A_382 = vector.broadcast %gt3A_381 : f32 to vector<256x128xf32>
    %gt3A_383 = arith.cmpf ogt, %add3A_380, %gt3A_382 : vector<256x128xf32>
    %mul3A_384 = arith.constant 2.000000e-01 : f32
    %mul3A_385 = vector.broadcast %mul3A_384 : f32 to vector<256x128xf32>
    %mul3A_386 = arith.mulf %mul3A_385, %add3A_380 : vector<256x128xf32>
    %select_n3A_387 = arith.select %gt3A_383, %add3A_380, %mul3A_386 : vector<256x128xi1>, vector<256x128xf32>
    %sub3A_388 = arith.subf %select_n3A_387, %select_n3A : vector<256x128xf32>
    %concatenate3A_389 = tpu.concatenate %sub3A_388, %select_n3A in 1 : vector<256x128xf32>, vector<256x128xf32> -> vector<256x256xf32>
    %get3A_390 = arith.constant 0 : index
    %get3A_391 = arith.constant 0 : index
    %get3A_392 = vector.load %arg3[%get3A_390, %get3A_391] : memref<256x256xf32, #tpu.memory_space<vmem>>, vector<256x256xf32>
    %dot_general3A_393 = arith.constant dense<0.000000e+00> : vector<256x256xf32>
    %dot_general3A_394 = tpu.matmul %concatenate3A_389, %get3A_392, %dot_general3A_393 {dimension_numbers = #tpu.dot_dimension_numbers<[1], [1], [0], [0], [0, 0, 1, 0], [], []>, transpose_lhs_hint = false} : vector<256x256xf32>, vector<256x256xf32>, vector<256x256xf32> -> vector<256x256xf32>
    %max3A_395 = arith.maximumf %max3A_356, %dot_general3A_394 : vector<256x256xf32>
    %reduce_sum3A_396 = arith.constant dense<0.000000e+00> : vector<256xf32>
    %reduce_sum3A_397 = vector.multi_reduction <add>, %dot_general3A_394, %reduce_sum3A_396 [0] : vector<256x256xf32> to vector<256xf32>
    %broadcast_in_dim3A_398 = vector.shape_cast %reduce_sum3A_397 : vector<256xf32> to vector<1x256xf32>
    %add3A_399 = arith.addf %add3A_360, %broadcast_in_dim3A_398 : vector<1x256xf32>
    %mul3A_400 = arith.mulf %dot_general3A_394, %dot_general3A_394 : vector<256x256xf32>
    %reduce_sum3A_401 = arith.constant dense<0.000000e+00> : vector<256xf32>
    %reduce_sum3A_402 = vector.multi_reduction <add>, %mul3A_400, %reduce_sum3A_401 [0] : vector<256x256xf32> to vector<256xf32>
    %broadcast_in_dim3A_403 = vector.shape_cast %reduce_sum3A_402 : vector<256xf32> to vector<1x256xf32>
    %add3A_404 = arith.addf %add3A_365, %broadcast_in_dim3A_403 : vector<1x256xf32>
    %get3A_405 = arith.constant 10 : index
    %get3A_406 = arith.constant 0 : index
    %get3A_407 = arith.constant 0 : index
    %get3A_408 = vector.load %arg1[%get3A_405, %get3A_406, %get3A_407] : memref<20x256x128xf32, #tpu.memory_space<vmem>>, vector<1x256x128xf32>
    %get3A_409 = vector.shape_cast %get3A_408 : vector<1x256x128xf32> to vector<256x128xf32>
    %get3A_410 = arith.constant 0 : index
    %get3A_411 = arith.constant 0 : index
    %get3A_412 = vector.load %arg4[%get3A_410, %get3A_411] : memref<1x128xf32, #tpu.memory_space<vmem>>, vector<1x128xf32>
    %mul3A_413 = vector.broadcast %get3A_412 : vector<1x128xf32> to vector<256x128xf32>
    %mul3A_414 = arith.mulf %get3A_409, %mul3A_413 : vector<256x128xf32>
    %get3A_415 = arith.constant 0 : index
    %get3A_416 = arith.constant 0 : index
    %get3A_417 = vector.load %arg5[%get3A_415, %get3A_416] : memref<1x128xf32, #tpu.memory_space<vmem>>, vector<1x128xf32>
    %add3A_418 = vector.broadcast %get3A_417 : vector<1x128xf32> to vector<256x128xf32>
    %add3A_419 = arith.addf %mul3A_414, %add3A_418 : vector<256x128xf32>
    %gt3A_420 = arith.constant 0.000000e+00 : f32
    %gt3A_421 = vector.broadcast %gt3A_420 : f32 to vector<256x128xf32>
    %gt3A_422 = arith.cmpf ogt, %add3A_419, %gt3A_421 : vector<256x128xf32>
    %mul3A_423 = arith.constant 2.000000e-01 : f32
    %mul3A_424 = vector.broadcast %mul3A_423 : f32 to vector<256x128xf32>
    %mul3A_425 = arith.mulf %mul3A_424, %add3A_419 : vector<256x128xf32>
    %select_n3A_426 = arith.select %gt3A_422, %add3A_419, %mul3A_425 : vector<256x128xi1>, vector<256x128xf32>
    %sub3A_427 = arith.subf %select_n3A_426, %select_n3A : vector<256x128xf32>
    %concatenate3A_428 = tpu.concatenate %sub3A_427, %select_n3A in 1 : vector<256x128xf32>, vector<256x128xf32> -> vector<256x256xf32>
    %get3A_429 = arith.constant 0 : index
    %get3A_430 = arith.constant 0 : index
    %get3A_431 = vector.load %arg3[%get3A_429, %get3A_430] : memref<256x256xf32, #tpu.memory_space<vmem>>, vector<256x256xf32>
    %dot_general3A_432 = arith.constant dense<0.000000e+00> : vector<256x256xf32>
    %dot_general3A_433 = tpu.matmul %concatenate3A_428, %get3A_431, %dot_general3A_432 {dimension_numbers = #tpu.dot_dimension_numbers<[1], [1], [0], [0], [0, 0, 1, 0], [], []>, transpose_lhs_hint = false} : vector<256x256xf32>, vector<256x256xf32>, vector<256x256xf32> -> vector<256x256xf32>
    %max3A_434 = arith.maximumf %max3A_395, %dot_general3A_433 : vector<256x256xf32>
    %reduce_sum3A_435 = arith.constant dense<0.000000e+00> : vector<256xf32>
    %reduce_sum3A_436 = vector.multi_reduction <add>, %dot_general3A_433, %reduce_sum3A_435 [0] : vector<256x256xf32> to vector<256xf32>
    %broadcast_in_dim3A_437 = vector.shape_cast %reduce_sum3A_436 : vector<256xf32> to vector<1x256xf32>
    %add3A_438 = arith.addf %add3A_399, %broadcast_in_dim3A_437 : vector<1x256xf32>
    %mul3A_439 = arith.mulf %dot_general3A_433, %dot_general3A_433 : vector<256x256xf32>
    %reduce_sum3A_440 = arith.constant dense<0.000000e+00> : vector<256xf32>
    %reduce_sum3A_441 = vector.multi_reduction <add>, %mul3A_439, %reduce_sum3A_440 [0] : vector<256x256xf32> to vector<256xf32>
    %broadcast_in_dim3A_442 = vector.shape_cast %reduce_sum3A_441 : vector<256xf32> to vector<1x256xf32>
    %add3A_443 = arith.addf %add3A_404, %broadcast_in_dim3A_442 : vector<1x256xf32>
    %get3A_444 = arith.constant 11 : index
    %get3A_445 = arith.constant 0 : index
    %get3A_446 = arith.constant 0 : index
    %get3A_447 = vector.load %arg1[%get3A_444, %get3A_445, %get3A_446] : memref<20x256x128xf32, #tpu.memory_space<vmem>>, vector<1x256x128xf32>
    %get3A_448 = vector.shape_cast %get3A_447 : vector<1x256x128xf32> to vector<256x128xf32>
    %get3A_449 = arith.constant 0 : index
    %get3A_450 = arith.constant 0 : index
    %get3A_451 = vector.load %arg4[%get3A_449, %get3A_450] : memref<1x128xf32, #tpu.memory_space<vmem>>, vector<1x128xf32>
    %mul3A_452 = vector.broadcast %get3A_451 : vector<1x128xf32> to vector<256x128xf32>
    %mul3A_453 = arith.mulf %get3A_448, %mul3A_452 : vector<256x128xf32>
    %get3A_454 = arith.constant 0 : index
    %get3A_455 = arith.constant 0 : index
    %get3A_456 = vector.load %arg5[%get3A_454, %get3A_455] : memref<1x128xf32, #tpu.memory_space<vmem>>, vector<1x128xf32>
    %add3A_457 = vector.broadcast %get3A_456 : vector<1x128xf32> to vector<256x128xf32>
    %add3A_458 = arith.addf %mul3A_453, %add3A_457 : vector<256x128xf32>
    %gt3A_459 = arith.constant 0.000000e+00 : f32
    %gt3A_460 = vector.broadcast %gt3A_459 : f32 to vector<256x128xf32>
    %gt3A_461 = arith.cmpf ogt, %add3A_458, %gt3A_460 : vector<256x128xf32>
    %mul3A_462 = arith.constant 2.000000e-01 : f32
    %mul3A_463 = vector.broadcast %mul3A_462 : f32 to vector<256x128xf32>
    %mul3A_464 = arith.mulf %mul3A_463, %add3A_458 : vector<256x128xf32>
    %select_n3A_465 = arith.select %gt3A_461, %add3A_458, %mul3A_464 : vector<256x128xi1>, vector<256x128xf32>
    %sub3A_466 = arith.subf %select_n3A_465, %select_n3A : vector<256x128xf32>
    %concatenate3A_467 = tpu.concatenate %sub3A_466, %select_n3A in 1 : vector<256x128xf32>, vector<256x128xf32> -> vector<256x256xf32>
    %get3A_468 = arith.constant 0 : index
    %get3A_469 = arith.constant 0 : index
    %get3A_470 = vector.load %arg3[%get3A_468, %get3A_469] : memref<256x256xf32, #tpu.memory_space<vmem>>, vector<256x256xf32>
    %dot_general3A_471 = arith.constant dense<0.000000e+00> : vector<256x256xf32>
    %dot_general3A_472 = tpu.matmul %concatenate3A_467, %get3A_470, %dot_general3A_471 {dimension_numbers = #tpu.dot_dimension_numbers<[1], [1], [0], [0], [0, 0, 1, 0], [], []>, transpose_lhs_hint = false} : vector<256x256xf32>, vector<256x256xf32>, vector<256x256xf32> -> vector<256x256xf32>
    %max3A_473 = arith.maximumf %max3A_434, %dot_general3A_472 : vector<256x256xf32>
    %reduce_sum3A_474 = arith.constant dense<0.000000e+00> : vector<256xf32>
    %reduce_sum3A_475 = vector.multi_reduction <add>, %dot_general3A_472, %reduce_sum3A_474 [0] : vector<256x256xf32> to vector<256xf32>
    %broadcast_in_dim3A_476 = vector.shape_cast %reduce_sum3A_475 : vector<256xf32> to vector<1x256xf32>
    %add3A_477 = arith.addf %add3A_438, %broadcast_in_dim3A_476 : vector<1x256xf32>
    %mul3A_478 = arith.mulf %dot_general3A_472, %dot_general3A_472 : vector<256x256xf32>
    %reduce_sum3A_479 = arith.constant dense<0.000000e+00> : vector<256xf32>
    %reduce_sum3A_480 = vector.multi_reduction <add>, %mul3A_478, %reduce_sum3A_479 [0] : vector<256x256xf32> to vector<256xf32>
    %broadcast_in_dim3A_481 = vector.shape_cast %reduce_sum3A_480 : vector<256xf32> to vector<1x256xf32>
    %add3A_482 = arith.addf %add3A_443, %broadcast_in_dim3A_481 : vector<1x256xf32>
    %get3A_483 = arith.constant 12 : index
    %get3A_484 = arith.constant 0 : index
    %get3A_485 = arith.constant 0 : index
    %get3A_486 = vector.load %arg1[%get3A_483, %get3A_484, %get3A_485] : memref<20x256x128xf32, #tpu.memory_space<vmem>>, vector<1x256x128xf32>
    %get3A_487 = vector.shape_cast %get3A_486 : vector<1x256x128xf32> to vector<256x128xf32>
    %get3A_488 = arith.constant 0 : index
    %get3A_489 = arith.constant 0 : index
    %get3A_490 = vector.load %arg4[%get3A_488, %get3A_489] : memref<1x128xf32, #tpu.memory_space<vmem>>, vector<1x128xf32>
    %mul3A_491 = vector.broadcast %get3A_490 : vector<1x128xf32> to vector<256x128xf32>
    %mul3A_492 = arith.mulf %get3A_487, %mul3A_491 : vector<256x128xf32>
    %get3A_493 = arith.constant 0 : index
    %get3A_494 = arith.constant 0 : index
    %get3A_495 = vector.load %arg5[%get3A_493, %get3A_494] : memref<1x128xf32, #tpu.memory_space<vmem>>, vector<1x128xf32>
    %add3A_496 = vector.broadcast %get3A_495 : vector<1x128xf32> to vector<256x128xf32>
    %add3A_497 = arith.addf %mul3A_492, %add3A_496 : vector<256x128xf32>
    %gt3A_498 = arith.constant 0.000000e+00 : f32
    %gt3A_499 = vector.broadcast %gt3A_498 : f32 to vector<256x128xf32>
    %gt3A_500 = arith.cmpf ogt, %add3A_497, %gt3A_499 : vector<256x128xf32>
    %mul3A_501 = arith.constant 2.000000e-01 : f32
    %mul3A_502 = vector.broadcast %mul3A_501 : f32 to vector<256x128xf32>
    %mul3A_503 = arith.mulf %mul3A_502, %add3A_497 : vector<256x128xf32>
    %select_n3A_504 = arith.select %gt3A_500, %add3A_497, %mul3A_503 : vector<256x128xi1>, vector<256x128xf32>
    %sub3A_505 = arith.subf %select_n3A_504, %select_n3A : vector<256x128xf32>
    %concatenate3A_506 = tpu.concatenate %sub3A_505, %select_n3A in 1 : vector<256x128xf32>, vector<256x128xf32> -> vector<256x256xf32>
    %get3A_507 = arith.constant 0 : index
    %get3A_508 = arith.constant 0 : index
    %get3A_509 = vector.load %arg3[%get3A_507, %get3A_508] : memref<256x256xf32, #tpu.memory_space<vmem>>, vector<256x256xf32>
    %dot_general3A_510 = arith.constant dense<0.000000e+00> : vector<256x256xf32>
    %dot_general3A_511 = tpu.matmul %concatenate3A_506, %get3A_509, %dot_general3A_510 {dimension_numbers = #tpu.dot_dimension_numbers<[1], [1], [0], [0], [0, 0, 1, 0], [], []>, transpose_lhs_hint = false} : vector<256x256xf32>, vector<256x256xf32>, vector<256x256xf32> -> vector<256x256xf32>
    %max3A_512 = arith.maximumf %max3A_473, %dot_general3A_511 : vector<256x256xf32>
    %reduce_sum3A_513 = arith.constant dense<0.000000e+00> : vector<256xf32>
    %reduce_sum3A_514 = vector.multi_reduction <add>, %dot_general3A_511, %reduce_sum3A_513 [0] : vector<256x256xf32> to vector<256xf32>
    %broadcast_in_dim3A_515 = vector.shape_cast %reduce_sum3A_514 : vector<256xf32> to vector<1x256xf32>
    %add3A_516 = arith.addf %add3A_477, %broadcast_in_dim3A_515 : vector<1x256xf32>
    %mul3A_517 = arith.mulf %dot_general3A_511, %dot_general3A_511 : vector<256x256xf32>
    %reduce_sum3A_518 = arith.constant dense<0.000000e+00> : vector<256xf32>
    %reduce_sum3A_519 = vector.multi_reduction <add>, %mul3A_517, %reduce_sum3A_518 [0] : vector<256x256xf32> to vector<256xf32>
    %broadcast_in_dim3A_520 = vector.shape_cast %reduce_sum3A_519 : vector<256xf32> to vector<1x256xf32>
    %add3A_521 = arith.addf %add3A_482, %broadcast_in_dim3A_520 : vector<1x256xf32>
    %get3A_522 = arith.constant 13 : index
    %get3A_523 = arith.constant 0 : index
    %get3A_524 = arith.constant 0 : index
    %get3A_525 = vector.load %arg1[%get3A_522, %get3A_523, %get3A_524] : memref<20x256x128xf32, #tpu.memory_space<vmem>>, vector<1x256x128xf32>
    %get3A_526 = vector.shape_cast %get3A_525 : vector<1x256x128xf32> to vector<256x128xf32>
    %get3A_527 = arith.constant 0 : index
    %get3A_528 = arith.constant 0 : index
    %get3A_529 = vector.load %arg4[%get3A_527, %get3A_528] : memref<1x128xf32, #tpu.memory_space<vmem>>, vector<1x128xf32>
    %mul3A_530 = vector.broadcast %get3A_529 : vector<1x128xf32> to vector<256x128xf32>
    %mul3A_531 = arith.mulf %get3A_526, %mul3A_530 : vector<256x128xf32>
    %get3A_532 = arith.constant 0 : index
    %get3A_533 = arith.constant 0 : index
    %get3A_534 = vector.load %arg5[%get3A_532, %get3A_533] : memref<1x128xf32, #tpu.memory_space<vmem>>, vector<1x128xf32>
    %add3A_535 = vector.broadcast %get3A_534 : vector<1x128xf32> to vector<256x128xf32>
    %add3A_536 = arith.addf %mul3A_531, %add3A_535 : vector<256x128xf32>
    %gt3A_537 = arith.constant 0.000000e+00 : f32
    %gt3A_538 = vector.broadcast %gt3A_537 : f32 to vector<256x128xf32>
    %gt3A_539 = arith.cmpf ogt, %add3A_536, %gt3A_538 : vector<256x128xf32>
    %mul3A_540 = arith.constant 2.000000e-01 : f32
    %mul3A_541 = vector.broadcast %mul3A_540 : f32 to vector<256x128xf32>
    %mul3A_542 = arith.mulf %mul3A_541, %add3A_536 : vector<256x128xf32>
    %select_n3A_543 = arith.select %gt3A_539, %add3A_536, %mul3A_542 : vector<256x128xi1>, vector<256x128xf32>
    %sub3A_544 = arith.subf %select_n3A_543, %select_n3A : vector<256x128xf32>
    %concatenate3A_545 = tpu.concatenate %sub3A_544, %select_n3A in 1 : vector<256x128xf32>, vector<256x128xf32> -> vector<256x256xf32>
    %get3A_546 = arith.constant 0 : index
    %get3A_547 = arith.constant 0 : index
    %get3A_548 = vector.load %arg3[%get3A_546, %get3A_547] : memref<256x256xf32, #tpu.memory_space<vmem>>, vector<256x256xf32>
    %dot_general3A_549 = arith.constant dense<0.000000e+00> : vector<256x256xf32>
    %dot_general3A_550 = tpu.matmul %concatenate3A_545, %get3A_548, %dot_general3A_549 {dimension_numbers = #tpu.dot_dimension_numbers<[1], [1], [0], [0], [0, 0, 1, 0], [], []>, transpose_lhs_hint = false} : vector<256x256xf32>, vector<256x256xf32>, vector<256x256xf32> -> vector<256x256xf32>
    %max3A_551 = arith.maximumf %max3A_512, %dot_general3A_550 : vector<256x256xf32>
    %reduce_sum3A_552 = arith.constant dense<0.000000e+00> : vector<256xf32>
    %reduce_sum3A_553 = vector.multi_reduction <add>, %dot_general3A_550, %reduce_sum3A_552 [0] : vector<256x256xf32> to vector<256xf32>
    %broadcast_in_dim3A_554 = vector.shape_cast %reduce_sum3A_553 : vector<256xf32> to vector<1x256xf32>
    %add3A_555 = arith.addf %add3A_516, %broadcast_in_dim3A_554 : vector<1x256xf32>
    %mul3A_556 = arith.mulf %dot_general3A_550, %dot_general3A_550 : vector<256x256xf32>
    %reduce_sum3A_557 = arith.constant dense<0.000000e+00> : vector<256xf32>
    %reduce_sum3A_558 = vector.multi_reduction <add>, %mul3A_556, %reduce_sum3A_557 [0] : vector<256x256xf32> to vector<256xf32>
    %broadcast_in_dim3A_559 = vector.shape_cast %reduce_sum3A_558 : vector<256xf32> to vector<1x256xf32>
    %add3A_560 = arith.addf %add3A_521, %broadcast_in_dim3A_559 : vector<1x256xf32>
    %get3A_561 = arith.constant 14 : index
    %get3A_562 = arith.constant 0 : index
    %get3A_563 = arith.constant 0 : index
    %get3A_564 = vector.load %arg1[%get3A_561, %get3A_562, %get3A_563] : memref<20x256x128xf32, #tpu.memory_space<vmem>>, vector<1x256x128xf32>
    %get3A_565 = vector.shape_cast %get3A_564 : vector<1x256x128xf32> to vector<256x128xf32>
    %get3A_566 = arith.constant 0 : index
    %get3A_567 = arith.constant 0 : index
    %get3A_568 = vector.load %arg4[%get3A_566, %get3A_567] : memref<1x128xf32, #tpu.memory_space<vmem>>, vector<1x128xf32>
    %mul3A_569 = vector.broadcast %get3A_568 : vector<1x128xf32> to vector<256x128xf32>
    %mul3A_570 = arith.mulf %get3A_565, %mul3A_569 : vector<256x128xf32>
    %get3A_571 = arith.constant 0 : index
    %get3A_572 = arith.constant 0 : index
    %get3A_573 = vector.load %arg5[%get3A_571, %get3A_572] : memref<1x128xf32, #tpu.memory_space<vmem>>, vector<1x128xf32>
    %add3A_574 = vector.broadcast %get3A_573 : vector<1x128xf32> to vector<256x128xf32>
    %add3A_575 = arith.addf %mul3A_570, %add3A_574 : vector<256x128xf32>
    %gt3A_576 = arith.constant 0.000000e+00 : f32
    %gt3A_577 = vector.broadcast %gt3A_576 : f32 to vector<256x128xf32>
    %gt3A_578 = arith.cmpf ogt, %add3A_575, %gt3A_577 : vector<256x128xf32>
    %mul3A_579 = arith.constant 2.000000e-01 : f32
    %mul3A_580 = vector.broadcast %mul3A_579 : f32 to vector<256x128xf32>
    %mul3A_581 = arith.mulf %mul3A_580, %add3A_575 : vector<256x128xf32>
    %select_n3A_582 = arith.select %gt3A_578, %add3A_575, %mul3A_581 : vector<256x128xi1>, vector<256x128xf32>
    %sub3A_583 = arith.subf %select_n3A_582, %select_n3A : vector<256x128xf32>
    %concatenate3A_584 = tpu.concatenate %sub3A_583, %select_n3A in 1 : vector<256x128xf32>, vector<256x128xf32> -> vector<256x256xf32>
    %get3A_585 = arith.constant 0 : index
    %get3A_586 = arith.constant 0 : index
    %get3A_587 = vector.load %arg3[%get3A_585, %get3A_586] : memref<256x256xf32, #tpu.memory_space<vmem>>, vector<256x256xf32>
    %dot_general3A_588 = arith.constant dense<0.000000e+00> : vector<256x256xf32>
    %dot_general3A_589 = tpu.matmul %concatenate3A_584, %get3A_587, %dot_general3A_588 {dimension_numbers = #tpu.dot_dimension_numbers<[1], [1], [0], [0], [0, 0, 1, 0], [], []>, transpose_lhs_hint = false} : vector<256x256xf32>, vector<256x256xf32>, vector<256x256xf32> -> vector<256x256xf32>
    %max3A_590 = arith.maximumf %max3A_551, %dot_general3A_589 : vector<256x256xf32>
    %reduce_sum3A_591 = arith.constant dense<0.000000e+00> : vector<256xf32>
    %reduce_sum3A_592 = vector.multi_reduction <add>, %dot_general3A_589, %reduce_sum3A_591 [0] : vector<256x256xf32> to vector<256xf32>
    %broadcast_in_dim3A_593 = vector.shape_cast %reduce_sum3A_592 : vector<256xf32> to vector<1x256xf32>
    %add3A_594 = arith.addf %add3A_555, %broadcast_in_dim3A_593 : vector<1x256xf32>
    %mul3A_595 = arith.mulf %dot_general3A_589, %dot_general3A_589 : vector<256x256xf32>
    %reduce_sum3A_596 = arith.constant dense<0.000000e+00> : vector<256xf32>
    %reduce_sum3A_597 = vector.multi_reduction <add>, %mul3A_595, %reduce_sum3A_596 [0] : vector<256x256xf32> to vector<256xf32>
    %broadcast_in_dim3A_598 = vector.shape_cast %reduce_sum3A_597 : vector<256xf32> to vector<1x256xf32>
    %add3A_599 = arith.addf %add3A_560, %broadcast_in_dim3A_598 : vector<1x256xf32>
    %get3A_600 = arith.constant 15 : index
    %get3A_601 = arith.constant 0 : index
    %get3A_602 = arith.constant 0 : index
    %get3A_603 = vector.load %arg1[%get3A_600, %get3A_601, %get3A_602] : memref<20x256x128xf32, #tpu.memory_space<vmem>>, vector<1x256x128xf32>
    %get3A_604 = vector.shape_cast %get3A_603 : vector<1x256x128xf32> to vector<256x128xf32>
    %get3A_605 = arith.constant 0 : index
    %get3A_606 = arith.constant 0 : index
    %get3A_607 = vector.load %arg4[%get3A_605, %get3A_606] : memref<1x128xf32, #tpu.memory_space<vmem>>, vector<1x128xf32>
    %mul3A_608 = vector.broadcast %get3A_607 : vector<1x128xf32> to vector<256x128xf32>
    %mul3A_609 = arith.mulf %get3A_604, %mul3A_608 : vector<256x128xf32>
    %get3A_610 = arith.constant 0 : index
    %get3A_611 = arith.constant 0 : index
    %get3A_612 = vector.load %arg5[%get3A_610, %get3A_611] : memref<1x128xf32, #tpu.memory_space<vmem>>, vector<1x128xf32>
    %add3A_613 = vector.broadcast %get3A_612 : vector<1x128xf32> to vector<256x128xf32>
    %add3A_614 = arith.addf %mul3A_609, %add3A_613 : vector<256x128xf32>
    %gt3A_615 = arith.constant 0.000000e+00 : f32
    %gt3A_616 = vector.broadcast %gt3A_615 : f32 to vector<256x128xf32>
    %gt3A_617 = arith.cmpf ogt, %add3A_614, %gt3A_616 : vector<256x128xf32>
    %mul3A_618 = arith.constant 2.000000e-01 : f32
    %mul3A_619 = vector.broadcast %mul3A_618 : f32 to vector<256x128xf32>
    %mul3A_620 = arith.mulf %mul3A_619, %add3A_614 : vector<256x128xf32>
    %select_n3A_621 = arith.select %gt3A_617, %add3A_614, %mul3A_620 : vector<256x128xi1>, vector<256x128xf32>
    %sub3A_622 = arith.subf %select_n3A_621, %select_n3A : vector<256x128xf32>
    %concatenate3A_623 = tpu.concatenate %sub3A_622, %select_n3A in 1 : vector<256x128xf32>, vector<256x128xf32> -> vector<256x256xf32>
    %get3A_624 = arith.constant 0 : index
    %get3A_625 = arith.constant 0 : index
    %get3A_626 = vector.load %arg3[%get3A_624, %get3A_625] : memref<256x256xf32, #tpu.memory_space<vmem>>, vector<256x256xf32>
    %dot_general3A_627 = arith.constant dense<0.000000e+00> : vector<256x256xf32>
    %dot_general3A_628 = tpu.matmul %concatenate3A_623, %get3A_626, %dot_general3A_627 {dimension_numbers = #tpu.dot_dimension_numbers<[1], [1], [0], [0], [0, 0, 1, 0], [], []>, transpose_lhs_hint = false} : vector<256x256xf32>, vector<256x256xf32>, vector<256x256xf32> -> vector<256x256xf32>
    %max3A_629 = arith.maximumf %max3A_590, %dot_general3A_628 : vector<256x256xf32>
    %reduce_sum3A_630 = arith.constant dense<0.000000e+00> : vector<256xf32>
    %reduce_sum3A_631 = vector.multi_reduction <add>, %dot_general3A_628, %reduce_sum3A_630 [0] : vector<256x256xf32> to vector<256xf32>
    %broadcast_in_dim3A_632 = vector.shape_cast %reduce_sum3A_631 : vector<256xf32> to vector<1x256xf32>
    %add3A_633 = arith.addf %add3A_594, %broadcast_in_dim3A_632 : vector<1x256xf32>
    %mul3A_634 = arith.mulf %dot_general3A_628, %dot_general3A_628 : vector<256x256xf32>
    %reduce_sum3A_635 = arith.constant dense<0.000000e+00> : vector<256xf32>
    %reduce_sum3A_636 = vector.multi_reduction <add>, %mul3A_634, %reduce_sum3A_635 [0] : vector<256x256xf32> to vector<256xf32>
    %broadcast_in_dim3A_637 = vector.shape_cast %reduce_sum3A_636 : vector<256xf32> to vector<1x256xf32>
    %add3A_638 = arith.addf %add3A_599, %broadcast_in_dim3A_637 : vector<1x256xf32>
    %get3A_639 = arith.constant 16 : index
    %get3A_640 = arith.constant 0 : index
    %get3A_641 = arith.constant 0 : index
    %get3A_642 = vector.load %arg1[%get3A_639, %get3A_640, %get3A_641] : memref<20x256x128xf32, #tpu.memory_space<vmem>>, vector<1x256x128xf32>
    %get3A_643 = vector.shape_cast %get3A_642 : vector<1x256x128xf32> to vector<256x128xf32>
    %get3A_644 = arith.constant 0 : index
    %get3A_645 = arith.constant 0 : index
    %get3A_646 = vector.load %arg4[%get3A_644, %get3A_645] : memref<1x128xf32, #tpu.memory_space<vmem>>, vector<1x128xf32>
    %mul3A_647 = vector.broadcast %get3A_646 : vector<1x128xf32> to vector<256x128xf32>
    %mul3A_648 = arith.mulf %get3A_643, %mul3A_647 : vector<256x128xf32>
    %get3A_649 = arith.constant 0 : index
    %get3A_650 = arith.constant 0 : index
    %get3A_651 = vector.load %arg5[%get3A_649, %get3A_650] : memref<1x128xf32, #tpu.memory_space<vmem>>, vector<1x128xf32>
    %add3A_652 = vector.broadcast %get3A_651 : vector<1x128xf32> to vector<256x128xf32>
    %add3A_653 = arith.addf %mul3A_648, %add3A_652 : vector<256x128xf32>
    %gt3A_654 = arith.constant 0.000000e+00 : f32
    %gt3A_655 = vector.broadcast %gt3A_654 : f32 to vector<256x128xf32>
    %gt3A_656 = arith.cmpf ogt, %add3A_653, %gt3A_655 : vector<256x128xf32>
    %mul3A_657 = arith.constant 2.000000e-01 : f32
    %mul3A_658 = vector.broadcast %mul3A_657 : f32 to vector<256x128xf32>
    %mul3A_659 = arith.mulf %mul3A_658, %add3A_653 : vector<256x128xf32>
    %select_n3A_660 = arith.select %gt3A_656, %add3A_653, %mul3A_659 : vector<256x128xi1>, vector<256x128xf32>
    %sub3A_661 = arith.subf %select_n3A_660, %select_n3A : vector<256x128xf32>
    %concatenate3A_662 = tpu.concatenate %sub3A_661, %select_n3A in 1 : vector<256x128xf32>, vector<256x128xf32> -> vector<256x256xf32>
    %get3A_663 = arith.constant 0 : index
    %get3A_664 = arith.constant 0 : index
    %get3A_665 = vector.load %arg3[%get3A_663, %get3A_664] : memref<256x256xf32, #tpu.memory_space<vmem>>, vector<256x256xf32>
    %dot_general3A_666 = arith.constant dense<0.000000e+00> : vector<256x256xf32>
    %dot_general3A_667 = tpu.matmul %concatenate3A_662, %get3A_665, %dot_general3A_666 {dimension_numbers = #tpu.dot_dimension_numbers<[1], [1], [0], [0], [0, 0, 1, 0], [], []>, transpose_lhs_hint = false} : vector<256x256xf32>, vector<256x256xf32>, vector<256x256xf32> -> vector<256x256xf32>
    %max3A_668 = arith.maximumf %max3A_629, %dot_general3A_667 : vector<256x256xf32>
    %reduce_sum3A_669 = arith.constant dense<0.000000e+00> : vector<256xf32>
    %reduce_sum3A_670 = vector.multi_reduction <add>, %dot_general3A_667, %reduce_sum3A_669 [0] : vector<256x256xf32> to vector<256xf32>
    %broadcast_in_dim3A_671 = vector.shape_cast %reduce_sum3A_670 : vector<256xf32> to vector<1x256xf32>
    %add3A_672 = arith.addf %add3A_633, %broadcast_in_dim3A_671 : vector<1x256xf32>
    %mul3A_673 = arith.mulf %dot_general3A_667, %dot_general3A_667 : vector<256x256xf32>
    %reduce_sum3A_674 = arith.constant dense<0.000000e+00> : vector<256xf32>
    %reduce_sum3A_675 = vector.multi_reduction <add>, %mul3A_673, %reduce_sum3A_674 [0] : vector<256x256xf32> to vector<256xf32>
    %broadcast_in_dim3A_676 = vector.shape_cast %reduce_sum3A_675 : vector<256xf32> to vector<1x256xf32>
    %add3A_677 = arith.addf %add3A_638, %broadcast_in_dim3A_676 : vector<1x256xf32>
    %get3A_678 = arith.constant 17 : index
    %get3A_679 = arith.constant 0 : index
    %get3A_680 = arith.constant 0 : index
    %get3A_681 = vector.load %arg1[%get3A_678, %get3A_679, %get3A_680] : memref<20x256x128xf32, #tpu.memory_space<vmem>>, vector<1x256x128xf32>
    %get3A_682 = vector.shape_cast %get3A_681 : vector<1x256x128xf32> to vector<256x128xf32>
    %get3A_683 = arith.constant 0 : index
    %get3A_684 = arith.constant 0 : index
    %get3A_685 = vector.load %arg4[%get3A_683, %get3A_684] : memref<1x128xf32, #tpu.memory_space<vmem>>, vector<1x128xf32>
    %mul3A_686 = vector.broadcast %get3A_685 : vector<1x128xf32> to vector<256x128xf32>
    %mul3A_687 = arith.mulf %get3A_682, %mul3A_686 : vector<256x128xf32>
    %get3A_688 = arith.constant 0 : index
    %get3A_689 = arith.constant 0 : index
    %get3A_690 = vector.load %arg5[%get3A_688, %get3A_689] : memref<1x128xf32, #tpu.memory_space<vmem>>, vector<1x128xf32>
    %add3A_691 = vector.broadcast %get3A_690 : vector<1x128xf32> to vector<256x128xf32>
    %add3A_692 = arith.addf %mul3A_687, %add3A_691 : vector<256x128xf32>
    %gt3A_693 = arith.constant 0.000000e+00 : f32
    %gt3A_694 = vector.broadcast %gt3A_693 : f32 to vector<256x128xf32>
    %gt3A_695 = arith.cmpf ogt, %add3A_692, %gt3A_694 : vector<256x128xf32>
    %mul3A_696 = arith.constant 2.000000e-01 : f32
    %mul3A_697 = vector.broadcast %mul3A_696 : f32 to vector<256x128xf32>
    %mul3A_698 = arith.mulf %mul3A_697, %add3A_692 : vector<256x128xf32>
    %select_n3A_699 = arith.select %gt3A_695, %add3A_692, %mul3A_698 : vector<256x128xi1>, vector<256x128xf32>
    %sub3A_700 = arith.subf %select_n3A_699, %select_n3A : vector<256x128xf32>
    %concatenate3A_701 = tpu.concatenate %sub3A_700, %select_n3A in 1 : vector<256x128xf32>, vector<256x128xf32> -> vector<256x256xf32>
    %get3A_702 = arith.constant 0 : index
    %get3A_703 = arith.constant 0 : index
    %get3A_704 = vector.load %arg3[%get3A_702, %get3A_703] : memref<256x256xf32, #tpu.memory_space<vmem>>, vector<256x256xf32>
    %dot_general3A_705 = arith.constant dense<0.000000e+00> : vector<256x256xf32>
    %dot_general3A_706 = tpu.matmul %concatenate3A_701, %get3A_704, %dot_general3A_705 {dimension_numbers = #tpu.dot_dimension_numbers<[1], [1], [0], [0], [0, 0, 1, 0], [], []>, transpose_lhs_hint = false} : vector<256x256xf32>, vector<256x256xf32>, vector<256x256xf32> -> vector<256x256xf32>
    %max3A_707 = arith.maximumf %max3A_668, %dot_general3A_706 : vector<256x256xf32>
    %reduce_sum3A_708 = arith.constant dense<0.000000e+00> : vector<256xf32>
    %reduce_sum3A_709 = vector.multi_reduction <add>, %dot_general3A_706, %reduce_sum3A_708 [0] : vector<256x256xf32> to vector<256xf32>
    %broadcast_in_dim3A_710 = vector.shape_cast %reduce_sum3A_709 : vector<256xf32> to vector<1x256xf32>
    %add3A_711 = arith.addf %add3A_672, %broadcast_in_dim3A_710 : vector<1x256xf32>
    %mul3A_712 = arith.mulf %dot_general3A_706, %dot_general3A_706 : vector<256x256xf32>
    %reduce_sum3A_713 = arith.constant dense<0.000000e+00> : vector<256xf32>
    %reduce_sum3A_714 = vector.multi_reduction <add>, %mul3A_712, %reduce_sum3A_713 [0] : vector<256x256xf32> to vector<256xf32>
    %broadcast_in_dim3A_715 = vector.shape_cast %reduce_sum3A_714 : vector<256xf32> to vector<1x256xf32>
    %add3A_716 = arith.addf %add3A_677, %broadcast_in_dim3A_715 : vector<1x256xf32>
    %get3A_717 = arith.constant 18 : index
    %get3A_718 = arith.constant 0 : index
    %get3A_719 = arith.constant 0 : index
    %get3A_720 = vector.load %arg1[%get3A_717, %get3A_718, %get3A_719] : memref<20x256x128xf32, #tpu.memory_space<vmem>>, vector<1x256x128xf32>
    %get3A_721 = vector.shape_cast %get3A_720 : vector<1x256x128xf32> to vector<256x128xf32>
    %get3A_722 = arith.constant 0 : index
    %get3A_723 = arith.constant 0 : index
    %get3A_724 = vector.load %arg4[%get3A_722, %get3A_723] : memref<1x128xf32, #tpu.memory_space<vmem>>, vector<1x128xf32>
    %mul3A_725 = vector.broadcast %get3A_724 : vector<1x128xf32> to vector<256x128xf32>
    %mul3A_726 = arith.mulf %get3A_721, %mul3A_725 : vector<256x128xf32>
    %get3A_727 = arith.constant 0 : index
    %get3A_728 = arith.constant 0 : index
    %get3A_729 = vector.load %arg5[%get3A_727, %get3A_728] : memref<1x128xf32, #tpu.memory_space<vmem>>, vector<1x128xf32>
    %add3A_730 = vector.broadcast %get3A_729 : vector<1x128xf32> to vector<256x128xf32>
    %add3A_731 = arith.addf %mul3A_726, %add3A_730 : vector<256x128xf32>
    %gt3A_732 = arith.constant 0.000000e+00 : f32
    %gt3A_733 = vector.broadcast %gt3A_732 : f32 to vector<256x128xf32>
    %gt3A_734 = arith.cmpf ogt, %add3A_731, %gt3A_733 : vector<256x128xf32>
    %mul3A_735 = arith.constant 2.000000e-01 : f32
    %mul3A_736 = vector.broadcast %mul3A_735 : f32 to vector<256x128xf32>
    %mul3A_737 = arith.mulf %mul3A_736, %add3A_731 : vector<256x128xf32>
    %select_n3A_738 = arith.select %gt3A_734, %add3A_731, %mul3A_737 : vector<256x128xi1>, vector<256x128xf32>
    %sub3A_739 = arith.subf %select_n3A_738, %select_n3A : vector<256x128xf32>
    %concatenate3A_740 = tpu.concatenate %sub3A_739, %select_n3A in 1 : vector<256x128xf32>, vector<256x128xf32> -> vector<256x256xf32>
    %get3A_741 = arith.constant 0 : index
    %get3A_742 = arith.constant 0 : index
    %get3A_743 = vector.load %arg3[%get3A_741, %get3A_742] : memref<256x256xf32, #tpu.memory_space<vmem>>, vector<256x256xf32>
    %dot_general3A_744 = arith.constant dense<0.000000e+00> : vector<256x256xf32>
    %dot_general3A_745 = tpu.matmul %concatenate3A_740, %get3A_743, %dot_general3A_744 {dimension_numbers = #tpu.dot_dimension_numbers<[1], [1], [0], [0], [0, 0, 1, 0], [], []>, transpose_lhs_hint = false} : vector<256x256xf32>, vector<256x256xf32>, vector<256x256xf32> -> vector<256x256xf32>
    %max3A_746 = arith.maximumf %max3A_707, %dot_general3A_745 : vector<256x256xf32>
    %reduce_sum3A_747 = arith.constant dense<0.000000e+00> : vector<256xf32>
    %reduce_sum3A_748 = vector.multi_reduction <add>, %dot_general3A_745, %reduce_sum3A_747 [0] : vector<256x256xf32> to vector<256xf32>
    %broadcast_in_dim3A_749 = vector.shape_cast %reduce_sum3A_748 : vector<256xf32> to vector<1x256xf32>
    %add3A_750 = arith.addf %add3A_711, %broadcast_in_dim3A_749 : vector<1x256xf32>
    %mul3A_751 = arith.mulf %dot_general3A_745, %dot_general3A_745 : vector<256x256xf32>
    %reduce_sum3A_752 = arith.constant dense<0.000000e+00> : vector<256xf32>
    %reduce_sum3A_753 = vector.multi_reduction <add>, %mul3A_751, %reduce_sum3A_752 [0] : vector<256x256xf32> to vector<256xf32>
    %broadcast_in_dim3A_754 = vector.shape_cast %reduce_sum3A_753 : vector<256xf32> to vector<1x256xf32>
    %add3A_755 = arith.addf %add3A_716, %broadcast_in_dim3A_754 : vector<1x256xf32>
    %get3A_756 = arith.constant 19 : index
    %get3A_757 = arith.constant 0 : index
    %get3A_758 = arith.constant 0 : index
    %get3A_759 = vector.load %arg1[%get3A_756, %get3A_757, %get3A_758] : memref<20x256x128xf32, #tpu.memory_space<vmem>>, vector<1x256x128xf32>
    %get3A_760 = vector.shape_cast %get3A_759 : vector<1x256x128xf32> to vector<256x128xf32>
    %get3A_761 = arith.constant 0 : index
    %get3A_762 = arith.constant 0 : index
    %get3A_763 = vector.load %arg4[%get3A_761, %get3A_762] : memref<1x128xf32, #tpu.memory_space<vmem>>, vector<1x128xf32>
    %mul3A_764 = vector.broadcast %get3A_763 : vector<1x128xf32> to vector<256x128xf32>
    %mul3A_765 = arith.mulf %get3A_760, %mul3A_764 : vector<256x128xf32>
    %get3A_766 = arith.constant 0 : index
    %get3A_767 = arith.constant 0 : index
    %get3A_768 = vector.load %arg5[%get3A_766, %get3A_767] : memref<1x128xf32, #tpu.memory_space<vmem>>, vector<1x128xf32>
    %add3A_769 = vector.broadcast %get3A_768 : vector<1x128xf32> to vector<256x128xf32>
    %add3A_770 = arith.addf %mul3A_765, %add3A_769 : vector<256x128xf32>
    %gt3A_771 = arith.constant 0.000000e+00 : f32
    %gt3A_772 = vector.broadcast %gt3A_771 : f32 to vector<256x128xf32>
    %gt3A_773 = arith.cmpf ogt, %add3A_770, %gt3A_772 : vector<256x128xf32>
    %mul3A_774 = arith.constant 2.000000e-01 : f32
    %mul3A_775 = vector.broadcast %mul3A_774 : f32 to vector<256x128xf32>
    %mul3A_776 = arith.mulf %mul3A_775, %add3A_770 : vector<256x128xf32>
    %select_n3A_777 = arith.select %gt3A_773, %add3A_770, %mul3A_776 : vector<256x128xi1>, vector<256x128xf32>
    %sub3A_778 = arith.subf %select_n3A_777, %select_n3A : vector<256x128xf32>
    %concatenate3A_779 = tpu.concatenate %sub3A_778, %select_n3A in 1 : vector<256x128xf32>, vector<256x128xf32> -> vector<256x256xf32>
    %get3A_780 = arith.constant 0 : index
    %get3A_781 = arith.constant 0 : index
    %get3A_782 = vector.load %arg3[%get3A_780, %get3A_781] : memref<256x256xf32, #tpu.memory_space<vmem>>, vector<256x256xf32>
    %dot_general3A_783 = arith.constant dense<0.000000e+00> : vector<256x256xf32>
    %dot_general3A_784 = tpu.matmul %concatenate3A_779, %get3A_782, %dot_general3A_783 {dimension_numbers = #tpu.dot_dimension_numbers<[1], [1], [0], [0], [0, 0, 1, 0], [], []>, transpose_lhs_hint = false} : vector<256x256xf32>, vector<256x256xf32>, vector<256x256xf32> -> vector<256x256xf32>
    %max3A_785 = arith.maximumf %max3A_746, %dot_general3A_784 : vector<256x256xf32>
    %reduce_sum3A_786 = arith.constant dense<0.000000e+00> : vector<256xf32>
    %reduce_sum3A_787 = vector.multi_reduction <add>, %dot_general3A_784, %reduce_sum3A_786 [0] : vector<256x256xf32> to vector<256xf32>
    %broadcast_in_dim3A_788 = vector.shape_cast %reduce_sum3A_787 : vector<256xf32> to vector<1x256xf32>
    %add3A_789 = arith.addf %add3A_750, %broadcast_in_dim3A_788 : vector<1x256xf32>
    %mul3A_790 = arith.mulf %dot_general3A_784, %dot_general3A_784 : vector<256x256xf32>
    %reduce_sum3A_791 = arith.constant dense<0.000000e+00> : vector<256xf32>
    %reduce_sum3A_792 = vector.multi_reduction <add>, %mul3A_790, %reduce_sum3A_791 [0] : vector<256x256xf32> to vector<256xf32>
    %broadcast_in_dim3A_793 = vector.shape_cast %reduce_sum3A_792 : vector<256xf32> to vector<1x256xf32>
    %add3A_794 = arith.addf %add3A_755, %broadcast_in_dim3A_793 : vector<1x256xf32>
    %swap3A = arith.constant 0 : index
    %swap3A_795 = arith.constant 0 : index
    %swap3A_796 = vector.load %arg6[%swap3A, %swap3A_795] : memref<256x256xf32, #tpu.memory_space<vmem>>, vector<256x256xf32>
    tpu.vector_store %arg6[%swap3A, %swap3A_795], %max3A_785 {strides = array<i32>} : memref<256x256xf32, #tpu.memory_space<vmem>>, vector<256x256xf32>,
    %eq3A = arith.constant 0 : i32
    %eq3A_797 = arith.cmpi eq, %arg0, %eq3A : i32
    %convert_element_type3A = arith.extui %eq3A_797 : i1 to i32
    %cond3A = arith.constant 0 : i32
    %cond3A_798 = arith.cmpi ne, %convert_element_type3A, %cond3A : i32
    scf.if %cond3A_798 {
      %broadcast_in_dim3A_817 = arith.constant 0.000000e+00 : f32
      %broadcast_in_dim3A_818 = vector.broadcast %broadcast_in_dim3A_817 : f32 to vector<8x256xf32>
      %swap3A_819 = arith.constant 0 : index
      %swap3A_820 = arith.constant 0 : index
      %swap3A_821 = vector.load %arg7[%swap3A_819, %swap3A_820] : memref<8x256xf32, #tpu.memory_space<vmem>>, vector<8x256xf32>
      tpu.vector_store %arg7[%swap3A_819, %swap3A_820], %broadcast_in_dim3A_818 {strides = array<i32>} : memref<8x256xf32, #tpu.memory_space<vmem>>, vector<8x256xf32>,
      %broadcast_in_dim3A_822 = arith.constant 0.000000e+00 : f32
      %broadcast_in_dim3A_823 = vector.broadcast %broadcast_in_dim3A_822 : f32 to vector<8x256xf32>
      %swap3A_824 = arith.constant 0 : index
      %swap3A_825 = arith.constant 0 : index
      %swap3A_826 = vector.load %arg8[%swap3A_824, %swap3A_825] : memref<8x256xf32, #tpu.memory_space<vmem>>, vector<8x256xf32>
      tpu.vector_store %arg8[%swap3A_824, %swap3A_825], %broadcast_in_dim3A_823 {strides = array<i32>} : memref<8x256xf32, #tpu.memory_space<vmem>>, vector<8x256xf32>,
    } else {
    }
    %get3A_799 = arith.constant 0 : index
    %get3A_800 = arith.constant 0 : index
    %get3A_801 = vector.load %arg7[%get3A_799, %get3A_800] : memref<8x256xf32, #tpu.memory_space<vmem>>, vector<8x256xf32>
    %broadcast_in_dim3A_802 = vector.shape_cast %add3A_789 : vector<1x256xf32> to vector<1x256xf32>
    %broadcast_in_dim3A_803 = vector.broadcast %broadcast_in_dim3A_802 : vector<1x256xf32> to vector<8x256xf32>
    %add3A_804 = arith.addf %get3A_801, %broadcast_in_dim3A_803 : vector<8x256xf32>
    %swap3A_805 = arith.constant 0 : index
    %swap3A_806 = arith.constant 0 : index
    %swap3A_807 = vector.load %arg7[%swap3A_805, %swap3A_806] : memref<8x256xf32, #tpu.memory_space<vmem>>, vector<8x256xf32>
    tpu.vector_store %arg7[%swap3A_805, %swap3A_806], %add3A_804 {strides = array<i32>} : memref<8x256xf32, #tpu.memory_space<vmem>>, vector<8x256xf32>,
    %get3A_808 = arith.constant 0 : index
    %get3A_809 = arith.constant 0 : index
    %get3A_810 = vector.load %arg8[%get3A_808, %get3A_809] : memref<8x256xf32, #tpu.memory_space<vmem>>, vector<8x256xf32>
    %broadcast_in_dim3A_811 = vector.shape_cast %add3A_794 : vector<1x256xf32> to vector<1x256xf32>
    %broadcast_in_dim3A_812 = vector.broadcast %broadcast_in_dim3A_811 : vector<1x256xf32> to vector<8x256xf32>
    %add3A_813 = arith.addf %get3A_810, %broadcast_in_dim3A_812 : vector<8x256xf32>
    %swap3A_814 = arith.constant 0 : index
    %swap3A_815 = arith.constant 0 : index
    %swap3A_816 = vector.load %arg8[%swap3A_814, %swap3A_815] : memref<8x256xf32, #tpu.memory_space<vmem>>, vector<8x256xf32>
    tpu.vector_store %arg8[%swap3A_814, %swap3A_815], %add3A_813 {strides = array<i32>} : memref<8x256xf32, #tpu.memory_space<vmem>>, vector<8x256xf32>,
    return
  }
  func.func @transform_0(%arg0: i32) -> (i32, i32, i32) {
    %c0_i32 = arith.constant 0 : i32
    %c0_i32_0 = arith.constant 0 : i32
    %c0_i32_1 = arith.constant 0 : i32
    return %c0_i32, %arg0, %c0_i32_0 : i32, i32, i32
  }
  func.func @transform_1(%arg0: i32) -> (i32, i32) {
    %c0_i32 = arith.constant 0 : i32
    %c0_i32_0 = arith.constant 0 : i32
    return %arg0, %c0_i32 : i32, i32
  }
  func.func @transform_2(%arg0: i32) -> (i32, i32) {
    %c0_i32 = arith.constant 0 : i32
    %c0_i32_0 = arith.constant 0 : i32
    %c0_i32_1 = arith.constant 0 : i32
    return %c0_i32, %c0_i32_0 : i32, i32
  }
  func.func @transform_3(%arg0: i32) -> (i32, i32) {
    %c0_i32 = arith.constant 0 : i32
    %c0_i32_0 = arith.constant 0 : i32
    %c0_i32_1 = arith.constant 0 : i32
    return %c0_i32, %c0_i32_0 : i32, i32
  }
  func.func @transform_4(%arg0: i32) -> (i32, i32) {
    %c0_i32 = arith.constant 0 : i32
    %c0_i32_0 = arith.constant 0 : i32
    %c0_i32_1 = arith.constant 0 : i32
    return %c0_i32, %c0_i32_0 : i32, i32
  }
  func.func @transform_5(%arg0: i32) -> (i32, i32) {
    %c0_i32 = arith.constant 0 : i32
    %c0_i32_0 = arith.constant 0 : i32
    return %arg0, %c0_i32 : i32, i32
  }
  func.func @transform_6(%arg0: i32) -> (i32, i32) {
    %c0_i32 = arith.constant 0 : i32
    %c0_i32_0 = arith.constant 0 : i32
    %c0_i32_1 = arith.constant 0 : i32
    return %c0_i32, %c0_i32_0 : i32, i32
  }
  func.func @transform_7(%arg0: i32) -> (i32, i32) {
    %c0_i32 = arith.constant 0 : i32
    %c0_i32_0 = arith.constant 0 : i32
    %c0_i32_1 = arith.constant 0 : i32
    return %c0_i32, %c0_i32_0 : i32, i32
  }
}

module attributes {stable_mosaic.version = 14 : i64} {
  func.func @_final_body(%arg0: i32, %arg1: i32, %arg2: memref<1024x640xf32, #tpu.memory_space<vmem>>, %arg3: memref<512x128xf32, #tpu.memory_space<vmem>>, %arg4: memref<512x128xf32, #tpu.memory_space<vmem>>, %arg5: memref<512x128xf32, #tpu.memory_space<vmem>>, %arg6: memref<512x256xf32, #tpu.memory_space<vmem>>, %arg7: memref<2x128xf32, #tpu.memory_space<vmem>>, %arg8: memref<2x128xf32, #tpu.memory_space<vmem>>, %arg9: memref<2x128xf32, #tpu.memory_space<vmem>>, %arg10: memref<2x256xf32, #tpu.memory_space<vmem>>, %arg11: memref<1x1024x512xf32, #tpu.memory_space<vmem>>, %arg12: memref<1024x8xf32, #tpu.memory_space<vmem>>, %arg13: memref<1024x8xf32, #tpu.memory_space<vmem>>) attributes {dimension_semantics = [#tpu.dimension_semantics<arbitrary>, #tpu.dimension_semantics<arbitrary>], iteration_bounds = array<i64: 2, 8>, scalar_prefetch = 0 : i64, scratch_operands = 0 : i64, tpu.core_type = #tpu.core_type<tc>, window_params = [{pipeline_mode = #tpu.pipeline_mode<synchronous>, transform_indices = @transform_0, window_bounds = array<i64: 1024, 640>}, {transform_indices = @transform_1, window_bounds = array<i64: 512, 128>}, {transform_indices = @transform_2, window_bounds = array<i64: 512, 128>}, {transform_indices = @transform_3, window_bounds = array<i64: 512, 128>}, {transform_indices = @transform_4, window_bounds = array<i64: 512, 256>}, {pipeline_mode = #tpu.pipeline_mode<synchronous>, transform_indices = @transform_5, window_bounds = array<i64: 2, 128>}, {pipeline_mode = #tpu.pipeline_mode<synchronous>, transform_indices = @transform_6, window_bounds = array<i64: 2, 128>}, {pipeline_mode = #tpu.pipeline_mode<synchronous>, transform_indices = @transform_7, window_bounds = array<i64: 2, 128>}, {pipeline_mode = #tpu.pipeline_mode<synchronous>, transform_indices = @transform_8, window_bounds = array<i64: 2, 256>}, {transform_indices = @transform_9, window_bounds = array<i64: 1, 1024, 512>}, {pipeline_mode = #tpu.pipeline_mode<synchronous>, transform_indices = @transform_10, window_bounds = array<i64: 1024, 8>}, {pipeline_mode = #tpu.pipeline_mode<synchronous>, transform_indices = @transform_11, window_bounds = array<i64: 1024, 8>}]} {
    %broadcast_in_dim3A = arith.constant 0.000000e+00 : f32
    %broadcast_in_dim3A_0 = vector.broadcast %broadcast_in_dim3A : f32 to vector<1024x512xf32>
    %get3A = arith.constant 0 : index
    %get3A_1 = arith.constant 0 : index
    %get3A_2 = vector.load %arg3[%get3A, %get3A_1] : memref<512x128xf32, #tpu.memory_space<vmem>>, vector<512x128xf32>
    %get3A_3 = arith.constant 0 : index
    %get3A_4 = arith.constant 0 : index
    %get3A_5 = vector.load %arg7[%get3A_3, %get3A_4] : memref<2x128xf32, #tpu.memory_space<vmem>>, vector<1x128xf32>
    %mul3A = vector.broadcast %get3A_5 : vector<1x128xf32> to vector<512x128xf32>
    %mul3A_6 = arith.mulf %get3A_2, %mul3A : vector<512x128xf32>
    %get3A_7 = arith.constant 1 : index
    %get3A_8 = arith.constant 0 : index
    %get3A_9 = vector.load %arg7[%get3A_7, %get3A_8] : memref<2x128xf32, #tpu.memory_space<vmem>>, vector<1x128xf32>
    %add3A = vector.broadcast %get3A_9 : vector<1x128xf32> to vector<512x128xf32>
    %add3A_10 = arith.addf %mul3A_6, %add3A : vector<512x128xf32>
    %gt3A = arith.constant 0.000000e+00 : f32
    %gt3A_11 = vector.broadcast %gt3A : f32 to vector<512x128xf32>
    %gt3A_12 = arith.cmpf ogt, %add3A_10, %gt3A_11 : vector<512x128xf32>
    %mul3A_13 = arith.constant 2.000000e-01 : f32
    %mul3A_14 = vector.broadcast %mul3A_13 : f32 to vector<512x128xf32>
    %mul3A_15 = arith.mulf %mul3A_14, %add3A_10 : vector<512x128xf32>
    %select_n3A = arith.select %gt3A_12, %add3A_10, %mul3A_15 : vector<512x128xi1>, vector<512x128xf32>
    %get3A_16 = arith.constant 0 : index
    %get3A_17 = arith.constant 0 : index
    %get3A_18 = vector.load %arg2[%get3A_16, %get3A_17] : memref<1024x640xf32, #tpu.memory_space<vmem>>, vector<1024x128xf32>
    %dot_general3A = arith.constant dense<0.000000e+00> : vector<1024x512xf32>
    %dot_general3A_19 = tpu.matmul %get3A_18, %select_n3A, %dot_general3A {dimension_numbers = #tpu.dot_dimension_numbers<[1], [1], [0], [0], [0, 0, 1, 0], [], []>, transpose_lhs_hint = false} : vector<1024x128xf32>, vector<512x128xf32>, vector<1024x512xf32> -> vector<1024x512xf32>
    %add3A_20 = arith.addf %broadcast_in_dim3A_0, %dot_general3A_19 : vector<1024x512xf32>
    %get3A_21 = arith.constant 0 : index
    %get3A_22 = arith.constant 0 : index
    %get3A_23 = vector.load %arg4[%get3A_21, %get3A_22] : memref<512x128xf32, #tpu.memory_space<vmem>>, vector<512x128xf32>
    %get3A_24 = arith.constant 0 : index
    %get3A_25 = arith.constant 0 : index
    %get3A_26 = vector.load %arg8[%get3A_24, %get3A_25] : memref<2x128xf32, #tpu.memory_space<vmem>>, vector<1x128xf32>
    %mul3A_27 = vector.broadcast %get3A_26 : vector<1x128xf32> to vector<512x128xf32>
    %mul3A_28 = arith.mulf %get3A_23, %mul3A_27 : vector<512x128xf32>
    %get3A_29 = arith.constant 1 : index
    %get3A_30 = arith.constant 0 : index
    %get3A_31 = vector.load %arg8[%get3A_29, %get3A_30] : memref<2x128xf32, #tpu.memory_space<vmem>>, vector<1x128xf32>
    %add3A_32 = vector.broadcast %get3A_31 : vector<1x128xf32> to vector<512x128xf32>
    %add3A_33 = arith.addf %mul3A_28, %add3A_32 : vector<512x128xf32>
    %gt3A_34 = arith.constant 0.000000e+00 : f32
    %gt3A_35 = vector.broadcast %gt3A_34 : f32 to vector<512x128xf32>
    %gt3A_36 = arith.cmpf ogt, %add3A_33, %gt3A_35 : vector<512x128xf32>
    %mul3A_37 = arith.constant 2.000000e-01 : f32
    %mul3A_38 = vector.broadcast %mul3A_37 : f32 to vector<512x128xf32>
    %mul3A_39 = arith.mulf %mul3A_38, %add3A_33 : vector<512x128xf32>
    %select_n3A_40 = arith.select %gt3A_36, %add3A_33, %mul3A_39 : vector<512x128xi1>, vector<512x128xf32>
    %get3A_41 = arith.constant 0 : index
    %get3A_42 = arith.constant 128 : index
    %get3A_43 = vector.load %arg2[%get3A_41, %get3A_42] : memref<1024x640xf32, #tpu.memory_space<vmem>>, vector<1024x128xf32>
    %dot_general3A_44 = arith.constant dense<0.000000e+00> : vector<1024x512xf32>
    %dot_general3A_45 = tpu.matmul %get3A_43, %select_n3A_40, %dot_general3A_44 {dimension_numbers = #tpu.dot_dimension_numbers<[1], [1], [0], [0], [0, 0, 1, 0], [], []>, transpose_lhs_hint = false} : vector<1024x128xf32>, vector<512x128xf32>, vector<1024x512xf32> -> vector<1024x512xf32>
    %add3A_46 = arith.addf %add3A_20, %dot_general3A_45 : vector<1024x512xf32>
    %get3A_47 = arith.constant 0 : index
    %get3A_48 = arith.constant 0 : index
    %get3A_49 = vector.load %arg5[%get3A_47, %get3A_48] : memref<512x128xf32, #tpu.memory_space<vmem>>, vector<512x128xf32>
    %get3A_50 = arith.constant 0 : index
    %get3A_51 = arith.constant 0 : index
    %get3A_52 = vector.load %arg9[%get3A_50, %get3A_51] : memref<2x128xf32, #tpu.memory_space<vmem>>, vector<1x128xf32>
    %mul3A_53 = vector.broadcast %get3A_52 : vector<1x128xf32> to vector<512x128xf32>
    %mul3A_54 = arith.mulf %get3A_49, %mul3A_53 : vector<512x128xf32>
    %get3A_55 = arith.constant 1 : index
    %get3A_56 = arith.constant 0 : index
    %get3A_57 = vector.load %arg9[%get3A_55, %get3A_56] : memref<2x128xf32, #tpu.memory_space<vmem>>, vector<1x128xf32>
    %add3A_58 = vector.broadcast %get3A_57 : vector<1x128xf32> to vector<512x128xf32>
    %add3A_59 = arith.addf %mul3A_54, %add3A_58 : vector<512x128xf32>
    %gt3A_60 = arith.constant 0.000000e+00 : f32
    %gt3A_61 = vector.broadcast %gt3A_60 : f32 to vector<512x128xf32>
    %gt3A_62 = arith.cmpf ogt, %add3A_59, %gt3A_61 : vector<512x128xf32>
    %mul3A_63 = arith.constant 2.000000e-01 : f32
    %mul3A_64 = vector.broadcast %mul3A_63 : f32 to vector<512x128xf32>
    %mul3A_65 = arith.mulf %mul3A_64, %add3A_59 : vector<512x128xf32>
    %select_n3A_66 = arith.select %gt3A_62, %add3A_59, %mul3A_65 : vector<512x128xi1>, vector<512x128xf32>
    %get3A_67 = arith.constant 0 : index
    %get3A_68 = arith.constant 256 : index
    %get3A_69 = vector.load %arg2[%get3A_67, %get3A_68] : memref<1024x640xf32, #tpu.memory_space<vmem>>, vector<1024x128xf32>
    %dot_general3A_70 = arith.constant dense<0.000000e+00> : vector<1024x512xf32>
    %dot_general3A_71 = tpu.matmul %get3A_69, %select_n3A_66, %dot_general3A_70 {dimension_numbers = #tpu.dot_dimension_numbers<[1], [1], [0], [0], [0, 0, 1, 0], [], []>, transpose_lhs_hint = false} : vector<1024x128xf32>, vector<512x128xf32>, vector<1024x512xf32> -> vector<1024x512xf32>
    %add3A_72 = arith.addf %add3A_46, %dot_general3A_71 : vector<1024x512xf32>
    %get3A_73 = arith.constant 0 : index
    %get3A_74 = arith.constant 0 : index
    %get3A_75 = vector.load %arg6[%get3A_73, %get3A_74] : memref<512x256xf32, #tpu.memory_space<vmem>>, vector<512x256xf32>
    %get3A_76 = arith.constant 0 : index
    %get3A_77 = arith.constant 0 : index
    %get3A_78 = vector.load %arg10[%get3A_76, %get3A_77] : memref<2x256xf32, #tpu.memory_space<vmem>>, vector<1x256xf32>
    %mul3A_79 = vector.broadcast %get3A_78 : vector<1x256xf32> to vector<512x256xf32>
    %mul3A_80 = arith.mulf %get3A_75, %mul3A_79 : vector<512x256xf32>
    %get3A_81 = arith.constant 1 : index
    %get3A_82 = arith.constant 0 : index
    %get3A_83 = vector.load %arg10[%get3A_81, %get3A_82] : memref<2x256xf32, #tpu.memory_space<vmem>>, vector<1x256xf32>
    %add3A_84 = vector.broadcast %get3A_83 : vector<1x256xf32> to vector<512x256xf32>
    %add3A_85 = arith.addf %mul3A_80, %add3A_84 : vector<512x256xf32>
    %gt3A_86 = arith.constant 0.000000e+00 : f32
    %gt3A_87 = vector.broadcast %gt3A_86 : f32 to vector<512x256xf32>
    %gt3A_88 = arith.cmpf ogt, %add3A_85, %gt3A_87 : vector<512x256xf32>
    %mul3A_89 = arith.constant 2.000000e-01 : f32
    %mul3A_90 = vector.broadcast %mul3A_89 : f32 to vector<512x256xf32>
    %mul3A_91 = arith.mulf %mul3A_90, %add3A_85 : vector<512x256xf32>
    %select_n3A_92 = arith.select %gt3A_88, %add3A_85, %mul3A_91 : vector<512x256xi1>, vector<512x256xf32>
    %get3A_93 = arith.constant 0 : index
    %get3A_94 = arith.constant 384 : index
    %get3A_95 = vector.load %arg2[%get3A_93, %get3A_94] : memref<1024x640xf32, #tpu.memory_space<vmem>>, vector<1024x256xf32>
    %dot_general3A_96 = arith.constant dense<0.000000e+00> : vector<1024x512xf32>
    %dot_general3A_97 = tpu.matmul %get3A_95, %select_n3A_92, %dot_general3A_96 {dimension_numbers = #tpu.dot_dimension_numbers<[1], [1], [0], [0], [0, 0, 1, 0], [], []>, transpose_lhs_hint = false} : vector<1024x256xf32>, vector<512x256xf32>, vector<1024x512xf32> -> vector<1024x512xf32>
    %add3A_98 = arith.addf %add3A_72, %dot_general3A_97 : vector<1024x512xf32>
    %swap3A = arith.constant 0 : index
    %swap3A_99 = arith.constant 0 : index
    %swap3A_100 = arith.constant 0 : index
    %swap3A_101 = vector.load %arg11[%swap3A, %swap3A_99, %swap3A_100] : memref<1x1024x512xf32, #tpu.memory_space<vmem>>, vector<1x1024x512xf32>
    %swap3A_102 = vector.shape_cast %swap3A_101 : vector<1x1024x512xf32> to vector<1024x512xf32>
    %swap3A_103 = vector.shape_cast %add3A_98 : vector<1024x512xf32> to vector<1x1024x512xf32>
    tpu.vector_store %arg11[%swap3A, %swap3A_99, %swap3A_100], %swap3A_103 {strides = array<i32>} : memref<1x1024x512xf32, #tpu.memory_space<vmem>>, vector<1x1024x512xf32>,
    %eq3A = arith.constant 0 : i32
    %eq3A_104 = arith.cmpi eq, %arg0, %eq3A : i32
    %eq3A_105 = arith.constant 0 : i32
    %eq3A_106 = arith.cmpi eq, %arg1, %eq3A_105 : i32
    %and3A = arith.andi %eq3A_104, %eq3A_106 : i1
    %convert_element_type3A = arith.extui %and3A : i1 to i32
    %cond3A = arith.constant 0 : i32
    %cond3A_107 = arith.cmpi ne, %convert_element_type3A, %cond3A : i32
    scf.if %cond3A_107 {
      %broadcast_in_dim3A_132 = arith.constant 0.000000e+00 : f32
      %broadcast_in_dim3A_133 = vector.broadcast %broadcast_in_dim3A_132 : f32 to vector<1024x8xf32>
      %swap3A_134 = arith.constant 0 : index
      %swap3A_135 = arith.constant 0 : index
      %swap3A_136 = vector.load %arg12[%swap3A_134, %swap3A_135] : memref<1024x8xf32, #tpu.memory_space<vmem>>, vector<1024x8xf32>
      tpu.vector_store %arg12[%swap3A_134, %swap3A_135], %broadcast_in_dim3A_133 {strides = array<i32>} : memref<1024x8xf32, #tpu.memory_space<vmem>>, vector<1024x8xf32>,
      %broadcast_in_dim3A_137 = arith.constant 0.000000e+00 : f32
      %broadcast_in_dim3A_138 = vector.broadcast %broadcast_in_dim3A_137 : f32 to vector<1024x8xf32>
      %swap3A_139 = arith.constant 0 : index
      %swap3A_140 = arith.constant 0 : index
      %swap3A_141 = vector.load %arg13[%swap3A_139, %swap3A_140] : memref<1024x8xf32, #tpu.memory_space<vmem>>, vector<1024x8xf32>
      tpu.vector_store %arg13[%swap3A_139, %swap3A_140], %broadcast_in_dim3A_138 {strides = array<i32>} : memref<1024x8xf32, #tpu.memory_space<vmem>>, vector<1024x8xf32>,
    } else {
    }
    %get3A_108 = arith.constant 0 : index
    %get3A_109 = arith.constant 0 : index
    %get3A_110 = vector.load %arg12[%get3A_108, %get3A_109] : memref<1024x8xf32, #tpu.memory_space<vmem>>, vector<1024x8xf32>
    %reduce_sum3A = arith.constant dense<0.000000e+00> : vector<1024xf32>
    %reduce_sum3A_111 = vector.multi_reduction <add>, %add3A_98, %reduce_sum3A [1] : vector<1024x512xf32> to vector<1024xf32>
    %broadcast_in_dim3A_112 = vector.shape_cast %reduce_sum3A_111 : vector<1024xf32> to vector<1024x1xf32>
    %broadcast_in_dim3A_113 = vector.shape_cast %broadcast_in_dim3A_112 : vector<1024x1xf32> to vector<1024x1xf32>
    %broadcast_in_dim3A_114 = vector.broadcast %broadcast_in_dim3A_113 : vector<1024x1xf32> to vector<1024x8xf32>
    %add3A_115 = arith.addf %get3A_110, %broadcast_in_dim3A_114 : vector<1024x8xf32>
    %swap3A_116 = arith.constant 0 : index
    %swap3A_117 = arith.constant 0 : index
    %swap3A_118 = vector.load %arg12[%swap3A_116, %swap3A_117] : memref<1024x8xf32, #tpu.memory_space<vmem>>, vector<1024x8xf32>
    tpu.vector_store %arg12[%swap3A_116, %swap3A_117], %add3A_115 {strides = array<i32>} : memref<1024x8xf32, #tpu.memory_space<vmem>>, vector<1024x8xf32>,
    %get3A_119 = arith.constant 0 : index
    %get3A_120 = arith.constant 0 : index
    %get3A_121 = vector.load %arg13[%get3A_119, %get3A_120] : memref<1024x8xf32, #tpu.memory_space<vmem>>, vector<1024x8xf32>
    %mul3A_122 = arith.mulf %add3A_98, %add3A_98 : vector<1024x512xf32>
    %reduce_sum3A_123 = arith.constant dense<0.000000e+00> : vector<1024xf32>
    %reduce_sum3A_124 = vector.multi_reduction <add>, %mul3A_122, %reduce_sum3A_123 [1] : vector<1024x512xf32> to vector<1024xf32>
    %broadcast_in_dim3A_125 = vector.shape_cast %reduce_sum3A_124 : vector<1024xf32> to vector<1024x1xf32>
    %broadcast_in_dim3A_126 = vector.shape_cast %broadcast_in_dim3A_125 : vector<1024x1xf32> to vector<1024x1xf32>
    %broadcast_in_dim3A_127 = vector.broadcast %broadcast_in_dim3A_126 : vector<1024x1xf32> to vector<1024x8xf32>
    %add3A_128 = arith.addf %get3A_121, %broadcast_in_dim3A_127 : vector<1024x8xf32>
    %swap3A_129 = arith.constant 0 : index
    %swap3A_130 = arith.constant 0 : index
    %swap3A_131 = vector.load %arg13[%swap3A_129, %swap3A_130] : memref<1024x8xf32, #tpu.memory_space<vmem>>, vector<1024x8xf32>
    tpu.vector_store %arg13[%swap3A_129, %swap3A_130], %add3A_128 {strides = array<i32>} : memref<1024x8xf32, #tpu.memory_space<vmem>>, vector<1024x8xf32>,
    return
  }
  func.func @transform_0(%arg0: i32, %arg1: i32) -> (i32, i32) {
    %c0_i32 = arith.constant 0 : i32
    %c0_i32_0 = arith.constant 0 : i32
    %c0_i32_1 = arith.constant 0 : i32
    return %c0_i32, %c0_i32_0 : i32, i32
  }
  func.func @transform_1(%arg0: i32, %arg1: i32) -> (i32, i32) {
    %mul3A = arith.constant 8 : i32
    %mul3A_0 = arith.muli %arg0, %mul3A : i32
    %add3A = arith.addi %mul3A_0, %arg1 : i32
    %c0_i32 = arith.constant 0 : i32
    %c0_i32_1 = arith.constant 0 : i32
    return %add3A, %c0_i32 : i32, i32
  }
  func.func @transform_2(%arg0: i32, %arg1: i32) -> (i32, i32) {
    %mul3A = arith.constant 8 : i32
    %mul3A_0 = arith.muli %arg0, %mul3A : i32
    %add3A = arith.addi %mul3A_0, %arg1 : i32
    %c0_i32 = arith.constant 0 : i32
    %c0_i32_1 = arith.constant 0 : i32
    return %add3A, %c0_i32 : i32, i32
  }
  func.func @transform_3(%arg0: i32, %arg1: i32) -> (i32, i32) {
    %mul3A = arith.constant 8 : i32
    %mul3A_0 = arith.muli %arg0, %mul3A : i32
    %add3A = arith.addi %mul3A_0, %arg1 : i32
    %c0_i32 = arith.constant 0 : i32
    %c0_i32_1 = arith.constant 0 : i32
    return %add3A, %c0_i32 : i32, i32
  }
  func.func @transform_4(%arg0: i32, %arg1: i32) -> (i32, i32) {
    %mul3A = arith.constant 8 : i32
    %mul3A_0 = arith.muli %arg0, %mul3A : i32
    %add3A = arith.addi %mul3A_0, %arg1 : i32
    %c0_i32 = arith.constant 0 : i32
    %c0_i32_1 = arith.constant 0 : i32
    return %add3A, %c0_i32 : i32, i32
  }
  func.func @transform_5(%arg0: i32, %arg1: i32) -> (i32, i32) {
    %c0_i32 = arith.constant 0 : i32
    %c0_i32_0 = arith.constant 0 : i32
    %c0_i32_1 = arith.constant 0 : i32
    return %c0_i32, %c0_i32_0 : i32, i32
  }
  func.func @transform_6(%arg0: i32, %arg1: i32) -> (i32, i32) {
    %c0_i32 = arith.constant 0 : i32
    %c0_i32_0 = arith.constant 0 : i32
    %c0_i32_1 = arith.constant 0 : i32
    return %c0_i32, %c0_i32_0 : i32, i32
  }
  func.func @transform_7(%arg0: i32, %arg1: i32) -> (i32, i32) {
    %c0_i32 = arith.constant 0 : i32
    %c0_i32_0 = arith.constant 0 : i32
    %c0_i32_1 = arith.constant 0 : i32
    return %c0_i32, %c0_i32_0 : i32, i32
  }
  func.func @transform_8(%arg0: i32, %arg1: i32) -> (i32, i32) {
    %c0_i32 = arith.constant 0 : i32
    %c0_i32_0 = arith.constant 0 : i32
    %c0_i32_1 = arith.constant 0 : i32
    return %c0_i32, %c0_i32_0 : i32, i32
  }
  func.func @transform_9(%arg0: i32, %arg1: i32) -> (i32, i32, i32) {
    %c0_i32 = arith.constant 0 : i32
    %c0_i32_0 = arith.constant 0 : i32
    return %arg0, %c0_i32, %arg1 : i32, i32, i32
  }
  func.func @transform_10(%arg0: i32, %arg1: i32) -> (i32, i32) {
    %c0_i32 = arith.constant 0 : i32
    %c0_i32_0 = arith.constant 0 : i32
    %c0_i32_1 = arith.constant 0 : i32
    return %c0_i32, %c0_i32_0 : i32, i32
  }
  func.func @transform_11(%arg0: i32, %arg1: i32) -> (i32, i32) {
    %c0_i32 = arith.constant 0 : i32
    %c0_i32_0 = arith.constant 0 : i32
    %c0_i32_1 = arith.constant 0 : i32
    return %c0_i32, %c0_i32_0 : i32, i32
  }
}

module attributes {stable_mosaic.version = 14 : i64} {
  func.func @_apply_body(%arg0: i32, %arg1: i32, %arg2: memref<1x1024x512xf32, #tpu.memory_space<vmem>>, %arg3: memref<1024x2xf32, #tpu.memory_space<vmem>>, %arg4: memref<1x1024x512xf32, #tpu.memory_space<vmem>>) attributes {dimension_semantics = [#tpu.dimension_semantics<arbitrary>, #tpu.dimension_semantics<arbitrary>], iteration_bounds = array<i64: 2, 8>, scalar_prefetch = 0 : i64, scratch_operands = 0 : i64, tpu.core_type = #tpu.core_type<tc>, window_params = [{transform_indices = @transform_0, window_bounds = array<i64: 1, 1024, 512>}, {pipeline_mode = #tpu.pipeline_mode<synchronous>, transform_indices = @transform_1, window_bounds = array<i64: 1024, 2>}, {transform_indices = @transform_2, window_bounds = array<i64: 1, 1024, 512>}]} {
    %get3A = arith.constant 0 : index
    %get3A_0 = arith.constant 0 : index
    %get3A_1 = arith.constant 0 : index
    %get3A_2 = vector.load %arg2[%get3A, %get3A_0, %get3A_1] : memref<1x1024x512xf32, #tpu.memory_space<vmem>>, vector<1x1024x512xf32>
    %get3A_3 = vector.shape_cast %get3A_2 : vector<1x1024x512xf32> to vector<1024x512xf32>
    %get3A_4 = arith.constant 0 : index
    %get3A_5 = arith.constant 0 : index
    %get3A_6 = vector.load %arg3[%get3A_4, %get3A_5] : memref<1024x2xf32, #tpu.memory_space<vmem>>, vector<1024x1xf32>
    %mul3A = vector.broadcast %get3A_6 : vector<1024x1xf32> to vector<1024x512xf32>
    %mul3A_7 = arith.mulf %get3A_3, %mul3A : vector<1024x512xf32>
    %get3A_8 = arith.constant 0 : index
    %get3A_9 = arith.constant 1 : index
    %get3A_10 = vector.load %arg3[%get3A_8, %get3A_9] : memref<1024x2xf32, #tpu.memory_space<vmem>>, vector<1024x1xf32>
    %add3A = vector.broadcast %get3A_10 : vector<1024x1xf32> to vector<1024x512xf32>
    %add3A_11 = arith.addf %mul3A_7, %add3A : vector<1024x512xf32>
    %gt3A = arith.constant 0.000000e+00 : f32
    %gt3A_12 = vector.broadcast %gt3A : f32 to vector<1024x512xf32>
    %gt3A_13 = arith.cmpf ogt, %add3A_11, %gt3A_12 : vector<1024x512xf32>
    %mul3A_14 = arith.constant 2.000000e-01 : f32
    %mul3A_15 = vector.broadcast %mul3A_14 : f32 to vector<1024x512xf32>
    %mul3A_16 = arith.mulf %mul3A_15, %add3A_11 : vector<1024x512xf32>
    %select_n3A = arith.select %gt3A_13, %add3A_11, %mul3A_16 : vector<1024x512xi1>, vector<1024x512xf32>
    %swap3A = arith.constant 0 : index
    %swap3A_17 = arith.constant 0 : index
    %swap3A_18 = arith.constant 0 : index
    %swap3A_19 = vector.load %arg4[%swap3A, %swap3A_17, %swap3A_18] : memref<1x1024x512xf32, #tpu.memory_space<vmem>>, vector<1x1024x512xf32>
    %swap3A_20 = vector.shape_cast %swap3A_19 : vector<1x1024x512xf32> to vector<1024x512xf32>
    %swap3A_21 = vector.shape_cast %select_n3A : vector<1024x512xf32> to vector<1x1024x512xf32>
    tpu.vector_store %arg4[%swap3A, %swap3A_17, %swap3A_18], %swap3A_21 {strides = array<i32>} : memref<1x1024x512xf32, #tpu.memory_space<vmem>>, vector<1x1024x512xf32>,
    return
  }
  func.func @transform_0(%arg0: i32, %arg1: i32) -> (i32, i32, i32) {
    %c0_i32 = arith.constant 0 : i32
    %c0_i32_0 = arith.constant 0 : i32
    return %arg0, %c0_i32, %arg1 : i32, i32, i32
  }
  func.func @transform_1(%arg0: i32, %arg1: i32) -> (i32, i32) {
    %c0_i32 = arith.constant 0 : i32
    %c0_i32_0 = arith.constant 0 : i32
    %c0_i32_1 = arith.constant 0 : i32
    return %c0_i32, %c0_i32_0 : i32, i32
  }
  func.func @transform_2(%arg0: i32, %arg1: i32) -> (i32, i32, i32) {
    %c0_i32 = arith.constant 0 : i32
    %c0_i32_0 = arith.constant 0 : i32
    return %arg0, %c0_i32, %arg1 : i32, i32, i32
  }
}

</mosaic_0001>

<sc_bundles>
// kernel: kernel.13.cloned.1.call-start
scs
__scs_entry_jumppad:
0x0: {  	(pc) =	sbr.rel $0x88, $3  }
0x1: {  	(tag) =	ssettag $0x0;
	lr =	simm.s32 $0x1  }
0x2: {  	[smem:$0x3F91] =	sst lr;
	_ =	strace $0xD0000000  }
0x3: {  	_ = 	snop  }
0x4: {  	_ = 	snop  }
0x5: {  	_ = 	snop  }
0x6: {  	_ = 	snop  }
0x7: {  	_ = 	snop  }
__scs_overlays_trampoline_lowered:
0x8: {  	[smem:$0x3FA0] =	sst s0  }
0x9: {  	[smem:$0x3FA1] =	sst s1  }
0xa: {  	[smem:$0x3FA2] =	sst s2  }
0xb: {  	[smem:$0x3FA3] =	sst s3  }
0xc: {  	[smem:$0x3FA4] =	sst s4  }
0xd: {  	[smem:$0x3FA5] =	sst s5  }
0xe: {  	[smem:$0x3FA6] =	sst s6  }
0xf: {  	[smem:$0x3FA7] =	sst s7  }
0x10: {  	[smem:$0x3FA8] =	sst s8  }
0x11: {  	[smem:$0x3FA9] =	sst s9;
	s0 =	simm.s32 @!p0 $0x0  }
0x12: {  	s1 =	sld [smem:$0x3F8F];
	s0 =	simm.s32 @p0 $0x1  }
0x13: {  	[smem:$0x3FAA] =	sst s0;
	s0 =	simm.s32 @!p1 $0x0  }
0x14: {  	s2 =	sld [smem:$0x3F8E];
	s0 =	simm.s32 @p1 $0x1  }
0x15: {  	[smem:$0x3FAB] =	sst s0;
	s0 =	simm.s32 @!p2 $0x0  }
0x16: {  	s3 =	sld [smem:$0x3FDB];
	s0 =	simm.s32 @p2 $0x1  }
0x17: {  	s4 =	simm.s32 $0x1BF5;
	[smem:$0x3FAD] =	sst s0  }
0x18: {  	s0 =	sld [smem:$0x3F90];
	_ =	swait.ge [sflag:s4], $0x0  }
0x19: {  	s7 =	sld [smem:$0x3F91]  }
0x1a: {  	s8 =	sadd.s32 $0xFFFFE003, lr  }
0x1b: {  	s9 =	sadd.s32 $0xFFFFFEF7, lr;
	s5 =	simm.s32 $0xFFFFFFFF;
	p2 =	slt.u32 s8, $0xFFFFF086  }
0x1c: {  	p1 =	slt.u32 s9, $0xF7A;
	s5 =	simm.s32 @!p2 $0x0  }
0x1d: {  	s5 =	simm.s32 @p1 $0x1;
	p0 =	seq.s32 s7, s2  }
0x1e: {  	s7 =	smul.u32 @!p0 $0xF7A, s2;
	p2 =	seq.s32 @!p0 s5, $0x0  }
0x1f: {  	s9 =	smul.u32 $0xF7A, s1;
	s8 =	simm.s32 @!p0 $0x1BF5;
	p2 =	por !p2, p0  }
0x20: {  	[sflag:s8] =	ssyncset.s32 @!p0 $0xFFFFF086;
	s6 =	sadd.s32 @!p0 s3, s7;
	s7 =	simm.s32 @!p0 $0x108  }
0x21: {  	s3 =	sadd.s32 s3, s9;
	s6 =	sadd.s32 @!p0 $0x88, s6;
	s7 =	simm.s32 @p2 $0x1082  }
0x22: {  	[simem:s7], [sflag:s8] =	dma.local @!p0 [hbm:s6], $0xF7A  }
0x23: {  	s9 =	sor.u32 $0xD0000000, s2;
	s6 =	simm.s32 $0x108;
	_ =	swait.ge @!p0 [sflag:s8], $0x0  }
0x24: {  	s3 =	sadd.s32 $0x88, s3;
	s6 =	simm.s32 @!p1 $0x1082;
	[sflag:s4] =	ssyncset.s32 $0xFFFFF086  }
0x25: {  	[simem:s6], [sflag:s4] =	dma.local [hbm:s3], $0xF7A  }
0x26: {  	[smem:$0x3F91] =	sst s1;
	(tag) =	ssettag s2;
	_ =	strace s9  }
0x27: {  	s1 =	sld [smem:$0x3FA1]  }
0x28: {  	s2 =	sld [smem:$0x3FA2]  }
0x29: {  	s4 =	sld [smem:$0x3FA4]  }
0x2a: {  	p0 =	seq.s32 s5, $0x0;
	s5 =	sld [smem:$0x3FA5]  }
0x2b: {  	s6 =	sld [smem:$0x3FA6]  }
0x2c: {  	s7 =	sld [smem:$0x3FA7]  }
0x2d: {  	s3 =	simm.s32 $0x108;
	s8 =	sld [smem:$0x3FA8]  }
0x2e: {  	s3 =	simm.s32 @!p0 $0x1082;
	s9 =	sld [smem:$0x3FA9]  }
0x2f: {  	lr =	sadd.s32 s0, s3;
	s0 =	sld [smem:$0x3FA0]  }
0x30: {  	s3 =	sld [smem:$0x3FA3]  }
0x31: {  	[smem:$0x3FAC] =	sst s10  }
0x32: {  	s10 =	sld [smem:$0x3FAA];
	_ =	sdelay $0x3  }
0x33: {  	p0 =	seq.s32 s10, $0x1;
	s10 =	sld [smem:$0x3FAC];
	_ =	sdelay $0x3  }
0x34: {  	[smem:$0x3FAC] =	sst s10  }
0x35: {  	s10 =	sld [smem:$0x3FAB];
	_ =	sdelay $0x3  }
0x36: {  	p1 =	seq.s32 s10, $0x1;
	s10 =	sld [smem:$0x3FAC];
	_ =	sdelay $0x3  }
0x37: {  	[smem:$0x3FAC] =	sst s10  }
0x38: {  	s10 =	sld [smem:$0x3FAD]  }
0x39: {  	_ = 	snop;
	(pc) =	sbr.ind lr, $3  }
0x3a: {  	_ = 	snop  }
0x3b: {  	_ = 	snop  }
0x3c: {  	p2 =	seq.s32 s10, $0x1;
	s10 =	sld [smem:$0x3FAC]  }
0x3d: {  	_ =	shalt  }
0x3e: {  	_ =	shalt  }
0x3f: {  	_ =	shalt  }
0x40: {  	_ =	shalt  }
0x41: {  	_ =	shalt  }
0x42: {  	_ =	shalt  }
0x43: {  	_ =	shalt  }
0x44: {  	_ =	shalt  }
0x45: {  	_ =	shalt  }
0x46: {  	_ =	shalt  }
0x47: {  	_ =	shalt  }
0x48: {  	_ =	shalt  }
0x49: {  	_ =	shalt  }
0x4a: {  	_ =	shalt  }
0x4b: {  	_ =	shalt  }
0x4c: {  	_ =	shalt  }
0x4d: {  	_ =	shalt  }
0x4e: {  	_ =	shalt  }
0x4f: {  	_ =	shalt  }
0x50: {  	_ =	shalt  }
0x51: {  	_ =	shalt  }
0x52: {  	_ =	shalt  }
0x53: {  	_ =	shalt  }
0x54: {  	_ =	shalt  }
0x55: {  	_ =	shalt  }
0x56: {  	_ =	shalt  }
0x57: {  	_ =	shalt  }
0x58: {  	_ =	shalt  }
0x59: {  	_ =	shalt  }
0x5a: {  	_ =	shalt  }
0x5b: {  	_ =	shalt  }
0x5c: {  	_ =	shalt  }
0x5d: {  	_ =	shalt  }
0x5e: {  	_ =	shalt  }
0x5f: {  	_ =	shalt  }
0x60: {  	_ =	shalt  }
0x61: {  	_ =	shalt  }
0x62: {  	_ =	shalt  }
0x63: {  	_ =	shalt  }
0x64: {  	_ =	shalt  }
0x65: {  	_ =	shalt  }
0x66: {  	_ =	shalt  }
0x67: {  	_ =	shalt  }
0x68: {  	_ =	shalt  }
0x69: {  	_ =	shalt  }
0x6a: {  	_ =	shalt  }
0x6b: {  	_ =	shalt  }
0x6c: {  	_ =	shalt  }
0x6d: {  	_ =	shalt  }
0x6e: {  	_ =	shalt  }
0x6f: {  	_ =	shalt  }
0x70: {  	_ =	shalt  }
0x71: {  	_ =	shalt  }
0x72: {  	_ =	shalt  }
0x73: {  	_ =	shalt  }
0x74: {  	_ =	shalt  }
0x75: {  	_ =	shalt  }
0x76: {  	_ =	shalt  }
0x77: {  	_ =	shalt  }
0x78: {  	_ =	shalt  }
0x79: {  	_ =	shalt  }
0x7a: {  	_ =	shalt  }
0x7b: {  	_ =	shalt  }
0x7c: {  	_ =	shalt  }
0x7d: {  	_ =	shalt  }
0x7e: {  	_ =	shalt  }
0x7f: {  	_ =	shalt  }
0x80: {  	_ =	shalt  }
0x81: {  	_ =	shalt  }
0x82: {  	_ =	shalt  }
0x83: {  	_ =	shalt  }
0x84: {  	_ =	shalt  }
0x85: {  	_ =	shalt  }
0x86: {  	_ =	shalt  }
0x87: {  	_ =	shalt  }
.Lfunc_end0:
.L_simem_size_0:
called_computation_lowered:
.L_overlay_start_0:
0x88: {  	s2 =	sld [smem:$0x3FD9]  }
0x89: {  	s3 =	sld [smem:$0x3FFE];
	_ =	sdelay $0x1  }
0x8a: {  	s1 =	srdreg.scid  }
0x8b: {  	s0 =	sand.u32 $0x1, s1  }
0x8c: {  	s17 =	sshll.u32 s0, $0xA;
	s2 =	sadd.s32 s3, s2  }
0x8d: {  	s2 =	sadd.s32 s2, s17  }
0x8e: {  	[smem:$0x3FB8] =	sst s2  }
0x8f: {  	_ = 	snop  }
0x90: {  	s2 =	sld [smem:$0x3FD0];
	(tm) =	ssettm $0x1  }
0x91: {  	s18 =	sld [smem:$0x3FFB];
	_ =	sdelay $0x3  }
0x92: {  	_ =	strace s18  }
0x93: {  	s3 =	sld [smem:$0x3FFC];
	_ =	sdelay $0x3  }
0x94: {  	_ =	strace s3  }
0x95: {  	s3 =	sld [smem:$0x3FFD];
	_ =	sdelay $0x3  }
0x96: {  	_ =	strace s3  }
0x97: {  	_ =	strace $0x8FFFFFFF  }
0x98: {  	s19 =	sld [smem:$0x3FDB];
	_ =	sdelay $0x1  }
0x99: {  	s4 =	simm.s32 $_scs_section_size  }
0x9a: {  	s5 =	simm.s32 $_size__tile_overlayer_lowered;
	s6 =	simm.s32 $_tile_overlayer_lowered  }
0x9b: {  	s22 =	simm.s32 $0x1BFF;
	s21 =	sshll.u32 s6, $0x1;
	s3 =	sadd.s32 s4, s19  }
0x9c: {  	s7 =	simm.s32 $0x0;
	s20 =	sshll.u32 s5, $0x1;
	s5 =	sadd.s32 s21, s3  }
0x9d: {  	[timem:s7], [sflag:s22] =	dma.local [hbm:s5], s20  }
0x9e: {  	_ =	swait.ge [sflag:s22], s20  }
0x9f: {  	s4 =	ssub.s32 $0x0, s20;
	[sflag:s22] =	ssyncset.done $0x0  }
0xa0: {  	[sflag:s22] =	ssyncadd.s32 s4;
	_ =	sdelay $0x1  }
0xa1: {  	s23 =	simm.s32 $0x1B8B  }
0xa2: {  	_ =	swait.ge [sflag:s23], $0x1  }
0xa3: {  	[sflag:s23] =	ssyncset.done $0x0  }
0xa4: {  	s25 =	simm.s32 $0x1B8E;
	s24 =	sld [smem:$0x3FFE];
	[sflag:s23] =	ssyncadd.s32 $0xFFFFFFFF  }
0xa5: {  	s26 =	simm.s32 $execute0_lowered;
	[smem:$0x3FD2] =	sst s25  }
0xa6: {  	s5 =	sshll.u32 s26, $0x1;
	_ =	strace $0x80000046;
	[dreg:$0x1] =	wrdreg $0xFFFFFFFF  }
0xa7: {  	s28 =	simm.s32 $_size_execute0_lowered;
	s3 =	sadd.s32 s3, s5;
	[dreg:$0x0] =	wrdreg $0x0  }
0xa8: {  	s5 =	sshll.u32 s28, $0x1;
	[dreg:$0x2] =	wrdreg s3  }
0xa9: {  	[dreg:$0x3] =	wrdreg s5  }
0xaa: {  	[dreg:$0x4] =	wrdreg $0xC0  }
0xab: {  	_ =	task [dreg:s7], $0x5FFFF  }
0xac: {  	[dreg:$0x1] =	wrdreg $0xFFFFFFFF  }
0xad: {  	[dreg:$0x0] =	wrdreg $0x60  }
0xae: {  	[dreg:$0x2] =	wrdreg s2  }
0xaf: {  	[dreg:$0x3] =	wrdreg s24  }
0xb0: {  	[dreg:$0x4] =	wrdreg $0x9  }
0xb1: {  	_ =	task.clear_ibuf [dreg:s7], $0x5FFFF;
	_ =	strace $0x90000046  }
0xb2: {  	s29 =	simm.s32 $0x9;
	_ =	strace $0x80000048  }
0xb3: {  	_ =	swait.ge [sflag:s29], $0x1  }
0xb4: {  	[sflag:s29] =	ssyncadd.s32 $0xFFFFFFFF  }
0xb5: {  	_ =	strace $0x90000048  }
0xb6: {  	_ =	sfence  }
0xb7: {  	s30 =	sld [smem:$0x0];
	_ =	sdelay $0x2  }
0xb8: {  	s31 =	sshll.u32 s1, $0xD;
	s1 =	sshrl.u32 s1, $0x2  }
0xb9: {  	s3 =	sand.u32 $0x4000, s31;
	s1 =	sadd.s32 s1, s30  }
0xba: {  	s0 =	sor.u32 s3, s0;
	s1 =	sshll.u32 s1, $0x11  }
0xbb: {  	s0 =	sor.u32 s1, s0  }
0xbc: {  	s0 =	sadd.s32 $0x8F2B, s0  }
0xbd: {  	[sflag:s0] =	ssyncadd.remote.s32 $0x1  }
0xbe: {  	_ =	sfence.sel $0xFFFF  }
0xbf: {  	[dreg:$0x0] =	wrdreg $0xFFFFFFFF;
	(pc) =	sbr.abs _section_cstart, $3  }
0xc0: {  	[dreg:$0x1] =	wrdreg $0xFFFFFFFF  }
0xc1: {  	_ =	task.clear_ibuf [dreg:s7], $0x2FFFF;
	_ =	strace $0x9FFFFFFF  }
0xc2: {  	(tm) =	ssettm $0x7FFFFFFF  }
0xc3: {  	_ =	shalt  }
tec
execute0_lowered:
.L_overlay_start_1:
0x0: {  	(tag) =	ssettag $0x1  }
0x1: {  	s2 =	rddreg [dreg:$0x0]  }
0x2: {  	s4 =	rddreg [dreg:$0x1]  }
0x3: {  	s0 =	rddreg [dreg:$0x2];
	s1 =	stileid.u32  }
0x4: {  	s5 =	srdreg.scid;
	s3 =	simm.s32 $0x0;
	s6 =	smul.u32 $0x2800, s1  }
0x5: {  	s10 =	simm.s32 $0x0;
	s5 =	sand.u32 $0x1, s5;
	s8 =	smul.u32 $0x28000, s1  }
0x6: {  	[smem:$0x7FF] =	sst s3;
	s7 =	smul.u32 $0x1400, s5;
	s9 =	ssub.s32 $0x2, s5  }
0x7: {  	_ =	strace $0x80000047;
	s5 =	smul.u32 $0x14000, s5;
	s31 =	sshrl.u32 s9, $0x1  }
0x8: {  	s8 =	sadd.s32 s8, s4;
	s6 =	sadd.s32 s7, s6;
	s7 =	ssub.s32 s9, s31  }
0x9: {  	s5 =	sadd.s32 s5, s8;
	s8 =	simm.s32 $0x200;
	s6 =	sshrl.u32 s6, $0x3  }
0xa: {  	s9 =	simm.s32 $0x1;
	s5 =	sadd.s32 $0xB200, s5;
	s6 =	sadd.s32 s6, s4  }
0xb: {  	s4 =	smax.u32 s7, $0x1;
	s7 =	simm.s32 $0x2;
	s6 =	sadd.s32 $0x6200, s6  }
.LBB2_1:
0xc: {  	s11 =	sadd.s32 $0x0, s6  }
0xd: {  	[tilespmem:s3], [sflag:$0x2] =	stream.linear.gather [hbm4b:s11+s3], $0x200, $0x38;
	[tilespmem:$0x10200] =	vst v63  }
0xe: {  	_ =	swait.ge [sflag:s7], $0x200  }
0xf: {  	[sflag:s7] =	ssyncset.done $0x0  }
0x10: {  	[sflag:s7] =	ssyncadd.s32 $0xFFFFFE00  }
0x11: {  	[tilespmem:s8], [sflag:$0x1] =	stream.indirect.gather [hbm4b:s2+s8], $0x80, s3, s8, $0xb8;
	[tilespmem:$0x10200] =	vst v63  }
0x12: {  	_ =	swait.ge [sflag:s9], $0x10000  }
0x13: {  	[sflag:s9] =	ssyncset.done $0x0  }
0x14: {  	[sflag:s9] =	ssyncadd.s32 $0xFFFF0000  }
0x15: {  	[hbm4b:s5+s3] =	stream.linear.scatter [tilespmem:s8], [sflag:$0x2], $0x10000, $0x38;
	[tilespmem:$0x10200] =	vst v63  }
0x16: {  	s12 =	simm.s32 $0x40;
	_ =	swait.ge [sflag:s7], $0x10000  }
0x17: {  	s13 =	simm.s32 $0x80;
	s11 =	sadd.s32 $0x2000, s5;
	[sflag:s7] =	ssyncset.done $0x0  }
.LBB2_2:
0x18: {  	s14 =	sadd.s32 s12, s6  }
0x19: {  	[sflag:s7] =	ssyncadd.s32 $0xFFFF0000;
	s12 =	smov.u32 s13;
	s15 =	sadd.s32 $0x40, s13  }
0x1a: {  	[tilespmem:s3], [sflag:$0x2] =	stream.linear.gather [hbm4b:s14+s3], $0x200, $0x38;
	[tilespmem:$0x10200] =	vst v63  }
0x1b: {  	p0 =	sne.s32 s13, $0x240;
	_ =	swait.ge [sflag:s7], $0x200  }
0x1c: {  	[sflag:s7] =	ssyncset.done $0x0  }
0x1d: {  	[sflag:s7] =	ssyncadd.s32 $0xFFFFFE00  }
0x1e: {  	[tilespmem:s8], [sflag:$0x1] =	stream.indirect.gather [hbm4b:s2+s8], $0x80, s3, s8, $0xb8;
	[tilespmem:$0x10200] =	vst v63  }
0x1f: {  	_ =	swait.ge [sflag:s9], $0x10000  }
.Ltmp0:
0x20: {  	[sflag:s9] =	ssyncset.done $0x0;
	(pc) =	sbr.rel @p0 .LBB2_2-.Ltmp0, $4  }
0x21: {  	[sflag:s9] =	ssyncadd.s32 $0xFFFF0000  }
0x22: {  	[hbm4b:s11+s3] =	stream.linear.scatter [tilespmem:s8], [sflag:$0x2], $0x10000, $0x38;
	[tilespmem:$0x10200] =	vst v63  }
0x23: {  	_ =	swait.ge [sflag:s7], $0x10000  }
0x24: {  	s13 =	smov.u32 s15;
	s11 =	sadd.s32 $0x2000, s11;
	[sflag:s7] =	ssyncset.done $0x0  }
0x25: {  	s12 =	sadd.s32 s12, s6;
	[sflag:s7] =	ssyncadd.s32 $0xFFFF0000  }
0x26: {  	[tilespmem:s3], [sflag:$0x2] =	stream.linear.gather [hbm4b:s12+s3], $0x200, $0x38;
	[tilespmem:$0x10200] =	vst v63  }
0x27: {  	_ =	swait.ge [sflag:s7], $0x200  }
0x28: {  	[sflag:s7] =	ssyncset.done $0x0  }
0x29: {  	[sflag:s7] =	ssyncadd.s32 $0xFFFFFE00  }
0x2a: {  	[tilespmem:s8], [sflag:$0x1] =	stream.indirect.gather [hbm4b:s2+s8], $0x80, s3, s8, $0xb8;
	[tilespmem:$0x10200] =	vst v63  }
0x2b: {  	s10 =	sadd.s32 $0x1, s10;
	_ =	swait.ge [sflag:s9], $0x10000  }
0x2c: {  	p0 =	sne.s32 s10, s4;
	[sflag:s9] =	ssyncset.done $0x0  }
.Ltmp1:
0x2d: {  	[sflag:s9] =	ssyncadd.s32 $0xFFFF0000;
	(pc) =	sbr.rel @p0 .LBB2_1-.Ltmp1, $4  }
0x2e: {  	[hbm4b:s11+s3] =	stream.linear.scatter [tilespmem:s8], [sflag:$0x2], $0x10000, $0x38;
	[tilespmem:$0x10200] =	vst v63  }
0x2f: {  	_ =	swait.ge [sflag:s7], $0x10000  }
0x30: {  	[sflag:s7] =	ssyncset.done $0x0  }
0x31: {  	[sflag:s7] =	ssyncadd.s32 $0xFFFF0000  }
0x32: {  	_ =	sfence.sel $0x180000  }
0x33: {  	[bflag:$0x0] =	sbarrier.arrive $0xFFFF  }
0x34: {  	p0 =	sne.s32 s1, $0x0;
	_ =	strace $0x90000047  }
0x35: {  	s0 =	sadd.s32 @!p0 $0x100000, s0;
	[bflag:$0x2] =	sbarrier.arrive $0xFFFF  }
0x36: {  	[sflag:s0] =	ssyncadd.tile.s32 @!p0 $0x1;
	_ =	shalt  }
.Lfunc_end2:
_tile_overlayer_lowered:
.L_overlay_start_2:
0x37: {  	(tag) =	ssettag $0x2  }
0x38: {  	s0 =	rddreg [dreg:$0x0];
	s2 =	stileid.u32  }
0x39: {  	s1 =	rddreg [dreg:$0x1];
	p0 =	sne.s32 s2, $0x0  }
0x3a: {  	s3 =	rddreg [dreg:$0x2];
	[bflag:$0x3] =	sbarrier.arrive $0xFFFF;
	s2 =	simm.s32 @!p0 $0x1C02  }
0x3b: {  	[timem:s3], [sflag:s2] =	dma.local @!p0 [hbm:s0], s1  }
0x3c: {  	s0 =	simm.s32 @!p0 $0x2  }
0x3d: {  	_ =	swait.ge @!p0 [sflag:s0], s1  }
0x3e: {  	s1 =	ssub.s32 @!p0 $0x0, s1;
	[sflag:s0] =	ssyncset.done @!p0 $0x0  }
0x3f: {  	[sflag:s0] =	ssyncadd.s32 @!p0 s1  }
0x40: {  	[bflag:$0x3] =	sbarrier.arrive $0xFFFF  }
0x41: {  	_ =	shalt  }

// kernel: kernel.16.cloned.1.call-start
scs
__scs_entry_jumppad:
0x0: {  	(pc) =	sbr.rel $0x88, $3  }
0x1: {  	(tag) =	ssettag $0x0;
	lr =	simm.s32 $0x1  }
0x2: {  	[smem:$0x3F91] =	sst lr;
	_ =	strace $0xD0000000  }
0x3: {  	_ = 	snop  }
0x4: {  	_ = 	snop  }
0x5: {  	_ = 	snop  }
0x6: {  	_ = 	snop  }
0x7: {  	_ = 	snop  }
__scs_overlays_trampoline_lowered:
0x8: {  	[smem:$0x3FA0] =	sst s0  }
0x9: {  	[smem:$0x3FA1] =	sst s1  }
0xa: {  	[smem:$0x3FA2] =	sst s2  }
0xb: {  	[smem:$0x3FA3] =	sst s3  }
0xc: {  	[smem:$0x3FA4] =	sst s4  }
0xd: {  	[smem:$0x3FA5] =	sst s5  }
0xe: {  	[smem:$0x3FA6] =	sst s6  }
0xf: {  	[smem:$0x3FA7] =	sst s7  }
0x10: {  	[smem:$0x3FA8] =	sst s8  }
0x11: {  	[smem:$0x3FA9] =	sst s9;
	s0 =	simm.s32 @!p0 $0x0  }
0x12: {  	s1 =	sld [smem:$0x3F8F];
	s0 =	simm.s32 @p0 $0x1  }
0x13: {  	[smem:$0x3FAA] =	sst s0;
	s0 =	simm.s32 @!p1 $0x0  }
0x14: {  	s2 =	sld [smem:$0x3F8E];
	s0 =	simm.s32 @p1 $0x1  }
0x15: {  	[smem:$0x3FAB] =	sst s0;
	s0 =	simm.s32 @!p2 $0x0  }
0x16: {  	s3 =	sld [smem:$0x3FDB];
	s0 =	simm.s32 @p2 $0x1  }
0x17: {  	s4 =	simm.s32 $0x1BF5;
	[smem:$0x3FAD] =	sst s0  }
0x18: {  	s0 =	sld [smem:$0x3F90];
	_ =	swait.ge [sflag:s4], $0x0  }
0x19: {  	s7 =	sld [smem:$0x3F91]  }
0x1a: {  	s8 =	sadd.s32 $0xFFFFE003, lr  }
0x1b: {  	s9 =	sadd.s32 $0xFFFFFEF7, lr;
	s5 =	simm.s32 $0xFFFFFFFF;
	p2 =	slt.u32 s8, $0xFFFFF086  }
0x1c: {  	p1 =	slt.u32 s9, $0xF7A;
	s5 =	simm.s32 @!p2 $0x0  }
0x1d: {  	s5 =	simm.s32 @p1 $0x1;
	p0 =	seq.s32 s7, s2  }
0x1e: {  	s7 =	smul.u32 @!p0 $0xF7A, s2;
	p2 =	seq.s32 @!p0 s5, $0x0  }
0x1f: {  	s9 =	smul.u32 $0xF7A, s1;
	s8 =	simm.s32 @!p0 $0x1BF5;
	p2 =	por !p2, p0  }
0x20: {  	[sflag:s8] =	ssyncset.s32 @!p0 $0xFFFFF086;
	s6 =	sadd.s32 @!p0 s3, s7;
	s7 =	simm.s32 @!p0 $0x108  }
0x21: {  	s3 =	sadd.s32 s3, s9;
	s6 =	sadd.s32 @!p0 $0x88, s6;
	s7 =	simm.s32 @p2 $0x1082  }
0x22: {  	[simem:s7], [sflag:s8] =	dma.local @!p0 [hbm:s6], $0xF7A  }
0x23: {  	s9 =	sor.u32 $0xD0000000, s2;
	s6 =	simm.s32 $0x108;
	_ =	swait.ge @!p0 [sflag:s8], $0x0  }
0x24: {  	s3 =	sadd.s32 $0x88, s3;
	s6 =	simm.s32 @!p1 $0x1082;
	[sflag:s4] =	ssyncset.s32 $0xFFFFF086  }
0x25: {  	[simem:s6], [sflag:s4] =	dma.local [hbm:s3], $0xF7A  }
0x26: {  	[smem:$0x3F91] =	sst s1;
	(tag) =	ssettag s2;
	_ =	strace s9  }
0x27: {  	s1 =	sld [smem:$0x3FA1]  }
0x28: {  	s2 =	sld [smem:$0x3FA2]  }
0x29: {  	s4 =	sld [smem:$0x3FA4]  }
0x2a: {  	p0 =	seq.s32 s5, $0x0;
	s5 =	sld [smem:$0x3FA5]  }
0x2b: {  	s6 =	sld [smem:$0x3FA6]  }
0x2c: {  	s7 =	sld [smem:$0x3FA7]  }
0x2d: {  	s3 =	simm.s32 $0x108;
	s8 =	sld [smem:$0x3FA8]  }
0x2e: {  	s3 =	simm.s32 @!p0 $0x1082;
	s9 =	sld [smem:$0x3FA9]  }
0x2f: {  	lr =	sadd.s32 s0, s3;
	s0 =	sld [smem:$0x3FA0]  }
0x30: {  	s3 =	sld [smem:$0x3FA3]  }
0x31: {  	[smem:$0x3FAC] =	sst s10  }
0x32: {  	s10 =	sld [smem:$0x3FAA];
	_ =	sdelay $0x3  }
0x33: {  	p0 =	seq.s32 s10, $0x1;
	s10 =	sld [smem:$0x3FAC];
	_ =	sdelay $0x3  }
0x34: {  	[smem:$0x3FAC] =	sst s10  }
0x35: {  	s10 =	sld [smem:$0x3FAB];
	_ =	sdelay $0x3  }
0x36: {  	p1 =	seq.s32 s10, $0x1;
	s10 =	sld [smem:$0x3FAC];
	_ =	sdelay $0x3  }
0x37: {  	[smem:$0x3FAC] =	sst s10  }
0x38: {  	s10 =	sld [smem:$0x3FAD]  }
0x39: {  	_ = 	snop;
	(pc) =	sbr.ind lr, $3  }
0x3a: {  	_ = 	snop  }
0x3b: {  	_ = 	snop  }
0x3c: {  	p2 =	seq.s32 s10, $0x1;
	s10 =	sld [smem:$0x3FAC]  }
0x3d: {  	_ =	shalt  }
0x3e: {  	_ =	shalt  }
0x3f: {  	_ =	shalt  }
0x40: {  	_ =	shalt  }
0x41: {  	_ =	shalt  }
0x42: {  	_ =	shalt  }
0x43: {  	_ =	shalt  }
0x44: {  	_ =	shalt  }
0x45: {  	_ =	shalt  }
0x46: {  	_ =	shalt  }
0x47: {  	_ =	shalt  }
0x48: {  	_ =	shalt  }
0x49: {  	_ =	shalt  }
0x4a: {  	_ =	shalt  }
0x4b: {  	_ =	shalt  }
0x4c: {  	_ =	shalt  }
0x4d: {  	_ =	shalt  }
0x4e: {  	_ =	shalt  }
0x4f: {  	_ =	shalt  }
0x50: {  	_ =	shalt  }
0x51: {  	_ =	shalt  }
0x52: {  	_ =	shalt  }
0x53: {  	_ =	shalt  }
0x54: {  	_ =	shalt  }
0x55: {  	_ =	shalt  }
0x56: {  	_ =	shalt  }
0x57: {  	_ =	shalt  }
0x58: {  	_ =	shalt  }
0x59: {  	_ =	shalt  }
0x5a: {  	_ =	shalt  }
0x5b: {  	_ =	shalt  }
0x5c: {  	_ =	shalt  }
0x5d: {  	_ =	shalt  }
0x5e: {  	_ =	shalt  }
0x5f: {  	_ =	shalt  }
0x60: {  	_ =	shalt  }
0x61: {  	_ =	shalt  }
0x62: {  	_ =	shalt  }
0x63: {  	_ =	shalt  }
0x64: {  	_ =	shalt  }
0x65: {  	_ =	shalt  }
0x66: {  	_ =	shalt  }
0x67: {  	_ =	shalt  }
0x68: {  	_ =	shalt  }
0x69: {  	_ =	shalt  }
0x6a: {  	_ =	shalt  }
0x6b: {  	_ =	shalt  }
0x6c: {  	_ =	shalt  }
0x6d: {  	_ =	shalt  }
0x6e: {  	_ =	shalt  }
0x6f: {  	_ =	shalt  }
0x70: {  	_ =	shalt  }
0x71: {  	_ =	shalt  }
0x72: {  	_ =	shalt  }
0x73: {  	_ =	shalt  }
0x74: {  	_ =	shalt  }
0x75: {  	_ =	shalt  }
0x76: {  	_ =	shalt  }
0x77: {  	_ =	shalt  }
0x78: {  	_ =	shalt  }
0x79: {  	_ =	shalt  }
0x7a: {  	_ =	shalt  }
0x7b: {  	_ =	shalt  }
0x7c: {  	_ =	shalt  }
0x7d: {  	_ =	shalt  }
0x7e: {  	_ =	shalt  }
0x7f: {  	_ =	shalt  }
0x80: {  	_ =	shalt  }
0x81: {  	_ =	shalt  }
0x82: {  	_ =	shalt  }
0x83: {  	_ =	shalt  }
0x84: {  	_ =	shalt  }
0x85: {  	_ =	shalt  }
0x86: {  	_ =	shalt  }
0x87: {  	_ =	shalt  }
.Lfunc_end0:
.L_simem_size_0:
called_computation.1_lowered:
.L_overlay_start_0:
0x88: {  	s2 =	sld [smem:$0x3FD9]  }
0x89: {  	s3 =	sld [smem:$0x3FFE];
	_ =	sdelay $0x1  }
0x8a: {  	s1 =	srdreg.scid  }
0x8b: {  	s0 =	sand.u32 $0x1, s1  }
0x8c: {  	s16 =	sshll.u32 s0, $0xA;
	s2 =	sadd.s32 s3, s2  }
0x8d: {  	s2 =	sadd.s32 s2, s16  }
0x8e: {  	[smem:$0x3FB8] =	sst s2  }
0x8f: {  	_ = 	snop  }
0x90: {  	(tm) =	ssettm $0x1  }
0x91: {  	s17 =	sld [smem:$0x3FFB];
	_ =	sdelay $0x3  }
0x92: {  	_ =	strace s17  }
0x93: {  	s2 =	sld [smem:$0x3FFC];
	_ =	sdelay $0x3  }
0x94: {  	_ =	strace s2  }
0x95: {  	s2 =	sld [smem:$0x3FFD];
	_ =	sdelay $0x3  }
0x96: {  	_ =	strace s2  }
0x97: {  	_ =	strace $0x8FFFFFFF  }
0x98: {  	s18 =	sld [smem:$0x3FDB];
	_ =	sdelay $0x1  }
0x99: {  	s19 =	simm.s32 $_scs_section_size  }
0x9a: {  	s4 =	simm.s32 $_size__tile_overlayer_lowered;
	s5 =	simm.s32 $_tile_overlayer_lowered  }
0x9b: {  	s22 =	simm.s32 $0x1BFF;
	s21 =	sshll.u32 s5, $0x1;
	s2 =	sadd.s32 s19, s18  }
0x9c: {  	s6 =	simm.s32 $0x0;
	s20 =	sshll.u32 s4, $0x1;
	s4 =	sadd.s32 s21, s2  }
0x9d: {  	[timem:s6], [sflag:s22] =	dma.local [hbm:s4], s20  }
0x9e: {  	_ =	swait.ge [sflag:s22], s20  }
0x9f: {  	s3 =	ssub.s32 $0x0, s20;
	[sflag:s22] =	ssyncset.done $0x0  }
0xa0: {  	[sflag:s22] =	ssyncadd.s32 s3;
	_ =	sdelay $0x1  }
0xa1: {  	s23 =	simm.s32 $0x1B8B  }
0xa2: {  	_ =	swait.ge [sflag:s23], $0x1  }
0xa3: {  	[sflag:s23] =	ssyncset.done $0x0  }
0xa4: {  	s25 =	simm.s32 $0x1B8E;
	s24 =	sld [smem:$0x3FFE];
	[sflag:s23] =	ssyncadd.s32 $0xFFFFFFFF  }
0xa5: {  	s26 =	simm.s32 $execute0_lowered;
	[smem:$0x3FD2] =	sst s25  }
0xa6: {  	s4 =	sshll.u32 s26, $0x1;
	_ =	strace $0x80000049;
	[dreg:$0x1] =	wrdreg $0xFFFFFFFF  }
0xa7: {  	s28 =	simm.s32 $_size_execute0_lowered;
	s2 =	sadd.s32 s2, s4;
	[dreg:$0x0] =	wrdreg $0x0  }
0xa8: {  	s4 =	sshll.u32 s28, $0x1;
	[dreg:$0x2] =	wrdreg s2  }
0xa9: {  	[dreg:$0x3] =	wrdreg s4  }
0xaa: {  	[dreg:$0x4] =	wrdreg $0xC0  }
0xab: {  	_ =	task [dreg:s6], $0x5FFFF  }
0xac: {  	[dreg:$0x1] =	wrdreg $0xFFFFFFFF  }
0xad: {  	[dreg:$0x0] =	wrdreg $0x60  }
0xae: {  	[dreg:$0x2] =	wrdreg s24  }
0xaf: {  	[dreg:$0x3] =	wrdreg $0x9  }
0xb0: {  	_ =	task.clear_ibuf [dreg:s6], $0x4FFFF;
	_ =	strace $0x90000049  }
0xb1: {  	s29 =	simm.s32 $0x9;
	_ =	strace $0x8000004B  }
0xb2: {  	_ =	swait.ge [sflag:s29], $0x1  }
0xb3: {  	[sflag:s29] =	ssyncadd.s32 $0xFFFFFFFF  }
0xb4: {  	_ =	strace $0x9000004B  }
0xb5: {  	_ =	sfence  }
0xb6: {  	s30 =	sld [smem:$0x0];
	_ =	sdelay $0x2  }
0xb7: {  	s31 =	sshll.u32 s1, $0xD;
	s1 =	sshrl.u32 s1, $0x2  }
0xb8: {  	s3 =	sand.u32 $0x4000, s31;
	s1 =	sadd.s32 s1, s30  }
0xb9: {  	s0 =	sor.u32 s3, s0;
	s1 =	sshll.u32 s1, $0x11  }
0xba: {  	s0 =	sor.u32 s1, s0  }
0xbb: {  	s0 =	sadd.s32 $0x8F2B, s0  }
0xbc: {  	[sflag:s0] =	ssyncadd.remote.s32 $0x1  }
0xbd: {  	_ =	sfence.sel $0xFFFF  }
0xbe: {  	[dreg:$0x0] =	wrdreg $0xFFFFFFFF;
	(pc) =	sbr.abs _section_cstart, $3  }
0xbf: {  	[dreg:$0x1] =	wrdreg $0xFFFFFFFF  }
0xc0: {  	_ =	task.clear_ibuf [dreg:s6], $0x2FFFF;
	_ =	strace $0x9FFFFFFF  }
0xc1: {  	(tm) =	ssettm $0x7FFFFFFF  }
tec
execute0_lowered:
.L_overlay_start_1:
0x0: {  	(tag) =	ssettag $0x1  }
0x1: {  	s4 =	rddreg [dreg:$0x0]  }
0x2: {  	s0 =	rddreg [dreg:$0x1];
	s2 =	simm.s32 $0x0;
	s1 =	stileid.u32  }
0x3: {  	s3 =	srdreg.scid;
	s10 =	simm.s32 $0x0;
	s6 =	smul.u32 $0x2800, s1  }
0x4: {  	[smem:$0x7FF] =	sst s2;
	s5 =	sand.u32 $0x1, s3;
	s8 =	smul.u32 $0x28000, s1  }
0x5: {  	s3 =	sadd.s32 $0xB200, s4;
	s7 =	smul.u32 $0x1400, s5;
	s9 =	ssub.s32 $0x2, s5  }
0x6: {  	_ =	strace $0x8000004A;
	s5 =	smul.u32 $0x14000, s5;
	s31 =	sshrl.u32 s9, $0x1  }
0x7: {  	s8 =	sadd.s32 s8, s4;
	s6 =	sadd.s32 s7, s6;
	s7 =	ssub.s32 s9, s31  }
0x8: {  	s5 =	sadd.s32 s5, s8;
	s8 =	simm.s32 $0x200;
	s6 =	sshrl.u32 s6, $0x3  }
0x9: {  	s9 =	simm.s32 $0x1;
	s5 =	sadd.s32 $0x2B200, s5;
	s6 =	sadd.s32 s6, s4  }
0xa: {  	s4 =	smax.u32 s7, $0x1;
	s7 =	simm.s32 $0x2;
	s6 =	sadd.s32 $0x6200, s6  }
.LBB2_1:
0xb: {  	s11 =	sadd.s32 $0x0, s6  }
0xc: {  	[tilespmem:s2], [sflag:$0x2] =	stream.linear.gather [hbm4b:s11+s2], $0x200, $0x38;
	[tilespmem:$0x10200] =	vst v63  }
0xd: {  	_ =	swait.ge [sflag:s7], $0x200  }
0xe: {  	[sflag:s7] =	ssyncset.done $0x0  }
0xf: {  	[sflag:s7] =	ssyncadd.s32 $0xFFFFFE00  }
0x10: {  	[tilespmem:s8], [sflag:$0x1] =	stream.indirect.gather [hbm4b:s3+s8], $0x80, s2, s8, $0xb8;
	[tilespmem:$0x10200] =	vst v63  }
0x11: {  	_ =	swait.ge [sflag:s9], $0x10000  }
0x12: {  	[sflag:s9] =	ssyncset.done $0x0  }
0x13: {  	[sflag:s9] =	ssyncadd.s32 $0xFFFF0000  }
0x14: {  	[hbm4b:s5+s2] =	stream.linear.scatter [tilespmem:s8], [sflag:$0x2], $0x10000, $0x38;
	[tilespmem:$0x10200] =	vst v63  }
0x15: {  	s12 =	simm.s32 $0x40;
	_ =	swait.ge [sflag:s7], $0x10000  }
0x16: {  	s13 =	simm.s32 $0x80;
	s11 =	sadd.s32 $0x2000, s5;
	[sflag:s7] =	ssyncset.done $0x0  }
.LBB2_2:
0x17: {  	s14 =	sadd.s32 s12, s6  }
0x18: {  	[sflag:s7] =	ssyncadd.s32 $0xFFFF0000;
	s12 =	smov.u32 s13;
	s15 =	sadd.s32 $0x40, s13  }
0x19: {  	[tilespmem:s2], [sflag:$0x2] =	stream.linear.gather [hbm4b:s14+s2], $0x200, $0x38;
	[tilespmem:$0x10200] =	vst v63  }
0x1a: {  	p0 =	sne.s32 s13, $0x240;
	_ =	swait.ge [sflag:s7], $0x200  }
0x1b: {  	[sflag:s7] =	ssyncset.done $0x0  }
0x1c: {  	[sflag:s7] =	ssyncadd.s32 $0xFFFFFE00  }
0x1d: {  	[tilespmem:s8], [sflag:$0x1] =	stream.indirect.gather [hbm4b:s3+s8], $0x80, s2, s8, $0xb8;
	[tilespmem:$0x10200] =	vst v63  }
0x1e: {  	_ =	swait.ge [sflag:s9], $0x10000  }
.Ltmp0:
0x1f: {  	[sflag:s9] =	ssyncset.done $0x0;
	(pc) =	sbr.rel @p0 .LBB2_2-.Ltmp0, $4  }
0x20: {  	[sflag:s9] =	ssyncadd.s32 $0xFFFF0000  }
0x21: {  	[hbm4b:s11+s2] =	stream.linear.scatter [tilespmem:s8], [sflag:$0x2], $0x10000, $0x38;
	[tilespmem:$0x10200] =	vst v63  }
0x22: {  	_ =	swait.ge [sflag:s7], $0x10000  }
0x23: {  	s13 =	smov.u32 s15;
	s11 =	sadd.s32 $0x2000, s11;
	[sflag:s7] =	ssyncset.done $0x0  }
0x24: {  	s12 =	sadd.s32 s12, s6;
	[sflag:s7] =	ssyncadd.s32 $0xFFFF0000  }
0x25: {  	[tilespmem:s2], [sflag:$0x2] =	stream.linear.gather [hbm4b:s12+s2], $0x200, $0x38;
	[tilespmem:$0x10200] =	vst v63  }
0x26: {  	_ =	swait.ge [sflag:s7], $0x200  }
0x27: {  	[sflag:s7] =	ssyncset.done $0x0  }
0x28: {  	[sflag:s7] =	ssyncadd.s32 $0xFFFFFE00  }
0x29: {  	[tilespmem:s8], [sflag:$0x1] =	stream.indirect.gather [hbm4b:s3+s8], $0x80, s2, s8, $0xb8;
	[tilespmem:$0x10200] =	vst v63  }
0x2a: {  	s10 =	sadd.s32 $0x1, s10;
	_ =	swait.ge [sflag:s9], $0x10000  }
0x2b: {  	p0 =	sne.s32 s10, s4;
	[sflag:s9] =	ssyncset.done $0x0  }
.Ltmp1:
0x2c: {  	[sflag:s9] =	ssyncadd.s32 $0xFFFF0000;
	(pc) =	sbr.rel @p0 .LBB2_1-.Ltmp1, $4  }
0x2d: {  	[hbm4b:s11+s2] =	stream.linear.scatter [tilespmem:s8], [sflag:$0x2], $0x10000, $0x38;
	[tilespmem:$0x10200] =	vst v63  }
0x2e: {  	_ =	swait.ge [sflag:s7], $0x10000  }
0x2f: {  	[sflag:s7] =	ssyncset.done $0x0  }
0x30: {  	[sflag:s7] =	ssyncadd.s32 $0xFFFF0000  }
0x31: {  	_ =	sfence.sel $0x180000  }
0x32: {  	[bflag:$0x0] =	sbarrier.arrive $0xFFFF  }
0x33: {  	p0 =	sne.s32 s1, $0x0;
	_ =	strace $0x9000004A  }
0x34: {  	s0 =	sadd.s32 @!p0 $0x100000, s0;
	[bflag:$0x2] =	sbarrier.arrive $0xFFFF  }
0x35: {  	[sflag:s0] =	ssyncadd.tile.s32 @!p0 $0x1;
	_ =	shalt  }
.Lfunc_end2:
_tile_overlayer_lowered:
.L_overlay_start_2:
0x36: {  	(tag) =	ssettag $0x2  }
0x37: {  	s0 =	rddreg [dreg:$0x0];
	s2 =	stileid.u32  }
0x38: {  	s1 =	rddreg [dreg:$0x1];
	p0 =	sne.s32 s2, $0x0  }
0x39: {  	s3 =	rddreg [dreg:$0x2];
	[bflag:$0x3] =	sbarrier.arrive $0xFFFF;
	s2 =	simm.s32 @!p0 $0x1C02  }
0x3a: {  	[timem:s3], [sflag:s2] =	dma.local @!p0 [hbm:s0], s1  }
0x3b: {  	s0 =	simm.s32 @!p0 $0x2  }
0x3c: {  	_ =	swait.ge @!p0 [sflag:s0], s1  }
0x3d: {  	s1 =	ssub.s32 @!p0 $0x0, s1;
	[sflag:s0] =	ssyncset.done @!p0 $0x0  }
0x3e: {  	[sflag:s0] =	ssyncadd.s32 @!p0 s1  }
0x3f: {  	[bflag:$0x3] =	sbarrier.arrive $0xFFFF  }
0x40: {  	_ =	shalt  }

// kernel: kernel.19.cloned.1.call-start
scs
__scs_entry_jumppad:
0x0: {  	(pc) =	sbr.rel $0x88, $3  }
0x1: {  	(tag) =	ssettag $0x0;
	lr =	simm.s32 $0x1  }
0x2: {  	[smem:$0x3F91] =	sst lr;
	_ =	strace $0xD0000000  }
0x3: {  	_ = 	snop  }
0x4: {  	_ = 	snop  }
0x5: {  	_ = 	snop  }
0x6: {  	_ = 	snop  }
0x7: {  	_ = 	snop  }
__scs_overlays_trampoline_lowered:
0x8: {  	[smem:$0x3FA0] =	sst s0  }
0x9: {  	[smem:$0x3FA1] =	sst s1  }
0xa: {  	[smem:$0x3FA2] =	sst s2  }
0xb: {  	[smem:$0x3FA3] =	sst s3  }
0xc: {  	[smem:$0x3FA4] =	sst s4  }
0xd: {  	[smem:$0x3FA5] =	sst s5  }
0xe: {  	[smem:$0x3FA6] =	sst s6  }
0xf: {  	[smem:$0x3FA7] =	sst s7  }
0x10: {  	[smem:$0x3FA8] =	sst s8  }
0x11: {  	[smem:$0x3FA9] =	sst s9;
	s0 =	simm.s32 @!p0 $0x0  }
0x12: {  	s1 =	sld [smem:$0x3F8F];
	s0 =	simm.s32 @p0 $0x1  }
0x13: {  	[smem:$0x3FAA] =	sst s0;
	s0 =	simm.s32 @!p1 $0x0  }
0x14: {  	s2 =	sld [smem:$0x3F8E];
	s0 =	simm.s32 @p1 $0x1  }
0x15: {  	[smem:$0x3FAB] =	sst s0;
	s0 =	simm.s32 @!p2 $0x0  }
0x16: {  	s3 =	sld [smem:$0x3FDB];
	s0 =	simm.s32 @p2 $0x1  }
0x17: {  	s4 =	simm.s32 $0x1BF5;
	[smem:$0x3FAD] =	sst s0  }
0x18: {  	s0 =	sld [smem:$0x3F90];
	_ =	swait.ge [sflag:s4], $0x0  }
0x19: {  	s7 =	sld [smem:$0x3F91]  }
0x1a: {  	s8 =	sadd.s32 $0xFFFFE003, lr  }
0x1b: {  	s9 =	sadd.s32 $0xFFFFFEF7, lr;
	s5 =	simm.s32 $0xFFFFFFFF;
	p2 =	slt.u32 s8, $0xFFFFF086  }
0x1c: {  	p1 =	slt.u32 s9, $0xF7A;
	s5 =	simm.s32 @!p2 $0x0  }
0x1d: {  	s5 =	simm.s32 @p1 $0x1;
	p0 =	seq.s32 s7, s2  }
0x1e: {  	s7 =	smul.u32 @!p0 $0xF7A, s2;
	p2 =	seq.s32 @!p0 s5, $0x0  }
0x1f: {  	s9 =	smul.u32 $0xF7A, s1;
	s8 =	simm.s32 @!p0 $0x1BF5;
	p2 =	por !p2, p0  }
0x20: {  	[sflag:s8] =	ssyncset.s32 @!p0 $0xFFFFF086;
	s6 =	sadd.s32 @!p0 s3, s7;
	s7 =	simm.s32 @!p0 $0x108  }
0x21: {  	s3 =	sadd.s32 s3, s9;
	s6 =	sadd.s32 @!p0 $0x88, s6;
	s7 =	simm.s32 @p2 $0x1082  }
0x22: {  	[simem:s7], [sflag:s8] =	dma.local @!p0 [hbm:s6], $0xF7A  }
0x23: {  	s9 =	sor.u32 $0xD0000000, s2;
	s6 =	simm.s32 $0x108;
	_ =	swait.ge @!p0 [sflag:s8], $0x0  }
0x24: {  	s3 =	sadd.s32 $0x88, s3;
	s6 =	simm.s32 @!p1 $0x1082;
	[sflag:s4] =	ssyncset.s32 $0xFFFFF086  }
0x25: {  	[simem:s6], [sflag:s4] =	dma.local [hbm:s3], $0xF7A  }
0x26: {  	[smem:$0x3F91] =	sst s1;
	(tag) =	ssettag s2;
	_ =	strace s9  }
0x27: {  	s1 =	sld [smem:$0x3FA1]  }
0x28: {  	s2 =	sld [smem:$0x3FA2]  }
0x29: {  	s4 =	sld [smem:$0x3FA4]  }
0x2a: {  	p0 =	seq.s32 s5, $0x0;
	s5 =	sld [smem:$0x3FA5]  }
0x2b: {  	s6 =	sld [smem:$0x3FA6]  }
0x2c: {  	s7 =	sld [smem:$0x3FA7]  }
0x2d: {  	s3 =	simm.s32 $0x108;
	s8 =	sld [smem:$0x3FA8]  }
0x2e: {  	s3 =	simm.s32 @!p0 $0x1082;
	s9 =	sld [smem:$0x3FA9]  }
0x2f: {  	lr =	sadd.s32 s0, s3;
	s0 =	sld [smem:$0x3FA0]  }
0x30: {  	s3 =	sld [smem:$0x3FA3]  }
0x31: {  	[smem:$0x3FAC] =	sst s10  }
0x32: {  	s10 =	sld [smem:$0x3FAA];
	_ =	sdelay $0x3  }
0x33: {  	p0 =	seq.s32 s10, $0x1;
	s10 =	sld [smem:$0x3FAC];
	_ =	sdelay $0x3  }
0x34: {  	[smem:$0x3FAC] =	sst s10  }
0x35: {  	s10 =	sld [smem:$0x3FAB];
	_ =	sdelay $0x3  }
0x36: {  	p1 =	seq.s32 s10, $0x1;
	s10 =	sld [smem:$0x3FAC];
	_ =	sdelay $0x3  }
0x37: {  	[smem:$0x3FAC] =	sst s10  }
0x38: {  	s10 =	sld [smem:$0x3FAD]  }
0x39: {  	_ = 	snop;
	(pc) =	sbr.ind lr, $3  }
0x3a: {  	_ = 	snop  }
0x3b: {  	_ = 	snop  }
0x3c: {  	p2 =	seq.s32 s10, $0x1;
	s10 =	sld [smem:$0x3FAC]  }
0x3d: {  	_ =	shalt  }
0x3e: {  	_ =	shalt  }
0x3f: {  	_ =	shalt  }
0x40: {  	_ =	shalt  }
0x41: {  	_ =	shalt  }
0x42: {  	_ =	shalt  }
0x43: {  	_ =	shalt  }
0x44: {  	_ =	shalt  }
0x45: {  	_ =	shalt  }
0x46: {  	_ =	shalt  }
0x47: {  	_ =	shalt  }
0x48: {  	_ =	shalt  }
0x49: {  	_ =	shalt  }
0x4a: {  	_ =	shalt  }
0x4b: {  	_ =	shalt  }
0x4c: {  	_ =	shalt  }
0x4d: {  	_ =	shalt  }
0x4e: {  	_ =	shalt  }
0x4f: {  	_ =	shalt  }
0x50: {  	_ =	shalt  }
0x51: {  	_ =	shalt  }
0x52: {  	_ =	shalt  }
0x53: {  	_ =	shalt  }
0x54: {  	_ =	shalt  }
0x55: {  	_ =	shalt  }
0x56: {  	_ =	shalt  }
0x57: {  	_ =	shalt  }
0x58: {  	_ =	shalt  }
0x59: {  	_ =	shalt  }
0x5a: {  	_ =	shalt  }
0x5b: {  	_ =	shalt  }
0x5c: {  	_ =	shalt  }
0x5d: {  	_ =	shalt  }
0x5e: {  	_ =	shalt  }
0x5f: {  	_ =	shalt  }
0x60: {  	_ =	shalt  }
0x61: {  	_ =	shalt  }
0x62: {  	_ =	shalt  }
0x63: {  	_ =	shalt  }
0x64: {  	_ =	shalt  }
0x65: {  	_ =	shalt  }
0x66: {  	_ =	shalt  }
0x67: {  	_ =	shalt  }
0x68: {  	_ =	shalt  }
0x69: {  	_ =	shalt  }
0x6a: {  	_ =	shalt  }
0x6b: {  	_ =	shalt  }
0x6c: {  	_ =	shalt  }
0x6d: {  	_ =	shalt  }
0x6e: {  	_ =	shalt  }
0x6f: {  	_ =	shalt  }
0x70: {  	_ =	shalt  }
0x71: {  	_ =	shalt  }
0x72: {  	_ =	shalt  }
0x73: {  	_ =	shalt  }
0x74: {  	_ =	shalt  }
0x75: {  	_ =	shalt  }
0x76: {  	_ =	shalt  }
0x77: {  	_ =	shalt  }
0x78: {  	_ =	shalt  }
0x79: {  	_ =	shalt  }
0x7a: {  	_ =	shalt  }
0x7b: {  	_ =	shalt  }
0x7c: {  	_ =	shalt  }
0x7d: {  	_ =	shalt  }
0x7e: {  	_ =	shalt  }
0x7f: {  	_ =	shalt  }
0x80: {  	_ =	shalt  }
0x81: {  	_ =	shalt  }
0x82: {  	_ =	shalt  }
0x83: {  	_ =	shalt  }
0x84: {  	_ =	shalt  }
0x85: {  	_ =	shalt  }
0x86: {  	_ =	shalt  }
0x87: {  	_ =	shalt  }
.Lfunc_end0:
.L_simem_size_0:
called_computation.2_lowered:
.L_overlay_start_0:
0x88: {  	s2 =	sld [smem:$0x3FD9]  }
0x89: {  	s3 =	sld [smem:$0x3FFE];
	_ =	sdelay $0x1  }
0x8a: {  	s1 =	srdreg.scid  }
0x8b: {  	s0 =	sand.u32 $0x1, s1  }
0x8c: {  	s17 =	sshll.u32 s0, $0xA;
	s2 =	sadd.s32 s3, s2  }
0x8d: {  	s2 =	sadd.s32 s2, s17  }
0x8e: {  	[smem:$0x3FB8] =	sst s2  }
0x8f: {  	_ = 	snop  }
0x90: {  	s2 =	sld [smem:$0x3FD0];
	(tm) =	ssettm $0x1  }
0x91: {  	s18 =	sld [smem:$0x3FFB];
	_ =	sdelay $0x3  }
0x92: {  	_ =	strace s18  }
0x93: {  	s3 =	sld [smem:$0x3FFC];
	_ =	sdelay $0x3  }
0x94: {  	_ =	strace s3  }
0x95: {  	s3 =	sld [smem:$0x3FFD];
	_ =	sdelay $0x3  }
0x96: {  	_ =	strace s3  }
0x97: {  	_ =	strace $0x8FFFFFFF  }
0x98: {  	s19 =	sld [smem:$0x3FDB];
	_ =	sdelay $0x1  }
0x99: {  	s4 =	simm.s32 $_scs_section_size  }
0x9a: {  	s5 =	simm.s32 $_size__tile_overlayer_lowered;
	s6 =	simm.s32 $_tile_overlayer_lowered  }
0x9b: {  	s22 =	simm.s32 $0x1BFF;
	s21 =	sshll.u32 s6, $0x1;
	s3 =	sadd.s32 s4, s19  }
0x9c: {  	s7 =	simm.s32 $0x0;
	s20 =	sshll.u32 s5, $0x1;
	s5 =	sadd.s32 s21, s3  }
0x9d: {  	[timem:s7], [sflag:s22] =	dma.local [hbm:s5], s20  }
0x9e: {  	_ =	swait.ge [sflag:s22], s20  }
0x9f: {  	s4 =	ssub.s32 $0x0, s20;
	[sflag:s22] =	ssyncset.done $0x0  }
0xa0: {  	[sflag:s22] =	ssyncadd.s32 s4;
	_ =	sdelay $0x1  }
0xa1: {  	s23 =	simm.s32 $0x1B8B  }
0xa2: {  	_ =	swait.ge [sflag:s23], $0x1  }
0xa3: {  	[sflag:s23] =	ssyncset.done $0x0  }
0xa4: {  	s25 =	simm.s32 $0x1B8E;
	s24 =	sld [smem:$0x3FFE];
	[sflag:s23] =	ssyncadd.s32 $0xFFFFFFFF  }
0xa5: {  	s26 =	simm.s32 $execute0_lowered;
	[smem:$0x3FD2] =	sst s25  }
0xa6: {  	s5 =	sshll.u32 s26, $0x1;
	_ =	strace $0x8000004C;
	[dreg:$0x1] =	wrdreg $0xFFFFFFFF  }
0xa7: {  	s28 =	simm.s32 $_size_execute0_lowered;
	s3 =	sadd.s32 s3, s5;
	[dreg:$0x0] =	wrdreg $0x0  }
0xa8: {  	s5 =	sshll.u32 s28, $0x1;
	[dreg:$0x2] =	wrdreg s3  }
0xa9: {  	[dreg:$0x3] =	wrdreg s5  }
0xaa: {  	[dreg:$0x4] =	wrdreg $0xC0  }
0xab: {  	_ =	task [dreg:s7], $0x5FFFF  }
0xac: {  	[dreg:$0x1] =	wrdreg $0xFFFFFFFF  }
0xad: {  	[dreg:$0x0] =	wrdreg $0x60  }
0xae: {  	[dreg:$0x2] =	wrdreg s2  }
0xaf: {  	[dreg:$0x3] =	wrdreg s24  }
0xb0: {  	[dreg:$0x4] =	wrdreg $0x9  }
0xb1: {  	_ =	task.clear_ibuf [dreg:s7], $0x5FFFF;
	_ =	strace $0x9000004C  }
0xb2: {  	s29 =	simm.s32 $0x9;
	_ =	strace $0x8000004E  }
0xb3: {  	_ =	swait.ge [sflag:s29], $0x1  }
0xb4: {  	[sflag:s29] =	ssyncadd.s32 $0xFFFFFFFF  }
0xb5: {  	_ =	strace $0x9000004E  }
0xb6: {  	_ =	sfence  }
0xb7: {  	s30 =	sld [smem:$0x0];
	_ =	sdelay $0x2  }
0xb8: {  	s31 =	sshll.u32 s1, $0xD;
	s1 =	sshrl.u32 s1, $0x2  }
0xb9: {  	s3 =	sand.u32 $0x4000, s31;
	s1 =	sadd.s32 s1, s30  }
0xba: {  	s0 =	sor.u32 s3, s0;
	s1 =	sshll.u32 s1, $0x11  }
0xbb: {  	s0 =	sor.u32 s1, s0  }
0xbc: {  	s0 =	sadd.s32 $0x8F2B, s0  }
0xbd: {  	[sflag:s0] =	ssyncadd.remote.s32 $0x1  }
0xbe: {  	_ =	sfence.sel $0xFFFF  }
0xbf: {  	[dreg:$0x0] =	wrdreg $0xFFFFFFFF;
	(pc) =	sbr.abs _section_cstart, $3  }
0xc0: {  	[dreg:$0x1] =	wrdreg $0xFFFFFFFF  }
0xc1: {  	_ =	task.clear_ibuf [dreg:s7], $0x2FFFF;
	_ =	strace $0x9FFFFFFF  }
0xc2: {  	(tm) =	ssettm $0x7FFFFFFF  }
0xc3: {  	_ =	shalt  }
tec
execute0_lowered:
.L_overlay_start_1:
0x0: {  	(tag) =	ssettag $0x1  }
0x1: {  	s2 =	rddreg [dreg:$0x0]  }
0x2: {  	s4 =	rddreg [dreg:$0x1]  }
0x3: {  	s0 =	rddreg [dreg:$0x2];
	s1 =	stileid.u32  }
0x4: {  	s5 =	srdreg.scid;
	s3 =	simm.s32 $0x0;
	s6 =	smul.u32 $0x2800, s1  }
0x5: {  	s10 =	simm.s32 $0x0;
	s5 =	sand.u32 $0x1, s5;
	s8 =	smul.u32 $0x28000, s1  }
0x6: {  	[smem:$0x7FF] =	sst s3;
	s7 =	smul.u32 $0x1400, s5;
	s9 =	ssub.s32 $0x2, s5  }
0x7: {  	_ =	strace $0x8000004D;
	s5 =	smul.u32 $0x14000, s5;
	s31 =	sshrl.u32 s9, $0x1  }
0x8: {  	s8 =	sadd.s32 s8, s4;
	s6 =	sadd.s32 s7, s6;
	s7 =	ssub.s32 s9, s31  }
0x9: {  	s5 =	sadd.s32 s5, s8;
	s8 =	simm.s32 $0x200;
	s6 =	sshrl.u32 s6, $0x3  }
0xa: {  	s9 =	simm.s32 $0x1;
	s5 =	sadd.s32 $0x2B200, s5;
	s6 =	sadd.s32 s6, s4  }
0xb: {  	s4 =	smax.u32 s7, $0x1;
	s7 =	simm.s32 $0x2;
	s6 =	sadd.s32 $0x6200, s6  }
.LBB2_1:
0xc: {  	s11 =	sadd.s32 $0x0, s6  }
0xd: {  	[tilespmem:s3], [sflag:$0x2] =	stream.linear.gather [hbm4b:s11+s3], $0x200, $0x38;
	[tilespmem:$0x10200] =	vst v63  }
0xe: {  	_ =	swait.ge [sflag:s7], $0x200  }
0xf: {  	[sflag:s7] =	ssyncset.done $0x0  }
0x10: {  	[sflag:s7] =	ssyncadd.s32 $0xFFFFFE00  }
0x11: {  	[tilespmem:s8], [sflag:$0x1] =	stream.indirect.gather [hbm4b:s2+s8], $0x80, s3, s8, $0xb8;
	[tilespmem:$0x10200] =	vst v63  }
0x12: {  	_ =	swait.ge [sflag:s9], $0x10000  }
0x13: {  	[sflag:s9] =	ssyncset.done $0x0  }
0x14: {  	[sflag:s9] =	ssyncadd.s32 $0xFFFF0000  }
0x15: {  	[hbm4b:s5+s3] =	stream.linear.scatter [tilespmem:s8], [sflag:$0x2], $0x10000, $0x38;
	[tilespmem:$0x10200] =	vst v63  }
0x16: {  	s12 =	simm.s32 $0x40;
	_ =	swait.ge [sflag:s7], $0x10000  }
0x17: {  	s13 =	simm.s32 $0x80;
	s11 =	sadd.s32 $0x2000, s5;
	[sflag:s7] =	ssyncset.done $0x0  }
.LBB2_2:
0x18: {  	s14 =	sadd.s32 s12, s6  }
0x19: {  	[sflag:s7] =	ssyncadd.s32 $0xFFFF0000;
	s12 =	smov.u32 s13;
	s15 =	sadd.s32 $0x40, s13  }
0x1a: {  	[tilespmem:s3], [sflag:$0x2] =	stream.linear.gather [hbm4b:s14+s3], $0x200, $0x38;
	[tilespmem:$0x10200] =	vst v63  }
0x1b: {  	p0 =	sne.s32 s13, $0x240;
	_ =	swait.ge [sflag:s7], $0x200  }
0x1c: {  	[sflag:s7] =	ssyncset.done $0x0  }
0x1d: {  	[sflag:s7] =	ssyncadd.s32 $0xFFFFFE00  }
0x1e: {  	[tilespmem:s8], [sflag:$0x1] =	stream.indirect.gather [hbm4b:s2+s8], $0x80, s3, s8, $0xb8;
	[tilespmem:$0x10200] =	vst v63  }
0x1f: {  	_ =	swait.ge [sflag:s9], $0x10000  }
.Ltmp0:
0x20: {  	[sflag:s9] =	ssyncset.done $0x0;
	(pc) =	sbr.rel @p0 .LBB2_2-.Ltmp0, $4  }
0x21: {  	[sflag:s9] =	ssyncadd.s32 $0xFFFF0000  }
0x22: {  	[hbm4b:s11+s3] =	stream.linear.scatter [tilespmem:s8], [sflag:$0x2], $0x10000, $0x38;
	[tilespmem:$0x10200] =	vst v63  }
0x23: {  	_ =	swait.ge [sflag:s7], $0x10000  }
0x24: {  	s13 =	smov.u32 s15;
	s11 =	sadd.s32 $0x2000, s11;
	[sflag:s7] =	ssyncset.done $0x0  }
0x25: {  	s12 =	sadd.s32 s12, s6;
	[sflag:s7] =	ssyncadd.s32 $0xFFFF0000  }
0x26: {  	[tilespmem:s3], [sflag:$0x2] =	stream.linear.gather [hbm4b:s12+s3], $0x200, $0x38;
	[tilespmem:$0x10200] =	vst v63  }
0x27: {  	_ =	swait.ge [sflag:s7], $0x200  }
0x28: {  	[sflag:s7] =	ssyncset.done $0x0  }
0x29: {  	[sflag:s7] =	ssyncadd.s32 $0xFFFFFE00  }
0x2a: {  	[tilespmem:s8], [sflag:$0x1] =	stream.indirect.gather [hbm4b:s2+s8], $0x80, s3, s8, $0xb8;
	[tilespmem:$0x10200] =	vst v63  }
0x2b: {  	s10 =	sadd.s32 $0x1, s10;
	_ =	swait.ge [sflag:s9], $0x10000  }
0x2c: {  	p0 =	sne.s32 s10, s4;
	[sflag:s9] =	ssyncset.done $0x0  }
.Ltmp1:
0x2d: {  	[sflag:s9] =	ssyncadd.s32 $0xFFFF0000;
	(pc) =	sbr.rel @p0 .LBB2_1-.Ltmp1, $4  }
0x2e: {  	[hbm4b:s11+s3] =	stream.linear.scatter [tilespmem:s8], [sflag:$0x2], $0x10000, $0x38;
	[tilespmem:$0x10200] =	vst v63  }
0x2f: {  	_ =	swait.ge [sflag:s7], $0x10000  }
0x30: {  	[sflag:s7] =	ssyncset.done $0x0  }
0x31: {  	[sflag:s7] =	ssyncadd.s32 $0xFFFF0000  }
0x32: {  	_ =	sfence.sel $0x180000  }
0x33: {  	[bflag:$0x0] =	sbarrier.arrive $0xFFFF  }
0x34: {  	p0 =	sne.s32 s1, $0x0;
	_ =	strace $0x9000004D  }
0x35: {  	s0 =	sadd.s32 @!p0 $0x100000, s0;
	[bflag:$0x2] =	sbarrier.arrive $0xFFFF  }
0x36: {  	[sflag:s0] =	ssyncadd.tile.s32 @!p0 $0x1;
	_ =	shalt  }
.Lfunc_end2:
_tile_overlayer_lowered:
.L_overlay_start_2:
0x37: {  	(tag) =	ssettag $0x2  }
0x38: {  	s0 =	rddreg [dreg:$0x0];
	s2 =	stileid.u32  }
0x39: {  	s1 =	rddreg [dreg:$0x1];
	p0 =	sne.s32 s2, $0x0  }
0x3a: {  	s3 =	rddreg [dreg:$0x2];
	[bflag:$0x3] =	sbarrier.arrive $0xFFFF;
	s2 =	simm.s32 @!p0 $0x1C02  }
0x3b: {  	[timem:s3], [sflag:s2] =	dma.local @!p0 [hbm:s0], s1  }
0x3c: {  	s0 =	simm.s32 @!p0 $0x2  }
0x3d: {  	_ =	swait.ge @!p0 [sflag:s0], s1  }
0x3e: {  	s1 =	ssub.s32 @!p0 $0x0, s1;
	[sflag:s0] =	ssyncset.done @!p0 $0x0  }
0x3f: {  	[sflag:s0] =	ssyncadd.s32 @!p0 s1  }
0x40: {  	[bflag:$0x3] =	sbarrier.arrive $0xFFFF  }
0x41: {  	_ =	shalt  }

// kernel: kernel.22.cloned.1.call-start
scs
__scs_entry_jumppad:
0x0: {  	(pc) =	sbr.rel $0x88, $3  }
0x1: {  	(tag) =	ssettag $0x0;
	lr =	simm.s32 $0x1  }
0x2: {  	[smem:$0x3F91] =	sst lr;
	_ =	strace $0xD0000000  }
0x3: {  	_ = 	snop  }
0x4: {  	_ = 	snop  }
0x5: {  	_ = 	snop  }
0x6: {  	_ = 	snop  }
0x7: {  	_ = 	snop  }
__scs_overlays_trampoline_lowered:
0x8: {  	[smem:$0x3FA0] =	sst s0  }
0x9: {  	[smem:$0x3FA1] =	sst s1  }
0xa: {  	[smem:$0x3FA2] =	sst s2  }
0xb: {  	[smem:$0x3FA3] =	sst s3  }
0xc: {  	[smem:$0x3FA4] =	sst s4  }
0xd: {  	[smem:$0x3FA5] =	sst s5  }
0xe: {  	[smem:$0x3FA6] =	sst s6  }
0xf: {  	[smem:$0x3FA7] =	sst s7  }
0x10: {  	[smem:$0x3FA8] =	sst s8  }
0x11: {  	[smem:$0x3FA9] =	sst s9;
	s0 =	simm.s32 @!p0 $0x0  }
0x12: {  	s1 =	sld [smem:$0x3F8F];
	s0 =	simm.s32 @p0 $0x1  }
0x13: {  	[smem:$0x3FAA] =	sst s0;
	s0 =	simm.s32 @!p1 $0x0  }
0x14: {  	s2 =	sld [smem:$0x3F8E];
	s0 =	simm.s32 @p1 $0x1  }
0x15: {  	[smem:$0x3FAB] =	sst s0;
	s0 =	simm.s32 @!p2 $0x0  }
0x16: {  	s3 =	sld [smem:$0x3FDB];
	s0 =	simm.s32 @p2 $0x1  }
0x17: {  	s4 =	simm.s32 $0x1BF5;
	[smem:$0x3FAD] =	sst s0  }
0x18: {  	s0 =	sld [smem:$0x3F90];
	_ =	swait.ge [sflag:s4], $0x0  }
0x19: {  	s7 =	sld [smem:$0x3F91]  }
0x1a: {  	s8 =	sadd.s32 $0xFFFFE003, lr  }
0x1b: {  	s9 =	sadd.s32 $0xFFFFFEF7, lr;
	s5 =	simm.s32 $0xFFFFFFFF;
	p2 =	slt.u32 s8, $0xFFFFF086  }
0x1c: {  	p1 =	slt.u32 s9, $0xF7A;
	s5 =	simm.s32 @!p2 $0x0  }
0x1d: {  	s5 =	simm.s32 @p1 $0x1;
	p0 =	seq.s32 s7, s2  }
0x1e: {  	s7 =	smul.u32 @!p0 $0xF7A, s2;
	p2 =	seq.s32 @!p0 s5, $0x0  }
0x1f: {  	s9 =	smul.u32 $0xF7A, s1;
	s8 =	simm.s32 @!p0 $0x1BF5;
	p2 =	por !p2, p0  }
0x20: {  	[sflag:s8] =	ssyncset.s32 @!p0 $0xFFFFF086;
	s6 =	sadd.s32 @!p0 s3, s7;
	s7 =	simm.s32 @!p0 $0x108  }
0x21: {  	s3 =	sadd.s32 s3, s9;
	s6 =	sadd.s32 @!p0 $0x88, s6;
	s7 =	simm.s32 @p2 $0x1082  }
0x22: {  	[simem:s7], [sflag:s8] =	dma.local @!p0 [hbm:s6], $0xF7A  }
0x23: {  	s9 =	sor.u32 $0xD0000000, s2;
	s6 =	simm.s32 $0x108;
	_ =	swait.ge @!p0 [sflag:s8], $0x0  }
0x24: {  	s3 =	sadd.s32 $0x88, s3;
	s6 =	simm.s32 @!p1 $0x1082;
	[sflag:s4] =	ssyncset.s32 $0xFFFFF086  }
0x25: {  	[simem:s6], [sflag:s4] =	dma.local [hbm:s3], $0xF7A  }
0x26: {  	[smem:$0x3F91] =	sst s1;
	(tag) =	ssettag s2;
	_ =	strace s9  }
0x27: {  	s1 =	sld [smem:$0x3FA1]  }
0x28: {  	s2 =	sld [smem:$0x3FA2]  }
0x29: {  	s4 =	sld [smem:$0x3FA4]  }
0x2a: {  	p0 =	seq.s32 s5, $0x0;
	s5 =	sld [smem:$0x3FA5]  }
0x2b: {  	s6 =	sld [smem:$0x3FA6]  }
0x2c: {  	s7 =	sld [smem:$0x3FA7]  }
0x2d: {  	s3 =	simm.s32 $0x108;
	s8 =	sld [smem:$0x3FA8]  }
0x2e: {  	s3 =	simm.s32 @!p0 $0x1082;
	s9 =	sld [smem:$0x3FA9]  }
0x2f: {  	lr =	sadd.s32 s0, s3;
	s0 =	sld [smem:$0x3FA0]  }
0x30: {  	s3 =	sld [smem:$0x3FA3]  }
0x31: {  	[smem:$0x3FAC] =	sst s10  }
0x32: {  	s10 =	sld [smem:$0x3FAA];
	_ =	sdelay $0x3  }
0x33: {  	p0 =	seq.s32 s10, $0x1;
	s10 =	sld [smem:$0x3FAC];
	_ =	sdelay $0x3  }
0x34: {  	[smem:$0x3FAC] =	sst s10  }
0x35: {  	s10 =	sld [smem:$0x3FAB];
	_ =	sdelay $0x3  }
0x36: {  	p1 =	seq.s32 s10, $0x1;
	s10 =	sld [smem:$0x3FAC];
	_ =	sdelay $0x3  }
0x37: {  	[smem:$0x3FAC] =	sst s10  }
0x38: {  	s10 =	sld [smem:$0x3FAD]  }
0x39: {  	_ = 	snop;
	(pc) =	sbr.ind lr, $3  }
0x3a: {  	_ = 	snop  }
0x3b: {  	_ = 	snop  }
0x3c: {  	p2 =	seq.s32 s10, $0x1;
	s10 =	sld [smem:$0x3FAC]  }
0x3d: {  	_ =	shalt  }
0x3e: {  	_ =	shalt  }
0x3f: {  	_ =	shalt  }
0x40: {  	_ =	shalt  }
0x41: {  	_ =	shalt  }
0x42: {  	_ =	shalt  }
0x43: {  	_ =	shalt  }
0x44: {  	_ =	shalt  }
0x45: {  	_ =	shalt  }
0x46: {  	_ =	shalt  }
0x47: {  	_ =	shalt  }
0x48: {  	_ =	shalt  }
0x49: {  	_ =	shalt  }
0x4a: {  	_ =	shalt  }
0x4b: {  	_ =	shalt  }
0x4c: {  	_ =	shalt  }
0x4d: {  	_ =	shalt  }
0x4e: {  	_ =	shalt  }
0x4f: {  	_ =	shalt  }
0x50: {  	_ =	shalt  }
0x51: {  	_ =	shalt  }
0x52: {  	_ =	shalt  }
0x53: {  	_ =	shalt  }
0x54: {  	_ =	shalt  }
0x55: {  	_ =	shalt  }
0x56: {  	_ =	shalt  }
0x57: {  	_ =	shalt  }
0x58: {  	_ =	shalt  }
0x59: {  	_ =	shalt  }
0x5a: {  	_ =	shalt  }
0x5b: {  	_ =	shalt  }
0x5c: {  	_ =	shalt  }
0x5d: {  	_ =	shalt  }
0x5e: {  	_ =	shalt  }
0x5f: {  	_ =	shalt  }
0x60: {  	_ =	shalt  }
0x61: {  	_ =	shalt  }
0x62: {  	_ =	shalt  }
0x63: {  	_ =	shalt  }
0x64: {  	_ =	shalt  }
0x65: {  	_ =	shalt  }
0x66: {  	_ =	shalt  }
0x67: {  	_ =	shalt  }
0x68: {  	_ =	shalt  }
0x69: {  	_ =	shalt  }
0x6a: {  	_ =	shalt  }
0x6b: {  	_ =	shalt  }
0x6c: {  	_ =	shalt  }
0x6d: {  	_ =	shalt  }
0x6e: {  	_ =	shalt  }
0x6f: {  	_ =	shalt  }
0x70: {  	_ =	shalt  }
0x71: {  	_ =	shalt  }
0x72: {  	_ =	shalt  }
0x73: {  	_ =	shalt  }
0x74: {  	_ =	shalt  }
0x75: {  	_ =	shalt  }
0x76: {  	_ =	shalt  }
0x77: {  	_ =	shalt  }
0x78: {  	_ =	shalt  }
0x79: {  	_ =	shalt  }
0x7a: {  	_ =	shalt  }
0x7b: {  	_ =	shalt  }
0x7c: {  	_ =	shalt  }
0x7d: {  	_ =	shalt  }
0x7e: {  	_ =	shalt  }
0x7f: {  	_ =	shalt  }
0x80: {  	_ =	shalt  }
0x81: {  	_ =	shalt  }
0x82: {  	_ =	shalt  }
0x83: {  	_ =	shalt  }
0x84: {  	_ =	shalt  }
0x85: {  	_ =	shalt  }
0x86: {  	_ =	shalt  }
0x87: {  	_ =	shalt  }
.Lfunc_end0:
.L_simem_size_0:
called_computation.3_lowered:
.L_overlay_start_0:
0x88: {  	s2 =	sld [smem:$0x3FD9]  }
0x89: {  	s3 =	sld [smem:$0x3FFE];
	_ =	sdelay $0x1  }
0x8a: {  	s1 =	srdreg.scid  }
0x8b: {  	s0 =	sand.u32 $0x1, s1  }
0x8c: {  	s17 =	sshll.u32 s0, $0xA;
	s2 =	sadd.s32 s3, s2  }
0x8d: {  	s2 =	sadd.s32 s2, s17  }
0x8e: {  	[smem:$0x3FB8] =	sst s2  }
0x8f: {  	_ = 	snop  }
0x90: {  	s2 =	sld [smem:$0x3FD0];
	(tm) =	ssettm $0x1  }
0x91: {  	s18 =	sld [smem:$0x3FFB];
	_ =	sdelay $0x3  }
0x92: {  	_ =	strace s18  }
0x93: {  	s3 =	sld [smem:$0x3FFC];
	_ =	sdelay $0x3  }
0x94: {  	_ =	strace s3  }
0x95: {  	s3 =	sld [smem:$0x3FFD];
	_ =	sdelay $0x3  }
0x96: {  	_ =	strace s3  }
0x97: {  	_ =	strace $0x8FFFFFFF  }
0x98: {  	s19 =	sld [smem:$0x3FDB];
	_ =	sdelay $0x1  }
0x99: {  	s4 =	simm.s32 $_scs_section_size  }
0x9a: {  	s5 =	simm.s32 $_size__tile_overlayer_lowered;
	s6 =	simm.s32 $_tile_overlayer_lowered  }
0x9b: {  	s22 =	simm.s32 $0x1BFF;
	s21 =	sshll.u32 s6, $0x1;
	s3 =	sadd.s32 s4, s19  }
0x9c: {  	s7 =	simm.s32 $0x0;
	s20 =	sshll.u32 s5, $0x1;
	s5 =	sadd.s32 s21, s3  }
0x9d: {  	[timem:s7], [sflag:s22] =	dma.local [hbm:s5], s20  }
0x9e: {  	_ =	swait.ge [sflag:s22], s20  }
0x9f: {  	s4 =	ssub.s32 $0x0, s20;
	[sflag:s22] =	ssyncset.done $0x0  }
0xa0: {  	[sflag:s22] =	ssyncadd.s32 s4;
	_ =	sdelay $0x1  }
0xa1: {  	s23 =	simm.s32 $0x1B8B  }
0xa2: {  	_ =	swait.ge [sflag:s23], $0x1  }
0xa3: {  	[sflag:s23] =	ssyncset.done $0x0  }
0xa4: {  	s25 =	simm.s32 $0x1B8E;
	s24 =	sld [smem:$0x3FFE];
	[sflag:s23] =	ssyncadd.s32 $0xFFFFFFFF  }
0xa5: {  	s26 =	simm.s32 $execute0_lowered;
	[smem:$0x3FD2] =	sst s25  }
0xa6: {  	s5 =	sshll.u32 s26, $0x1;
	_ =	strace $0x8000004F;
	[dreg:$0x1] =	wrdreg $0xFFFFFFFF  }
0xa7: {  	s28 =	simm.s32 $_size_execute0_lowered;
	s3 =	sadd.s32 s3, s5;
	[dreg:$0x0] =	wrdreg $0x0  }
0xa8: {  	s5 =	sshll.u32 s28, $0x1;
	[dreg:$0x2] =	wrdreg s3  }
0xa9: {  	[dreg:$0x3] =	wrdreg s5  }
0xaa: {  	[dreg:$0x4] =	wrdreg $0xC0  }
0xab: {  	_ =	task [dreg:s7], $0x5FFFF  }
0xac: {  	[dreg:$0x1] =	wrdreg $0xFFFFFFFF  }
0xad: {  	[dreg:$0x0] =	wrdreg $0x60  }
0xae: {  	[dreg:$0x2] =	wrdreg s2  }
0xaf: {  	[dreg:$0x3] =	wrdreg s24  }
0xb0: {  	[dreg:$0x4] =	wrdreg $0x9  }
0xb1: {  	_ =	task.clear_ibuf [dreg:s7], $0x5FFFF;
	_ =	strace $0x9000004F  }
0xb2: {  	s29 =	simm.s32 $0x9;
	_ =	strace $0x80000051  }
0xb3: {  	_ =	swait.ge [sflag:s29], $0x1  }
0xb4: {  	[sflag:s29] =	ssyncadd.s32 $0xFFFFFFFF  }
0xb5: {  	_ =	strace $0x90000051  }
0xb6: {  	_ =	sfence  }
0xb7: {  	s30 =	sld [smem:$0x0];
	_ =	sdelay $0x2  }
0xb8: {  	s31 =	sshll.u32 s1, $0xD;
	s1 =	sshrl.u32 s1, $0x2  }
0xb9: {  	s3 =	sand.u32 $0x4000, s31;
	s1 =	sadd.s32 s1, s30  }
0xba: {  	s0 =	sor.u32 s3, s0;
	s1 =	sshll.u32 s1, $0x11  }
0xbb: {  	s0 =	sor.u32 s1, s0  }
0xbc: {  	s0 =	sadd.s32 $0x8F2B, s0  }
0xbd: {  	[sflag:s0] =	ssyncadd.remote.s32 $0x1  }
0xbe: {  	_ =	sfence.sel $0xFFFF  }
0xbf: {  	[dreg:$0x0] =	wrdreg $0xFFFFFFFF;
	(pc) =	sbr.abs _section_cstart, $3  }
0xc0: {  	[dreg:$0x1] =	wrdreg $0xFFFFFFFF  }
0xc1: {  	_ =	task.clear_ibuf [dreg:s7], $0x2FFFF;
	_ =	strace $0x9FFFFFFF  }
0xc2: {  	(tm) =	ssettm $0x7FFFFFFF  }
0xc3: {  	_ =	shalt  }
tec
execute0_lowered:
.L_overlay_start_1:
0x0: {  	(tag) =	ssettag $0x1  }
0x1: {  	s2 =	rddreg [dreg:$0x0]  }
0x2: {  	s4 =	rddreg [dreg:$0x1]  }
0x3: {  	s0 =	rddreg [dreg:$0x2];
	s1 =	stileid.u32  }
0x4: {  	s5 =	srdreg.scid;
	s3 =	simm.s32 $0x0;
	s6 =	smul.u32 $0x2800, s1  }
0x5: {  	s10 =	simm.s32 $0x0;
	s5 =	sand.u32 $0x1, s5;
	s8 =	smul.u32 $0x28000, s1  }
0x6: {  	[smem:$0x7FF] =	sst s3;
	s7 =	smul.u32 $0x1400, s5;
	s9 =	ssub.s32 $0x2, s5  }
0x7: {  	_ =	strace $0x80000050;
	s5 =	smul.u32 $0x14000, s5;
	s31 =	sshrl.u32 s9, $0x1  }
0x8: {  	s8 =	sadd.s32 s8, s4;
	s6 =	sadd.s32 s7, s6;
	s7 =	ssub.s32 s9, s31  }
0x9: {  	s5 =	sadd.s32 s5, s8;
	s8 =	simm.s32 $0x200;
	s6 =	sshrl.u32 s6, $0x3  }
0xa: {  	s9 =	simm.s32 $0x1;
	s5 =	sadd.s32 $0x2B200, s5;
	s6 =	sadd.s32 s6, s4  }
0xb: {  	s4 =	smax.u32 s7, $0x1;
	s7 =	simm.s32 $0x2;
	s6 =	sadd.s32 $0x6200, s6  }
.LBB2_1:
0xc: {  	s11 =	sadd.s32 $0x0, s6  }
0xd: {  	[tilespmem:s3], [sflag:$0x2] =	stream.linear.gather [hbm4b:s11+s3], $0x200, $0x38;
	[tilespmem:$0x10200] =	vst v63  }
0xe: {  	_ =	swait.ge [sflag:s7], $0x200  }
0xf: {  	[sflag:s7] =	ssyncset.done $0x0  }
0x10: {  	[sflag:s7] =	ssyncadd.s32 $0xFFFFFE00  }
0x11: {  	[tilespmem:s8], [sflag:$0x1] =	stream.indirect.gather [hbm4b:s2+s8], $0x80, s3, s8, $0xb8;
	[tilespmem:$0x10200] =	vst v63  }
0x12: {  	_ =	swait.ge [sflag:s9], $0x10000  }
0x13: {  	[sflag:s9] =	ssyncset.done $0x0  }
0x14: {  	[sflag:s9] =	ssyncadd.s32 $0xFFFF0000  }
0x15: {  	[hbm4b:s5+s3] =	stream.linear.scatter [tilespmem:s8], [sflag:$0x2], $0x10000, $0x38;
	[tilespmem:$0x10200] =	vst v63  }
0x16: {  	s12 =	simm.s32 $0x40;
	_ =	swait.ge [sflag:s7], $0x10000  }
0x17: {  	s13 =	simm.s32 $0x80;
	s11 =	sadd.s32 $0x2000, s5;
	[sflag:s7] =	ssyncset.done $0x0  }
.LBB2_2:
0x18: {  	s14 =	sadd.s32 s12, s6  }
0x19: {  	[sflag:s7] =	ssyncadd.s32 $0xFFFF0000;
	s12 =	smov.u32 s13;
	s15 =	sadd.s32 $0x40, s13  }
0x1a: {  	[tilespmem:s3], [sflag:$0x2] =	stream.linear.gather [hbm4b:s14+s3], $0x200, $0x38;
	[tilespmem:$0x10200] =	vst v63  }
0x1b: {  	p0 =	sne.s32 s13, $0x240;
	_ =	swait.ge [sflag:s7], $0x200  }
0x1c: {  	[sflag:s7] =	ssyncset.done $0x0  }
0x1d: {  	[sflag:s7] =	ssyncadd.s32 $0xFFFFFE00  }
0x1e: {  	[tilespmem:s8], [sflag:$0x1] =	stream.indirect.gather [hbm4b:s2+s8], $0x80, s3, s8, $0xb8;
	[tilespmem:$0x10200] =	vst v63  }
0x1f: {  	_ =	swait.ge [sflag:s9], $0x10000  }
.Ltmp0:
0x20: {  	[sflag:s9] =	ssyncset.done $0x0;
	(pc) =	sbr.rel @p0 .LBB2_2-.Ltmp0, $4  }
0x21: {  	[sflag:s9] =	ssyncadd.s32 $0xFFFF0000  }
0x22: {  	[hbm4b:s11+s3] =	stream.linear.scatter [tilespmem:s8], [sflag:$0x2], $0x10000, $0x38;
	[tilespmem:$0x10200] =	vst v63  }
0x23: {  	_ =	swait.ge [sflag:s7], $0x10000  }
0x24: {  	s13 =	smov.u32 s15;
	s11 =	sadd.s32 $0x2000, s11;
	[sflag:s7] =	ssyncset.done $0x0  }
0x25: {  	s12 =	sadd.s32 s12, s6;
	[sflag:s7] =	ssyncadd.s32 $0xFFFF0000  }
0x26: {  	[tilespmem:s3], [sflag:$0x2] =	stream.linear.gather [hbm4b:s12+s3], $0x200, $0x38;
	[tilespmem:$0x10200] =	vst v63  }
0x27: {  	_ =	swait.ge [sflag:s7], $0x200  }
0x28: {  	[sflag:s7] =	ssyncset.done $0x0  }
0x29: {  	[sflag:s7] =	ssyncadd.s32 $0xFFFFFE00  }
0x2a: {  	[tilespmem:s8], [sflag:$0x1] =	stream.indirect.gather [hbm4b:s2+s8], $0x80, s3, s8, $0xb8;
	[tilespmem:$0x10200] =	vst v63  }
0x2b: {  	s10 =	sadd.s32 $0x1, s10;
	_ =	swait.ge [sflag:s9], $0x10000  }
0x2c: {  	p0 =	sne.s32 s10, s4;
	[sflag:s9] =	ssyncset.done $0x0  }
.Ltmp1:
0x2d: {  	[sflag:s9] =	ssyncadd.s32 $0xFFFF0000;
	(pc) =	sbr.rel @p0 .LBB2_1-.Ltmp1, $4  }
0x2e: {  	[hbm4b:s11+s3] =	stream.linear.scatter [tilespmem:s8], [sflag:$0x2], $0x10000, $0x38;
	[tilespmem:$0x10200] =	vst v63  }
0x2f: {  	_ =	swait.ge [sflag:s7], $0x10000  }
0x30: {  	[sflag:s7] =	ssyncset.done $0x0  }
0x31: {  	[sflag:s7] =	ssyncadd.s32 $0xFFFF0000  }
0x32: {  	_ =	sfence.sel $0x180000  }
0x33: {  	[bflag:$0x0] =	sbarrier.arrive $0xFFFF  }
0x34: {  	p0 =	sne.s32 s1, $0x0;
	_ =	strace $0x90000050  }
0x35: {  	s0 =	sadd.s32 @!p0 $0x100000, s0;
	[bflag:$0x2] =	sbarrier.arrive $0xFFFF  }
0x36: {  	[sflag:s0] =	ssyncadd.tile.s32 @!p0 $0x1;
	_ =	shalt  }
.Lfunc_end2:
_tile_overlayer_lowered:
.L_overlay_start_2:
0x37: {  	(tag) =	ssettag $0x2  }
0x38: {  	s0 =	rddreg [dreg:$0x0];
	s2 =	stileid.u32  }
0x39: {  	s1 =	rddreg [dreg:$0x1];
	p0 =	sne.s32 s2, $0x0  }
0x3a: {  	s3 =	rddreg [dreg:$0x2];
	[bflag:$0x3] =	sbarrier.arrive $0xFFFF;
	s2 =	simm.s32 @!p0 $0x1C02  }
0x3b: {  	[timem:s3], [sflag:s2] =	dma.local @!p0 [hbm:s0], s1  }
0x3c: {  	s0 =	simm.s32 @!p0 $0x2  }
0x3d: {  	_ =	swait.ge @!p0 [sflag:s0], s1  }
0x3e: {  	s1 =	ssub.s32 @!p0 $0x0, s1;
	[sflag:s0] =	ssyncset.done @!p0 $0x0  }
0x3f: {  	[sflag:s0] =	ssyncadd.s32 @!p0 s1  }
0x40: {  	[bflag:$0x3] =	sbarrier.arrive $0xFFFF  }
0x41: {  	_ =	shalt  }

</sc_bundles>
